<compile_context>
chip_gen: v7x
topology: tpu7x:2x2x1
jax: 0.10.2.dev20260603
libtpu: 0.0.44.dev20260713+nightly
codegen_flags: <defaults>
</compile_context>

<pallas_src>
import functools

import jax
import jax.numpy as jnp
from jax import lax
from jax.experimental import pallas as pl
from jax.experimental.pallas import tpu as pltpu
from jax.experimental.pallas import tpu_sc as plsc

_RANK = 64
_D = 2 * _RANK
_B = 1024
_NW = 32
_BPW = _B // _NW
_L = 16


def _combine_body(entity_hbm, relation_hbm, qlhs_hbm, qrel_hbm, c_hbm,
                  idx_l, idx_r, lhs_v, rel_v, sem):
    wid = lax.axis_index("s") * 2 + lax.axis_index("c")
    base = wid * _BPW
    pltpu.sync_copy(qlhs_hbm.at[pl.ds(base, _BPW)], idx_l)
    pltpu.sync_copy(qrel_hbm.at[pl.ds(base, _BPW)], idx_r)
    cp1 = pltpu.async_copy(entity_hbm.at[idx_l], lhs_v, sem)
    cp2 = pltpu.async_copy(relation_hbm.at[idx_r], rel_v, sem)
    cp1.wait()
    cp2.wait()

    for i in range(_BPW):
        for j in range(_RANK // _L):
            re_sl = pl.ds(j * _L, _L)
            im_sl = pl.ds(_RANK + j * _L, _L)
            a_re = lhs_v[i, re_sl]
            a_im = lhs_v[i, im_sl]
            r_re = rel_v[i, re_sl]
            r_im = rel_v[i, im_sl]
            lhs_v[i, re_sl] = a_re * r_re - a_im * r_im
            lhs_v[i, im_sl] = a_re * r_im + a_im * r_re
    pltpu.sync_copy(lhs_v, c_hbm.at[pl.ds(base, _BPW)])


@jax.jit
def _combine(qlhs, qrel, entity, relation):
    mesh = plsc.VectorSubcoreMesh(core_axis_name="c", subcore_axis_name="s")
    return pl.kernel(
        _combine_body,
        out_type=jax.ShapeDtypeStruct((_B, _D), jnp.float32),
        mesh=mesh,
        scratch_types=[
            pltpu.VMEM((_BPW,), jnp.int32),
            pltpu.VMEM((_BPW,), jnp.int32),
            pltpu.VMEM((_BPW, _D), jnp.float32),
            pltpu.VMEM((_BPW, _D), jnp.float32),
            pltpu.SemaphoreType.DMA,
        ],
    )(entity, relation, qlhs, qrel)


_NBUF = 2


def _mm_body(c_ref, e_ref, o_hbm, acc, sems, *, v_blk, n_e):
    grid = n_e // v_blk
    last = grid - 1
    i = pl.program_id(0)
    slot = lax.rem(i, _NBUF)

    @pl.when(i >= _NBUF)
    def _wait_prev():
        pltpu.make_async_copy(
            acc.at[slot],
            o_hbm.at[pl.ds((i - _NBUF) * v_blk, v_blk), :],
            sems.at[slot],
        ).wait()

    acc[slot] = lax.dot_general(
        e_ref[...], c_ref[...],
        dimension_numbers=(((1,), (1,)), ((), ())),
        preferred_element_type=jnp.float32,
    )
    pltpu.make_async_copy(
        acc.at[slot],
        o_hbm.at[pl.ds(i * v_blk, v_blk), :],
        sems.at[slot],
    ).start()

    @pl.when(i == last)
    def _drain():
        for s in range(_NBUF):
            t_off = (last - s) % _NBUF
            pltpu.make_async_copy(
                acc.at[s],
                o_hbm.at[pl.ds((last - t_off) * v_blk, v_blk), :],
                sems.at[s],
            ).wait()


@functools.partial(jax.jit, static_argnames=("v_blk",))
def _score_t(c, entity, v_blk):
    n_e = entity.shape[0]
    assert n_e % v_blk == 0 and n_e // v_blk > _NBUF
    grid = n_e // v_blk
    return pl.pallas_call(
        functools.partial(_mm_body, v_blk=v_blk, n_e=n_e),
        grid=(grid,),
        in_specs=[
            pl.BlockSpec((_B, _D), lambda i: (0, 0)),
            pl.BlockSpec((v_blk, _D), lambda i: (i, 0)),
        ],
        out_specs=pl.BlockSpec(memory_space=pl.ANY),
        out_shape=jax.ShapeDtypeStruct((n_e, _B), jnp.float32),
        scratch_shapes=[
            pltpu.VMEM((_NBUF, v_blk, _B), jnp.float32),
            pltpu.SemaphoreType.DMA((_NBUF,)),
        ],
        compiler_params=pltpu.CompilerParams(
            dimension_semantics=("arbitrary",),
        ),
    )(c, entity)


def kernel(queries, entity, relation):
    qlhs = queries[:, 0].astype(jnp.int32)
    qrel = queries[:, 1].astype(jnp.int32)
    c = _combine(qlhs, qrel, entity, relation)
    return _score_t(c, entity, v_blk=5000).T

# --- scband reference (transcript-rebuilt; emitter-appended) ---
"""Pipeline reference for scband-kbcmodel-6768868458764 (READ-ONLY COPY).

The authoritative reference and input builder live on the scoring server;
editing this copy changes nothing except your own understanding.
"""

import jax, jax.numpy as jnp
import numpy as np

NUM_ENTITIES = 100000
NUM_RELATIONS = 100000
RANK = 64
BATCH = 1024
INIT_SIZE = 0.1


def setup_inputs(seed: int = 0) -> dict:
    key = jax.random.key(seed)
    k1, k2, k3 = jax.random.split(key, 3)
    queries = jax.random.randint(k1, (BATCH, 3), 0, NUM_ENTITIES)
    entity = INIT_SIZE * jax.random.normal(k2, (NUM_ENTITIES, 2 * RANK), dtype=jnp.float32)
    relation = INIT_SIZE * jax.random.normal(k3, (NUM_RELATIONS, 2 * RANK), dtype=jnp.float32)
    return {"queries": queries, "entity": entity, "relation": relation}


def reference(queries, entity, relation):
    # ComplEx-style KBC forward: gather lhs entity and relation embeddings,
    # score against the full entity table (scores over all candidate rhs).
    lhs = jnp.take(entity, queries[:, 0], axis=0)
    rel = jnp.take(relation, queries[:, 1], axis=0)
    lhs_re, lhs_im = lhs[:, :RANK], lhs[:, RANK:]
    rel_re, rel_im = rel[:, :RANK], rel[:, RANK:]
    to_score_re = entity[:, :RANK]
    to_score_im = entity[:, RANK:]
    scores = (lhs_re * rel_re - lhs_im * rel_im) @ to_score_re.T + \
             (lhs_re * rel_im + lhs_im * rel_re) @ to_score_im.T
    return scores

if __name__ == "__main__":
    import jax
    _d = setup_inputs()
    print(jax.jit(kernel)(*tuple(_d.values())))

</pallas_src>

<mosaic_0001>
#map = affine_map<(d0, d1) -> (0, 0)>
#map1 = affine_map<(d0, d1) -> (0)>
module attributes {stable_mosaic.version = 14 : i64} {
  func.func @_combine_body(%arg0: i32, %arg1: i32, %arg2: memref<100000x128xf32, #tpu.memory_space<hbm>>, %arg3: memref<100000x128xf32, #tpu.memory_space<hbm>>, %arg4: memref<1024xi32, #tpu.memory_space<hbm>>, %arg5: memref<1024xi32, #tpu.memory_space<hbm>>, %arg6: memref<1024x128xf32, #tpu.memory_space<hbm>>, %arg7: memref<32xi32, #tpu.memory_space<vmem>>, %arg8: memref<32xi32, #tpu.memory_space<vmem>>, %arg9: memref<32x128xf32, #tpu.memory_space<vmem>>, %arg10: memref<32x128xf32, #tpu.memory_space<vmem>>, %arg11: memref<!tpu.dma_semaphore, #tpu.memory_space<semaphore_mem>>) attributes {dimension_semantics = [#tpu.dimension_semantics<core_parallel>, #tpu.dimension_semantics<subcore_parallel>], iteration_bounds = array<i64: 2, 16>, scalar_prefetch = 0 : i64, scratch_operands = 5 : i64, tpu.core_type = #tpu.core_type<sc_vector_subcore>, window_params = [{transform_indices = #map}, {transform_indices = #map}, {transform_indices = #map1}, {transform_indices = #map1}, {transform_indices = #map}]} {
    %mul3A = arith.constant 2 : i32
    %mul3A_0 = arith.muli %arg1, %mul3A : i32
    %add3A = arith.addi %mul3A_0, %arg0 : i32
    %mul3A_1 = arith.constant 32 : i32
    %mul3A_2 = arith.muli %add3A, %mul3A_1 : i32
    "tpu.region"() ({
      %run_scoped3A = tpu.sem_alloc : memref<!tpu.dma_semaphore, #tpu.memory_space<semaphore_mem>>
      %dma_start3A_4874 = tpu.memref_slice %arg4[%mul3A_2] : memref<1024xi32, #tpu.memory_space<hbm>> -> memref<32xi32, #tpu.memory_space<hbm>>
      %dma_start3A_4875 = tpu.memref_slice %arg4[%mul3A_2] : memref<1024xi32, #tpu.memory_space<hbm>> -> memref<32xi32, #tpu.memory_space<hbm>>
      tpu.enqueue_dma source(%dma_start3A_4875 : memref<32xi32, #tpu.memory_space<hbm>>) target(%arg7 : memref<32xi32, #tpu.memory_space<vmem>>) target_semaphore(%run_scoped3A : memref<!tpu.dma_semaphore, #tpu.memory_space<semaphore_mem>>)
      %dma_wait3A_4876 = tpu.memref_slice %arg4[%mul3A_2] : memref<1024xi32, #tpu.memory_space<hbm>> -> memref<32xi32, #tpu.memory_space<hbm>>
      %dma_wait3A_4877 = tpu.memref_slice %arg4[%mul3A_2] : memref<1024xi32, #tpu.memory_space<hbm>> -> memref<32xi32, #tpu.memory_space<hbm>>
      tpu.wait_dma2 semaphore(%run_scoped3A : memref<!tpu.dma_semaphore, #tpu.memory_space<semaphore_mem>>) src(%dma_wait3A_4877 : memref<32xi32, #tpu.memory_space<hbm>>) dst(%arg7 : memref<32xi32, #tpu.memory_space<vmem>>)
      tpu.yield
    }) : () -> ()
    "tpu.region"() ({
      %run_scoped3A = tpu.sem_alloc : memref<!tpu.dma_semaphore, #tpu.memory_space<semaphore_mem>>
      %dma_start3A_4874 = tpu.memref_slice %arg5[%mul3A_2] : memref<1024xi32, #tpu.memory_space<hbm>> -> memref<32xi32, #tpu.memory_space<hbm>>
      %dma_start3A_4875 = tpu.memref_slice %arg5[%mul3A_2] : memref<1024xi32, #tpu.memory_space<hbm>> -> memref<32xi32, #tpu.memory_space<hbm>>
      tpu.enqueue_dma source(%dma_start3A_4875 : memref<32xi32, #tpu.memory_space<hbm>>) target(%arg8 : memref<32xi32, #tpu.memory_space<vmem>>) target_semaphore(%run_scoped3A : memref<!tpu.dma_semaphore, #tpu.memory_space<semaphore_mem>>)
      %dma_wait3A_4876 = tpu.memref_slice %arg5[%mul3A_2] : memref<1024xi32, #tpu.memory_space<hbm>> -> memref<32xi32, #tpu.memory_space<hbm>>
      %dma_wait3A_4877 = tpu.memref_slice %arg5[%mul3A_2] : memref<1024xi32, #tpu.memory_space<hbm>> -> memref<32xi32, #tpu.memory_space<hbm>>
      tpu.wait_dma2 semaphore(%run_scoped3A : memref<!tpu.dma_semaphore, #tpu.memory_space<semaphore_mem>>) src(%dma_wait3A_4877 : memref<32xi32, #tpu.memory_space<hbm>>) dst(%arg8 : memref<32xi32, #tpu.memory_space<vmem>>)
      tpu.yield
    }) : () -> ()
    %dma_start3A = arith.constant 0 : i32
    %dma_start3A_3 = arith.constant 0 : i32
    %dma_start3A_4 = tpu.memref_slice %arg2[%dma_start3A, %dma_start3A_3] : memref<100000x128xf32, #tpu.memory_space<hbm>> -> memref<100000x128xf32, #tpu.memory_space<hbm>>
    tpu.enqueue_indirect_dma source(%dma_start3A_4 : memref<100000x128xf32, #tpu.memory_space<hbm>>) target(%arg9 : memref<32x128xf32, #tpu.memory_space<vmem>>) offsets(%arg7 : memref<32xi32, #tpu.memory_space<vmem>>) semaphore(%arg11 : memref<!tpu.dma_semaphore, #tpu.memory_space<semaphore_mem>>)
    %dma_start3A_5 = arith.constant 0 : i32
    %dma_start3A_6 = arith.constant 0 : i32
    %dma_start3A_7 = tpu.memref_slice %arg3[%dma_start3A_5, %dma_start3A_6] : memref<100000x128xf32, #tpu.memory_space<hbm>> -> memref<100000x128xf32, #tpu.memory_space<hbm>>
    tpu.enqueue_indirect_dma source(%dma_start3A_7 : memref<100000x128xf32, #tpu.memory_space<hbm>>) target(%arg10 : memref<32x128xf32, #tpu.memory_space<vmem>>) offsets(%arg8 : memref<32xi32, #tpu.memory_space<vmem>>) semaphore(%arg11 : memref<!tpu.dma_semaphore, #tpu.memory_space<semaphore_mem>>)
    %dma_wait3A = arith.constant 0 : i32
    %dma_wait3A_8 = arith.constant 0 : i32
    %dma_wait3A_9 = tpu.memref_slice %arg2[%dma_wait3A, %dma_wait3A_8] : memref<100000x128xf32, #tpu.memory_space<hbm>> -> memref<100000x128xf32, #tpu.memory_space<hbm>>
    tpu.wait_indirect_dma semaphore(%arg11 : memref<!tpu.dma_semaphore, #tpu.memory_space<semaphore_mem>>) src(%dma_wait3A_9 : memref<100000x128xf32, #tpu.memory_space<hbm>>) dst(%arg9 : memref<32x128xf32, #tpu.memory_space<vmem>>)
    %dma_wait3A_10 = arith.constant 0 : i32
    %dma_wait3A_11 = arith.constant 0 : i32
    %dma_wait3A_12 = tpu.memref_slice %arg3[%dma_wait3A_10, %dma_wait3A_11] : memref<100000x128xf32, #tpu.memory_space<hbm>> -> memref<100000x128xf32, #tpu.memory_space<hbm>>
    tpu.wait_indirect_dma semaphore(%arg11 : memref<!tpu.dma_semaphore, #tpu.memory_space<semaphore_mem>>) src(%dma_wait3A_12 : memref<100000x128xf32, #tpu.memory_space<hbm>>) dst(%arg10 : memref<32x128xf32, #tpu.memory_space<vmem>>)
    %get3A = arith.constant 0 : i32
    %get3A_13 = arith.index_cast %get3A : i32 to index
    %get3A_14 = arith.constant 0 : index
    %get3A_15 = tpu.vector_load %arg9[%get3A_13, %get3A_14] {strides = array<i32>} : memref<32x128xf32, #tpu.memory_space<vmem>>, vector<1x16xf32>,
    %get3A_16 = vector.shape_cast %get3A_15 : vector<1x16xf32> to vector<16xf32>
    %get3A_17 = arith.constant 0 : i32
    %get3A_18 = arith.index_cast %get3A_17 : i32 to index
    %get3A_19 = arith.constant 64 : index
    %get3A_20 = tpu.vector_load %arg9[%get3A_18, %get3A_19] {strides = array<i32>} : memref<32x128xf32, #tpu.memory_space<vmem>>, vector<1x16xf32>,
    %get3A_21 = vector.shape_cast %get3A_20 : vector<1x16xf32> to vector<16xf32>
    %get3A_22 = arith.constant 0 : i32
    %get3A_23 = arith.index_cast %get3A_22 : i32 to index
    %get3A_24 = arith.constant 0 : index
    %get3A_25 = tpu.vector_load %arg10[%get3A_23, %get3A_24] {strides = array<i32>} : memref<32x128xf32, #tpu.memory_space<vmem>>, vector<1x16xf32>,
    %get3A_26 = vector.shape_cast %get3A_25 : vector<1x16xf32> to vector<16xf32>
    %get3A_27 = arith.constant 0 : i32
    %get3A_28 = arith.index_cast %get3A_27 : i32 to index
    %get3A_29 = arith.constant 64 : index
    %get3A_30 = tpu.vector_load %arg10[%get3A_28, %get3A_29] {strides = array<i32>} : memref<32x128xf32, #tpu.memory_space<vmem>>, vector<1x16xf32>,
    %get3A_31 = vector.shape_cast %get3A_30 : vector<1x16xf32> to vector<16xf32>
    %mul3A_32 = arith.mulf %get3A_16, %get3A_26 : vector<16xf32>
    %mul3A_33 = arith.mulf %get3A_21, %get3A_31 : vector<16xf32>
    %sub3A = arith.subf %mul3A_32, %mul3A_33 : vector<16xf32>
    %swap3A = arith.constant 0 : i32
    %swap3A_34 = arith.index_cast %swap3A : i32 to index
    %swap3A_35 = arith.constant 0 : index
    %swap3A_36 = tpu.vector_load %arg9[%swap3A_34, %swap3A_35] {strides = array<i32>} : memref<32x128xf32, #tpu.memory_space<vmem>>, vector<1x16xf32>,
    %swap3A_37 = vector.shape_cast %swap3A_36 : vector<1x16xf32> to vector<16xf32>
    %swap3A_38 = vector.shape_cast %sub3A : vector<16xf32> to vector<1x16xf32>
    tpu.vector_store %arg9[%swap3A_34, %swap3A_35], %swap3A_38 {strides = array<i32>} : memref<32x128xf32, #tpu.memory_space<vmem>>, vector<1x16xf32>,
    %mul3A_39 = arith.mulf %get3A_16, %get3A_31 : vector<16xf32>
    %mul3A_40 = arith.mulf %get3A_21, %get3A_26 : vector<16xf32>
    %add3A_41 = arith.addf %mul3A_39, %mul3A_40 : vector<16xf32>
    %swap3A_42 = arith.constant 0 : i32
    %swap3A_43 = arith.index_cast %swap3A_42 : i32 to index
    %swap3A_44 = arith.constant 64 : index
    %swap3A_45 = tpu.vector_load %arg9[%swap3A_43, %swap3A_44] {strides = array<i32>} : memref<32x128xf32, #tpu.memory_space<vmem>>, vector<1x16xf32>,
    %swap3A_46 = vector.shape_cast %swap3A_45 : vector<1x16xf32> to vector<16xf32>
    %swap3A_47 = vector.shape_cast %add3A_41 : vector<16xf32> to vector<1x16xf32>
    tpu.vector_store %arg9[%swap3A_43, %swap3A_44], %swap3A_47 {strides = array<i32>} : memref<32x128xf32, #tpu.memory_space<vmem>>, vector<1x16xf32>,
    %get3A_48 = arith.constant 0 : i32
    %get3A_49 = arith.index_cast %get3A_48 : i32 to index
    %get3A_50 = arith.constant 16 : index
    %get3A_51 = tpu.vector_load %arg9[%get3A_49, %get3A_50] {strides = array<i32>} : memref<32x128xf32, #tpu.memory_space<vmem>>, vector<1x16xf32>,
    %get3A_52 = vector.shape_cast %get3A_51 : vector<1x16xf32> to vector<16xf32>
    %get3A_53 = arith.constant 0 : i32
    %get3A_54 = arith.index_cast %get3A_53 : i32 to index
    %get3A_55 = arith.constant 80 : index
    %get3A_56 = tpu.vector_load %arg9[%get3A_54, %get3A_55] {strides = array<i32>} : memref<32x128xf32, #tpu.memory_space<vmem>>, vector<1x16xf32>,
    %get3A_57 = vector.shape_cast %get3A_56 : vector<1x16xf32> to vector<16xf32>
    %get3A_58 = arith.constant 0 : i32
    %get3A_59 = arith.index_cast %get3A_58 : i32 to index
    %get3A_60 = arith.constant 16 : index
    %get3A_61 = tpu.vector_load %arg10[%get3A_59, %get3A_60] {strides = array<i32>} : memref<32x128xf32, #tpu.memory_space<vmem>>, vector<1x16xf32>,
    %get3A_62 = vector.shape_cast %get3A_61 : vector<1x16xf32> to vector<16xf32>
    %get3A_63 = arith.constant 0 : i32
    %get3A_64 = arith.index_cast %get3A_63 : i32 to index
    %get3A_65 = arith.constant 80 : index
    %get3A_66 = tpu.vector_load %arg10[%get3A_64, %get3A_65] {strides = array<i32>} : memref<32x128xf32, #tpu.memory_space<vmem>>, vector<1x16xf32>,
    %get3A_67 = vector.shape_cast %get3A_66 : vector<1x16xf32> to vector<16xf32>
    %mul3A_68 = arith.mulf %get3A_52, %get3A_62 : vector<16xf32>
    %mul3A_69 = arith.mulf %get3A_57, %get3A_67 : vector<16xf32>
    %sub3A_70 = arith.subf %mul3A_68, %mul3A_69 : vector<16xf32>
    %swap3A_71 = arith.constant 0 : i32
    %swap3A_72 = arith.index_cast %swap3A_71 : i32 to index
    %swap3A_73 = arith.constant 16 : index
    %swap3A_74 = tpu.vector_load %arg9[%swap3A_72, %swap3A_73] {strides = array<i32>} : memref<32x128xf32, #tpu.memory_space<vmem>>, vector<1x16xf32>,
    %swap3A_75 = vector.shape_cast %swap3A_74 : vector<1x16xf32> to vector<16xf32>
    %swap3A_76 = vector.shape_cast %sub3A_70 : vector<16xf32> to vector<1x16xf32>
    tpu.vector_store %arg9[%swap3A_72, %swap3A_73], %swap3A_76 {strides = array<i32>} : memref<32x128xf32, #tpu.memory_space<vmem>>, vector<1x16xf32>,
    %mul3A_77 = arith.mulf %get3A_52, %get3A_67 : vector<16xf32>
    %mul3A_78 = arith.mulf %get3A_57, %get3A_62 : vector<16xf32>
    %add3A_79 = arith.addf %mul3A_77, %mul3A_78 : vector<16xf32>
    %swap3A_80 = arith.constant 0 : i32
    %swap3A_81 = arith.index_cast %swap3A_80 : i32 to index
    %swap3A_82 = arith.constant 80 : index
    %swap3A_83 = tpu.vector_load %arg9[%swap3A_81, %swap3A_82] {strides = array<i32>} : memref<32x128xf32, #tpu.memory_space<vmem>>, vector<1x16xf32>,
    %swap3A_84 = vector.shape_cast %swap3A_83 : vector<1x16xf32> to vector<16xf32>
    %swap3A_85 = vector.shape_cast %add3A_79 : vector<16xf32> to vector<1x16xf32>
    tpu.vector_store %arg9[%swap3A_81, %swap3A_82], %swap3A_85 {strides = array<i32>} : memref<32x128xf32, #tpu.memory_space<vmem>>, vector<1x16xf32>,
    %get3A_86 = arith.constant 0 : i32
    %get3A_87 = arith.index_cast %get3A_86 : i32 to index
    %get3A_88 = arith.constant 32 : index
    %get3A_89 = tpu.vector_load %arg9[%get3A_87, %get3A_88] {strides = array<i32>} : memref<32x128xf32, #tpu.memory_space<vmem>>, vector<1x16xf32>,
    %get3A_90 = vector.shape_cast %get3A_89 : vector<1x16xf32> to vector<16xf32>
    %get3A_91 = arith.constant 0 : i32
    %get3A_92 = arith.index_cast %get3A_91 : i32 to index
    %get3A_93 = arith.constant 96 : index
    %get3A_94 = tpu.vector_load %arg9[%get3A_92, %get3A_93] {strides = array<i32>} : memref<32x128xf32, #tpu.memory_space<vmem>>, vector<1x16xf32>,
    %get3A_95 = vector.shape_cast %get3A_94 : vector<1x16xf32> to vector<16xf32>
    %get3A_96 = arith.constant 0 : i32
    %get3A_97 = arith.index_cast %get3A_96 : i32 to index
    %get3A_98 = arith.constant 32 : index
    %get3A_99 = tpu.vector_load %arg10[%get3A_97, %get3A_98] {strides = array<i32>} : memref<32x128xf32, #tpu.memory_space<vmem>>, vector<1x16xf32>,
    %get3A_100 = vector.shape_cast %get3A_99 : vector<1x16xf32> to vector<16xf32>
    %get3A_101 = arith.constant 0 : i32
    %get3A_102 = arith.index_cast %get3A_101 : i32 to index
    %get3A_103 = arith.constant 96 : index
    %get3A_104 = tpu.vector_load %arg10[%get3A_102, %get3A_103] {strides = array<i32>} : memref<32x128xf32, #tpu.memory_space<vmem>>, vector<1x16xf32>,
    %get3A_105 = vector.shape_cast %get3A_104 : vector<1x16xf32> to vector<16xf32>
    %mul3A_106 = arith.mulf %get3A_90, %get3A_100 : vector<16xf32>
    %mul3A_107 = arith.mulf %get3A_95, %get3A_105 : vector<16xf32>
    %sub3A_108 = arith.subf %mul3A_106, %mul3A_107 : vector<16xf32>
    %swap3A_109 = arith.constant 0 : i32
    %swap3A_110 = arith.index_cast %swap3A_109 : i32 to index
    %swap3A_111 = arith.constant 32 : index
    %swap3A_112 = tpu.vector_load %arg9[%swap3A_110, %swap3A_111] {strides = array<i32>} : memref<32x128xf32, #tpu.memory_space<vmem>>, vector<1x16xf32>,
    %swap3A_113 = vector.shape_cast %swap3A_112 : vector<1x16xf32> to vector<16xf32>
    %swap3A_114 = vector.shape_cast %sub3A_108 : vector<16xf32> to vector<1x16xf32>
    tpu.vector_store %arg9[%swap3A_110, %swap3A_111], %swap3A_114 {strides = array<i32>} : memref<32x128xf32, #tpu.memory_space<vmem>>, vector<1x16xf32>,
    %mul3A_115 = arith.mulf %get3A_90, %get3A_105 : vector<16xf32>
    %mul3A_116 = arith.mulf %get3A_95, %get3A_100 : vector<16xf32>
    %add3A_117 = arith.addf %mul3A_115, %mul3A_116 : vector<16xf32>
    %swap3A_118 = arith.constant 0 : i32
    %swap3A_119 = arith.index_cast %swap3A_118 : i32 to index
    %swap3A_120 = arith.constant 96 : index
    %swap3A_121 = tpu.vector_load %arg9[%swap3A_119, %swap3A_120] {strides = array<i32>} : memref<32x128xf32, #tpu.memory_space<vmem>>, vector<1x16xf32>,
    %swap3A_122 = vector.shape_cast %swap3A_121 : vector<1x16xf32> to vector<16xf32>
    %swap3A_123 = vector.shape_cast %add3A_117 : vector<16xf32> to vector<1x16xf32>
    tpu.vector_store %arg9[%swap3A_119, %swap3A_120], %swap3A_123 {strides = array<i32>} : memref<32x128xf32, #tpu.memory_space<vmem>>, vector<1x16xf32>,
    %get3A_124 = arith.constant 0 : i32
    %get3A_125 = arith.index_cast %get3A_124 : i32 to index
    %get3A_126 = arith.constant 48 : index
    %get3A_127 = tpu.vector_load %arg9[%get3A_125, %get3A_126] {strides = array<i32>} : memref<32x128xf32, #tpu.memory_space<vmem>>, vector<1x16xf32>,
    %get3A_128 = vector.shape_cast %get3A_127 : vector<1x16xf32> to vector<16xf32>
    %get3A_129 = arith.constant 0 : i32
    %get3A_130 = arith.index_cast %get3A_129 : i32 to index
    %get3A_131 = arith.constant 112 : index
    %get3A_132 = tpu.vector_load %arg9[%get3A_130, %get3A_131] {strides = array<i32>} : memref<32x128xf32, #tpu.memory_space<vmem>>, vector<1x16xf32>,
    %get3A_133 = vector.shape_cast %get3A_132 : vector<1x16xf32> to vector<16xf32>
    %get3A_134 = arith.constant 0 : i32
    %get3A_135 = arith.index_cast %get3A_134 : i32 to index
    %get3A_136 = arith.constant 48 : index
    %get3A_137 = tpu.vector_load %arg10[%get3A_135, %get3A_136] {strides = array<i32>} : memref<32x128xf32, #tpu.memory_space<vmem>>, vector<1x16xf32>,
    %get3A_138 = vector.shape_cast %get3A_137 : vector<1x16xf32> to vector<16xf32>
    %get3A_139 = arith.constant 0 : i32
    %get3A_140 = arith.index_cast %get3A_139 : i32 to index
    %get3A_141 = arith.constant 112 : index
    %get3A_142 = tpu.vector_load %arg10[%get3A_140, %get3A_141] {strides = array<i32>} : memref<32x128xf32, #tpu.memory_space<vmem>>, vector<1x16xf32>,
    %get3A_143 = vector.shape_cast %get3A_142 : vector<1x16xf32> to vector<16xf32>
    %mul3A_144 = arith.mulf %get3A_128, %get3A_138 : vector<16xf32>
    %mul3A_145 = arith.mulf %get3A_133, %get3A_143 : vector<16xf32>
    %sub3A_146 = arith.subf %mul3A_144, %mul3A_145 : vector<16xf32>
    %swap3A_147 = arith.constant 0 : i32
    %swap3A_148 = arith.index_cast %swap3A_147 : i32 to index
    %swap3A_149 = arith.constant 48 : index
    %swap3A_150 = tpu.vector_load %arg9[%swap3A_148, %swap3A_149] {strides = array<i32>} : memref<32x128xf32, #tpu.memory_space<vmem>>, vector<1x16xf32>,
    %swap3A_151 = vector.shape_cast %swap3A_150 : vector<1x16xf32> to vector<16xf32>
    %swap3A_152 = vector.shape_cast %sub3A_146 : vector<16xf32> to vector<1x16xf32>
    tpu.vector_store %arg9[%swap3A_148, %swap3A_149], %swap3A_152 {strides = array<i32>} : memref<32x128xf32, #tpu.memory_space<vmem>>, vector<1x16xf32>,
    %mul3A_153 = arith.mulf %get3A_128, %get3A_143 : vector<16xf32>
    %mul3A_154 = arith.mulf %get3A_133, %get3A_138 : vector<16xf32>
    %add3A_155 = arith.addf %mul3A_153, %mul3A_154 : vector<16xf32>
    %swap3A_156 = arith.constant 0 : i32
    %swap3A_157 = arith.index_cast %swap3A_156 : i32 to index
    %swap3A_158 = arith.constant 112 : index
    %swap3A_159 = tpu.vector_load %arg9[%swap3A_157, %swap3A_158] {strides = array<i32>} : memref<32x128xf32, #tpu.memory_space<vmem>>, vector<1x16xf32>,
    %swap3A_160 = vector.shape_cast %swap3A_159 : vector<1x16xf32> to vector<16xf32>
    %swap3A_161 = vector.shape_cast %add3A_155 : vector<16xf32> to vector<1x16xf32>
    tpu.vector_store %arg9[%swap3A_157, %swap3A_158], %swap3A_161 {strides = array<i32>} : memref<32x128xf32, #tpu.memory_space<vmem>>, vector<1x16xf32>,
    %get3A_162 = arith.constant 1 : i32
    %get3A_163 = arith.index_cast %get3A_162 : i32 to index
    %get3A_164 = arith.constant 0 : index
    %get3A_165 = tpu.vector_load %arg9[%get3A_163, %get3A_164] {strides = array<i32>} : memref<32x128xf32, #tpu.memory_space<vmem>>, vector<1x16xf32>,
    %get3A_166 = vector.shape_cast %get3A_165 : vector<1x16xf32> to vector<16xf32>
    %get3A_167 = arith.constant 1 : i32
    %get3A_168 = arith.index_cast %get3A_167 : i32 to index
    %get3A_169 = arith.constant 64 : index
    %get3A_170 = tpu.vector_load %arg9[%get3A_168, %get3A_169] {strides = array<i32>} : memref<32x128xf32, #tpu.memory_space<vmem>>, vector<1x16xf32>,
    %get3A_171 = vector.shape_cast %get3A_170 : vector<1x16xf32> to vector<16xf32>
    %get3A_172 = arith.constant 1 : i32
    %get3A_173 = arith.index_cast %get3A_172 : i32 to index
    %get3A_174 = arith.constant 0 : index
    %get3A_175 = tpu.vector_load %arg10[%get3A_173, %get3A_174] {strides = array<i32>} : memref<32x128xf32, #tpu.memory_space<vmem>>, vector<1x16xf32>,
    %get3A_176 = vector.shape_cast %get3A_175 : vector<1x16xf32> to vector<16xf32>
    %get3A_177 = arith.constant 1 : i32
    %get3A_178 = arith.index_cast %get3A_177 : i32 to index
    %get3A_179 = arith.constant 64 : index
    %get3A_180 = tpu.vector_load %arg10[%get3A_178, %get3A_179] {strides = array<i32>} : memref<32x128xf32, #tpu.memory_space<vmem>>, vector<1x16xf32>,
    %get3A_181 = vector.shape_cast %get3A_180 : vector<1x16xf32> to vector<16xf32>
    %mul3A_182 = arith.mulf %get3A_166, %get3A_176 : vector<16xf32>
    %mul3A_183 = arith.mulf %get3A_171, %get3A_181 : vector<16xf32>
    %sub3A_184 = arith.subf %mul3A_182, %mul3A_183 : vector<16xf32>
    %swap3A_185 = arith.constant 1 : i32
    %swap3A_186 = arith.index_cast %swap3A_185 : i32 to index
    %swap3A_187 = arith.constant 0 : index
    %swap3A_188 = tpu.vector_load %arg9[%swap3A_186, %swap3A_187] {strides = array<i32>} : memref<32x128xf32, #tpu.memory_space<vmem>>, vector<1x16xf32>,
    %swap3A_189 = vector.shape_cast %swap3A_188 : vector<1x16xf32> to vector<16xf32>
    %swap3A_190 = vector.shape_cast %sub3A_184 : vector<16xf32> to vector<1x16xf32>
    tpu.vector_store %arg9[%swap3A_186, %swap3A_187], %swap3A_190 {strides = array<i32>} : memref<32x128xf32, #tpu.memory_space<vmem>>, vector<1x16xf32>,
    %mul3A_191 = arith.mulf %get3A_166, %get3A_181 : vector<16xf32>
    %mul3A_192 = arith.mulf %get3A_171, %get3A_176 : vector<16xf32>
    %add3A_193 = arith.addf %mul3A_191, %mul3A_192 : vector<16xf32>
    %swap3A_194 = arith.constant 1 : i32
    %swap3A_195 = arith.index_cast %swap3A_194 : i32 to index
    %swap3A_196 = arith.constant 64 : index
    %swap3A_197 = tpu.vector_load %arg9[%swap3A_195, %swap3A_196] {strides = array<i32>} : memref<32x128xf32, #tpu.memory_space<vmem>>, vector<1x16xf32>,
    %swap3A_198 = vector.shape_cast %swap3A_197 : vector<1x16xf32> to vector<16xf32>
    %swap3A_199 = vector.shape_cast %add3A_193 : vector<16xf32> to vector<1x16xf32>
    tpu.vector_store %arg9[%swap3A_195, %swap3A_196], %swap3A_199 {strides = array<i32>} : memref<32x128xf32, #tpu.memory_space<vmem>>, vector<1x16xf32>,
    %get3A_200 = arith.constant 1 : i32
    %get3A_201 = arith.index_cast %get3A_200 : i32 to index
    %get3A_202 = arith.constant 16 : index
    %get3A_203 = tpu.vector_load %arg9[%get3A_201, %get3A_202] {strides = array<i32>} : memref<32x128xf32, #tpu.memory_space<vmem>>, vector<1x16xf32>,
    %get3A_204 = vector.shape_cast %get3A_203 : vector<1x16xf32> to vector<16xf32>
    %get3A_205 = arith.constant 1 : i32
    %get3A_206 = arith.index_cast %get3A_205 : i32 to index
    %get3A_207 = arith.constant 80 : index
    %get3A_208 = tpu.vector_load %arg9[%get3A_206, %get3A_207] {strides = array<i32>} : memref<32x128xf32, #tpu.memory_space<vmem>>, vector<1x16xf32>,
    %get3A_209 = vector.shape_cast %get3A_208 : vector<1x16xf32> to vector<16xf32>
    %get3A_210 = arith.constant 1 : i32
    %get3A_211 = arith.index_cast %get3A_210 : i32 to index
    %get3A_212 = arith.constant 16 : index
    %get3A_213 = tpu.vector_load %arg10[%get3A_211, %get3A_212] {strides = array<i32>} : memref<32x128xf32, #tpu.memory_space<vmem>>, vector<1x16xf32>,
    %get3A_214 = vector.shape_cast %get3A_213 : vector<1x16xf32> to vector<16xf32>
    %get3A_215 = arith.constant 1 : i32
    %get3A_216 = arith.index_cast %get3A_215 : i32 to index
    %get3A_217 = arith.constant 80 : index
    %get3A_218 = tpu.vector_load %arg10[%get3A_216, %get3A_217] {strides = array<i32>} : memref<32x128xf32, #tpu.memory_space<vmem>>, vector<1x16xf32>,
    %get3A_219 = vector.shape_cast %get3A_218 : vector<1x16xf32> to vector<16xf32>
    %mul3A_220 = arith.mulf %get3A_204, %get3A_214 : vector<16xf32>
    %mul3A_221 = arith.mulf %get3A_209, %get3A_219 : vector<16xf32>
    %sub3A_222 = arith.subf %mul3A_220, %mul3A_221 : vector<16xf32>
    %swap3A_223 = arith.constant 1 : i32
    %swap3A_224 = arith.index_cast %swap3A_223 : i32 to index
    %swap3A_225 = arith.constant 16 : index
    %swap3A_226 = tpu.vector_load %arg9[%swap3A_224, %swap3A_225] {strides = array<i32>} : memref<32x128xf32, #tpu.memory_space<vmem>>, vector<1x16xf32>,
    %swap3A_227 = vector.shape_cast %swap3A_226 : vector<1x16xf32> to vector<16xf32>
    %swap3A_228 = vector.shape_cast %sub3A_222 : vector<16xf32> to vector<1x16xf32>
    tpu.vector_store %arg9[%swap3A_224, %swap3A_225], %swap3A_228 {strides = array<i32>} : memref<32x128xf32, #tpu.memory_space<vmem>>, vector<1x16xf32>,
    %mul3A_229 = arith.mulf %get3A_204, %get3A_219 : vector<16xf32>
    %mul3A_230 = arith.mulf %get3A_209, %get3A_214 : vector<16xf32>
    %add3A_231 = arith.addf %mul3A_229, %mul3A_230 : vector<16xf32>
    %swap3A_232 = arith.constant 1 : i32
    %swap3A_233 = arith.index_cast %swap3A_232 : i32 to index
    %swap3A_234 = arith.constant 80 : index
    %swap3A_235 = tpu.vector_load %arg9[%swap3A_233, %swap3A_234] {strides = array<i32>} : memref<32x128xf32, #tpu.memory_space<vmem>>, vector<1x16xf32>,
    %swap3A_236 = vector.shape_cast %swap3A_235 : vector<1x16xf32> to vector<16xf32>
    %swap3A_237 = vector.shape_cast %add3A_231 : vector<16xf32> to vector<1x16xf32>
    tpu.vector_store %arg9[%swap3A_233, %swap3A_234], %swap3A_237 {strides = array<i32>} : memref<32x128xf32, #tpu.memory_space<vmem>>, vector<1x16xf32>,
    %get3A_238 = arith.constant 1 : i32
    %get3A_239 = arith.index_cast %get3A_238 : i32 to index
    %get3A_240 = arith.constant 32 : index
    %get3A_241 = tpu.vector_load %arg9[%get3A_239, %get3A_240] {strides = array<i32>} : memref<32x128xf32, #tpu.memory_space<vmem>>, vector<1x16xf32>,
    %get3A_242 = vector.shape_cast %get3A_241 : vector<1x16xf32> to vector<16xf32>
    %get3A_243 = arith.constant 1 : i32
    %get3A_244 = arith.index_cast %get3A_243 : i32 to index
    %get3A_245 = arith.constant 96 : index
    %get3A_246 = tpu.vector_load %arg9[%get3A_244, %get3A_245] {strides = array<i32>} : memref<32x128xf32, #tpu.memory_space<vmem>>, vector<1x16xf32>,
    %get3A_247 = vector.shape_cast %get3A_246 : vector<1x16xf32> to vector<16xf32>
    %get3A_248 = arith.constant 1 : i32
    %get3A_249 = arith.index_cast %get3A_248 : i32 to index
    %get3A_250 = arith.constant 32 : index
    %get3A_251 = tpu.vector_load %arg10[%get3A_249, %get3A_250] {strides = array<i32>} : memref<32x128xf32, #tpu.memory_space<vmem>>, vector<1x16xf32>,
    %get3A_252 = vector.shape_cast %get3A_251 : vector<1x16xf32> to vector<16xf32>
    %get3A_253 = arith.constant 1 : i32
    %get3A_254 = arith.index_cast %get3A_253 : i32 to index
    %get3A_255 = arith.constant 96 : index
    %get3A_256 = tpu.vector_load %arg10[%get3A_254, %get3A_255] {strides = array<i32>} : memref<32x128xf32, #tpu.memory_space<vmem>>, vector<1x16xf32>,
    %get3A_257 = vector.shape_cast %get3A_256 : vector<1x16xf32> to vector<16xf32>
    %mul3A_258 = arith.mulf %get3A_242, %get3A_252 : vector<16xf32>
    %mul3A_259 = arith.mulf %get3A_247, %get3A_257 : vector<16xf32>
    %sub3A_260 = arith.subf %mul3A_258, %mul3A_259 : vector<16xf32>
    %swap3A_261 = arith.constant 1 : i32
    %swap3A_262 = arith.index_cast %swap3A_261 : i32 to index
    %swap3A_263 = arith.constant 32 : index
    %swap3A_264 = tpu.vector_load %arg9[%swap3A_262, %swap3A_263] {strides = array<i32>} : memref<32x128xf32, #tpu.memory_space<vmem>>, vector<1x16xf32>,
    %swap3A_265 = vector.shape_cast %swap3A_264 : vector<1x16xf32> to vector<16xf32>
    %swap3A_266 = vector.shape_cast %sub3A_260 : vector<16xf32> to vector<1x16xf32>
    tpu.vector_store %arg9[%swap3A_262, %swap3A_263], %swap3A_266 {strides = array<i32>} : memref<32x128xf32, #tpu.memory_space<vmem>>, vector<1x16xf32>,
    %mul3A_267 = arith.mulf %get3A_242, %get3A_257 : vector<16xf32>
    %mul3A_268 = arith.mulf %get3A_247, %get3A_252 : vector<16xf32>
    %add3A_269 = arith.addf %mul3A_267, %mul3A_268 : vector<16xf32>
    %swap3A_270 = arith.constant 1 : i32
    %swap3A_271 = arith.index_cast %swap3A_270 : i32 to index
    %swap3A_272 = arith.constant 96 : index
    %swap3A_273 = tpu.vector_load %arg9[%swap3A_271, %swap3A_272] {strides = array<i32>} : memref<32x128xf32, #tpu.memory_space<vmem>>, vector<1x16xf32>,
    %swap3A_274 = vector.shape_cast %swap3A_273 : vector<1x16xf32> to vector<16xf32>
    %swap3A_275 = vector.shape_cast %add3A_269 : vector<16xf32> to vector<1x16xf32>
    tpu.vector_store %arg9[%swap3A_271, %swap3A_272], %swap3A_275 {strides = array<i32>} : memref<32x128xf32, #tpu.memory_space<vmem>>, vector<1x16xf32>,
    %get3A_276 = arith.constant 1 : i32
    %get3A_277 = arith.index_cast %get3A_276 : i32 to index
    %get3A_278 = arith.constant 48 : index
    %get3A_279 = tpu.vector_load %arg9[%get3A_277, %get3A_278] {strides = array<i32>} : memref<32x128xf32, #tpu.memory_space<vmem>>, vector<1x16xf32>,
    %get3A_280 = vector.shape_cast %get3A_279 : vector<1x16xf32> to vector<16xf32>
    %get3A_281 = arith.constant 1 : i32
    %get3A_282 = arith.index_cast %get3A_281 : i32 to index
    %get3A_283 = arith.constant 112 : index
    %get3A_284 = tpu.vector_load %arg9[%get3A_282, %get3A_283] {strides = array<i32>} : memref<32x128xf32, #tpu.memory_space<vmem>>, vector<1x16xf32>,
    %get3A_285 = vector.shape_cast %get3A_284 : vector<1x16xf32> to vector<16xf32>
    %get3A_286 = arith.constant 1 : i32
    %get3A_287 = arith.index_cast %get3A_286 : i32 to index
    %get3A_288 = arith.constant 48 : index
    %get3A_289 = tpu.vector_load %arg10[%get3A_287, %get3A_288] {strides = array<i32>} : memref<32x128xf32, #tpu.memory_space<vmem>>, vector<1x16xf32>,
    %get3A_290 = vector.shape_cast %get3A_289 : vector<1x16xf32> to vector<16xf32>
    %get3A_291 = arith.constant 1 : i32
    %get3A_292 = arith.index_cast %get3A_291 : i32 to index
    %get3A_293 = arith.constant 112 : index
    %get3A_294 = tpu.vector_load %arg10[%get3A_292, %get3A_293] {strides = array<i32>} : memref<32x128xf32, #tpu.memory_space<vmem>>, vector<1x16xf32>,
    %get3A_295 = vector.shape_cast %get3A_294 : vector<1x16xf32> to vector<16xf32>
    %mul3A_296 = arith.mulf %get3A_280, %get3A_290 : vector<16xf32>
    %mul3A_297 = arith.mulf %get3A_285, %get3A_295 : vector<16xf32>
    %sub3A_298 = arith.subf %mul3A_296, %mul3A_297 : vector<16xf32>
    %swap3A_299 = arith.constant 1 : i32
    %swap3A_300 = arith.index_cast %swap3A_299 : i32 to index
    %swap3A_301 = arith.constant 48 : index
    %swap3A_302 = tpu.vector_load %arg9[%swap3A_300, %swap3A_301] {strides = array<i32>} : memref<32x128xf32, #tpu.memory_space<vmem>>, vector<1x16xf32>,
    %swap3A_303 = vector.shape_cast %swap3A_302 : vector<1x16xf32> to vector<16xf32>
    %swap3A_304 = vector.shape_cast %sub3A_298 : vector<16xf32> to vector<1x16xf32>
    tpu.vector_store %arg9[%swap3A_300, %swap3A_301], %swap3A_304 {strides = array<i32>} : memref<32x128xf32, #tpu.memory_space<vmem>>, vector<1x16xf32>,
    %mul3A_305 = arith.mulf %get3A_280, %get3A_295 : vector<16xf32>
    %mul3A_306 = arith.mulf %get3A_285, %get3A_290 : vector<16xf32>
    %add3A_307 = arith.addf %mul3A_305, %mul3A_306 : vector<16xf32>
    %swap3A_308 = arith.constant 1 : i32
    %swap3A_309 = arith.index_cast %swap3A_308 : i32 to index
    %swap3A_310 = arith.constant 112 : index
    %swap3A_311 = tpu.vector_load %arg9[%swap3A_309, %swap3A_310] {strides = array<i32>} : memref<32x128xf32, #tpu.memory_space<vmem>>, vector<1x16xf32>,
    %swap3A_312 = vector.shape_cast %swap3A_311 : vector<1x16xf32> to vector<16xf32>
    %swap3A_313 = vector.shape_cast %add3A_307 : vector<16xf32> to vector<1x16xf32>
    tpu.vector_store %arg9[%swap3A_309, %swap3A_310], %swap3A_313 {strides = array<i32>} : memref<32x128xf32, #tpu.memory_space<vmem>>, vector<1x16xf32>,
    %get3A_314 = arith.constant 2 : i32
    %get3A_315 = arith.index_cast %get3A_314 : i32 to index
    %get3A_316 = arith.constant 0 : index
    %get3A_317 = tpu.vector_load %arg9[%get3A_315, %get3A_316] {strides = array<i32>} : memref<32x128xf32, #tpu.memory_space<vmem>>, vector<1x16xf32>,
    %get3A_318 = vector.shape_cast %get3A_317 : vector<1x16xf32> to vector<16xf32>
    %get3A_319 = arith.constant 2 : i32
    %get3A_320 = arith.index_cast %get3A_319 : i32 to index
    %get3A_321 = arith.constant 64 : index
    %get3A_322 = tpu.vector_load %arg9[%get3A_320, %get3A_321] {strides = array<i32>} : memref<32x128xf32, #tpu.memory_space<vmem>>, vector<1x16xf32>,
    %get3A_323 = vector.shape_cast %get3A_322 : vector<1x16xf32> to vector<16xf32>
    %get3A_324 = arith.constant 2 : i32
    %get3A_325 = arith.index_cast %get3A_324 : i32 to index
    %get3A_326 = arith.constant 0 : index
    %get3A_327 = tpu.vector_load %arg10[%get3A_325, %get3A_326] {strides = array<i32>} : memref<32x128xf32, #tpu.memory_space<vmem>>, vector<1x16xf32>,
    %get3A_328 = vector.shape_cast %get3A_327 : vector<1x16xf32> to vector<16xf32>
    %get3A_329 = arith.constant 2 : i32
    %get3A_330 = arith.index_cast %get3A_329 : i32 to index
    %get3A_331 = arith.constant 64 : index
    %get3A_332 = tpu.vector_load %arg10[%get3A_330, %get3A_331] {strides = array<i32>} : memref<32x128xf32, #tpu.memory_space<vmem>>, vector<1x16xf32>,
    %get3A_333 = vector.shape_cast %get3A_332 : vector<1x16xf32> to vector<16xf32>
    %mul3A_334 = arith.mulf %get3A_318, %get3A_328 : vector<16xf32>
    %mul3A_335 = arith.mulf %get3A_323, %get3A_333 : vector<16xf32>
    %sub3A_336 = arith.subf %mul3A_334, %mul3A_335 : vector<16xf32>
    %swap3A_337 = arith.constant 2 : i32
    %swap3A_338 = arith.index_cast %swap3A_337 : i32 to index
    %swap3A_339 = arith.constant 0 : index
    %swap3A_340 = tpu.vector_load %arg9[%swap3A_338, %swap3A_339] {strides = array<i32>} : memref<32x128xf32, #tpu.memory_space<vmem>>, vector<1x16xf32>,
    %swap3A_341 = vector.shape_cast %swap3A_340 : vector<1x16xf32> to vector<16xf32>
    %swap3A_342 = vector.shape_cast %sub3A_336 : vector<16xf32> to vector<1x16xf32>
    tpu.vector_store %arg9[%swap3A_338, %swap3A_339], %swap3A_342 {strides = array<i32>} : memref<32x128xf32, #tpu.memory_space<vmem>>, vector<1x16xf32>,
    %mul3A_343 = arith.mulf %get3A_318, %get3A_333 : vector<16xf32>
    %mul3A_344 = arith.mulf %get3A_323, %get3A_328 : vector<16xf32>
    %add3A_345 = arith.addf %mul3A_343, %mul3A_344 : vector<16xf32>
    %swap3A_346 = arith.constant 2 : i32
    %swap3A_347 = arith.index_cast %swap3A_346 : i32 to index
    %swap3A_348 = arith.constant 64 : index
    %swap3A_349 = tpu.vector_load %arg9[%swap3A_347, %swap3A_348] {strides = array<i32>} : memref<32x128xf32, #tpu.memory_space<vmem>>, vector<1x16xf32>,
    %swap3A_350 = vector.shape_cast %swap3A_349 : vector<1x16xf32> to vector<16xf32>
    %swap3A_351 = vector.shape_cast %add3A_345 : vector<16xf32> to vector<1x16xf32>
    tpu.vector_store %arg9[%swap3A_347, %swap3A_348], %swap3A_351 {strides = array<i32>} : memref<32x128xf32, #tpu.memory_space<vmem>>, vector<1x16xf32>,
    %get3A_352 = arith.constant 2 : i32
    %get3A_353 = arith.index_cast %get3A_352 : i32 to index
    %get3A_354 = arith.constant 16 : index
    %get3A_355 = tpu.vector_load %arg9[%get3A_353, %get3A_354] {strides = array<i32>} : memref<32x128xf32, #tpu.memory_space<vmem>>, vector<1x16xf32>,
    %get3A_356 = vector.shape_cast %get3A_355 : vector<1x16xf32> to vector<16xf32>
    %get3A_357 = arith.constant 2 : i32
    %get3A_358 = arith.index_cast %get3A_357 : i32 to index
    %get3A_359 = arith.constant 80 : index
    %get3A_360 = tpu.vector_load %arg9[%get3A_358, %get3A_359] {strides = array<i32>} : memref<32x128xf32, #tpu.memory_space<vmem>>, vector<1x16xf32>,
    %get3A_361 = vector.shape_cast %get3A_360 : vector<1x16xf32> to vector<16xf32>
    %get3A_362 = arith.constant 2 : i32
    %get3A_363 = arith.index_cast %get3A_362 : i32 to index
    %get3A_364 = arith.constant 16 : index
    %get3A_365 = tpu.vector_load %arg10[%get3A_363, %get3A_364] {strides = array<i32>} : memref<32x128xf32, #tpu.memory_space<vmem>>, vector<1x16xf32>,
    %get3A_366 = vector.shape_cast %get3A_365 : vector<1x16xf32> to vector<16xf32>
    %get3A_367 = arith.constant 2 : i32
    %get3A_368 = arith.index_cast %get3A_367 : i32 to index
    %get3A_369 = arith.constant 80 : index
    %get3A_370 = tpu.vector_load %arg10[%get3A_368, %get3A_369] {strides = array<i32>} : memref<32x128xf32, #tpu.memory_space<vmem>>, vector<1x16xf32>,
    %get3A_371 = vector.shape_cast %get3A_370 : vector<1x16xf32> to vector<16xf32>
    %mul3A_372 = arith.mulf %get3A_356, %get3A_366 : vector<16xf32>
    %mul3A_373 = arith.mulf %get3A_361, %get3A_371 : vector<16xf32>
    %sub3A_374 = arith.subf %mul3A_372, %mul3A_373 : vector<16xf32>
    %swap3A_375 = arith.constant 2 : i32
    %swap3A_376 = arith.index_cast %swap3A_375 : i32 to index
    %swap3A_377 = arith.constant 16 : index
    %swap3A_378 = tpu.vector_load %arg9[%swap3A_376, %swap3A_377] {strides = array<i32>} : memref<32x128xf32, #tpu.memory_space<vmem>>, vector<1x16xf32>,
    %swap3A_379 = vector.shape_cast %swap3A_378 : vector<1x16xf32> to vector<16xf32>
    %swap3A_380 = vector.shape_cast %sub3A_374 : vector<16xf32> to vector<1x16xf32>
    tpu.vector_store %arg9[%swap3A_376, %swap3A_377], %swap3A_380 {strides = array<i32>} : memref<32x128xf32, #tpu.memory_space<vmem>>, vector<1x16xf32>,
    %mul3A_381 = arith.mulf %get3A_356, %get3A_371 : vector<16xf32>
    %mul3A_382 = arith.mulf %get3A_361, %get3A_366 : vector<16xf32>
    %add3A_383 = arith.addf %mul3A_381, %mul3A_382 : vector<16xf32>
    %swap3A_384 = arith.constant 2 : i32
    %swap3A_385 = arith.index_cast %swap3A_384 : i32 to index
    %swap3A_386 = arith.constant 80 : index
    %swap3A_387 = tpu.vector_load %arg9[%swap3A_385, %swap3A_386] {strides = array<i32>} : memref<32x128xf32, #tpu.memory_space<vmem>>, vector<1x16xf32>,
    %swap3A_388 = vector.shape_cast %swap3A_387 : vector<1x16xf32> to vector<16xf32>
    %swap3A_389 = vector.shape_cast %add3A_383 : vector<16xf32> to vector<1x16xf32>
    tpu.vector_store %arg9[%swap3A_385, %swap3A_386], %swap3A_389 {strides = array<i32>} : memref<32x128xf32, #tpu.memory_space<vmem>>, vector<1x16xf32>,
    %get3A_390 = arith.constant 2 : i32
    %get3A_391 = arith.index_cast %get3A_390 : i32 to index
    %get3A_392 = arith.constant 32 : index
    %get3A_393 = tpu.vector_load %arg9[%get3A_391, %get3A_392] {strides = array<i32>} : memref<32x128xf32, #tpu.memory_space<vmem>>, vector<1x16xf32>,
    %get3A_394 = vector.shape_cast %get3A_393 : vector<1x16xf32> to vector<16xf32>
    %get3A_395 = arith.constant 2 : i32
    %get3A_396 = arith.index_cast %get3A_395 : i32 to index
    %get3A_397 = arith.constant 96 : index
    %get3A_398 = tpu.vector_load %arg9[%get3A_396, %get3A_397] {strides = array<i32>} : memref<32x128xf32, #tpu.memory_space<vmem>>, vector<1x16xf32>,
    %get3A_399 = vector.shape_cast %get3A_398 : vector<1x16xf32> to vector<16xf32>
    %get3A_400 = arith.constant 2 : i32
    %get3A_401 = arith.index_cast %get3A_400 : i32 to index
    %get3A_402 = arith.constant 32 : index
    %get3A_403 = tpu.vector_load %arg10[%get3A_401, %get3A_402] {strides = array<i32>} : memref<32x128xf32, #tpu.memory_space<vmem>>, vector<1x16xf32>,
    %get3A_404 = vector.shape_cast %get3A_403 : vector<1x16xf32> to vector<16xf32>
    %get3A_405 = arith.constant 2 : i32
    %get3A_406 = arith.index_cast %get3A_405 : i32 to index
    %get3A_407 = arith.constant 96 : index
    %get3A_408 = tpu.vector_load %arg10[%get3A_406, %get3A_407] {strides = array<i32>} : memref<32x128xf32, #tpu.memory_space<vmem>>, vector<1x16xf32>,
    %get3A_409 = vector.shape_cast %get3A_408 : vector<1x16xf32> to vector<16xf32>
    %mul3A_410 = arith.mulf %get3A_394, %get3A_404 : vector<16xf32>
    %mul3A_411 = arith.mulf %get3A_399, %get3A_409 : vector<16xf32>
    %sub3A_412 = arith.subf %mul3A_410, %mul3A_411 : vector<16xf32>
    %swap3A_413 = arith.constant 2 : i32
    %swap3A_414 = arith.index_cast %swap3A_413 : i32 to index
    %swap3A_415 = arith.constant 32 : index
    %swap3A_416 = tpu.vector_load %arg9[%swap3A_414, %swap3A_415] {strides = array<i32>} : memref<32x128xf32, #tpu.memory_space<vmem>>, vector<1x16xf32>,
    %swap3A_417 = vector.shape_cast %swap3A_416 : vector<1x16xf32> to vector<16xf32>
    %swap3A_418 = vector.shape_cast %sub3A_412 : vector<16xf32> to vector<1x16xf32>
    tpu.vector_store %arg9[%swap3A_414, %swap3A_415], %swap3A_418 {strides = array<i32>} : memref<32x128xf32, #tpu.memory_space<vmem>>, vector<1x16xf32>,
    %mul3A_419 = arith.mulf %get3A_394, %get3A_409 : vector<16xf32>
    %mul3A_420 = arith.mulf %get3A_399, %get3A_404 : vector<16xf32>
    %add3A_421 = arith.addf %mul3A_419, %mul3A_420 : vector<16xf32>
    %swap3A_422 = arith.constant 2 : i32
    %swap3A_423 = arith.index_cast %swap3A_422 : i32 to index
    %swap3A_424 = arith.constant 96 : index
    %swap3A_425 = tpu.vector_load %arg9[%swap3A_423, %swap3A_424] {strides = array<i32>} : memref<32x128xf32, #tpu.memory_space<vmem>>, vector<1x16xf32>,
    %swap3A_426 = vector.shape_cast %swap3A_425 : vector<1x16xf32> to vector<16xf32>
    %swap3A_427 = vector.shape_cast %add3A_421 : vector<16xf32> to vector<1x16xf32>
    tpu.vector_store %arg9[%swap3A_423, %swap3A_424], %swap3A_427 {strides = array<i32>} : memref<32x128xf32, #tpu.memory_space<vmem>>, vector<1x16xf32>,
    %get3A_428 = arith.constant 2 : i32
    %get3A_429 = arith.index_cast %get3A_428 : i32 to index
    %get3A_430 = arith.constant 48 : index
    %get3A_431 = tpu.vector_load %arg9[%get3A_429, %get3A_430] {strides = array<i32>} : memref<32x128xf32, #tpu.memory_space<vmem>>, vector<1x16xf32>,
    %get3A_432 = vector.shape_cast %get3A_431 : vector<1x16xf32> to vector<16xf32>
    %get3A_433 = arith.constant 2 : i32
    %get3A_434 = arith.index_cast %get3A_433 : i32 to index
    %get3A_435 = arith.constant 112 : index
    %get3A_436 = tpu.vector_load %arg9[%get3A_434, %get3A_435] {strides = array<i32>} : memref<32x128xf32, #tpu.memory_space<vmem>>, vector<1x16xf32>,
    %get3A_437 = vector.shape_cast %get3A_436 : vector<1x16xf32> to vector<16xf32>
    %get3A_438 = arith.constant 2 : i32
    %get3A_439 = arith.index_cast %get3A_438 : i32 to index
    %get3A_440 = arith.constant 48 : index
    %get3A_441 = tpu.vector_load %arg10[%get3A_439, %get3A_440] {strides = array<i32>} : memref<32x128xf32, #tpu.memory_space<vmem>>, vector<1x16xf32>,
    %get3A_442 = vector.shape_cast %get3A_441 : vector<1x16xf32> to vector<16xf32>
    %get3A_443 = arith.constant 2 : i32
    %get3A_444 = arith.index_cast %get3A_443 : i32 to index
    %get3A_445 = arith.constant 112 : index
    %get3A_446 = tpu.vector_load %arg10[%get3A_444, %get3A_445] {strides = array<i32>} : memref<32x128xf32, #tpu.memory_space<vmem>>, vector<1x16xf32>,
    %get3A_447 = vector.shape_cast %get3A_446 : vector<1x16xf32> to vector<16xf32>
    %mul3A_448 = arith.mulf %get3A_432, %get3A_442 : vector<16xf32>
    %mul3A_449 = arith.mulf %get3A_437, %get3A_447 : vector<16xf32>
    %sub3A_450 = arith.subf %mul3A_448, %mul3A_449 : vector<16xf32>
    %swap3A_451 = arith.constant 2 : i32
    %swap3A_452 = arith.index_cast %swap3A_451 : i32 to index
    %swap3A_453 = arith.constant 48 : index
    %swap3A_454 = tpu.vector_load %arg9[%swap3A_452, %swap3A_453] {strides = array<i32>} : memref<32x128xf32, #tpu.memory_space<vmem>>, vector<1x16xf32>,
    %swap3A_455 = vector.shape_cast %swap3A_454 : vector<1x16xf32> to vector<16xf32>
    %swap3A_456 = vector.shape_cast %sub3A_450 : vector<16xf32> to vector<1x16xf32>
    tpu.vector_store %arg9[%swap3A_452, %swap3A_453], %swap3A_456 {strides = array<i32>} : memref<32x128xf32, #tpu.memory_space<vmem>>, vector<1x16xf32>,
    %mul3A_457 = arith.mulf %get3A_432, %get3A_447 : vector<16xf32>
    %mul3A_458 = arith.mulf %get3A_437, %get3A_442 : vector<16xf32>
    %add3A_459 = arith.addf %mul3A_457, %mul3A_458 : vector<16xf32>
    %swap3A_460 = arith.constant 2 : i32
    %swap3A_461 = arith.index_cast %swap3A_460 : i32 to index
    %swap3A_462 = arith.constant 112 : index
    %swap3A_463 = tpu.vector_load %arg9[%swap3A_461, %swap3A_462] {strides = array<i32>} : memref<32x128xf32, #tpu.memory_space<vmem>>, vector<1x16xf32>,
    %swap3A_464 = vector.shape_cast %swap3A_463 : vector<1x16xf32> to vector<16xf32>
    %swap3A_465 = vector.shape_cast %add3A_459 : vector<16xf32> to vector<1x16xf32>
    tpu.vector_store %arg9[%swap3A_461, %swap3A_462], %swap3A_465 {strides = array<i32>} : memref<32x128xf32, #tpu.memory_space<vmem>>, vector<1x16xf32>,
    %get3A_466 = arith.constant 3 : i32
    %get3A_467 = arith.index_cast %get3A_466 : i32 to index
    %get3A_468 = arith.constant 0 : index
    %get3A_469 = tpu.vector_load %arg9[%get3A_467, %get3A_468] {strides = array<i32>} : memref<32x128xf32, #tpu.memory_space<vmem>>, vector<1x16xf32>,
    %get3A_470 = vector.shape_cast %get3A_469 : vector<1x16xf32> to vector<16xf32>
    %get3A_471 = arith.constant 3 : i32
    %get3A_472 = arith.index_cast %get3A_471 : i32 to index
    %get3A_473 = arith.constant 64 : index
    %get3A_474 = tpu.vector_load %arg9[%get3A_472, %get3A_473] {strides = array<i32>} : memref<32x128xf32, #tpu.memory_space<vmem>>, vector<1x16xf32>,
    %get3A_475 = vector.shape_cast %get3A_474 : vector<1x16xf32> to vector<16xf32>
    %get3A_476 = arith.constant 3 : i32
    %get3A_477 = arith.index_cast %get3A_476 : i32 to index
    %get3A_478 = arith.constant 0 : index
    %get3A_479 = tpu.vector_load %arg10[%get3A_477, %get3A_478] {strides = array<i32>} : memref<32x128xf32, #tpu.memory_space<vmem>>, vector<1x16xf32>,
    %get3A_480 = vector.shape_cast %get3A_479 : vector<1x16xf32> to vector<16xf32>
    %get3A_481 = arith.constant 3 : i32
    %get3A_482 = arith.index_cast %get3A_481 : i32 to index
    %get3A_483 = arith.constant 64 : index
    %get3A_484 = tpu.vector_load %arg10[%get3A_482, %get3A_483] {strides = array<i32>} : memref<32x128xf32, #tpu.memory_space<vmem>>, vector<1x16xf32>,
    %get3A_485 = vector.shape_cast %get3A_484 : vector<1x16xf32> to vector<16xf32>
    %mul3A_486 = arith.mulf %get3A_470, %get3A_480 : vector<16xf32>
    %mul3A_487 = arith.mulf %get3A_475, %get3A_485 : vector<16xf32>
    %sub3A_488 = arith.subf %mul3A_486, %mul3A_487 : vector<16xf32>
    %swap3A_489 = arith.constant 3 : i32
    %swap3A_490 = arith.index_cast %swap3A_489 : i32 to index
    %swap3A_491 = arith.constant 0 : index
    %swap3A_492 = tpu.vector_load %arg9[%swap3A_490, %swap3A_491] {strides = array<i32>} : memref<32x128xf32, #tpu.memory_space<vmem>>, vector<1x16xf32>,
    %swap3A_493 = vector.shape_cast %swap3A_492 : vector<1x16xf32> to vector<16xf32>
    %swap3A_494 = vector.shape_cast %sub3A_488 : vector<16xf32> to vector<1x16xf32>
    tpu.vector_store %arg9[%swap3A_490, %swap3A_491], %swap3A_494 {strides = array<i32>} : memref<32x128xf32, #tpu.memory_space<vmem>>, vector<1x16xf32>,
    %mul3A_495 = arith.mulf %get3A_470, %get3A_485 : vector<16xf32>
    %mul3A_496 = arith.mulf %get3A_475, %get3A_480 : vector<16xf32>
    %add3A_497 = arith.addf %mul3A_495, %mul3A_496 : vector<16xf32>
    %swap3A_498 = arith.constant 3 : i32
    %swap3A_499 = arith.index_cast %swap3A_498 : i32 to index
    %swap3A_500 = arith.constant 64 : index
    %swap3A_501 = tpu.vector_load %arg9[%swap3A_499, %swap3A_500] {strides = array<i32>} : memref<32x128xf32, #tpu.memory_space<vmem>>, vector<1x16xf32>,
    %swap3A_502 = vector.shape_cast %swap3A_501 : vector<1x16xf32> to vector<16xf32>
    %swap3A_503 = vector.shape_cast %add3A_497 : vector<16xf32> to vector<1x16xf32>
    tpu.vector_store %arg9[%swap3A_499, %swap3A_500], %swap3A_503 {strides = array<i32>} : memref<32x128xf32, #tpu.memory_space<vmem>>, vector<1x16xf32>,
    %get3A_504 = arith.constant 3 : i32
    %get3A_505 = arith.index_cast %get3A_504 : i32 to index
    %get3A_506 = arith.constant 16 : index
    %get3A_507 = tpu.vector_load %arg9[%get3A_505, %get3A_506] {strides = array<i32>} : memref<32x128xf32, #tpu.memory_space<vmem>>, vector<1x16xf32>,
    %get3A_508 = vector.shape_cast %get3A_507 : vector<1x16xf32> to vector<16xf32>
    %get3A_509 = arith.constant 3 : i32
    %get3A_510 = arith.index_cast %get3A_509 : i32 to index
    %get3A_511 = arith.constant 80 : index
    %get3A_512 = tpu.vector_load %arg9[%get3A_510, %get3A_511] {strides = array<i32>} : memref<32x128xf32, #tpu.memory_space<vmem>>, vector<1x16xf32>,
    %get3A_513 = vector.shape_cast %get3A_512 : vector<1x16xf32> to vector<16xf32>
    %get3A_514 = arith.constant 3 : i32
    %get3A_515 = arith.index_cast %get3A_514 : i32 to index
    %get3A_516 = arith.constant 16 : index
    %get3A_517 = tpu.vector_load %arg10[%get3A_515, %get3A_516] {strides = array<i32>} : memref<32x128xf32, #tpu.memory_space<vmem>>, vector<1x16xf32>,
    %get3A_518 = vector.shape_cast %get3A_517 : vector<1x16xf32> to vector<16xf32>
    %get3A_519 = arith.constant 3 : i32
    %get3A_520 = arith.index_cast %get3A_519 : i32 to index
    %get3A_521 = arith.constant 80 : index
    %get3A_522 = tpu.vector_load %arg10[%get3A_520, %get3A_521] {strides = array<i32>} : memref<32x128xf32, #tpu.memory_space<vmem>>, vector<1x16xf32>,
    %get3A_523 = vector.shape_cast %get3A_522 : vector<1x16xf32> to vector<16xf32>
    %mul3A_524 = arith.mulf %get3A_508, %get3A_518 : vector<16xf32>
    %mul3A_525 = arith.mulf %get3A_513, %get3A_523 : vector<16xf32>
    %sub3A_526 = arith.subf %mul3A_524, %mul3A_525 : vector<16xf32>
    %swap3A_527 = arith.constant 3 : i32
    %swap3A_528 = arith.index_cast %swap3A_527 : i32 to index
    %swap3A_529 = arith.constant 16 : index
    %swap3A_530 = tpu.vector_load %arg9[%swap3A_528, %swap3A_529] {strides = array<i32>} : memref<32x128xf32, #tpu.memory_space<vmem>>, vector<1x16xf32>,
    %swap3A_531 = vector.shape_cast %swap3A_530 : vector<1x16xf32> to vector<16xf32>
    %swap3A_532 = vector.shape_cast %sub3A_526 : vector<16xf32> to vector<1x16xf32>
    tpu.vector_store %arg9[%swap3A_528, %swap3A_529], %swap3A_532 {strides = array<i32>} : memref<32x128xf32, #tpu.memory_space<vmem>>, vector<1x16xf32>,
    %mul3A_533 = arith.mulf %get3A_508, %get3A_523 : vector<16xf32>
    %mul3A_534 = arith.mulf %get3A_513, %get3A_518 : vector<16xf32>
    %add3A_535 = arith.addf %mul3A_533, %mul3A_534 : vector<16xf32>
    %swap3A_536 = arith.constant 3 : i32
    %swap3A_537 = arith.index_cast %swap3A_536 : i32 to index
    %swap3A_538 = arith.constant 80 : index
    %swap3A_539 = tpu.vector_load %arg9[%swap3A_537, %swap3A_538] {strides = array<i32>} : memref<32x128xf32, #tpu.memory_space<vmem>>, vector<1x16xf32>,
    %swap3A_540 = vector.shape_cast %swap3A_539 : vector<1x16xf32> to vector<16xf32>
    %swap3A_541 = vector.shape_cast %add3A_535 : vector<16xf32> to vector<1x16xf32>
    tpu.vector_store %arg9[%swap3A_537, %swap3A_538], %swap3A_541 {strides = array<i32>} : memref<32x128xf32, #tpu.memory_space<vmem>>, vector<1x16xf32>,
    %get3A_542 = arith.constant 3 : i32
    %get3A_543 = arith.index_cast %get3A_542 : i32 to index
    %get3A_544 = arith.constant 32 : index
    %get3A_545 = tpu.vector_load %arg9[%get3A_543, %get3A_544] {strides = array<i32>} : memref<32x128xf32, #tpu.memory_space<vmem>>, vector<1x16xf32>,
    %get3A_546 = vector.shape_cast %get3A_545 : vector<1x16xf32> to vector<16xf32>
    %get3A_547 = arith.constant 3 : i32
    %get3A_548 = arith.index_cast %get3A_547 : i32 to index
    %get3A_549 = arith.constant 96 : index
    %get3A_550 = tpu.vector_load %arg9[%get3A_548, %get3A_549] {strides = array<i32>} : memref<32x128xf32, #tpu.memory_space<vmem>>, vector<1x16xf32>,
    %get3A_551 = vector.shape_cast %get3A_550 : vector<1x16xf32> to vector<16xf32>
    %get3A_552 = arith.constant 3 : i32
    %get3A_553 = arith.index_cast %get3A_552 : i32 to index
    %get3A_554 = arith.constant 32 : index
    %get3A_555 = tpu.vector_load %arg10[%get3A_553, %get3A_554] {strides = array<i32>} : memref<32x128xf32, #tpu.memory_space<vmem>>, vector<1x16xf32>,
    %get3A_556 = vector.shape_cast %get3A_555 : vector<1x16xf32> to vector<16xf32>
    %get3A_557 = arith.constant 3 : i32
    %get3A_558 = arith.index_cast %get3A_557 : i32 to index
    %get3A_559 = arith.constant 96 : index
    %get3A_560 = tpu.vector_load %arg10[%get3A_558, %get3A_559] {strides = array<i32>} : memref<32x128xf32, #tpu.memory_space<vmem>>, vector<1x16xf32>,
    %get3A_561 = vector.shape_cast %get3A_560 : vector<1x16xf32> to vector<16xf32>
    %mul3A_562 = arith.mulf %get3A_546, %get3A_556 : vector<16xf32>
    %mul3A_563 = arith.mulf %get3A_551, %get3A_561 : vector<16xf32>
    %sub3A_564 = arith.subf %mul3A_562, %mul3A_563 : vector<16xf32>
    %swap3A_565 = arith.constant 3 : i32
    %swap3A_566 = arith.index_cast %swap3A_565 : i32 to index
    %swap3A_567 = arith.constant 32 : index
    %swap3A_568 = tpu.vector_load %arg9[%swap3A_566, %swap3A_567] {strides = array<i32>} : memref<32x128xf32, #tpu.memory_space<vmem>>, vector<1x16xf32>,
    %swap3A_569 = vector.shape_cast %swap3A_568 : vector<1x16xf32> to vector<16xf32>
    %swap3A_570 = vector.shape_cast %sub3A_564 : vector<16xf32> to vector<1x16xf32>
    tpu.vector_store %arg9[%swap3A_566, %swap3A_567], %swap3A_570 {strides = array<i32>} : memref<32x128xf32, #tpu.memory_space<vmem>>, vector<1x16xf32>,
    %mul3A_571 = arith.mulf %get3A_546, %get3A_561 : vector<16xf32>
    %mul3A_572 = arith.mulf %get3A_551, %get3A_556 : vector<16xf32>
    %add3A_573 = arith.addf %mul3A_571, %mul3A_572 : vector<16xf32>
    %swap3A_574 = arith.constant 3 : i32
    %swap3A_575 = arith.index_cast %swap3A_574 : i32 to index
    %swap3A_576 = arith.constant 96 : index
    %swap3A_577 = tpu.vector_load %arg9[%swap3A_575, %swap3A_576] {strides = array<i32>} : memref<32x128xf32, #tpu.memory_space<vmem>>, vector<1x16xf32>,
    %swap3A_578 = vector.shape_cast %swap3A_577 : vector<1x16xf32> to vector<16xf32>
    %swap3A_579 = vector.shape_cast %add3A_573 : vector<16xf32> to vector<1x16xf32>
    tpu.vector_store %arg9[%swap3A_575, %swap3A_576], %swap3A_579 {strides = array<i32>} : memref<32x128xf32, #tpu.memory_space<vmem>>, vector<1x16xf32>,
    %get3A_580 = arith.constant 3 : i32
    %get3A_581 = arith.index_cast %get3A_580 : i32 to index
    %get3A_582 = arith.constant 48 : index
    %get3A_583 = tpu.vector_load %arg9[%get3A_581, %get3A_582] {strides = array<i32>} : memref<32x128xf32, #tpu.memory_space<vmem>>, vector<1x16xf32>,
    %get3A_584 = vector.shape_cast %get3A_583 : vector<1x16xf32> to vector<16xf32>
    %get3A_585 = arith.constant 3 : i32
    %get3A_586 = arith.index_cast %get3A_585 : i32 to index
    %get3A_587 = arith.constant 112 : index
    %get3A_588 = tpu.vector_load %arg9[%get3A_586, %get3A_587] {strides = array<i32>} : memref<32x128xf32, #tpu.memory_space<vmem>>, vector<1x16xf32>,
    %get3A_589 = vector.shape_cast %get3A_588 : vector<1x16xf32> to vector<16xf32>
    %get3A_590 = arith.constant 3 : i32
    %get3A_591 = arith.index_cast %get3A_590 : i32 to index
    %get3A_592 = arith.constant 48 : index
    %get3A_593 = tpu.vector_load %arg10[%get3A_591, %get3A_592] {strides = array<i32>} : memref<32x128xf32, #tpu.memory_space<vmem>>, vector<1x16xf32>,
    %get3A_594 = vector.shape_cast %get3A_593 : vector<1x16xf32> to vector<16xf32>
    %get3A_595 = arith.constant 3 : i32
    %get3A_596 = arith.index_cast %get3A_595 : i32 to index
    %get3A_597 = arith.constant 112 : index
    %get3A_598 = tpu.vector_load %arg10[%get3A_596, %get3A_597] {strides = array<i32>} : memref<32x128xf32, #tpu.memory_space<vmem>>, vector<1x16xf32>,
    %get3A_599 = vector.shape_cast %get3A_598 : vector<1x16xf32> to vector<16xf32>
    %mul3A_600 = arith.mulf %get3A_584, %get3A_594 : vector<16xf32>
    %mul3A_601 = arith.mulf %get3A_589, %get3A_599 : vector<16xf32>
    %sub3A_602 = arith.subf %mul3A_600, %mul3A_601 : vector<16xf32>
    %swap3A_603 = arith.constant 3 : i32
    %swap3A_604 = arith.index_cast %swap3A_603 : i32 to index
    %swap3A_605 = arith.constant 48 : index
    %swap3A_606 = tpu.vector_load %arg9[%swap3A_604, %swap3A_605] {strides = array<i32>} : memref<32x128xf32, #tpu.memory_space<vmem>>, vector<1x16xf32>,
    %swap3A_607 = vector.shape_cast %swap3A_606 : vector<1x16xf32> to vector<16xf32>
    %swap3A_608 = vector.shape_cast %sub3A_602 : vector<16xf32> to vector<1x16xf32>
    tpu.vector_store %arg9[%swap3A_604, %swap3A_605], %swap3A_608 {strides = array<i32>} : memref<32x128xf32, #tpu.memory_space<vmem>>, vector<1x16xf32>,
    %mul3A_609 = arith.mulf %get3A_584, %get3A_599 : vector<16xf32>
    %mul3A_610 = arith.mulf %get3A_589, %get3A_594 : vector<16xf32>
    %add3A_611 = arith.addf %mul3A_609, %mul3A_610 : vector<16xf32>
    %swap3A_612 = arith.constant 3 : i32
    %swap3A_613 = arith.index_cast %swap3A_612 : i32 to index
    %swap3A_614 = arith.constant 112 : index
    %swap3A_615 = tpu.vector_load %arg9[%swap3A_613, %swap3A_614] {strides = array<i32>} : memref<32x128xf32, #tpu.memory_space<vmem>>, vector<1x16xf32>,
    %swap3A_616 = vector.shape_cast %swap3A_615 : vector<1x16xf32> to vector<16xf32>
    %swap3A_617 = vector.shape_cast %add3A_611 : vector<16xf32> to vector<1x16xf32>
    tpu.vector_store %arg9[%swap3A_613, %swap3A_614], %swap3A_617 {strides = array<i32>} : memref<32x128xf32, #tpu.memory_space<vmem>>, vector<1x16xf32>,
    %get3A_618 = arith.constant 4 : i32
    %get3A_619 = arith.index_cast %get3A_618 : i32 to index
    %get3A_620 = arith.constant 0 : index
    %get3A_621 = tpu.vector_load %arg9[%get3A_619, %get3A_620] {strides = array<i32>} : memref<32x128xf32, #tpu.memory_space<vmem>>, vector<1x16xf32>,
    %get3A_622 = vector.shape_cast %get3A_621 : vector<1x16xf32> to vector<16xf32>
    %get3A_623 = arith.constant 4 : i32
    %get3A_624 = arith.index_cast %get3A_623 : i32 to index
    %get3A_625 = arith.constant 64 : index
    %get3A_626 = tpu.vector_load %arg9[%get3A_624, %get3A_625] {strides = array<i32>} : memref<32x128xf32, #tpu.memory_space<vmem>>, vector<1x16xf32>,
    %get3A_627 = vector.shape_cast %get3A_626 : vector<1x16xf32> to vector<16xf32>
    %get3A_628 = arith.constant 4 : i32
    %get3A_629 = arith.index_cast %get3A_628 : i32 to index
    %get3A_630 = arith.constant 0 : index
    %get3A_631 = tpu.vector_load %arg10[%get3A_629, %get3A_630] {strides = array<i32>} : memref<32x128xf32, #tpu.memory_space<vmem>>, vector<1x16xf32>,
    %get3A_632 = vector.shape_cast %get3A_631 : vector<1x16xf32> to vector<16xf32>
    %get3A_633 = arith.constant 4 : i32
    %get3A_634 = arith.index_cast %get3A_633 : i32 to index
    %get3A_635 = arith.constant 64 : index
    %get3A_636 = tpu.vector_load %arg10[%get3A_634, %get3A_635] {strides = array<i32>} : memref<32x128xf32, #tpu.memory_space<vmem>>, vector<1x16xf32>,
    %get3A_637 = vector.shape_cast %get3A_636 : vector<1x16xf32> to vector<16xf32>
    %mul3A_638 = arith.mulf %get3A_622, %get3A_632 : vector<16xf32>
    %mul3A_639 = arith.mulf %get3A_627, %get3A_637 : vector<16xf32>
    %sub3A_640 = arith.subf %mul3A_638, %mul3A_639 : vector<16xf32>
    %swap3A_641 = arith.constant 4 : i32
    %swap3A_642 = arith.index_cast %swap3A_641 : i32 to index
    %swap3A_643 = arith.constant 0 : index
    %swap3A_644 = tpu.vector_load %arg9[%swap3A_642, %swap3A_643] {strides = array<i32>} : memref<32x128xf32, #tpu.memory_space<vmem>>, vector<1x16xf32>,
    %swap3A_645 = vector.shape_cast %swap3A_644 : vector<1x16xf32> to vector<16xf32>
    %swap3A_646 = vector.shape_cast %sub3A_640 : vector<16xf32> to vector<1x16xf32>
    tpu.vector_store %arg9[%swap3A_642, %swap3A_643], %swap3A_646 {strides = array<i32>} : memref<32x128xf32, #tpu.memory_space<vmem>>, vector<1x16xf32>,
    %mul3A_647 = arith.mulf %get3A_622, %get3A_637 : vector<16xf32>
    %mul3A_648 = arith.mulf %get3A_627, %get3A_632 : vector<16xf32>
    %add3A_649 = arith.addf %mul3A_647, %mul3A_648 : vector<16xf32>
    %swap3A_650 = arith.constant 4 : i32
    %swap3A_651 = arith.index_cast %swap3A_650 : i32 to index
    %swap3A_652 = arith.constant 64 : index
    %swap3A_653 = tpu.vector_load %arg9[%swap3A_651, %swap3A_652] {strides = array<i32>} : memref<32x128xf32, #tpu.memory_space<vmem>>, vector<1x16xf32>,
    %swap3A_654 = vector.shape_cast %swap3A_653 : vector<1x16xf32> to vector<16xf32>
    %swap3A_655 = vector.shape_cast %add3A_649 : vector<16xf32> to vector<1x16xf32>
    tpu.vector_store %arg9[%swap3A_651, %swap3A_652], %swap3A_655 {strides = array<i32>} : memref<32x128xf32, #tpu.memory_space<vmem>>, vector<1x16xf32>,
    %get3A_656 = arith.constant 4 : i32
    %get3A_657 = arith.index_cast %get3A_656 : i32 to index
    %get3A_658 = arith.constant 16 : index
    %get3A_659 = tpu.vector_load %arg9[%get3A_657, %get3A_658] {strides = array<i32>} : memref<32x128xf32, #tpu.memory_space<vmem>>, vector<1x16xf32>,
    %get3A_660 = vector.shape_cast %get3A_659 : vector<1x16xf32> to vector<16xf32>
    %get3A_661 = arith.constant 4 : i32
    %get3A_662 = arith.index_cast %get3A_661 : i32 to index
    %get3A_663 = arith.constant 80 : index
    %get3A_664 = tpu.vector_load %arg9[%get3A_662, %get3A_663] {strides = array<i32>} : memref<32x128xf32, #tpu.memory_space<vmem>>, vector<1x16xf32>,
    %get3A_665 = vector.shape_cast %get3A_664 : vector<1x16xf32> to vector<16xf32>
    %get3A_666 = arith.constant 4 : i32
    %get3A_667 = arith.index_cast %get3A_666 : i32 to index
    %get3A_668 = arith.constant 16 : index
    %get3A_669 = tpu.vector_load %arg10[%get3A_667, %get3A_668] {strides = array<i32>} : memref<32x128xf32, #tpu.memory_space<vmem>>, vector<1x16xf32>,
    %get3A_670 = vector.shape_cast %get3A_669 : vector<1x16xf32> to vector<16xf32>
    %get3A_671 = arith.constant 4 : i32
    %get3A_672 = arith.index_cast %get3A_671 : i32 to index
    %get3A_673 = arith.constant 80 : index
    %get3A_674 = tpu.vector_load %arg10[%get3A_672, %get3A_673] {strides = array<i32>} : memref<32x128xf32, #tpu.memory_space<vmem>>, vector<1x16xf32>,
    %get3A_675 = vector.shape_cast %get3A_674 : vector<1x16xf32> to vector<16xf32>
    %mul3A_676 = arith.mulf %get3A_660, %get3A_670 : vector<16xf32>
    %mul3A_677 = arith.mulf %get3A_665, %get3A_675 : vector<16xf32>
    %sub3A_678 = arith.subf %mul3A_676, %mul3A_677 : vector<16xf32>
    %swap3A_679 = arith.constant 4 : i32
    %swap3A_680 = arith.index_cast %swap3A_679 : i32 to index
    %swap3A_681 = arith.constant 16 : index
    %swap3A_682 = tpu.vector_load %arg9[%swap3A_680, %swap3A_681] {strides = array<i32>} : memref<32x128xf32, #tpu.memory_space<vmem>>, vector<1x16xf32>,
    %swap3A_683 = vector.shape_cast %swap3A_682 : vector<1x16xf32> to vector<16xf32>
    %swap3A_684 = vector.shape_cast %sub3A_678 : vector<16xf32> to vector<1x16xf32>
    tpu.vector_store %arg9[%swap3A_680, %swap3A_681], %swap3A_684 {strides = array<i32>} : memref<32x128xf32, #tpu.memory_space<vmem>>, vector<1x16xf32>,
    %mul3A_685 = arith.mulf %get3A_660, %get3A_675 : vector<16xf32>
    %mul3A_686 = arith.mulf %get3A_665, %get3A_670 : vector<16xf32>
    %add3A_687 = arith.addf %mul3A_685, %mul3A_686 : vector<16xf32>
    %swap3A_688 = arith.constant 4 : i32
    %swap3A_689 = arith.index_cast %swap3A_688 : i32 to index
    %swap3A_690 = arith.constant 80 : index
    %swap3A_691 = tpu.vector_load %arg9[%swap3A_689, %swap3A_690] {strides = array<i32>} : memref<32x128xf32, #tpu.memory_space<vmem>>, vector<1x16xf32>,
    %swap3A_692 = vector.shape_cast %swap3A_691 : vector<1x16xf32> to vector<16xf32>
    %swap3A_693 = vector.shape_cast %add3A_687 : vector<16xf32> to vector<1x16xf32>
    tpu.vector_store %arg9[%swap3A_689, %swap3A_690], %swap3A_693 {strides = array<i32>} : memref<32x128xf32, #tpu.memory_space<vmem>>, vector<1x16xf32>,
    %get3A_694 = arith.constant 4 : i32
    %get3A_695 = arith.index_cast %get3A_694 : i32 to index
    %get3A_696 = arith.constant 32 : index
    %get3A_697 = tpu.vector_load %arg9[%get3A_695, %get3A_696] {strides = array<i32>} : memref<32x128xf32, #tpu.memory_space<vmem>>, vector<1x16xf32>,
    %get3A_698 = vector.shape_cast %get3A_697 : vector<1x16xf32> to vector<16xf32>
    %get3A_699 = arith.constant 4 : i32
    %get3A_700 = arith.index_cast %get3A_699 : i32 to index
    %get3A_701 = arith.constant 96 : index
    %get3A_702 = tpu.vector_load %arg9[%get3A_700, %get3A_701] {strides = array<i32>} : memref<32x128xf32, #tpu.memory_space<vmem>>, vector<1x16xf32>,
    %get3A_703 = vector.shape_cast %get3A_702 : vector<1x16xf32> to vector<16xf32>
    %get3A_704 = arith.constant 4 : i32
    %get3A_705 = arith.index_cast %get3A_704 : i32 to index
    %get3A_706 = arith.constant 32 : index
    %get3A_707 = tpu.vector_load %arg10[%get3A_705, %get3A_706] {strides = array<i32>} : memref<32x128xf32, #tpu.memory_space<vmem>>, vector<1x16xf32>,
    %get3A_708 = vector.shape_cast %get3A_707 : vector<1x16xf32> to vector<16xf32>
    %get3A_709 = arith.constant 4 : i32
    %get3A_710 = arith.index_cast %get3A_709 : i32 to index
    %get3A_711 = arith.constant 96 : index
    %get3A_712 = tpu.vector_load %arg10[%get3A_710, %get3A_711] {strides = array<i32>} : memref<32x128xf32, #tpu.memory_space<vmem>>, vector<1x16xf32>,
    %get3A_713 = vector.shape_cast %get3A_712 : vector<1x16xf32> to vector<16xf32>
    %mul3A_714 = arith.mulf %get3A_698, %get3A_708 : vector<16xf32>
    %mul3A_715 = arith.mulf %get3A_703, %get3A_713 : vector<16xf32>
    %sub3A_716 = arith.subf %mul3A_714, %mul3A_715 : vector<16xf32>
    %swap3A_717 = arith.constant 4 : i32
    %swap3A_718 = arith.index_cast %swap3A_717 : i32 to index
    %swap3A_719 = arith.constant 32 : index
    %swap3A_720 = tpu.vector_load %arg9[%swap3A_718, %swap3A_719] {strides = array<i32>} : memref<32x128xf32, #tpu.memory_space<vmem>>, vector<1x16xf32>,
    %swap3A_721 = vector.shape_cast %swap3A_720 : vector<1x16xf32> to vector<16xf32>
    %swap3A_722 = vector.shape_cast %sub3A_716 : vector<16xf32> to vector<1x16xf32>
    tpu.vector_store %arg9[%swap3A_718, %swap3A_719], %swap3A_722 {strides = array<i32>} : memref<32x128xf32, #tpu.memory_space<vmem>>, vector<1x16xf32>,
    %mul3A_723 = arith.mulf %get3A_698, %get3A_713 : vector<16xf32>
    %mul3A_724 = arith.mulf %get3A_703, %get3A_708 : vector<16xf32>
    %add3A_725 = arith.addf %mul3A_723, %mul3A_724 : vector<16xf32>
    %swap3A_726 = arith.constant 4 : i32
    %swap3A_727 = arith.index_cast %swap3A_726 : i32 to index
    %swap3A_728 = arith.constant 96 : index
    %swap3A_729 = tpu.vector_load %arg9[%swap3A_727, %swap3A_728] {strides = array<i32>} : memref<32x128xf32, #tpu.memory_space<vmem>>, vector<1x16xf32>,
    %swap3A_730 = vector.shape_cast %swap3A_729 : vector<1x16xf32> to vector<16xf32>
    %swap3A_731 = vector.shape_cast %add3A_725 : vector<16xf32> to vector<1x16xf32>
    tpu.vector_store %arg9[%swap3A_727, %swap3A_728], %swap3A_731 {strides = array<i32>} : memref<32x128xf32, #tpu.memory_space<vmem>>, vector<1x16xf32>,
    %get3A_732 = arith.constant 4 : i32
    %get3A_733 = arith.index_cast %get3A_732 : i32 to index
    %get3A_734 = arith.constant 48 : index
    %get3A_735 = tpu.vector_load %arg9[%get3A_733, %get3A_734] {strides = array<i32>} : memref<32x128xf32, #tpu.memory_space<vmem>>, vector<1x16xf32>,
    %get3A_736 = vector.shape_cast %get3A_735 : vector<1x16xf32> to vector<16xf32>
    %get3A_737 = arith.constant 4 : i32
    %get3A_738 = arith.index_cast %get3A_737 : i32 to index
    %get3A_739 = arith.constant 112 : index
    %get3A_740 = tpu.vector_load %arg9[%get3A_738, %get3A_739] {strides = array<i32>} : memref<32x128xf32, #tpu.memory_space<vmem>>, vector<1x16xf32>,
    %get3A_741 = vector.shape_cast %get3A_740 : vector<1x16xf32> to vector<16xf32>
    %get3A_742 = arith.constant 4 : i32
    %get3A_743 = arith.index_cast %get3A_742 : i32 to index
    %get3A_744 = arith.constant 48 : index
    %get3A_745 = tpu.vector_load %arg10[%get3A_743, %get3A_744] {strides = array<i32>} : memref<32x128xf32, #tpu.memory_space<vmem>>, vector<1x16xf32>,
    %get3A_746 = vector.shape_cast %get3A_745 : vector<1x16xf32> to vector<16xf32>
    %get3A_747 = arith.constant 4 : i32
    %get3A_748 = arith.index_cast %get3A_747 : i32 to index
    %get3A_749 = arith.constant 112 : index
    %get3A_750 = tpu.vector_load %arg10[%get3A_748, %get3A_749] {strides = array<i32>} : memref<32x128xf32, #tpu.memory_space<vmem>>, vector<1x16xf32>,
    %get3A_751 = vector.shape_cast %get3A_750 : vector<1x16xf32> to vector<16xf32>
    %mul3A_752 = arith.mulf %get3A_736, %get3A_746 : vector<16xf32>
    %mul3A_753 = arith.mulf %get3A_741, %get3A_751 : vector<16xf32>
    %sub3A_754 = arith.subf %mul3A_752, %mul3A_753 : vector<16xf32>
    %swap3A_755 = arith.constant 4 : i32
    %swap3A_756 = arith.index_cast %swap3A_755 : i32 to index
    %swap3A_757 = arith.constant 48 : index
    %swap3A_758 = tpu.vector_load %arg9[%swap3A_756, %swap3A_757] {strides = array<i32>} : memref<32x128xf32, #tpu.memory_space<vmem>>, vector<1x16xf32>,
    %swap3A_759 = vector.shape_cast %swap3A_758 : vector<1x16xf32> to vector<16xf32>
    %swap3A_760 = vector.shape_cast %sub3A_754 : vector<16xf32> to vector<1x16xf32>
    tpu.vector_store %arg9[%swap3A_756, %swap3A_757], %swap3A_760 {strides = array<i32>} : memref<32x128xf32, #tpu.memory_space<vmem>>, vector<1x16xf32>,
    %mul3A_761 = arith.mulf %get3A_736, %get3A_751 : vector<16xf32>
    %mul3A_762 = arith.mulf %get3A_741, %get3A_746 : vector<16xf32>
    %add3A_763 = arith.addf %mul3A_761, %mul3A_762 : vector<16xf32>
    %swap3A_764 = arith.constant 4 : i32
    %swap3A_765 = arith.index_cast %swap3A_764 : i32 to index
    %swap3A_766 = arith.constant 112 : index
    %swap3A_767 = tpu.vector_load %arg9[%swap3A_765, %swap3A_766] {strides = array<i32>} : memref<32x128xf32, #tpu.memory_space<vmem>>, vector<1x16xf32>,
    %swap3A_768 = vector.shape_cast %swap3A_767 : vector<1x16xf32> to vector<16xf32>
    %swap3A_769 = vector.shape_cast %add3A_763 : vector<16xf32> to vector<1x16xf32>
    tpu.vector_store %arg9[%swap3A_765, %swap3A_766], %swap3A_769 {strides = array<i32>} : memref<32x128xf32, #tpu.memory_space<vmem>>, vector<1x16xf32>,
    %get3A_770 = arith.constant 5 : i32
    %get3A_771 = arith.index_cast %get3A_770 : i32 to index
    %get3A_772 = arith.constant 0 : index
    %get3A_773 = tpu.vector_load %arg9[%get3A_771, %get3A_772] {strides = array<i32>} : memref<32x128xf32, #tpu.memory_space<vmem>>, vector<1x16xf32>,
    %get3A_774 = vector.shape_cast %get3A_773 : vector<1x16xf32> to vector<16xf32>
    %get3A_775 = arith.constant 5 : i32
    %get3A_776 = arith.index_cast %get3A_775 : i32 to index
    %get3A_777 = arith.constant 64 : index
    %get3A_778 = tpu.vector_load %arg9[%get3A_776, %get3A_777] {strides = array<i32>} : memref<32x128xf32, #tpu.memory_space<vmem>>, vector<1x16xf32>,
    %get3A_779 = vector.shape_cast %get3A_778 : vector<1x16xf32> to vector<16xf32>
    %get3A_780 = arith.constant 5 : i32
    %get3A_781 = arith.index_cast %get3A_780 : i32 to index
    %get3A_782 = arith.constant 0 : index
    %get3A_783 = tpu.vector_load %arg10[%get3A_781, %get3A_782] {strides = array<i32>} : memref<32x128xf32, #tpu.memory_space<vmem>>, vector<1x16xf32>,
    %get3A_784 = vector.shape_cast %get3A_783 : vector<1x16xf32> to vector<16xf32>
    %get3A_785 = arith.constant 5 : i32
    %get3A_786 = arith.index_cast %get3A_785 : i32 to index
    %get3A_787 = arith.constant 64 : index
    %get3A_788 = tpu.vector_load %arg10[%get3A_786, %get3A_787] {strides = array<i32>} : memref<32x128xf32, #tpu.memory_space<vmem>>, vector<1x16xf32>,
    %get3A_789 = vector.shape_cast %get3A_788 : vector<1x16xf32> to vector<16xf32>
    %mul3A_790 = arith.mulf %get3A_774, %get3A_784 : vector<16xf32>
    %mul3A_791 = arith.mulf %get3A_779, %get3A_789 : vector<16xf32>
    %sub3A_792 = arith.subf %mul3A_790, %mul3A_791 : vector<16xf32>
    %swap3A_793 = arith.constant 5 : i32
    %swap3A_794 = arith.index_cast %swap3A_793 : i32 to index
    %swap3A_795 = arith.constant 0 : index
    %swap3A_796 = tpu.vector_load %arg9[%swap3A_794, %swap3A_795] {strides = array<i32>} : memref<32x128xf32, #tpu.memory_space<vmem>>, vector<1x16xf32>,
    %swap3A_797 = vector.shape_cast %swap3A_796 : vector<1x16xf32> to vector<16xf32>
    %swap3A_798 = vector.shape_cast %sub3A_792 : vector<16xf32> to vector<1x16xf32>
    tpu.vector_store %arg9[%swap3A_794, %swap3A_795], %swap3A_798 {strides = array<i32>} : memref<32x128xf32, #tpu.memory_space<vmem>>, vector<1x16xf32>,
    %mul3A_799 = arith.mulf %get3A_774, %get3A_789 : vector<16xf32>
    %mul3A_800 = arith.mulf %get3A_779, %get3A_784 : vector<16xf32>
    %add3A_801 = arith.addf %mul3A_799, %mul3A_800 : vector<16xf32>
    %swap3A_802 = arith.constant 5 : i32
    %swap3A_803 = arith.index_cast %swap3A_802 : i32 to index
    %swap3A_804 = arith.constant 64 : index
    %swap3A_805 = tpu.vector_load %arg9[%swap3A_803, %swap3A_804] {strides = array<i32>} : memref<32x128xf32, #tpu.memory_space<vmem>>, vector<1x16xf32>,
    %swap3A_806 = vector.shape_cast %swap3A_805 : vector<1x16xf32> to vector<16xf32>
    %swap3A_807 = vector.shape_cast %add3A_801 : vector<16xf32> to vector<1x16xf32>
    tpu.vector_store %arg9[%swap3A_803, %swap3A_804], %swap3A_807 {strides = array<i32>} : memref<32x128xf32, #tpu.memory_space<vmem>>, vector<1x16xf32>,
    %get3A_808 = arith.constant 5 : i32
    %get3A_809 = arith.index_cast %get3A_808 : i32 to index
    %get3A_810 = arith.constant 16 : index
    %get3A_811 = tpu.vector_load %arg9[%get3A_809, %get3A_810] {strides = array<i32>} : memref<32x128xf32, #tpu.memory_space<vmem>>, vector<1x16xf32>,
    %get3A_812 = vector.shape_cast %get3A_811 : vector<1x16xf32> to vector<16xf32>
    %get3A_813 = arith.constant 5 : i32
    %get3A_814 = arith.index_cast %get3A_813 : i32 to index
    %get3A_815 = arith.constant 80 : index
    %get3A_816 = tpu.vector_load %arg9[%get3A_814, %get3A_815] {strides = array<i32>} : memref<32x128xf32, #tpu.memory_space<vmem>>, vector<1x16xf32>,
    %get3A_817 = vector.shape_cast %get3A_816 : vector<1x16xf32> to vector<16xf32>
    %get3A_818 = arith.constant 5 : i32
    %get3A_819 = arith.index_cast %get3A_818 : i32 to index
    %get3A_820 = arith.constant 16 : index
    %get3A_821 = tpu.vector_load %arg10[%get3A_819, %get3A_820] {strides = array<i32>} : memref<32x128xf32, #tpu.memory_space<vmem>>, vector<1x16xf32>,
    %get3A_822 = vector.shape_cast %get3A_821 : vector<1x16xf32> to vector<16xf32>
    %get3A_823 = arith.constant 5 : i32
    %get3A_824 = arith.index_cast %get3A_823 : i32 to index
    %get3A_825 = arith.constant 80 : index
    %get3A_826 = tpu.vector_load %arg10[%get3A_824, %get3A_825] {strides = array<i32>} : memref<32x128xf32, #tpu.memory_space<vmem>>, vector<1x16xf32>,
    %get3A_827 = vector.shape_cast %get3A_826 : vector<1x16xf32> to vector<16xf32>
    %mul3A_828 = arith.mulf %get3A_812, %get3A_822 : vector<16xf32>
    %mul3A_829 = arith.mulf %get3A_817, %get3A_827 : vector<16xf32>
    %sub3A_830 = arith.subf %mul3A_828, %mul3A_829 : vector<16xf32>
    %swap3A_831 = arith.constant 5 : i32
    %swap3A_832 = arith.index_cast %swap3A_831 : i32 to index
    %swap3A_833 = arith.constant 16 : index
    %swap3A_834 = tpu.vector_load %arg9[%swap3A_832, %swap3A_833] {strides = array<i32>} : memref<32x128xf32, #tpu.memory_space<vmem>>, vector<1x16xf32>,
    %swap3A_835 = vector.shape_cast %swap3A_834 : vector<1x16xf32> to vector<16xf32>
    %swap3A_836 = vector.shape_cast %sub3A_830 : vector<16xf32> to vector<1x16xf32>
    tpu.vector_store %arg9[%swap3A_832, %swap3A_833], %swap3A_836 {strides = array<i32>} : memref<32x128xf32, #tpu.memory_space<vmem>>, vector<1x16xf32>,
    %mul3A_837 = arith.mulf %get3A_812, %get3A_827 : vector<16xf32>
    %mul3A_838 = arith.mulf %get3A_817, %get3A_822 : vector<16xf32>
    %add3A_839 = arith.addf %mul3A_837, %mul3A_838 : vector<16xf32>
    %swap3A_840 = arith.constant 5 : i32
    %swap3A_841 = arith.index_cast %swap3A_840 : i32 to index
    %swap3A_842 = arith.constant 80 : index
    %swap3A_843 = tpu.vector_load %arg9[%swap3A_841, %swap3A_842] {strides = array<i32>} : memref<32x128xf32, #tpu.memory_space<vmem>>, vector<1x16xf32>,
    %swap3A_844 = vector.shape_cast %swap3A_843 : vector<1x16xf32> to vector<16xf32>
    %swap3A_845 = vector.shape_cast %add3A_839 : vector<16xf32> to vector<1x16xf32>
    tpu.vector_store %arg9[%swap3A_841, %swap3A_842], %swap3A_845 {strides = array<i32>} : memref<32x128xf32, #tpu.memory_space<vmem>>, vector<1x16xf32>,
    %get3A_846 = arith.constant 5 : i32
    %get3A_847 = arith.index_cast %get3A_846 : i32 to index
    %get3A_848 = arith.constant 32 : index
    %get3A_849 = tpu.vector_load %arg9[%get3A_847, %get3A_848] {strides = array<i32>} : memref<32x128xf32, #tpu.memory_space<vmem>>, vector<1x16xf32>,
    %get3A_850 = vector.shape_cast %get3A_849 : vector<1x16xf32> to vector<16xf32>
    %get3A_851 = arith.constant 5 : i32
    %get3A_852 = arith.index_cast %get3A_851 : i32 to index
    %get3A_853 = arith.constant 96 : index
    %get3A_854 = tpu.vector_load %arg9[%get3A_852, %get3A_853] {strides = array<i32>} : memref<32x128xf32, #tpu.memory_space<vmem>>, vector<1x16xf32>,
    %get3A_855 = vector.shape_cast %get3A_854 : vector<1x16xf32> to vector<16xf32>
    %get3A_856 = arith.constant 5 : i32
    %get3A_857 = arith.index_cast %get3A_856 : i32 to index
    %get3A_858 = arith.constant 32 : index
    %get3A_859 = tpu.vector_load %arg10[%get3A_857, %get3A_858] {strides = array<i32>} : memref<32x128xf32, #tpu.memory_space<vmem>>, vector<1x16xf32>,
    %get3A_860 = vector.shape_cast %get3A_859 : vector<1x16xf32> to vector<16xf32>
    %get3A_861 = arith.constant 5 : i32
    %get3A_862 = arith.index_cast %get3A_861 : i32 to index
    %get3A_863 = arith.constant 96 : index
    %get3A_864 = tpu.vector_load %arg10[%get3A_862, %get3A_863] {strides = array<i32>} : memref<32x128xf32, #tpu.memory_space<vmem>>, vector<1x16xf32>,
    %get3A_865 = vector.shape_cast %get3A_864 : vector<1x16xf32> to vector<16xf32>
    %mul3A_866 = arith.mulf %get3A_850, %get3A_860 : vector<16xf32>
    %mul3A_867 = arith.mulf %get3A_855, %get3A_865 : vector<16xf32>
    %sub3A_868 = arith.subf %mul3A_866, %mul3A_867 : vector<16xf32>
    %swap3A_869 = arith.constant 5 : i32
    %swap3A_870 = arith.index_cast %swap3A_869 : i32 to index
    %swap3A_871 = arith.constant 32 : index
    %swap3A_872 = tpu.vector_load %arg9[%swap3A_870, %swap3A_871] {strides = array<i32>} : memref<32x128xf32, #tpu.memory_space<vmem>>, vector<1x16xf32>,
    %swap3A_873 = vector.shape_cast %swap3A_872 : vector<1x16xf32> to vector<16xf32>
    %swap3A_874 = vector.shape_cast %sub3A_868 : vector<16xf32> to vector<1x16xf32>
    tpu.vector_store %arg9[%swap3A_870, %swap3A_871], %swap3A_874 {strides = array<i32>} : memref<32x128xf32, #tpu.memory_space<vmem>>, vector<1x16xf32>,
    %mul3A_875 = arith.mulf %get3A_850, %get3A_865 : vector<16xf32>
    %mul3A_876 = arith.mulf %get3A_855, %get3A_860 : vector<16xf32>
    %add3A_877 = arith.addf %mul3A_875, %mul3A_876 : vector<16xf32>
    %swap3A_878 = arith.constant 5 : i32
    %swap3A_879 = arith.index_cast %swap3A_878 : i32 to index
    %swap3A_880 = arith.constant 96 : index
    %swap3A_881 = tpu.vector_load %arg9[%swap3A_879, %swap3A_880] {strides = array<i32>} : memref<32x128xf32, #tpu.memory_space<vmem>>, vector<1x16xf32>,
    %swap3A_882 = vector.shape_cast %swap3A_881 : vector<1x16xf32> to vector<16xf32>
    %swap3A_883 = vector.shape_cast %add3A_877 : vector<16xf32> to vector<1x16xf32>
    tpu.vector_store %arg9[%swap3A_879, %swap3A_880], %swap3A_883 {strides = array<i32>} : memref<32x128xf32, #tpu.memory_space<vmem>>, vector<1x16xf32>,
    %get3A_884 = arith.constant 5 : i32
    %get3A_885 = arith.index_cast %get3A_884 : i32 to index
    %get3A_886 = arith.constant 48 : index
    %get3A_887 = tpu.vector_load %arg9[%get3A_885, %get3A_886] {strides = array<i32>} : memref<32x128xf32, #tpu.memory_space<vmem>>, vector<1x16xf32>,
    %get3A_888 = vector.shape_cast %get3A_887 : vector<1x16xf32> to vector<16xf32>
    %get3A_889 = arith.constant 5 : i32
    %get3A_890 = arith.index_cast %get3A_889 : i32 to index
    %get3A_891 = arith.constant 112 : index
    %get3A_892 = tpu.vector_load %arg9[%get3A_890, %get3A_891] {strides = array<i32>} : memref<32x128xf32, #tpu.memory_space<vmem>>, vector<1x16xf32>,
    %get3A_893 = vector.shape_cast %get3A_892 : vector<1x16xf32> to vector<16xf32>
    %get3A_894 = arith.constant 5 : i32
    %get3A_895 = arith.index_cast %get3A_894 : i32 to index
    %get3A_896 = arith.constant 48 : index
    %get3A_897 = tpu.vector_load %arg10[%get3A_895, %get3A_896] {strides = array<i32>} : memref<32x128xf32, #tpu.memory_space<vmem>>, vector<1x16xf32>,
    %get3A_898 = vector.shape_cast %get3A_897 : vector<1x16xf32> to vector<16xf32>
    %get3A_899 = arith.constant 5 : i32
    %get3A_900 = arith.index_cast %get3A_899 : i32 to index
    %get3A_901 = arith.constant 112 : index
    %get3A_902 = tpu.vector_load %arg10[%get3A_900, %get3A_901] {strides = array<i32>} : memref<32x128xf32, #tpu.memory_space<vmem>>, vector<1x16xf32>,
    %get3A_903 = vector.shape_cast %get3A_902 : vector<1x16xf32> to vector<16xf32>
    %mul3A_904 = arith.mulf %get3A_888, %get3A_898 : vector<16xf32>
    %mul3A_905 = arith.mulf %get3A_893, %get3A_903 : vector<16xf32>
    %sub3A_906 = arith.subf %mul3A_904, %mul3A_905 : vector<16xf32>
    %swap3A_907 = arith.constant 5 : i32
    %swap3A_908 = arith.index_cast %swap3A_907 : i32 to index
    %swap3A_909 = arith.constant 48 : index
    %swap3A_910 = tpu.vector_load %arg9[%swap3A_908, %swap3A_909] {strides = array<i32>} : memref<32x128xf32, #tpu.memory_space<vmem>>, vector<1x16xf32>,
    %swap3A_911 = vector.shape_cast %swap3A_910 : vector<1x16xf32> to vector<16xf32>
    %swap3A_912 = vector.shape_cast %sub3A_906 : vector<16xf32> to vector<1x16xf32>
    tpu.vector_store %arg9[%swap3A_908, %swap3A_909], %swap3A_912 {strides = array<i32>} : memref<32x128xf32, #tpu.memory_space<vmem>>, vector<1x16xf32>,
    %mul3A_913 = arith.mulf %get3A_888, %get3A_903 : vector<16xf32>
    %mul3A_914 = arith.mulf %get3A_893, %get3A_898 : vector<16xf32>
    %add3A_915 = arith.addf %mul3A_913, %mul3A_914 : vector<16xf32>
    %swap3A_916 = arith.constant 5 : i32
    %swap3A_917 = arith.index_cast %swap3A_916 : i32 to index
    %swap3A_918 = arith.constant 112 : index
    %swap3A_919 = tpu.vector_load %arg9[%swap3A_917, %swap3A_918] {strides = array<i32>} : memref<32x128xf32, #tpu.memory_space<vmem>>, vector<1x16xf32>,
    %swap3A_920 = vector.shape_cast %swap3A_919 : vector<1x16xf32> to vector<16xf32>
    %swap3A_921 = vector.shape_cast %add3A_915 : vector<16xf32> to vector<1x16xf32>
    tpu.vector_store %arg9[%swap3A_917, %swap3A_918], %swap3A_921 {strides = array<i32>} : memref<32x128xf32, #tpu.memory_space<vmem>>, vector<1x16xf32>,
    %get3A_922 = arith.constant 6 : i32
    %get3A_923 = arith.index_cast %get3A_922 : i32 to index
    %get3A_924 = arith.constant 0 : index
    %get3A_925 = tpu.vector_load %arg9[%get3A_923, %get3A_924] {strides = array<i32>} : memref<32x128xf32, #tpu.memory_space<vmem>>, vector<1x16xf32>,
    %get3A_926 = vector.shape_cast %get3A_925 : vector<1x16xf32> to vector<16xf32>
    %get3A_927 = arith.constant 6 : i32
    %get3A_928 = arith.index_cast %get3A_927 : i32 to index
    %get3A_929 = arith.constant 64 : index
    %get3A_930 = tpu.vector_load %arg9[%get3A_928, %get3A_929] {strides = array<i32>} : memref<32x128xf32, #tpu.memory_space<vmem>>, vector<1x16xf32>,
    %get3A_931 = vector.shape_cast %get3A_930 : vector<1x16xf32> to vector<16xf32>
    %get3A_932 = arith.constant 6 : i32
    %get3A_933 = arith.index_cast %get3A_932 : i32 to index
    %get3A_934 = arith.constant 0 : index
    %get3A_935 = tpu.vector_load %arg10[%get3A_933, %get3A_934] {strides = array<i32>} : memref<32x128xf32, #tpu.memory_space<vmem>>, vector<1x16xf32>,
    %get3A_936 = vector.shape_cast %get3A_935 : vector<1x16xf32> to vector<16xf32>
    %get3A_937 = arith.constant 6 : i32
    %get3A_938 = arith.index_cast %get3A_937 : i32 to index
    %get3A_939 = arith.constant 64 : index
    %get3A_940 = tpu.vector_load %arg10[%get3A_938, %get3A_939] {strides = array<i32>} : memref<32x128xf32, #tpu.memory_space<vmem>>, vector<1x16xf32>,
    %get3A_941 = vector.shape_cast %get3A_940 : vector<1x16xf32> to vector<16xf32>
    %mul3A_942 = arith.mulf %get3A_926, %get3A_936 : vector<16xf32>
    %mul3A_943 = arith.mulf %get3A_931, %get3A_941 : vector<16xf32>
    %sub3A_944 = arith.subf %mul3A_942, %mul3A_943 : vector<16xf32>
    %swap3A_945 = arith.constant 6 : i32
    %swap3A_946 = arith.index_cast %swap3A_945 : i32 to index
    %swap3A_947 = arith.constant 0 : index
    %swap3A_948 = tpu.vector_load %arg9[%swap3A_946, %swap3A_947] {strides = array<i32>} : memref<32x128xf32, #tpu.memory_space<vmem>>, vector<1x16xf32>,
    %swap3A_949 = vector.shape_cast %swap3A_948 : vector<1x16xf32> to vector<16xf32>
    %swap3A_950 = vector.shape_cast %sub3A_944 : vector<16xf32> to vector<1x16xf32>
    tpu.vector_store %arg9[%swap3A_946, %swap3A_947], %swap3A_950 {strides = array<i32>} : memref<32x128xf32, #tpu.memory_space<vmem>>, vector<1x16xf32>,
    %mul3A_951 = arith.mulf %get3A_926, %get3A_941 : vector<16xf32>
    %mul3A_952 = arith.mulf %get3A_931, %get3A_936 : vector<16xf32>
    %add3A_953 = arith.addf %mul3A_951, %mul3A_952 : vector<16xf32>
    %swap3A_954 = arith.constant 6 : i32
    %swap3A_955 = arith.index_cast %swap3A_954 : i32 to index
    %swap3A_956 = arith.constant 64 : index
    %swap3A_957 = tpu.vector_load %arg9[%swap3A_955, %swap3A_956] {strides = array<i32>} : memref<32x128xf32, #tpu.memory_space<vmem>>, vector<1x16xf32>,
    %swap3A_958 = vector.shape_cast %swap3A_957 : vector<1x16xf32> to vector<16xf32>
    %swap3A_959 = vector.shape_cast %add3A_953 : vector<16xf32> to vector<1x16xf32>
    tpu.vector_store %arg9[%swap3A_955, %swap3A_956], %swap3A_959 {strides = array<i32>} : memref<32x128xf32, #tpu.memory_space<vmem>>, vector<1x16xf32>,
    %get3A_960 = arith.constant 6 : i32
    %get3A_961 = arith.index_cast %get3A_960 : i32 to index
    %get3A_962 = arith.constant 16 : index
    %get3A_963 = tpu.vector_load %arg9[%get3A_961, %get3A_962] {strides = array<i32>} : memref<32x128xf32, #tpu.memory_space<vmem>>, vector<1x16xf32>,
    %get3A_964 = vector.shape_cast %get3A_963 : vector<1x16xf32> to vector<16xf32>
    %get3A_965 = arith.constant 6 : i32
    %get3A_966 = arith.index_cast %get3A_965 : i32 to index
    %get3A_967 = arith.constant 80 : index
    %get3A_968 = tpu.vector_load %arg9[%get3A_966, %get3A_967] {strides = array<i32>} : memref<32x128xf32, #tpu.memory_space<vmem>>, vector<1x16xf32>,
    %get3A_969 = vector.shape_cast %get3A_968 : vector<1x16xf32> to vector<16xf32>
    %get3A_970 = arith.constant 6 : i32
    %get3A_971 = arith.index_cast %get3A_970 : i32 to index
    %get3A_972 = arith.constant 16 : index
    %get3A_973 = tpu.vector_load %arg10[%get3A_971, %get3A_972] {strides = array<i32>} : memref<32x128xf32, #tpu.memory_space<vmem>>, vector<1x16xf32>,
    %get3A_974 = vector.shape_cast %get3A_973 : vector<1x16xf32> to vector<16xf32>
    %get3A_975 = arith.constant 6 : i32
    %get3A_976 = arith.index_cast %get3A_975 : i32 to index
    %get3A_977 = arith.constant 80 : index
    %get3A_978 = tpu.vector_load %arg10[%get3A_976, %get3A_977] {strides = array<i32>} : memref<32x128xf32, #tpu.memory_space<vmem>>, vector<1x16xf32>,
    %get3A_979 = vector.shape_cast %get3A_978 : vector<1x16xf32> to vector<16xf32>
    %mul3A_980 = arith.mulf %get3A_964, %get3A_974 : vector<16xf32>
    %mul3A_981 = arith.mulf %get3A_969, %get3A_979 : vector<16xf32>
    %sub3A_982 = arith.subf %mul3A_980, %mul3A_981 : vector<16xf32>
    %swap3A_983 = arith.constant 6 : i32
    %swap3A_984 = arith.index_cast %swap3A_983 : i32 to index
    %swap3A_985 = arith.constant 16 : index
    %swap3A_986 = tpu.vector_load %arg9[%swap3A_984, %swap3A_985] {strides = array<i32>} : memref<32x128xf32, #tpu.memory_space<vmem>>, vector<1x16xf32>,
    %swap3A_987 = vector.shape_cast %swap3A_986 : vector<1x16xf32> to vector<16xf32>
    %swap3A_988 = vector.shape_cast %sub3A_982 : vector<16xf32> to vector<1x16xf32>
    tpu.vector_store %arg9[%swap3A_984, %swap3A_985], %swap3A_988 {strides = array<i32>} : memref<32x128xf32, #tpu.memory_space<vmem>>, vector<1x16xf32>,
    %mul3A_989 = arith.mulf %get3A_964, %get3A_979 : vector<16xf32>
    %mul3A_990 = arith.mulf %get3A_969, %get3A_974 : vector<16xf32>
    %add3A_991 = arith.addf %mul3A_989, %mul3A_990 : vector<16xf32>
    %swap3A_992 = arith.constant 6 : i32
    %swap3A_993 = arith.index_cast %swap3A_992 : i32 to index
    %swap3A_994 = arith.constant 80 : index
    %swap3A_995 = tpu.vector_load %arg9[%swap3A_993, %swap3A_994] {strides = array<i32>} : memref<32x128xf32, #tpu.memory_space<vmem>>, vector<1x16xf32>,
    %swap3A_996 = vector.shape_cast %swap3A_995 : vector<1x16xf32> to vector<16xf32>
    %swap3A_997 = vector.shape_cast %add3A_991 : vector<16xf32> to vector<1x16xf32>
    tpu.vector_store %arg9[%swap3A_993, %swap3A_994], %swap3A_997 {strides = array<i32>} : memref<32x128xf32, #tpu.memory_space<vmem>>, vector<1x16xf32>,
    %get3A_998 = arith.constant 6 : i32
    %get3A_999 = arith.index_cast %get3A_998 : i32 to index
    %get3A_1000 = arith.constant 32 : index
    %get3A_1001 = tpu.vector_load %arg9[%get3A_999, %get3A_1000] {strides = array<i32>} : memref<32x128xf32, #tpu.memory_space<vmem>>, vector<1x16xf32>,
    %get3A_1002 = vector.shape_cast %get3A_1001 : vector<1x16xf32> to vector<16xf32>
    %get3A_1003 = arith.constant 6 : i32
    %get3A_1004 = arith.index_cast %get3A_1003 : i32 to index
    %get3A_1005 = arith.constant 96 : index
    %get3A_1006 = tpu.vector_load %arg9[%get3A_1004, %get3A_1005] {strides = array<i32>} : memref<32x128xf32, #tpu.memory_space<vmem>>, vector<1x16xf32>,
    %get3A_1007 = vector.shape_cast %get3A_1006 : vector<1x16xf32> to vector<16xf32>
    %get3A_1008 = arith.constant 6 : i32
    %get3A_1009 = arith.index_cast %get3A_1008 : i32 to index
    %get3A_1010 = arith.constant 32 : index
    %get3A_1011 = tpu.vector_load %arg10[%get3A_1009, %get3A_1010] {strides = array<i32>} : memref<32x128xf32, #tpu.memory_space<vmem>>, vector<1x16xf32>,
    %get3A_1012 = vector.shape_cast %get3A_1011 : vector<1x16xf32> to vector<16xf32>
    %get3A_1013 = arith.constant 6 : i32
    %get3A_1014 = arith.index_cast %get3A_1013 : i32 to index
    %get3A_1015 = arith.constant 96 : index
    %get3A_1016 = tpu.vector_load %arg10[%get3A_1014, %get3A_1015] {strides = array<i32>} : memref<32x128xf32, #tpu.memory_space<vmem>>, vector<1x16xf32>,
    %get3A_1017 = vector.shape_cast %get3A_1016 : vector<1x16xf32> to vector<16xf32>
    %mul3A_1018 = arith.mulf %get3A_1002, %get3A_1012 : vector<16xf32>
    %mul3A_1019 = arith.mulf %get3A_1007, %get3A_1017 : vector<16xf32>
    %sub3A_1020 = arith.subf %mul3A_1018, %mul3A_1019 : vector<16xf32>
    %swap3A_1021 = arith.constant 6 : i32
    %swap3A_1022 = arith.index_cast %swap3A_1021 : i32 to index
    %swap3A_1023 = arith.constant 32 : index
    %swap3A_1024 = tpu.vector_load %arg9[%swap3A_1022, %swap3A_1023] {strides = array<i32>} : memref<32x128xf32, #tpu.memory_space<vmem>>, vector<1x16xf32>,
    %swap3A_1025 = vector.shape_cast %swap3A_1024 : vector<1x16xf32> to vector<16xf32>
    %swap3A_1026 = vector.shape_cast %sub3A_1020 : vector<16xf32> to vector<1x16xf32>
    tpu.vector_store %arg9[%swap3A_1022, %swap3A_1023], %swap3A_1026 {strides = array<i32>} : memref<32x128xf32, #tpu.memory_space<vmem>>, vector<1x16xf32>,
    %mul3A_1027 = arith.mulf %get3A_1002, %get3A_1017 : vector<16xf32>
    %mul3A_1028 = arith.mulf %get3A_1007, %get3A_1012 : vector<16xf32>
    %add3A_1029 = arith.addf %mul3A_1027, %mul3A_1028 : vector<16xf32>
    %swap3A_1030 = arith.constant 6 : i32
    %swap3A_1031 = arith.index_cast %swap3A_1030 : i32 to index
    %swap3A_1032 = arith.constant 96 : index
    %swap3A_1033 = tpu.vector_load %arg9[%swap3A_1031, %swap3A_1032] {strides = array<i32>} : memref<32x128xf32, #tpu.memory_space<vmem>>, vector<1x16xf32>,
    %swap3A_1034 = vector.shape_cast %swap3A_1033 : vector<1x16xf32> to vector<16xf32>
    %swap3A_1035 = vector.shape_cast %add3A_1029 : vector<16xf32> to vector<1x16xf32>
    tpu.vector_store %arg9[%swap3A_1031, %swap3A_1032], %swap3A_1035 {strides = array<i32>} : memref<32x128xf32, #tpu.memory_space<vmem>>, vector<1x16xf32>,
    %get3A_1036 = arith.constant 6 : i32
    %get3A_1037 = arith.index_cast %get3A_1036 : i32 to index
    %get3A_1038 = arith.constant 48 : index
    %get3A_1039 = tpu.vector_load %arg9[%get3A_1037, %get3A_1038] {strides = array<i32>} : memref<32x128xf32, #tpu.memory_space<vmem>>, vector<1x16xf32>,
    %get3A_1040 = vector.shape_cast %get3A_1039 : vector<1x16xf32> to vector<16xf32>
    %get3A_1041 = arith.constant 6 : i32
    %get3A_1042 = arith.index_cast %get3A_1041 : i32 to index
    %get3A_1043 = arith.constant 112 : index
    %get3A_1044 = tpu.vector_load %arg9[%get3A_1042, %get3A_1043] {strides = array<i32>} : memref<32x128xf32, #tpu.memory_space<vmem>>, vector<1x16xf32>,
    %get3A_1045 = vector.shape_cast %get3A_1044 : vector<1x16xf32> to vector<16xf32>
    %get3A_1046 = arith.constant 6 : i32
    %get3A_1047 = arith.index_cast %get3A_1046 : i32 to index
    %get3A_1048 = arith.constant 48 : index
    %get3A_1049 = tpu.vector_load %arg10[%get3A_1047, %get3A_1048] {strides = array<i32>} : memref<32x128xf32, #tpu.memory_space<vmem>>, vector<1x16xf32>,
    %get3A_1050 = vector.shape_cast %get3A_1049 : vector<1x16xf32> to vector<16xf32>
    %get3A_1051 = arith.constant 6 : i32
    %get3A_1052 = arith.index_cast %get3A_1051 : i32 to index
    %get3A_1053 = arith.constant 112 : index
    %get3A_1054 = tpu.vector_load %arg10[%get3A_1052, %get3A_1053] {strides = array<i32>} : memref<32x128xf32, #tpu.memory_space<vmem>>, vector<1x16xf32>,
    %get3A_1055 = vector.shape_cast %get3A_1054 : vector<1x16xf32> to vector<16xf32>
    %mul3A_1056 = arith.mulf %get3A_1040, %get3A_1050 : vector<16xf32>
    %mul3A_1057 = arith.mulf %get3A_1045, %get3A_1055 : vector<16xf32>
    %sub3A_1058 = arith.subf %mul3A_1056, %mul3A_1057 : vector<16xf32>
    %swap3A_1059 = arith.constant 6 : i32
    %swap3A_1060 = arith.index_cast %swap3A_1059 : i32 to index
    %swap3A_1061 = arith.constant 48 : index
    %swap3A_1062 = tpu.vector_load %arg9[%swap3A_1060, %swap3A_1061] {strides = array<i32>} : memref<32x128xf32, #tpu.memory_space<vmem>>, vector<1x16xf32>,
    %swap3A_1063 = vector.shape_cast %swap3A_1062 : vector<1x16xf32> to vector<16xf32>
    %swap3A_1064 = vector.shape_cast %sub3A_1058 : vector<16xf32> to vector<1x16xf32>
    tpu.vector_store %arg9[%swap3A_1060, %swap3A_1061], %swap3A_1064 {strides = array<i32>} : memref<32x128xf32, #tpu.memory_space<vmem>>, vector<1x16xf32>,
    %mul3A_1065 = arith.mulf %get3A_1040, %get3A_1055 : vector<16xf32>
    %mul3A_1066 = arith.mulf %get3A_1045, %get3A_1050 : vector<16xf32>
    %add3A_1067 = arith.addf %mul3A_1065, %mul3A_1066 : vector<16xf32>
    %swap3A_1068 = arith.constant 6 : i32
    %swap3A_1069 = arith.index_cast %swap3A_1068 : i32 to index
    %swap3A_1070 = arith.constant 112 : index
    %swap3A_1071 = tpu.vector_load %arg9[%swap3A_1069, %swap3A_1070] {strides = array<i32>} : memref<32x128xf32, #tpu.memory_space<vmem>>, vector<1x16xf32>,
    %swap3A_1072 = vector.shape_cast %swap3A_1071 : vector<1x16xf32> to vector<16xf32>
    %swap3A_1073 = vector.shape_cast %add3A_1067 : vector<16xf32> to vector<1x16xf32>
    tpu.vector_store %arg9[%swap3A_1069, %swap3A_1070], %swap3A_1073 {strides = array<i32>} : memref<32x128xf32, #tpu.memory_space<vmem>>, vector<1x16xf32>,
    %get3A_1074 = arith.constant 7 : i32
    %get3A_1075 = arith.index_cast %get3A_1074 : i32 to index
    %get3A_1076 = arith.constant 0 : index
    %get3A_1077 = tpu.vector_load %arg9[%get3A_1075, %get3A_1076] {strides = array<i32>} : memref<32x128xf32, #tpu.memory_space<vmem>>, vector<1x16xf32>,
    %get3A_1078 = vector.shape_cast %get3A_1077 : vector<1x16xf32> to vector<16xf32>
    %get3A_1079 = arith.constant 7 : i32
    %get3A_1080 = arith.index_cast %get3A_1079 : i32 to index
    %get3A_1081 = arith.constant 64 : index
    %get3A_1082 = tpu.vector_load %arg9[%get3A_1080, %get3A_1081] {strides = array<i32>} : memref<32x128xf32, #tpu.memory_space<vmem>>, vector<1x16xf32>,
    %get3A_1083 = vector.shape_cast %get3A_1082 : vector<1x16xf32> to vector<16xf32>
    %get3A_1084 = arith.constant 7 : i32
    %get3A_1085 = arith.index_cast %get3A_1084 : i32 to index
    %get3A_1086 = arith.constant 0 : index
    %get3A_1087 = tpu.vector_load %arg10[%get3A_1085, %get3A_1086] {strides = array<i32>} : memref<32x128xf32, #tpu.memory_space<vmem>>, vector<1x16xf32>,
    %get3A_1088 = vector.shape_cast %get3A_1087 : vector<1x16xf32> to vector<16xf32>
    %get3A_1089 = arith.constant 7 : i32
    %get3A_1090 = arith.index_cast %get3A_1089 : i32 to index
    %get3A_1091 = arith.constant 64 : index
    %get3A_1092 = tpu.vector_load %arg10[%get3A_1090, %get3A_1091] {strides = array<i32>} : memref<32x128xf32, #tpu.memory_space<vmem>>, vector<1x16xf32>,
    %get3A_1093 = vector.shape_cast %get3A_1092 : vector<1x16xf32> to vector<16xf32>
    %mul3A_1094 = arith.mulf %get3A_1078, %get3A_1088 : vector<16xf32>
    %mul3A_1095 = arith.mulf %get3A_1083, %get3A_1093 : vector<16xf32>
    %sub3A_1096 = arith.subf %mul3A_1094, %mul3A_1095 : vector<16xf32>
    %swap3A_1097 = arith.constant 7 : i32
    %swap3A_1098 = arith.index_cast %swap3A_1097 : i32 to index
    %swap3A_1099 = arith.constant 0 : index
    %swap3A_1100 = tpu.vector_load %arg9[%swap3A_1098, %swap3A_1099] {strides = array<i32>} : memref<32x128xf32, #tpu.memory_space<vmem>>, vector<1x16xf32>,
    %swap3A_1101 = vector.shape_cast %swap3A_1100 : vector<1x16xf32> to vector<16xf32>
    %swap3A_1102 = vector.shape_cast %sub3A_1096 : vector<16xf32> to vector<1x16xf32>
    tpu.vector_store %arg9[%swap3A_1098, %swap3A_1099], %swap3A_1102 {strides = array<i32>} : memref<32x128xf32, #tpu.memory_space<vmem>>, vector<1x16xf32>,
    %mul3A_1103 = arith.mulf %get3A_1078, %get3A_1093 : vector<16xf32>
    %mul3A_1104 = arith.mulf %get3A_1083, %get3A_1088 : vector<16xf32>
    %add3A_1105 = arith.addf %mul3A_1103, %mul3A_1104 : vector<16xf32>
    %swap3A_1106 = arith.constant 7 : i32
    %swap3A_1107 = arith.index_cast %swap3A_1106 : i32 to index
    %swap3A_1108 = arith.constant 64 : index
    %swap3A_1109 = tpu.vector_load %arg9[%swap3A_1107, %swap3A_1108] {strides = array<i32>} : memref<32x128xf32, #tpu.memory_space<vmem>>, vector<1x16xf32>,
    %swap3A_1110 = vector.shape_cast %swap3A_1109 : vector<1x16xf32> to vector<16xf32>
    %swap3A_1111 = vector.shape_cast %add3A_1105 : vector<16xf32> to vector<1x16xf32>
    tpu.vector_store %arg9[%swap3A_1107, %swap3A_1108], %swap3A_1111 {strides = array<i32>} : memref<32x128xf32, #tpu.memory_space<vmem>>, vector<1x16xf32>,
    %get3A_1112 = arith.constant 7 : i32
    %get3A_1113 = arith.index_cast %get3A_1112 : i32 to index
    %get3A_1114 = arith.constant 16 : index
    %get3A_1115 = tpu.vector_load %arg9[%get3A_1113, %get3A_1114] {strides = array<i32>} : memref<32x128xf32, #tpu.memory_space<vmem>>, vector<1x16xf32>,
    %get3A_1116 = vector.shape_cast %get3A_1115 : vector<1x16xf32> to vector<16xf32>
    %get3A_1117 = arith.constant 7 : i32
    %get3A_1118 = arith.index_cast %get3A_1117 : i32 to index
    %get3A_1119 = arith.constant 80 : index
    %get3A_1120 = tpu.vector_load %arg9[%get3A_1118, %get3A_1119] {strides = array<i32>} : memref<32x128xf32, #tpu.memory_space<vmem>>, vector<1x16xf32>,
    %get3A_1121 = vector.shape_cast %get3A_1120 : vector<1x16xf32> to vector<16xf32>
    %get3A_1122 = arith.constant 7 : i32
    %get3A_1123 = arith.index_cast %get3A_1122 : i32 to index
    %get3A_1124 = arith.constant 16 : index
    %get3A_1125 = tpu.vector_load %arg10[%get3A_1123, %get3A_1124] {strides = array<i32>} : memref<32x128xf32, #tpu.memory_space<vmem>>, vector<1x16xf32>,
    %get3A_1126 = vector.shape_cast %get3A_1125 : vector<1x16xf32> to vector<16xf32>
    %get3A_1127 = arith.constant 7 : i32
    %get3A_1128 = arith.index_cast %get3A_1127 : i32 to index
    %get3A_1129 = arith.constant 80 : index
    %get3A_1130 = tpu.vector_load %arg10[%get3A_1128, %get3A_1129] {strides = array<i32>} : memref<32x128xf32, #tpu.memory_space<vmem>>, vector<1x16xf32>,
    %get3A_1131 = vector.shape_cast %get3A_1130 : vector<1x16xf32> to vector<16xf32>
    %mul3A_1132 = arith.mulf %get3A_1116, %get3A_1126 : vector<16xf32>
    %mul3A_1133 = arith.mulf %get3A_1121, %get3A_1131 : vector<16xf32>
    %sub3A_1134 = arith.subf %mul3A_1132, %mul3A_1133 : vector<16xf32>
    %swap3A_1135 = arith.constant 7 : i32
    %swap3A_1136 = arith.index_cast %swap3A_1135 : i32 to index
    %swap3A_1137 = arith.constant 16 : index
    %swap3A_1138 = tpu.vector_load %arg9[%swap3A_1136, %swap3A_1137] {strides = array<i32>} : memref<32x128xf32, #tpu.memory_space<vmem>>, vector<1x16xf32>,
    %swap3A_1139 = vector.shape_cast %swap3A_1138 : vector<1x16xf32> to vector<16xf32>
    %swap3A_1140 = vector.shape_cast %sub3A_1134 : vector<16xf32> to vector<1x16xf32>
    tpu.vector_store %arg9[%swap3A_1136, %swap3A_1137], %swap3A_1140 {strides = array<i32>} : memref<32x128xf32, #tpu.memory_space<vmem>>, vector<1x16xf32>,
    %mul3A_1141 = arith.mulf %get3A_1116, %get3A_1131 : vector<16xf32>
    %mul3A_1142 = arith.mulf %get3A_1121, %get3A_1126 : vector<16xf32>
    %add3A_1143 = arith.addf %mul3A_1141, %mul3A_1142 : vector<16xf32>
    %swap3A_1144 = arith.constant 7 : i32
    %swap3A_1145 = arith.index_cast %swap3A_1144 : i32 to index
    %swap3A_1146 = arith.constant 80 : index
    %swap3A_1147 = tpu.vector_load %arg9[%swap3A_1145, %swap3A_1146] {strides = array<i32>} : memref<32x128xf32, #tpu.memory_space<vmem>>, vector<1x16xf32>,
    %swap3A_1148 = vector.shape_cast %swap3A_1147 : vector<1x16xf32> to vector<16xf32>
    %swap3A_1149 = vector.shape_cast %add3A_1143 : vector<16xf32> to vector<1x16xf32>
    tpu.vector_store %arg9[%swap3A_1145, %swap3A_1146], %swap3A_1149 {strides = array<i32>} : memref<32x128xf32, #tpu.memory_space<vmem>>, vector<1x16xf32>,
    %get3A_1150 = arith.constant 7 : i32
    %get3A_1151 = arith.index_cast %get3A_1150 : i32 to index
    %get3A_1152 = arith.constant 32 : index
    %get3A_1153 = tpu.vector_load %arg9[%get3A_1151, %get3A_1152] {strides = array<i32>} : memref<32x128xf32, #tpu.memory_space<vmem>>, vector<1x16xf32>,
    %get3A_1154 = vector.shape_cast %get3A_1153 : vector<1x16xf32> to vector<16xf32>
    %get3A_1155 = arith.constant 7 : i32
    %get3A_1156 = arith.index_cast %get3A_1155 : i32 to index
    %get3A_1157 = arith.constant 96 : index
    %get3A_1158 = tpu.vector_load %arg9[%get3A_1156, %get3A_1157] {strides = array<i32>} : memref<32x128xf32, #tpu.memory_space<vmem>>, vector<1x16xf32>,
    %get3A_1159 = vector.shape_cast %get3A_1158 : vector<1x16xf32> to vector<16xf32>
    %get3A_1160 = arith.constant 7 : i32
    %get3A_1161 = arith.index_cast %get3A_1160 : i32 to index
    %get3A_1162 = arith.constant 32 : index
    %get3A_1163 = tpu.vector_load %arg10[%get3A_1161, %get3A_1162] {strides = array<i32>} : memref<32x128xf32, #tpu.memory_space<vmem>>, vector<1x16xf32>,
    %get3A_1164 = vector.shape_cast %get3A_1163 : vector<1x16xf32> to vector<16xf32>
    %get3A_1165 = arith.constant 7 : i32
    %get3A_1166 = arith.index_cast %get3A_1165 : i32 to index
    %get3A_1167 = arith.constant 96 : index
    %get3A_1168 = tpu.vector_load %arg10[%get3A_1166, %get3A_1167] {strides = array<i32>} : memref<32x128xf32, #tpu.memory_space<vmem>>, vector<1x16xf32>,
    %get3A_1169 = vector.shape_cast %get3A_1168 : vector<1x16xf32> to vector<16xf32>
    %mul3A_1170 = arith.mulf %get3A_1154, %get3A_1164 : vector<16xf32>
    %mul3A_1171 = arith.mulf %get3A_1159, %get3A_1169 : vector<16xf32>
    %sub3A_1172 = arith.subf %mul3A_1170, %mul3A_1171 : vector<16xf32>
    %swap3A_1173 = arith.constant 7 : i32
    %swap3A_1174 = arith.index_cast %swap3A_1173 : i32 to index
    %swap3A_1175 = arith.constant 32 : index
    %swap3A_1176 = tpu.vector_load %arg9[%swap3A_1174, %swap3A_1175] {strides = array<i32>} : memref<32x128xf32, #tpu.memory_space<vmem>>, vector<1x16xf32>,
    %swap3A_1177 = vector.shape_cast %swap3A_1176 : vector<1x16xf32> to vector<16xf32>
    %swap3A_1178 = vector.shape_cast %sub3A_1172 : vector<16xf32> to vector<1x16xf32>
    tpu.vector_store %arg9[%swap3A_1174, %swap3A_1175], %swap3A_1178 {strides = array<i32>} : memref<32x128xf32, #tpu.memory_space<vmem>>, vector<1x16xf32>,
    %mul3A_1179 = arith.mulf %get3A_1154, %get3A_1169 : vector<16xf32>
    %mul3A_1180 = arith.mulf %get3A_1159, %get3A_1164 : vector<16xf32>
    %add3A_1181 = arith.addf %mul3A_1179, %mul3A_1180 : vector<16xf32>
    %swap3A_1182 = arith.constant 7 : i32
    %swap3A_1183 = arith.index_cast %swap3A_1182 : i32 to index
    %swap3A_1184 = arith.constant 96 : index
    %swap3A_1185 = tpu.vector_load %arg9[%swap3A_1183, %swap3A_1184] {strides = array<i32>} : memref<32x128xf32, #tpu.memory_space<vmem>>, vector<1x16xf32>,
    %swap3A_1186 = vector.shape_cast %swap3A_1185 : vector<1x16xf32> to vector<16xf32>
    %swap3A_1187 = vector.shape_cast %add3A_1181 : vector<16xf32> to vector<1x16xf32>
    tpu.vector_store %arg9[%swap3A_1183, %swap3A_1184], %swap3A_1187 {strides = array<i32>} : memref<32x128xf32, #tpu.memory_space<vmem>>, vector<1x16xf32>,
    %get3A_1188 = arith.constant 7 : i32
    %get3A_1189 = arith.index_cast %get3A_1188 : i32 to index
    %get3A_1190 = arith.constant 48 : index
    %get3A_1191 = tpu.vector_load %arg9[%get3A_1189, %get3A_1190] {strides = array<i32>} : memref<32x128xf32, #tpu.memory_space<vmem>>, vector<1x16xf32>,
    %get3A_1192 = vector.shape_cast %get3A_1191 : vector<1x16xf32> to vector<16xf32>
    %get3A_1193 = arith.constant 7 : i32
    %get3A_1194 = arith.index_cast %get3A_1193 : i32 to index
    %get3A_1195 = arith.constant 112 : index
    %get3A_1196 = tpu.vector_load %arg9[%get3A_1194, %get3A_1195] {strides = array<i32>} : memref<32x128xf32, #tpu.memory_space<vmem>>, vector<1x16xf32>,
    %get3A_1197 = vector.shape_cast %get3A_1196 : vector<1x16xf32> to vector<16xf32>
    %get3A_1198 = arith.constant 7 : i32
    %get3A_1199 = arith.index_cast %get3A_1198 : i32 to index
    %get3A_1200 = arith.constant 48 : index
    %get3A_1201 = tpu.vector_load %arg10[%get3A_1199, %get3A_1200] {strides = array<i32>} : memref<32x128xf32, #tpu.memory_space<vmem>>, vector<1x16xf32>,
    %get3A_1202 = vector.shape_cast %get3A_1201 : vector<1x16xf32> to vector<16xf32>
    %get3A_1203 = arith.constant 7 : i32
    %get3A_1204 = arith.index_cast %get3A_1203 : i32 to index
    %get3A_1205 = arith.constant 112 : index
    %get3A_1206 = tpu.vector_load %arg10[%get3A_1204, %get3A_1205] {strides = array<i32>} : memref<32x128xf32, #tpu.memory_space<vmem>>, vector<1x16xf32>,
    %get3A_1207 = vector.shape_cast %get3A_1206 : vector<1x16xf32> to vector<16xf32>
    %mul3A_1208 = arith.mulf %get3A_1192, %get3A_1202 : vector<16xf32>
    %mul3A_1209 = arith.mulf %get3A_1197, %get3A_1207 : vector<16xf32>
    %sub3A_1210 = arith.subf %mul3A_1208, %mul3A_1209 : vector<16xf32>
    %swap3A_1211 = arith.constant 7 : i32
    %swap3A_1212 = arith.index_cast %swap3A_1211 : i32 to index
    %swap3A_1213 = arith.constant 48 : index
    %swap3A_1214 = tpu.vector_load %arg9[%swap3A_1212, %swap3A_1213] {strides = array<i32>} : memref<32x128xf32, #tpu.memory_space<vmem>>, vector<1x16xf32>,
    %swap3A_1215 = vector.shape_cast %swap3A_1214 : vector<1x16xf32> to vector<16xf32>
    %swap3A_1216 = vector.shape_cast %sub3A_1210 : vector<16xf32> to vector<1x16xf32>
    tpu.vector_store %arg9[%swap3A_1212, %swap3A_1213], %swap3A_1216 {strides = array<i32>} : memref<32x128xf32, #tpu.memory_space<vmem>>, vector<1x16xf32>,
    %mul3A_1217 = arith.mulf %get3A_1192, %get3A_1207 : vector<16xf32>
    %mul3A_1218 = arith.mulf %get3A_1197, %get3A_1202 : vector<16xf32>
    %add3A_1219 = arith.addf %mul3A_1217, %mul3A_1218 : vector<16xf32>
    %swap3A_1220 = arith.constant 7 : i32
    %swap3A_1221 = arith.index_cast %swap3A_1220 : i32 to index
    %swap3A_1222 = arith.constant 112 : index
    %swap3A_1223 = tpu.vector_load %arg9[%swap3A_1221, %swap3A_1222] {strides = array<i32>} : memref<32x128xf32, #tpu.memory_space<vmem>>, vector<1x16xf32>,
    %swap3A_1224 = vector.shape_cast %swap3A_1223 : vector<1x16xf32> to vector<16xf32>
    %swap3A_1225 = vector.shape_cast %add3A_1219 : vector<16xf32> to vector<1x16xf32>
    tpu.vector_store %arg9[%swap3A_1221, %swap3A_1222], %swap3A_1225 {strides = array<i32>} : memref<32x128xf32, #tpu.memory_space<vmem>>, vector<1x16xf32>,
    %get3A_1226 = arith.constant 8 : i32
    %get3A_1227 = arith.index_cast %get3A_1226 : i32 to index
    %get3A_1228 = arith.constant 0 : index
    %get3A_1229 = tpu.vector_load %arg9[%get3A_1227, %get3A_1228] {strides = array<i32>} : memref<32x128xf32, #tpu.memory_space<vmem>>, vector<1x16xf32>,
    %get3A_1230 = vector.shape_cast %get3A_1229 : vector<1x16xf32> to vector<16xf32>
    %get3A_1231 = arith.constant 8 : i32
    %get3A_1232 = arith.index_cast %get3A_1231 : i32 to index
    %get3A_1233 = arith.constant 64 : index
    %get3A_1234 = tpu.vector_load %arg9[%get3A_1232, %get3A_1233] {strides = array<i32>} : memref<32x128xf32, #tpu.memory_space<vmem>>, vector<1x16xf32>,
    %get3A_1235 = vector.shape_cast %get3A_1234 : vector<1x16xf32> to vector<16xf32>
    %get3A_1236 = arith.constant 8 : i32
    %get3A_1237 = arith.index_cast %get3A_1236 : i32 to index
    %get3A_1238 = arith.constant 0 : index
    %get3A_1239 = tpu.vector_load %arg10[%get3A_1237, %get3A_1238] {strides = array<i32>} : memref<32x128xf32, #tpu.memory_space<vmem>>, vector<1x16xf32>,
    %get3A_1240 = vector.shape_cast %get3A_1239 : vector<1x16xf32> to vector<16xf32>
    %get3A_1241 = arith.constant 8 : i32
    %get3A_1242 = arith.index_cast %get3A_1241 : i32 to index
    %get3A_1243 = arith.constant 64 : index
    %get3A_1244 = tpu.vector_load %arg10[%get3A_1242, %get3A_1243] {strides = array<i32>} : memref<32x128xf32, #tpu.memory_space<vmem>>, vector<1x16xf32>,
    %get3A_1245 = vector.shape_cast %get3A_1244 : vector<1x16xf32> to vector<16xf32>
    %mul3A_1246 = arith.mulf %get3A_1230, %get3A_1240 : vector<16xf32>
    %mul3A_1247 = arith.mulf %get3A_1235, %get3A_1245 : vector<16xf32>
    %sub3A_1248 = arith.subf %mul3A_1246, %mul3A_1247 : vector<16xf32>
    %swap3A_1249 = arith.constant 8 : i32
    %swap3A_1250 = arith.index_cast %swap3A_1249 : i32 to index
    %swap3A_1251 = arith.constant 0 : index
    %swap3A_1252 = tpu.vector_load %arg9[%swap3A_1250, %swap3A_1251] {strides = array<i32>} : memref<32x128xf32, #tpu.memory_space<vmem>>, vector<1x16xf32>,
    %swap3A_1253 = vector.shape_cast %swap3A_1252 : vector<1x16xf32> to vector<16xf32>
    %swap3A_1254 = vector.shape_cast %sub3A_1248 : vector<16xf32> to vector<1x16xf32>
    tpu.vector_store %arg9[%swap3A_1250, %swap3A_1251], %swap3A_1254 {strides = array<i32>} : memref<32x128xf32, #tpu.memory_space<vmem>>, vector<1x16xf32>,
    %mul3A_1255 = arith.mulf %get3A_1230, %get3A_1245 : vector<16xf32>
    %mul3A_1256 = arith.mulf %get3A_1235, %get3A_1240 : vector<16xf32>
    %add3A_1257 = arith.addf %mul3A_1255, %mul3A_1256 : vector<16xf32>
    %swap3A_1258 = arith.constant 8 : i32
    %swap3A_1259 = arith.index_cast %swap3A_1258 : i32 to index
    %swap3A_1260 = arith.constant 64 : index
    %swap3A_1261 = tpu.vector_load %arg9[%swap3A_1259, %swap3A_1260] {strides = array<i32>} : memref<32x128xf32, #tpu.memory_space<vmem>>, vector<1x16xf32>,
    %swap3A_1262 = vector.shape_cast %swap3A_1261 : vector<1x16xf32> to vector<16xf32>
    %swap3A_1263 = vector.shape_cast %add3A_1257 : vector<16xf32> to vector<1x16xf32>
    tpu.vector_store %arg9[%swap3A_1259, %swap3A_1260], %swap3A_1263 {strides = array<i32>} : memref<32x128xf32, #tpu.memory_space<vmem>>, vector<1x16xf32>,
    %get3A_1264 = arith.constant 8 : i32
    %get3A_1265 = arith.index_cast %get3A_1264 : i32 to index
    %get3A_1266 = arith.constant 16 : index
    %get3A_1267 = tpu.vector_load %arg9[%get3A_1265, %get3A_1266] {strides = array<i32>} : memref<32x128xf32, #tpu.memory_space<vmem>>, vector<1x16xf32>,
    %get3A_1268 = vector.shape_cast %get3A_1267 : vector<1x16xf32> to vector<16xf32>
    %get3A_1269 = arith.constant 8 : i32
    %get3A_1270 = arith.index_cast %get3A_1269 : i32 to index
    %get3A_1271 = arith.constant 80 : index
    %get3A_1272 = tpu.vector_load %arg9[%get3A_1270, %get3A_1271] {strides = array<i32>} : memref<32x128xf32, #tpu.memory_space<vmem>>, vector<1x16xf32>,
    %get3A_1273 = vector.shape_cast %get3A_1272 : vector<1x16xf32> to vector<16xf32>
    %get3A_1274 = arith.constant 8 : i32
    %get3A_1275 = arith.index_cast %get3A_1274 : i32 to index
    %get3A_1276 = arith.constant 16 : index
    %get3A_1277 = tpu.vector_load %arg10[%get3A_1275, %get3A_1276] {strides = array<i32>} : memref<32x128xf32, #tpu.memory_space<vmem>>, vector<1x16xf32>,
    %get3A_1278 = vector.shape_cast %get3A_1277 : vector<1x16xf32> to vector<16xf32>
    %get3A_1279 = arith.constant 8 : i32
    %get3A_1280 = arith.index_cast %get3A_1279 : i32 to index
    %get3A_1281 = arith.constant 80 : index
    %get3A_1282 = tpu.vector_load %arg10[%get3A_1280, %get3A_1281] {strides = array<i32>} : memref<32x128xf32, #tpu.memory_space<vmem>>, vector<1x16xf32>,
    %get3A_1283 = vector.shape_cast %get3A_1282 : vector<1x16xf32> to vector<16xf32>
    %mul3A_1284 = arith.mulf %get3A_1268, %get3A_1278 : vector<16xf32>
    %mul3A_1285 = arith.mulf %get3A_1273, %get3A_1283 : vector<16xf32>
    %sub3A_1286 = arith.subf %mul3A_1284, %mul3A_1285 : vector<16xf32>
    %swap3A_1287 = arith.constant 8 : i32
    %swap3A_1288 = arith.index_cast %swap3A_1287 : i32 to index
    %swap3A_1289 = arith.constant 16 : index
    %swap3A_1290 = tpu.vector_load %arg9[%swap3A_1288, %swap3A_1289] {strides = array<i32>} : memref<32x128xf32, #tpu.memory_space<vmem>>, vector<1x16xf32>,
    %swap3A_1291 = vector.shape_cast %swap3A_1290 : vector<1x16xf32> to vector<16xf32>
    %swap3A_1292 = vector.shape_cast %sub3A_1286 : vector<16xf32> to vector<1x16xf32>
    tpu.vector_store %arg9[%swap3A_1288, %swap3A_1289], %swap3A_1292 {strides = array<i32>} : memref<32x128xf32, #tpu.memory_space<vmem>>, vector<1x16xf32>,
    %mul3A_1293 = arith.mulf %get3A_1268, %get3A_1283 : vector<16xf32>
    %mul3A_1294 = arith.mulf %get3A_1273, %get3A_1278 : vector<16xf32>
    %add3A_1295 = arith.addf %mul3A_1293, %mul3A_1294 : vector<16xf32>
    %swap3A_1296 = arith.constant 8 : i32
    %swap3A_1297 = arith.index_cast %swap3A_1296 : i32 to index
    %swap3A_1298 = arith.constant 80 : index
    %swap3A_1299 = tpu.vector_load %arg9[%swap3A_1297, %swap3A_1298] {strides = array<i32>} : memref<32x128xf32, #tpu.memory_space<vmem>>, vector<1x16xf32>,
    %swap3A_1300 = vector.shape_cast %swap3A_1299 : vector<1x16xf32> to vector<16xf32>
    %swap3A_1301 = vector.shape_cast %add3A_1295 : vector<16xf32> to vector<1x16xf32>
    tpu.vector_store %arg9[%swap3A_1297, %swap3A_1298], %swap3A_1301 {strides = array<i32>} : memref<32x128xf32, #tpu.memory_space<vmem>>, vector<1x16xf32>,
    %get3A_1302 = arith.constant 8 : i32
    %get3A_1303 = arith.index_cast %get3A_1302 : i32 to index
    %get3A_1304 = arith.constant 32 : index
    %get3A_1305 = tpu.vector_load %arg9[%get3A_1303, %get3A_1304] {strides = array<i32>} : memref<32x128xf32, #tpu.memory_space<vmem>>, vector<1x16xf32>,
    %get3A_1306 = vector.shape_cast %get3A_1305 : vector<1x16xf32> to vector<16xf32>
    %get3A_1307 = arith.constant 8 : i32
    %get3A_1308 = arith.index_cast %get3A_1307 : i32 to index
    %get3A_1309 = arith.constant 96 : index
    %get3A_1310 = tpu.vector_load %arg9[%get3A_1308, %get3A_1309] {strides = array<i32>} : memref<32x128xf32, #tpu.memory_space<vmem>>, vector<1x16xf32>,
    %get3A_1311 = vector.shape_cast %get3A_1310 : vector<1x16xf32> to vector<16xf32>
    %get3A_1312 = arith.constant 8 : i32
    %get3A_1313 = arith.index_cast %get3A_1312 : i32 to index
    %get3A_1314 = arith.constant 32 : index
    %get3A_1315 = tpu.vector_load %arg10[%get3A_1313, %get3A_1314] {strides = array<i32>} : memref<32x128xf32, #tpu.memory_space<vmem>>, vector<1x16xf32>,
    %get3A_1316 = vector.shape_cast %get3A_1315 : vector<1x16xf32> to vector<16xf32>
    %get3A_1317 = arith.constant 8 : i32
    %get3A_1318 = arith.index_cast %get3A_1317 : i32 to index
    %get3A_1319 = arith.constant 96 : index
    %get3A_1320 = tpu.vector_load %arg10[%get3A_1318, %get3A_1319] {strides = array<i32>} : memref<32x128xf32, #tpu.memory_space<vmem>>, vector<1x16xf32>,
    %get3A_1321 = vector.shape_cast %get3A_1320 : vector<1x16xf32> to vector<16xf32>
    %mul3A_1322 = arith.mulf %get3A_1306, %get3A_1316 : vector<16xf32>
    %mul3A_1323 = arith.mulf %get3A_1311, %get3A_1321 : vector<16xf32>
    %sub3A_1324 = arith.subf %mul3A_1322, %mul3A_1323 : vector<16xf32>
    %swap3A_1325 = arith.constant 8 : i32
    %swap3A_1326 = arith.index_cast %swap3A_1325 : i32 to index
    %swap3A_1327 = arith.constant 32 : index
    %swap3A_1328 = tpu.vector_load %arg9[%swap3A_1326, %swap3A_1327] {strides = array<i32>} : memref<32x128xf32, #tpu.memory_space<vmem>>, vector<1x16xf32>,
    %swap3A_1329 = vector.shape_cast %swap3A_1328 : vector<1x16xf32> to vector<16xf32>
    %swap3A_1330 = vector.shape_cast %sub3A_1324 : vector<16xf32> to vector<1x16xf32>
    tpu.vector_store %arg9[%swap3A_1326, %swap3A_1327], %swap3A_1330 {strides = array<i32>} : memref<32x128xf32, #tpu.memory_space<vmem>>, vector<1x16xf32>,
    %mul3A_1331 = arith.mulf %get3A_1306, %get3A_1321 : vector<16xf32>
    %mul3A_1332 = arith.mulf %get3A_1311, %get3A_1316 : vector<16xf32>
    %add3A_1333 = arith.addf %mul3A_1331, %mul3A_1332 : vector<16xf32>
    %swap3A_1334 = arith.constant 8 : i32
    %swap3A_1335 = arith.index_cast %swap3A_1334 : i32 to index
    %swap3A_1336 = arith.constant 96 : index
    %swap3A_1337 = tpu.vector_load %arg9[%swap3A_1335, %swap3A_1336] {strides = array<i32>} : memref<32x128xf32, #tpu.memory_space<vmem>>, vector<1x16xf32>,
    %swap3A_1338 = vector.shape_cast %swap3A_1337 : vector<1x16xf32> to vector<16xf32>
    %swap3A_1339 = vector.shape_cast %add3A_1333 : vector<16xf32> to vector<1x16xf32>
    tpu.vector_store %arg9[%swap3A_1335, %swap3A_1336], %swap3A_1339 {strides = array<i32>} : memref<32x128xf32, #tpu.memory_space<vmem>>, vector<1x16xf32>,
    %get3A_1340 = arith.constant 8 : i32
    %get3A_1341 = arith.index_cast %get3A_1340 : i32 to index
    %get3A_1342 = arith.constant 48 : index
    %get3A_1343 = tpu.vector_load %arg9[%get3A_1341, %get3A_1342] {strides = array<i32>} : memref<32x128xf32, #tpu.memory_space<vmem>>, vector<1x16xf32>,
    %get3A_1344 = vector.shape_cast %get3A_1343 : vector<1x16xf32> to vector<16xf32>
    %get3A_1345 = arith.constant 8 : i32
    %get3A_1346 = arith.index_cast %get3A_1345 : i32 to index
    %get3A_1347 = arith.constant 112 : index
    %get3A_1348 = tpu.vector_load %arg9[%get3A_1346, %get3A_1347] {strides = array<i32>} : memref<32x128xf32, #tpu.memory_space<vmem>>, vector<1x16xf32>,
    %get3A_1349 = vector.shape_cast %get3A_1348 : vector<1x16xf32> to vector<16xf32>
    %get3A_1350 = arith.constant 8 : i32
    %get3A_1351 = arith.index_cast %get3A_1350 : i32 to index
    %get3A_1352 = arith.constant 48 : index
    %get3A_1353 = tpu.vector_load %arg10[%get3A_1351, %get3A_1352] {strides = array<i32>} : memref<32x128xf32, #tpu.memory_space<vmem>>, vector<1x16xf32>,
    %get3A_1354 = vector.shape_cast %get3A_1353 : vector<1x16xf32> to vector<16xf32>
    %get3A_1355 = arith.constant 8 : i32
    %get3A_1356 = arith.index_cast %get3A_1355 : i32 to index
    %get3A_1357 = arith.constant 112 : index
    %get3A_1358 = tpu.vector_load %arg10[%get3A_1356, %get3A_1357] {strides = array<i32>} : memref<32x128xf32, #tpu.memory_space<vmem>>, vector<1x16xf32>,
    %get3A_1359 = vector.shape_cast %get3A_1358 : vector<1x16xf32> to vector<16xf32>
    %mul3A_1360 = arith.mulf %get3A_1344, %get3A_1354 : vector<16xf32>
    %mul3A_1361 = arith.mulf %get3A_1349, %get3A_1359 : vector<16xf32>
    %sub3A_1362 = arith.subf %mul3A_1360, %mul3A_1361 : vector<16xf32>
    %swap3A_1363 = arith.constant 8 : i32
    %swap3A_1364 = arith.index_cast %swap3A_1363 : i32 to index
    %swap3A_1365 = arith.constant 48 : index
    %swap3A_1366 = tpu.vector_load %arg9[%swap3A_1364, %swap3A_1365] {strides = array<i32>} : memref<32x128xf32, #tpu.memory_space<vmem>>, vector<1x16xf32>,
    %swap3A_1367 = vector.shape_cast %swap3A_1366 : vector<1x16xf32> to vector<16xf32>
    %swap3A_1368 = vector.shape_cast %sub3A_1362 : vector<16xf32> to vector<1x16xf32>
    tpu.vector_store %arg9[%swap3A_1364, %swap3A_1365], %swap3A_1368 {strides = array<i32>} : memref<32x128xf32, #tpu.memory_space<vmem>>, vector<1x16xf32>,
    %mul3A_1369 = arith.mulf %get3A_1344, %get3A_1359 : vector<16xf32>
    %mul3A_1370 = arith.mulf %get3A_1349, %get3A_1354 : vector<16xf32>
    %add3A_1371 = arith.addf %mul3A_1369, %mul3A_1370 : vector<16xf32>
    %swap3A_1372 = arith.constant 8 : i32
    %swap3A_1373 = arith.index_cast %swap3A_1372 : i32 to index
    %swap3A_1374 = arith.constant 112 : index
    %swap3A_1375 = tpu.vector_load %arg9[%swap3A_1373, %swap3A_1374] {strides = array<i32>} : memref<32x128xf32, #tpu.memory_space<vmem>>, vector<1x16xf32>,
    %swap3A_1376 = vector.shape_cast %swap3A_1375 : vector<1x16xf32> to vector<16xf32>
    %swap3A_1377 = vector.shape_cast %add3A_1371 : vector<16xf32> to vector<1x16xf32>
    tpu.vector_store %arg9[%swap3A_1373, %swap3A_1374], %swap3A_1377 {strides = array<i32>} : memref<32x128xf32, #tpu.memory_space<vmem>>, vector<1x16xf32>,
    %get3A_1378 = arith.constant 9 : i32
    %get3A_1379 = arith.index_cast %get3A_1378 : i32 to index
    %get3A_1380 = arith.constant 0 : index
    %get3A_1381 = tpu.vector_load %arg9[%get3A_1379, %get3A_1380] {strides = array<i32>} : memref<32x128xf32, #tpu.memory_space<vmem>>, vector<1x16xf32>,
    %get3A_1382 = vector.shape_cast %get3A_1381 : vector<1x16xf32> to vector<16xf32>
    %get3A_1383 = arith.constant 9 : i32
    %get3A_1384 = arith.index_cast %get3A_1383 : i32 to index
    %get3A_1385 = arith.constant 64 : index
    %get3A_1386 = tpu.vector_load %arg9[%get3A_1384, %get3A_1385] {strides = array<i32>} : memref<32x128xf32, #tpu.memory_space<vmem>>, vector<1x16xf32>,
    %get3A_1387 = vector.shape_cast %get3A_1386 : vector<1x16xf32> to vector<16xf32>
    %get3A_1388 = arith.constant 9 : i32
    %get3A_1389 = arith.index_cast %get3A_1388 : i32 to index
    %get3A_1390 = arith.constant 0 : index
    %get3A_1391 = tpu.vector_load %arg10[%get3A_1389, %get3A_1390] {strides = array<i32>} : memref<32x128xf32, #tpu.memory_space<vmem>>, vector<1x16xf32>,
    %get3A_1392 = vector.shape_cast %get3A_1391 : vector<1x16xf32> to vector<16xf32>
    %get3A_1393 = arith.constant 9 : i32
    %get3A_1394 = arith.index_cast %get3A_1393 : i32 to index
    %get3A_1395 = arith.constant 64 : index
    %get3A_1396 = tpu.vector_load %arg10[%get3A_1394, %get3A_1395] {strides = array<i32>} : memref<32x128xf32, #tpu.memory_space<vmem>>, vector<1x16xf32>,
    %get3A_1397 = vector.shape_cast %get3A_1396 : vector<1x16xf32> to vector<16xf32>
    %mul3A_1398 = arith.mulf %get3A_1382, %get3A_1392 : vector<16xf32>
    %mul3A_1399 = arith.mulf %get3A_1387, %get3A_1397 : vector<16xf32>
    %sub3A_1400 = arith.subf %mul3A_1398, %mul3A_1399 : vector<16xf32>
    %swap3A_1401 = arith.constant 9 : i32
    %swap3A_1402 = arith.index_cast %swap3A_1401 : i32 to index
    %swap3A_1403 = arith.constant 0 : index
    %swap3A_1404 = tpu.vector_load %arg9[%swap3A_1402, %swap3A_1403] {strides = array<i32>} : memref<32x128xf32, #tpu.memory_space<vmem>>, vector<1x16xf32>,
    %swap3A_1405 = vector.shape_cast %swap3A_1404 : vector<1x16xf32> to vector<16xf32>
    %swap3A_1406 = vector.shape_cast %sub3A_1400 : vector<16xf32> to vector<1x16xf32>
    tpu.vector_store %arg9[%swap3A_1402, %swap3A_1403], %swap3A_1406 {strides = array<i32>} : memref<32x128xf32, #tpu.memory_space<vmem>>, vector<1x16xf32>,
    %mul3A_1407 = arith.mulf %get3A_1382, %get3A_1397 : vector<16xf32>
    %mul3A_1408 = arith.mulf %get3A_1387, %get3A_1392 : vector<16xf32>
    %add3A_1409 = arith.addf %mul3A_1407, %mul3A_1408 : vector<16xf32>
    %swap3A_1410 = arith.constant 9 : i32
    %swap3A_1411 = arith.index_cast %swap3A_1410 : i32 to index
    %swap3A_1412 = arith.constant 64 : index
    %swap3A_1413 = tpu.vector_load %arg9[%swap3A_1411, %swap3A_1412] {strides = array<i32>} : memref<32x128xf32, #tpu.memory_space<vmem>>, vector<1x16xf32>,
    %swap3A_1414 = vector.shape_cast %swap3A_1413 : vector<1x16xf32> to vector<16xf32>
    %swap3A_1415 = vector.shape_cast %add3A_1409 : vector<16xf32> to vector<1x16xf32>
    tpu.vector_store %arg9[%swap3A_1411, %swap3A_1412], %swap3A_1415 {strides = array<i32>} : memref<32x128xf32, #tpu.memory_space<vmem>>, vector<1x16xf32>,
    %get3A_1416 = arith.constant 9 : i32
    %get3A_1417 = arith.index_cast %get3A_1416 : i32 to index
    %get3A_1418 = arith.constant 16 : index
    %get3A_1419 = tpu.vector_load %arg9[%get3A_1417, %get3A_1418] {strides = array<i32>} : memref<32x128xf32, #tpu.memory_space<vmem>>, vector<1x16xf32>,
    %get3A_1420 = vector.shape_cast %get3A_1419 : vector<1x16xf32> to vector<16xf32>
    %get3A_1421 = arith.constant 9 : i32
    %get3A_1422 = arith.index_cast %get3A_1421 : i32 to index
    %get3A_1423 = arith.constant 80 : index
    %get3A_1424 = tpu.vector_load %arg9[%get3A_1422, %get3A_1423] {strides = array<i32>} : memref<32x128xf32, #tpu.memory_space<vmem>>, vector<1x16xf32>,
    %get3A_1425 = vector.shape_cast %get3A_1424 : vector<1x16xf32> to vector<16xf32>
    %get3A_1426 = arith.constant 9 : i32
    %get3A_1427 = arith.index_cast %get3A_1426 : i32 to index
    %get3A_1428 = arith.constant 16 : index
    %get3A_1429 = tpu.vector_load %arg10[%get3A_1427, %get3A_1428] {strides = array<i32>} : memref<32x128xf32, #tpu.memory_space<vmem>>, vector<1x16xf32>,
    %get3A_1430 = vector.shape_cast %get3A_1429 : vector<1x16xf32> to vector<16xf32>
    %get3A_1431 = arith.constant 9 : i32
    %get3A_1432 = arith.index_cast %get3A_1431 : i32 to index
    %get3A_1433 = arith.constant 80 : index
    %get3A_1434 = tpu.vector_load %arg10[%get3A_1432, %get3A_1433] {strides = array<i32>} : memref<32x128xf32, #tpu.memory_space<vmem>>, vector<1x16xf32>,
    %get3A_1435 = vector.shape_cast %get3A_1434 : vector<1x16xf32> to vector<16xf32>
    %mul3A_1436 = arith.mulf %get3A_1420, %get3A_1430 : vector<16xf32>
    %mul3A_1437 = arith.mulf %get3A_1425, %get3A_1435 : vector<16xf32>
    %sub3A_1438 = arith.subf %mul3A_1436, %mul3A_1437 : vector<16xf32>
    %swap3A_1439 = arith.constant 9 : i32
    %swap3A_1440 = arith.index_cast %swap3A_1439 : i32 to index
    %swap3A_1441 = arith.constant 16 : index
    %swap3A_1442 = tpu.vector_load %arg9[%swap3A_1440, %swap3A_1441] {strides = array<i32>} : memref<32x128xf32, #tpu.memory_space<vmem>>, vector<1x16xf32>,
    %swap3A_1443 = vector.shape_cast %swap3A_1442 : vector<1x16xf32> to vector<16xf32>
    %swap3A_1444 = vector.shape_cast %sub3A_1438 : vector<16xf32> to vector<1x16xf32>
    tpu.vector_store %arg9[%swap3A_1440, %swap3A_1441], %swap3A_1444 {strides = array<i32>} : memref<32x128xf32, #tpu.memory_space<vmem>>, vector<1x16xf32>,
    %mul3A_1445 = arith.mulf %get3A_1420, %get3A_1435 : vector<16xf32>
    %mul3A_1446 = arith.mulf %get3A_1425, %get3A_1430 : vector<16xf32>
    %add3A_1447 = arith.addf %mul3A_1445, %mul3A_1446 : vector<16xf32>
    %swap3A_1448 = arith.constant 9 : i32
    %swap3A_1449 = arith.index_cast %swap3A_1448 : i32 to index
    %swap3A_1450 = arith.constant 80 : index
    %swap3A_1451 = tpu.vector_load %arg9[%swap3A_1449, %swap3A_1450] {strides = array<i32>} : memref<32x128xf32, #tpu.memory_space<vmem>>, vector<1x16xf32>,
    %swap3A_1452 = vector.shape_cast %swap3A_1451 : vector<1x16xf32> to vector<16xf32>
    %swap3A_1453 = vector.shape_cast %add3A_1447 : vector<16xf32> to vector<1x16xf32>
    tpu.vector_store %arg9[%swap3A_1449, %swap3A_1450], %swap3A_1453 {strides = array<i32>} : memref<32x128xf32, #tpu.memory_space<vmem>>, vector<1x16xf32>,
    %get3A_1454 = arith.constant 9 : i32
    %get3A_1455 = arith.index_cast %get3A_1454 : i32 to index
    %get3A_1456 = arith.constant 32 : index
    %get3A_1457 = tpu.vector_load %arg9[%get3A_1455, %get3A_1456] {strides = array<i32>} : memref<32x128xf32, #tpu.memory_space<vmem>>, vector<1x16xf32>,
    %get3A_1458 = vector.shape_cast %get3A_1457 : vector<1x16xf32> to vector<16xf32>
    %get3A_1459 = arith.constant 9 : i32
    %get3A_1460 = arith.index_cast %get3A_1459 : i32 to index
    %get3A_1461 = arith.constant 96 : index
    %get3A_1462 = tpu.vector_load %arg9[%get3A_1460, %get3A_1461] {strides = array<i32>} : memref<32x128xf32, #tpu.memory_space<vmem>>, vector<1x16xf32>,
    %get3A_1463 = vector.shape_cast %get3A_1462 : vector<1x16xf32> to vector<16xf32>
    %get3A_1464 = arith.constant 9 : i32
    %get3A_1465 = arith.index_cast %get3A_1464 : i32 to index
    %get3A_1466 = arith.constant 32 : index
    %get3A_1467 = tpu.vector_load %arg10[%get3A_1465, %get3A_1466] {strides = array<i32>} : memref<32x128xf32, #tpu.memory_space<vmem>>, vector<1x16xf32>,
    %get3A_1468 = vector.shape_cast %get3A_1467 : vector<1x16xf32> to vector<16xf32>
    %get3A_1469 = arith.constant 9 : i32
    %get3A_1470 = arith.index_cast %get3A_1469 : i32 to index
    %get3A_1471 = arith.constant 96 : index
    %get3A_1472 = tpu.vector_load %arg10[%get3A_1470, %get3A_1471] {strides = array<i32>} : memref<32x128xf32, #tpu.memory_space<vmem>>, vector<1x16xf32>,
    %get3A_1473 = vector.shape_cast %get3A_1472 : vector<1x16xf32> to vector<16xf32>
    %mul3A_1474 = arith.mulf %get3A_1458, %get3A_1468 : vector<16xf32>
    %mul3A_1475 = arith.mulf %get3A_1463, %get3A_1473 : vector<16xf32>
    %sub3A_1476 = arith.subf %mul3A_1474, %mul3A_1475 : vector<16xf32>
    %swap3A_1477 = arith.constant 9 : i32
    %swap3A_1478 = arith.index_cast %swap3A_1477 : i32 to index
    %swap3A_1479 = arith.constant 32 : index
    %swap3A_1480 = tpu.vector_load %arg9[%swap3A_1478, %swap3A_1479] {strides = array<i32>} : memref<32x128xf32, #tpu.memory_space<vmem>>, vector<1x16xf32>,
    %swap3A_1481 = vector.shape_cast %swap3A_1480 : vector<1x16xf32> to vector<16xf32>
    %swap3A_1482 = vector.shape_cast %sub3A_1476 : vector<16xf32> to vector<1x16xf32>
    tpu.vector_store %arg9[%swap3A_1478, %swap3A_1479], %swap3A_1482 {strides = array<i32>} : memref<32x128xf32, #tpu.memory_space<vmem>>, vector<1x16xf32>,
    %mul3A_1483 = arith.mulf %get3A_1458, %get3A_1473 : vector<16xf32>
    %mul3A_1484 = arith.mulf %get3A_1463, %get3A_1468 : vector<16xf32>
    %add3A_1485 = arith.addf %mul3A_1483, %mul3A_1484 : vector<16xf32>
    %swap3A_1486 = arith.constant 9 : i32
    %swap3A_1487 = arith.index_cast %swap3A_1486 : i32 to index
    %swap3A_1488 = arith.constant 96 : index
    %swap3A_1489 = tpu.vector_load %arg9[%swap3A_1487, %swap3A_1488] {strides = array<i32>} : memref<32x128xf32, #tpu.memory_space<vmem>>, vector<1x16xf32>,
    %swap3A_1490 = vector.shape_cast %swap3A_1489 : vector<1x16xf32> to vector<16xf32>
    %swap3A_1491 = vector.shape_cast %add3A_1485 : vector<16xf32> to vector<1x16xf32>
    tpu.vector_store %arg9[%swap3A_1487, %swap3A_1488], %swap3A_1491 {strides = array<i32>} : memref<32x128xf32, #tpu.memory_space<vmem>>, vector<1x16xf32>,
    %get3A_1492 = arith.constant 9 : i32
    %get3A_1493 = arith.index_cast %get3A_1492 : i32 to index
    %get3A_1494 = arith.constant 48 : index
    %get3A_1495 = tpu.vector_load %arg9[%get3A_1493, %get3A_1494] {strides = array<i32>} : memref<32x128xf32, #tpu.memory_space<vmem>>, vector<1x16xf32>,
    %get3A_1496 = vector.shape_cast %get3A_1495 : vector<1x16xf32> to vector<16xf32>
    %get3A_1497 = arith.constant 9 : i32
    %get3A_1498 = arith.index_cast %get3A_1497 : i32 to index
    %get3A_1499 = arith.constant 112 : index
    %get3A_1500 = tpu.vector_load %arg9[%get3A_1498, %get3A_1499] {strides = array<i32>} : memref<32x128xf32, #tpu.memory_space<vmem>>, vector<1x16xf32>,
    %get3A_1501 = vector.shape_cast %get3A_1500 : vector<1x16xf32> to vector<16xf32>
    %get3A_1502 = arith.constant 9 : i32
    %get3A_1503 = arith.index_cast %get3A_1502 : i32 to index
    %get3A_1504 = arith.constant 48 : index
    %get3A_1505 = tpu.vector_load %arg10[%get3A_1503, %get3A_1504] {strides = array<i32>} : memref<32x128xf32, #tpu.memory_space<vmem>>, vector<1x16xf32>,
    %get3A_1506 = vector.shape_cast %get3A_1505 : vector<1x16xf32> to vector<16xf32>
    %get3A_1507 = arith.constant 9 : i32
    %get3A_1508 = arith.index_cast %get3A_1507 : i32 to index
    %get3A_1509 = arith.constant 112 : index
    %get3A_1510 = tpu.vector_load %arg10[%get3A_1508, %get3A_1509] {strides = array<i32>} : memref<32x128xf32, #tpu.memory_space<vmem>>, vector<1x16xf32>,
    %get3A_1511 = vector.shape_cast %get3A_1510 : vector<1x16xf32> to vector<16xf32>
    %mul3A_1512 = arith.mulf %get3A_1496, %get3A_1506 : vector<16xf32>
    %mul3A_1513 = arith.mulf %get3A_1501, %get3A_1511 : vector<16xf32>
    %sub3A_1514 = arith.subf %mul3A_1512, %mul3A_1513 : vector<16xf32>
    %swap3A_1515 = arith.constant 9 : i32
    %swap3A_1516 = arith.index_cast %swap3A_1515 : i32 to index
    %swap3A_1517 = arith.constant 48 : index
    %swap3A_1518 = tpu.vector_load %arg9[%swap3A_1516, %swap3A_1517] {strides = array<i32>} : memref<32x128xf32, #tpu.memory_space<vmem>>, vector<1x16xf32>,
    %swap3A_1519 = vector.shape_cast %swap3A_1518 : vector<1x16xf32> to vector<16xf32>
    %swap3A_1520 = vector.shape_cast %sub3A_1514 : vector<16xf32> to vector<1x16xf32>
    tpu.vector_store %arg9[%swap3A_1516, %swap3A_1517], %swap3A_1520 {strides = array<i32>} : memref<32x128xf32, #tpu.memory_space<vmem>>, vector<1x16xf32>,
    %mul3A_1521 = arith.mulf %get3A_1496, %get3A_1511 : vector<16xf32>
    %mul3A_1522 = arith.mulf %get3A_1501, %get3A_1506 : vector<16xf32>
    %add3A_1523 = arith.addf %mul3A_1521, %mul3A_1522 : vector<16xf32>
    %swap3A_1524 = arith.constant 9 : i32
    %swap3A_1525 = arith.index_cast %swap3A_1524 : i32 to index
    %swap3A_1526 = arith.constant 112 : index
    %swap3A_1527 = tpu.vector_load %arg9[%swap3A_1525, %swap3A_1526] {strides = array<i32>} : memref<32x128xf32, #tpu.memory_space<vmem>>, vector<1x16xf32>,
    %swap3A_1528 = vector.shape_cast %swap3A_1527 : vector<1x16xf32> to vector<16xf32>
    %swap3A_1529 = vector.shape_cast %add3A_1523 : vector<16xf32> to vector<1x16xf32>
    tpu.vector_store %arg9[%swap3A_1525, %swap3A_1526], %swap3A_1529 {strides = array<i32>} : memref<32x128xf32, #tpu.memory_space<vmem>>, vector<1x16xf32>,
    %get3A_1530 = arith.constant 10 : i32
    %get3A_1531 = arith.index_cast %get3A_1530 : i32 to index
    %get3A_1532 = arith.constant 0 : index
    %get3A_1533 = tpu.vector_load %arg9[%get3A_1531, %get3A_1532] {strides = array<i32>} : memref<32x128xf32, #tpu.memory_space<vmem>>, vector<1x16xf32>,
    %get3A_1534 = vector.shape_cast %get3A_1533 : vector<1x16xf32> to vector<16xf32>
    %get3A_1535 = arith.constant 10 : i32
    %get3A_1536 = arith.index_cast %get3A_1535 : i32 to index
    %get3A_1537 = arith.constant 64 : index
    %get3A_1538 = tpu.vector_load %arg9[%get3A_1536, %get3A_1537] {strides = array<i32>} : memref<32x128xf32, #tpu.memory_space<vmem>>, vector<1x16xf32>,
    %get3A_1539 = vector.shape_cast %get3A_1538 : vector<1x16xf32> to vector<16xf32>
    %get3A_1540 = arith.constant 10 : i32
    %get3A_1541 = arith.index_cast %get3A_1540 : i32 to index
    %get3A_1542 = arith.constant 0 : index
    %get3A_1543 = tpu.vector_load %arg10[%get3A_1541, %get3A_1542] {strides = array<i32>} : memref<32x128xf32, #tpu.memory_space<vmem>>, vector<1x16xf32>,
    %get3A_1544 = vector.shape_cast %get3A_1543 : vector<1x16xf32> to vector<16xf32>
    %get3A_1545 = arith.constant 10 : i32
    %get3A_1546 = arith.index_cast %get3A_1545 : i32 to index
    %get3A_1547 = arith.constant 64 : index
    %get3A_1548 = tpu.vector_load %arg10[%get3A_1546, %get3A_1547] {strides = array<i32>} : memref<32x128xf32, #tpu.memory_space<vmem>>, vector<1x16xf32>,
    %get3A_1549 = vector.shape_cast %get3A_1548 : vector<1x16xf32> to vector<16xf32>
    %mul3A_1550 = arith.mulf %get3A_1534, %get3A_1544 : vector<16xf32>
    %mul3A_1551 = arith.mulf %get3A_1539, %get3A_1549 : vector<16xf32>
    %sub3A_1552 = arith.subf %mul3A_1550, %mul3A_1551 : vector<16xf32>
    %swap3A_1553 = arith.constant 10 : i32
    %swap3A_1554 = arith.index_cast %swap3A_1553 : i32 to index
    %swap3A_1555 = arith.constant 0 : index
    %swap3A_1556 = tpu.vector_load %arg9[%swap3A_1554, %swap3A_1555] {strides = array<i32>} : memref<32x128xf32, #tpu.memory_space<vmem>>, vector<1x16xf32>,
    %swap3A_1557 = vector.shape_cast %swap3A_1556 : vector<1x16xf32> to vector<16xf32>
    %swap3A_1558 = vector.shape_cast %sub3A_1552 : vector<16xf32> to vector<1x16xf32>
    tpu.vector_store %arg9[%swap3A_1554, %swap3A_1555], %swap3A_1558 {strides = array<i32>} : memref<32x128xf32, #tpu.memory_space<vmem>>, vector<1x16xf32>,
    %mul3A_1559 = arith.mulf %get3A_1534, %get3A_1549 : vector<16xf32>
    %mul3A_1560 = arith.mulf %get3A_1539, %get3A_1544 : vector<16xf32>
    %add3A_1561 = arith.addf %mul3A_1559, %mul3A_1560 : vector<16xf32>
    %swap3A_1562 = arith.constant 10 : i32
    %swap3A_1563 = arith.index_cast %swap3A_1562 : i32 to index
    %swap3A_1564 = arith.constant 64 : index
    %swap3A_1565 = tpu.vector_load %arg9[%swap3A_1563, %swap3A_1564] {strides = array<i32>} : memref<32x128xf32, #tpu.memory_space<vmem>>, vector<1x16xf32>,
    %swap3A_1566 = vector.shape_cast %swap3A_1565 : vector<1x16xf32> to vector<16xf32>
    %swap3A_1567 = vector.shape_cast %add3A_1561 : vector<16xf32> to vector<1x16xf32>
    tpu.vector_store %arg9[%swap3A_1563, %swap3A_1564], %swap3A_1567 {strides = array<i32>} : memref<32x128xf32, #tpu.memory_space<vmem>>, vector<1x16xf32>,
    %get3A_1568 = arith.constant 10 : i32
    %get3A_1569 = arith.index_cast %get3A_1568 : i32 to index
    %get3A_1570 = arith.constant 16 : index
    %get3A_1571 = tpu.vector_load %arg9[%get3A_1569, %get3A_1570] {strides = array<i32>} : memref<32x128xf32, #tpu.memory_space<vmem>>, vector<1x16xf32>,
    %get3A_1572 = vector.shape_cast %get3A_1571 : vector<1x16xf32> to vector<16xf32>
    %get3A_1573 = arith.constant 10 : i32
    %get3A_1574 = arith.index_cast %get3A_1573 : i32 to index
    %get3A_1575 = arith.constant 80 : index
    %get3A_1576 = tpu.vector_load %arg9[%get3A_1574, %get3A_1575] {strides = array<i32>} : memref<32x128xf32, #tpu.memory_space<vmem>>, vector<1x16xf32>,
    %get3A_1577 = vector.shape_cast %get3A_1576 : vector<1x16xf32> to vector<16xf32>
    %get3A_1578 = arith.constant 10 : i32
    %get3A_1579 = arith.index_cast %get3A_1578 : i32 to index
    %get3A_1580 = arith.constant 16 : index
    %get3A_1581 = tpu.vector_load %arg10[%get3A_1579, %get3A_1580] {strides = array<i32>} : memref<32x128xf32, #tpu.memory_space<vmem>>, vector<1x16xf32>,
    %get3A_1582 = vector.shape_cast %get3A_1581 : vector<1x16xf32> to vector<16xf32>
    %get3A_1583 = arith.constant 10 : i32
    %get3A_1584 = arith.index_cast %get3A_1583 : i32 to index
    %get3A_1585 = arith.constant 80 : index
    %get3A_1586 = tpu.vector_load %arg10[%get3A_1584, %get3A_1585] {strides = array<i32>} : memref<32x128xf32, #tpu.memory_space<vmem>>, vector<1x16xf32>,
    %get3A_1587 = vector.shape_cast %get3A_1586 : vector<1x16xf32> to vector<16xf32>
    %mul3A_1588 = arith.mulf %get3A_1572, %get3A_1582 : vector<16xf32>
    %mul3A_1589 = arith.mulf %get3A_1577, %get3A_1587 : vector<16xf32>
    %sub3A_1590 = arith.subf %mul3A_1588, %mul3A_1589 : vector<16xf32>
    %swap3A_1591 = arith.constant 10 : i32
    %swap3A_1592 = arith.index_cast %swap3A_1591 : i32 to index
    %swap3A_1593 = arith.constant 16 : index
    %swap3A_1594 = tpu.vector_load %arg9[%swap3A_1592, %swap3A_1593] {strides = array<i32>} : memref<32x128xf32, #tpu.memory_space<vmem>>, vector<1x16xf32>,
    %swap3A_1595 = vector.shape_cast %swap3A_1594 : vector<1x16xf32> to vector<16xf32>
    %swap3A_1596 = vector.shape_cast %sub3A_1590 : vector<16xf32> to vector<1x16xf32>
    tpu.vector_store %arg9[%swap3A_1592, %swap3A_1593], %swap3A_1596 {strides = array<i32>} : memref<32x128xf32, #tpu.memory_space<vmem>>, vector<1x16xf32>,
    %mul3A_1597 = arith.mulf %get3A_1572, %get3A_1587 : vector<16xf32>
    %mul3A_1598 = arith.mulf %get3A_1577, %get3A_1582 : vector<16xf32>
    %add3A_1599 = arith.addf %mul3A_1597, %mul3A_1598 : vector<16xf32>
    %swap3A_1600 = arith.constant 10 : i32
    %swap3A_1601 = arith.index_cast %swap3A_1600 : i32 to index
    %swap3A_1602 = arith.constant 80 : index
    %swap3A_1603 = tpu.vector_load %arg9[%swap3A_1601, %swap3A_1602] {strides = array<i32>} : memref<32x128xf32, #tpu.memory_space<vmem>>, vector<1x16xf32>,
    %swap3A_1604 = vector.shape_cast %swap3A_1603 : vector<1x16xf32> to vector<16xf32>
    %swap3A_1605 = vector.shape_cast %add3A_1599 : vector<16xf32> to vector<1x16xf32>
    tpu.vector_store %arg9[%swap3A_1601, %swap3A_1602], %swap3A_1605 {strides = array<i32>} : memref<32x128xf32, #tpu.memory_space<vmem>>, vector<1x16xf32>,
    %get3A_1606 = arith.constant 10 : i32
    %get3A_1607 = arith.index_cast %get3A_1606 : i32 to index
    %get3A_1608 = arith.constant 32 : index
    %get3A_1609 = tpu.vector_load %arg9[%get3A_1607, %get3A_1608] {strides = array<i32>} : memref<32x128xf32, #tpu.memory_space<vmem>>, vector<1x16xf32>,
    %get3A_1610 = vector.shape_cast %get3A_1609 : vector<1x16xf32> to vector<16xf32>
    %get3A_1611 = arith.constant 10 : i32
    %get3A_1612 = arith.index_cast %get3A_1611 : i32 to index
    %get3A_1613 = arith.constant 96 : index
    %get3A_1614 = tpu.vector_load %arg9[%get3A_1612, %get3A_1613] {strides = array<i32>} : memref<32x128xf32, #tpu.memory_space<vmem>>, vector<1x16xf32>,
    %get3A_1615 = vector.shape_cast %get3A_1614 : vector<1x16xf32> to vector<16xf32>
    %get3A_1616 = arith.constant 10 : i32
    %get3A_1617 = arith.index_cast %get3A_1616 : i32 to index
    %get3A_1618 = arith.constant 32 : index
    %get3A_1619 = tpu.vector_load %arg10[%get3A_1617, %get3A_1618] {strides = array<i32>} : memref<32x128xf32, #tpu.memory_space<vmem>>, vector<1x16xf32>,
    %get3A_1620 = vector.shape_cast %get3A_1619 : vector<1x16xf32> to vector<16xf32>
    %get3A_1621 = arith.constant 10 : i32
    %get3A_1622 = arith.index_cast %get3A_1621 : i32 to index
    %get3A_1623 = arith.constant 96 : index
    %get3A_1624 = tpu.vector_load %arg10[%get3A_1622, %get3A_1623] {strides = array<i32>} : memref<32x128xf32, #tpu.memory_space<vmem>>, vector<1x16xf32>,
    %get3A_1625 = vector.shape_cast %get3A_1624 : vector<1x16xf32> to vector<16xf32>
    %mul3A_1626 = arith.mulf %get3A_1610, %get3A_1620 : vector<16xf32>
    %mul3A_1627 = arith.mulf %get3A_1615, %get3A_1625 : vector<16xf32>
    %sub3A_1628 = arith.subf %mul3A_1626, %mul3A_1627 : vector<16xf32>
    %swap3A_1629 = arith.constant 10 : i32
    %swap3A_1630 = arith.index_cast %swap3A_1629 : i32 to index
    %swap3A_1631 = arith.constant 32 : index
    %swap3A_1632 = tpu.vector_load %arg9[%swap3A_1630, %swap3A_1631] {strides = array<i32>} : memref<32x128xf32, #tpu.memory_space<vmem>>, vector<1x16xf32>,
    %swap3A_1633 = vector.shape_cast %swap3A_1632 : vector<1x16xf32> to vector<16xf32>
    %swap3A_1634 = vector.shape_cast %sub3A_1628 : vector<16xf32> to vector<1x16xf32>
    tpu.vector_store %arg9[%swap3A_1630, %swap3A_1631], %swap3A_1634 {strides = array<i32>} : memref<32x128xf32, #tpu.memory_space<vmem>>, vector<1x16xf32>,
    %mul3A_1635 = arith.mulf %get3A_1610, %get3A_1625 : vector<16xf32>
    %mul3A_1636 = arith.mulf %get3A_1615, %get3A_1620 : vector<16xf32>
    %add3A_1637 = arith.addf %mul3A_1635, %mul3A_1636 : vector<16xf32>
    %swap3A_1638 = arith.constant 10 : i32
    %swap3A_1639 = arith.index_cast %swap3A_1638 : i32 to index
    %swap3A_1640 = arith.constant 96 : index
    %swap3A_1641 = tpu.vector_load %arg9[%swap3A_1639, %swap3A_1640] {strides = array<i32>} : memref<32x128xf32, #tpu.memory_space<vmem>>, vector<1x16xf32>,
    %swap3A_1642 = vector.shape_cast %swap3A_1641 : vector<1x16xf32> to vector<16xf32>
    %swap3A_1643 = vector.shape_cast %add3A_1637 : vector<16xf32> to vector<1x16xf32>
    tpu.vector_store %arg9[%swap3A_1639, %swap3A_1640], %swap3A_1643 {strides = array<i32>} : memref<32x128xf32, #tpu.memory_space<vmem>>, vector<1x16xf32>,
    %get3A_1644 = arith.constant 10 : i32
    %get3A_1645 = arith.index_cast %get3A_1644 : i32 to index
    %get3A_1646 = arith.constant 48 : index
    %get3A_1647 = tpu.vector_load %arg9[%get3A_1645, %get3A_1646] {strides = array<i32>} : memref<32x128xf32, #tpu.memory_space<vmem>>, vector<1x16xf32>,
    %get3A_1648 = vector.shape_cast %get3A_1647 : vector<1x16xf32> to vector<16xf32>
    %get3A_1649 = arith.constant 10 : i32
    %get3A_1650 = arith.index_cast %get3A_1649 : i32 to index
    %get3A_1651 = arith.constant 112 : index
    %get3A_1652 = tpu.vector_load %arg9[%get3A_1650, %get3A_1651] {strides = array<i32>} : memref<32x128xf32, #tpu.memory_space<vmem>>, vector<1x16xf32>,
    %get3A_1653 = vector.shape_cast %get3A_1652 : vector<1x16xf32> to vector<16xf32>
    %get3A_1654 = arith.constant 10 : i32
    %get3A_1655 = arith.index_cast %get3A_1654 : i32 to index
    %get3A_1656 = arith.constant 48 : index
    %get3A_1657 = tpu.vector_load %arg10[%get3A_1655, %get3A_1656] {strides = array<i32>} : memref<32x128xf32, #tpu.memory_space<vmem>>, vector<1x16xf32>,
    %get3A_1658 = vector.shape_cast %get3A_1657 : vector<1x16xf32> to vector<16xf32>
    %get3A_1659 = arith.constant 10 : i32
    %get3A_1660 = arith.index_cast %get3A_1659 : i32 to index
    %get3A_1661 = arith.constant 112 : index
    %get3A_1662 = tpu.vector_load %arg10[%get3A_1660, %get3A_1661] {strides = array<i32>} : memref<32x128xf32, #tpu.memory_space<vmem>>, vector<1x16xf32>,
    %get3A_1663 = vector.shape_cast %get3A_1662 : vector<1x16xf32> to vector<16xf32>
    %mul3A_1664 = arith.mulf %get3A_1648, %get3A_1658 : vector<16xf32>
    %mul3A_1665 = arith.mulf %get3A_1653, %get3A_1663 : vector<16xf32>
    %sub3A_1666 = arith.subf %mul3A_1664, %mul3A_1665 : vector<16xf32>
    %swap3A_1667 = arith.constant 10 : i32
    %swap3A_1668 = arith.index_cast %swap3A_1667 : i32 to index
    %swap3A_1669 = arith.constant 48 : index
    %swap3A_1670 = tpu.vector_load %arg9[%swap3A_1668, %swap3A_1669] {strides = array<i32>} : memref<32x128xf32, #tpu.memory_space<vmem>>, vector<1x16xf32>,
    %swap3A_1671 = vector.shape_cast %swap3A_1670 : vector<1x16xf32> to vector<16xf32>
    %swap3A_1672 = vector.shape_cast %sub3A_1666 : vector<16xf32> to vector<1x16xf32>
    tpu.vector_store %arg9[%swap3A_1668, %swap3A_1669], %swap3A_1672 {strides = array<i32>} : memref<32x128xf32, #tpu.memory_space<vmem>>, vector<1x16xf32>,
    %mul3A_1673 = arith.mulf %get3A_1648, %get3A_1663 : vector<16xf32>
    %mul3A_1674 = arith.mulf %get3A_1653, %get3A_1658 : vector<16xf32>
    %add3A_1675 = arith.addf %mul3A_1673, %mul3A_1674 : vector<16xf32>
    %swap3A_1676 = arith.constant 10 : i32
    %swap3A_1677 = arith.index_cast %swap3A_1676 : i32 to index
    %swap3A_1678 = arith.constant 112 : index
    %swap3A_1679 = tpu.vector_load %arg9[%swap3A_1677, %swap3A_1678] {strides = array<i32>} : memref<32x128xf32, #tpu.memory_space<vmem>>, vector<1x16xf32>,
    %swap3A_1680 = vector.shape_cast %swap3A_1679 : vector<1x16xf32> to vector<16xf32>
    %swap3A_1681 = vector.shape_cast %add3A_1675 : vector<16xf32> to vector<1x16xf32>
    tpu.vector_store %arg9[%swap3A_1677, %swap3A_1678], %swap3A_1681 {strides = array<i32>} : memref<32x128xf32, #tpu.memory_space<vmem>>, vector<1x16xf32>,
    %get3A_1682 = arith.constant 11 : i32
    %get3A_1683 = arith.index_cast %get3A_1682 : i32 to index
    %get3A_1684 = arith.constant 0 : index
    %get3A_1685 = tpu.vector_load %arg9[%get3A_1683, %get3A_1684] {strides = array<i32>} : memref<32x128xf32, #tpu.memory_space<vmem>>, vector<1x16xf32>,
    %get3A_1686 = vector.shape_cast %get3A_1685 : vector<1x16xf32> to vector<16xf32>
    %get3A_1687 = arith.constant 11 : i32
    %get3A_1688 = arith.index_cast %get3A_1687 : i32 to index
    %get3A_1689 = arith.constant 64 : index
    %get3A_1690 = tpu.vector_load %arg9[%get3A_1688, %get3A_1689] {strides = array<i32>} : memref<32x128xf32, #tpu.memory_space<vmem>>, vector<1x16xf32>,
    %get3A_1691 = vector.shape_cast %get3A_1690 : vector<1x16xf32> to vector<16xf32>
    %get3A_1692 = arith.constant 11 : i32
    %get3A_1693 = arith.index_cast %get3A_1692 : i32 to index
    %get3A_1694 = arith.constant 0 : index
    %get3A_1695 = tpu.vector_load %arg10[%get3A_1693, %get3A_1694] {strides = array<i32>} : memref<32x128xf32, #tpu.memory_space<vmem>>, vector<1x16xf32>,
    %get3A_1696 = vector.shape_cast %get3A_1695 : vector<1x16xf32> to vector<16xf32>
    %get3A_1697 = arith.constant 11 : i32
    %get3A_1698 = arith.index_cast %get3A_1697 : i32 to index
    %get3A_1699 = arith.constant 64 : index
    %get3A_1700 = tpu.vector_load %arg10[%get3A_1698, %get3A_1699] {strides = array<i32>} : memref<32x128xf32, #tpu.memory_space<vmem>>, vector<1x16xf32>,
    %get3A_1701 = vector.shape_cast %get3A_1700 : vector<1x16xf32> to vector<16xf32>
    %mul3A_1702 = arith.mulf %get3A_1686, %get3A_1696 : vector<16xf32>
    %mul3A_1703 = arith.mulf %get3A_1691, %get3A_1701 : vector<16xf32>
    %sub3A_1704 = arith.subf %mul3A_1702, %mul3A_1703 : vector<16xf32>
    %swap3A_1705 = arith.constant 11 : i32
    %swap3A_1706 = arith.index_cast %swap3A_1705 : i32 to index
    %swap3A_1707 = arith.constant 0 : index
    %swap3A_1708 = tpu.vector_load %arg9[%swap3A_1706, %swap3A_1707] {strides = array<i32>} : memref<32x128xf32, #tpu.memory_space<vmem>>, vector<1x16xf32>,
    %swap3A_1709 = vector.shape_cast %swap3A_1708 : vector<1x16xf32> to vector<16xf32>
    %swap3A_1710 = vector.shape_cast %sub3A_1704 : vector<16xf32> to vector<1x16xf32>
    tpu.vector_store %arg9[%swap3A_1706, %swap3A_1707], %swap3A_1710 {strides = array<i32>} : memref<32x128xf32, #tpu.memory_space<vmem>>, vector<1x16xf32>,
    %mul3A_1711 = arith.mulf %get3A_1686, %get3A_1701 : vector<16xf32>
    %mul3A_1712 = arith.mulf %get3A_1691, %get3A_1696 : vector<16xf32>
    %add3A_1713 = arith.addf %mul3A_1711, %mul3A_1712 : vector<16xf32>
    %swap3A_1714 = arith.constant 11 : i32
    %swap3A_1715 = arith.index_cast %swap3A_1714 : i32 to index
    %swap3A_1716 = arith.constant 64 : index
    %swap3A_1717 = tpu.vector_load %arg9[%swap3A_1715, %swap3A_1716] {strides = array<i32>} : memref<32x128xf32, #tpu.memory_space<vmem>>, vector<1x16xf32>,
    %swap3A_1718 = vector.shape_cast %swap3A_1717 : vector<1x16xf32> to vector<16xf32>
    %swap3A_1719 = vector.shape_cast %add3A_1713 : vector<16xf32> to vector<1x16xf32>
    tpu.vector_store %arg9[%swap3A_1715, %swap3A_1716], %swap3A_1719 {strides = array<i32>} : memref<32x128xf32, #tpu.memory_space<vmem>>, vector<1x16xf32>,
    %get3A_1720 = arith.constant 11 : i32
    %get3A_1721 = arith.index_cast %get3A_1720 : i32 to index
    %get3A_1722 = arith.constant 16 : index
    %get3A_1723 = tpu.vector_load %arg9[%get3A_1721, %get3A_1722] {strides = array<i32>} : memref<32x128xf32, #tpu.memory_space<vmem>>, vector<1x16xf32>,
    %get3A_1724 = vector.shape_cast %get3A_1723 : vector<1x16xf32> to vector<16xf32>
    %get3A_1725 = arith.constant 11 : i32
    %get3A_1726 = arith.index_cast %get3A_1725 : i32 to index
    %get3A_1727 = arith.constant 80 : index
    %get3A_1728 = tpu.vector_load %arg9[%get3A_1726, %get3A_1727] {strides = array<i32>} : memref<32x128xf32, #tpu.memory_space<vmem>>, vector<1x16xf32>,
    %get3A_1729 = vector.shape_cast %get3A_1728 : vector<1x16xf32> to vector<16xf32>
    %get3A_1730 = arith.constant 11 : i32
    %get3A_1731 = arith.index_cast %get3A_1730 : i32 to index
    %get3A_1732 = arith.constant 16 : index
    %get3A_1733 = tpu.vector_load %arg10[%get3A_1731, %get3A_1732] {strides = array<i32>} : memref<32x128xf32, #tpu.memory_space<vmem>>, vector<1x16xf32>,
    %get3A_1734 = vector.shape_cast %get3A_1733 : vector<1x16xf32> to vector<16xf32>
    %get3A_1735 = arith.constant 11 : i32
    %get3A_1736 = arith.index_cast %get3A_1735 : i32 to index
    %get3A_1737 = arith.constant 80 : index
    %get3A_1738 = tpu.vector_load %arg10[%get3A_1736, %get3A_1737] {strides = array<i32>} : memref<32x128xf32, #tpu.memory_space<vmem>>, vector<1x16xf32>,
    %get3A_1739 = vector.shape_cast %get3A_1738 : vector<1x16xf32> to vector<16xf32>
    %mul3A_1740 = arith.mulf %get3A_1724, %get3A_1734 : vector<16xf32>
    %mul3A_1741 = arith.mulf %get3A_1729, %get3A_1739 : vector<16xf32>
    %sub3A_1742 = arith.subf %mul3A_1740, %mul3A_1741 : vector<16xf32>
    %swap3A_1743 = arith.constant 11 : i32
    %swap3A_1744 = arith.index_cast %swap3A_1743 : i32 to index
    %swap3A_1745 = arith.constant 16 : index
    %swap3A_1746 = tpu.vector_load %arg9[%swap3A_1744, %swap3A_1745] {strides = array<i32>} : memref<32x128xf32, #tpu.memory_space<vmem>>, vector<1x16xf32>,
    %swap3A_1747 = vector.shape_cast %swap3A_1746 : vector<1x16xf32> to vector<16xf32>
    %swap3A_1748 = vector.shape_cast %sub3A_1742 : vector<16xf32> to vector<1x16xf32>
    tpu.vector_store %arg9[%swap3A_1744, %swap3A_1745], %swap3A_1748 {strides = array<i32>} : memref<32x128xf32, #tpu.memory_space<vmem>>, vector<1x16xf32>,
    %mul3A_1749 = arith.mulf %get3A_1724, %get3A_1739 : vector<16xf32>
    %mul3A_1750 = arith.mulf %get3A_1729, %get3A_1734 : vector<16xf32>
    %add3A_1751 = arith.addf %mul3A_1749, %mul3A_1750 : vector<16xf32>
    %swap3A_1752 = arith.constant 11 : i32
    %swap3A_1753 = arith.index_cast %swap3A_1752 : i32 to index
    %swap3A_1754 = arith.constant 80 : index
    %swap3A_1755 = tpu.vector_load %arg9[%swap3A_1753, %swap3A_1754] {strides = array<i32>} : memref<32x128xf32, #tpu.memory_space<vmem>>, vector<1x16xf32>,
    %swap3A_1756 = vector.shape_cast %swap3A_1755 : vector<1x16xf32> to vector<16xf32>
    %swap3A_1757 = vector.shape_cast %add3A_1751 : vector<16xf32> to vector<1x16xf32>
    tpu.vector_store %arg9[%swap3A_1753, %swap3A_1754], %swap3A_1757 {strides = array<i32>} : memref<32x128xf32, #tpu.memory_space<vmem>>, vector<1x16xf32>,
    %get3A_1758 = arith.constant 11 : i32
    %get3A_1759 = arith.index_cast %get3A_1758 : i32 to index
    %get3A_1760 = arith.constant 32 : index
    %get3A_1761 = tpu.vector_load %arg9[%get3A_1759, %get3A_1760] {strides = array<i32>} : memref<32x128xf32, #tpu.memory_space<vmem>>, vector<1x16xf32>,
    %get3A_1762 = vector.shape_cast %get3A_1761 : vector<1x16xf32> to vector<16xf32>
    %get3A_1763 = arith.constant 11 : i32
    %get3A_1764 = arith.index_cast %get3A_1763 : i32 to index
    %get3A_1765 = arith.constant 96 : index
    %get3A_1766 = tpu.vector_load %arg9[%get3A_1764, %get3A_1765] {strides = array<i32>} : memref<32x128xf32, #tpu.memory_space<vmem>>, vector<1x16xf32>,
    %get3A_1767 = vector.shape_cast %get3A_1766 : vector<1x16xf32> to vector<16xf32>
    %get3A_1768 = arith.constant 11 : i32
    %get3A_1769 = arith.index_cast %get3A_1768 : i32 to index
    %get3A_1770 = arith.constant 32 : index
    %get3A_1771 = tpu.vector_load %arg10[%get3A_1769, %get3A_1770] {strides = array<i32>} : memref<32x128xf32, #tpu.memory_space<vmem>>, vector<1x16xf32>,
    %get3A_1772 = vector.shape_cast %get3A_1771 : vector<1x16xf32> to vector<16xf32>
    %get3A_1773 = arith.constant 11 : i32
    %get3A_1774 = arith.index_cast %get3A_1773 : i32 to index
    %get3A_1775 = arith.constant 96 : index
    %get3A_1776 = tpu.vector_load %arg10[%get3A_1774, %get3A_1775] {strides = array<i32>} : memref<32x128xf32, #tpu.memory_space<vmem>>, vector<1x16xf32>,
    %get3A_1777 = vector.shape_cast %get3A_1776 : vector<1x16xf32> to vector<16xf32>
    %mul3A_1778 = arith.mulf %get3A_1762, %get3A_1772 : vector<16xf32>
    %mul3A_1779 = arith.mulf %get3A_1767, %get3A_1777 : vector<16xf32>
    %sub3A_1780 = arith.subf %mul3A_1778, %mul3A_1779 : vector<16xf32>
    %swap3A_1781 = arith.constant 11 : i32
    %swap3A_1782 = arith.index_cast %swap3A_1781 : i32 to index
    %swap3A_1783 = arith.constant 32 : index
    %swap3A_1784 = tpu.vector_load %arg9[%swap3A_1782, %swap3A_1783] {strides = array<i32>} : memref<32x128xf32, #tpu.memory_space<vmem>>, vector<1x16xf32>,
    %swap3A_1785 = vector.shape_cast %swap3A_1784 : vector<1x16xf32> to vector<16xf32>
    %swap3A_1786 = vector.shape_cast %sub3A_1780 : vector<16xf32> to vector<1x16xf32>
    tpu.vector_store %arg9[%swap3A_1782, %swap3A_1783], %swap3A_1786 {strides = array<i32>} : memref<32x128xf32, #tpu.memory_space<vmem>>, vector<1x16xf32>,
    %mul3A_1787 = arith.mulf %get3A_1762, %get3A_1777 : vector<16xf32>
    %mul3A_1788 = arith.mulf %get3A_1767, %get3A_1772 : vector<16xf32>
    %add3A_1789 = arith.addf %mul3A_1787, %mul3A_1788 : vector<16xf32>
    %swap3A_1790 = arith.constant 11 : i32
    %swap3A_1791 = arith.index_cast %swap3A_1790 : i32 to index
    %swap3A_1792 = arith.constant 96 : index
    %swap3A_1793 = tpu.vector_load %arg9[%swap3A_1791, %swap3A_1792] {strides = array<i32>} : memref<32x128xf32, #tpu.memory_space<vmem>>, vector<1x16xf32>,
    %swap3A_1794 = vector.shape_cast %swap3A_1793 : vector<1x16xf32> to vector<16xf32>
    %swap3A_1795 = vector.shape_cast %add3A_1789 : vector<16xf32> to vector<1x16xf32>
    tpu.vector_store %arg9[%swap3A_1791, %swap3A_1792], %swap3A_1795 {strides = array<i32>} : memref<32x128xf32, #tpu.memory_space<vmem>>, vector<1x16xf32>,
    %get3A_1796 = arith.constant 11 : i32
    %get3A_1797 = arith.index_cast %get3A_1796 : i32 to index
    %get3A_1798 = arith.constant 48 : index
    %get3A_1799 = tpu.vector_load %arg9[%get3A_1797, %get3A_1798] {strides = array<i32>} : memref<32x128xf32, #tpu.memory_space<vmem>>, vector<1x16xf32>,
    %get3A_1800 = vector.shape_cast %get3A_1799 : vector<1x16xf32> to vector<16xf32>
    %get3A_1801 = arith.constant 11 : i32
    %get3A_1802 = arith.index_cast %get3A_1801 : i32 to index
    %get3A_1803 = arith.constant 112 : index
    %get3A_1804 = tpu.vector_load %arg9[%get3A_1802, %get3A_1803] {strides = array<i32>} : memref<32x128xf32, #tpu.memory_space<vmem>>, vector<1x16xf32>,
    %get3A_1805 = vector.shape_cast %get3A_1804 : vector<1x16xf32> to vector<16xf32>
    %get3A_1806 = arith.constant 11 : i32
    %get3A_1807 = arith.index_cast %get3A_1806 : i32 to index
    %get3A_1808 = arith.constant 48 : index
    %get3A_1809 = tpu.vector_load %arg10[%get3A_1807, %get3A_1808] {strides = array<i32>} : memref<32x128xf32, #tpu.memory_space<vmem>>, vector<1x16xf32>,
    %get3A_1810 = vector.shape_cast %get3A_1809 : vector<1x16xf32> to vector<16xf32>
    %get3A_1811 = arith.constant 11 : i32
    %get3A_1812 = arith.index_cast %get3A_1811 : i32 to index
    %get3A_1813 = arith.constant 112 : index
    %get3A_1814 = tpu.vector_load %arg10[%get3A_1812, %get3A_1813] {strides = array<i32>} : memref<32x128xf32, #tpu.memory_space<vmem>>, vector<1x16xf32>,
    %get3A_1815 = vector.shape_cast %get3A_1814 : vector<1x16xf32> to vector<16xf32>
    %mul3A_1816 = arith.mulf %get3A_1800, %get3A_1810 : vector<16xf32>
    %mul3A_1817 = arith.mulf %get3A_1805, %get3A_1815 : vector<16xf32>
    %sub3A_1818 = arith.subf %mul3A_1816, %mul3A_1817 : vector<16xf32>
    %swap3A_1819 = arith.constant 11 : i32
    %swap3A_1820 = arith.index_cast %swap3A_1819 : i32 to index
    %swap3A_1821 = arith.constant 48 : index
    %swap3A_1822 = tpu.vector_load %arg9[%swap3A_1820, %swap3A_1821] {strides = array<i32>} : memref<32x128xf32, #tpu.memory_space<vmem>>, vector<1x16xf32>,
    %swap3A_1823 = vector.shape_cast %swap3A_1822 : vector<1x16xf32> to vector<16xf32>
    %swap3A_1824 = vector.shape_cast %sub3A_1818 : vector<16xf32> to vector<1x16xf32>
    tpu.vector_store %arg9[%swap3A_1820, %swap3A_1821], %swap3A_1824 {strides = array<i32>} : memref<32x128xf32, #tpu.memory_space<vmem>>, vector<1x16xf32>,
    %mul3A_1825 = arith.mulf %get3A_1800, %get3A_1815 : vector<16xf32>
    %mul3A_1826 = arith.mulf %get3A_1805, %get3A_1810 : vector<16xf32>
    %add3A_1827 = arith.addf %mul3A_1825, %mul3A_1826 : vector<16xf32>
    %swap3A_1828 = arith.constant 11 : i32
    %swap3A_1829 = arith.index_cast %swap3A_1828 : i32 to index
    %swap3A_1830 = arith.constant 112 : index
    %swap3A_1831 = tpu.vector_load %arg9[%swap3A_1829, %swap3A_1830] {strides = array<i32>} : memref<32x128xf32, #tpu.memory_space<vmem>>, vector<1x16xf32>,
    %swap3A_1832 = vector.shape_cast %swap3A_1831 : vector<1x16xf32> to vector<16xf32>
    %swap3A_1833 = vector.shape_cast %add3A_1827 : vector<16xf32> to vector<1x16xf32>
    tpu.vector_store %arg9[%swap3A_1829, %swap3A_1830], %swap3A_1833 {strides = array<i32>} : memref<32x128xf32, #tpu.memory_space<vmem>>, vector<1x16xf32>,
    %get3A_1834 = arith.constant 12 : i32
    %get3A_1835 = arith.index_cast %get3A_1834 : i32 to index
    %get3A_1836 = arith.constant 0 : index
    %get3A_1837 = tpu.vector_load %arg9[%get3A_1835, %get3A_1836] {strides = array<i32>} : memref<32x128xf32, #tpu.memory_space<vmem>>, vector<1x16xf32>,
    %get3A_1838 = vector.shape_cast %get3A_1837 : vector<1x16xf32> to vector<16xf32>
    %get3A_1839 = arith.constant 12 : i32
    %get3A_1840 = arith.index_cast %get3A_1839 : i32 to index
    %get3A_1841 = arith.constant 64 : index
    %get3A_1842 = tpu.vector_load %arg9[%get3A_1840, %get3A_1841] {strides = array<i32>} : memref<32x128xf32, #tpu.memory_space<vmem>>, vector<1x16xf32>,
    %get3A_1843 = vector.shape_cast %get3A_1842 : vector<1x16xf32> to vector<16xf32>
    %get3A_1844 = arith.constant 12 : i32
    %get3A_1845 = arith.index_cast %get3A_1844 : i32 to index
    %get3A_1846 = arith.constant 0 : index
    %get3A_1847 = tpu.vector_load %arg10[%get3A_1845, %get3A_1846] {strides = array<i32>} : memref<32x128xf32, #tpu.memory_space<vmem>>, vector<1x16xf32>,
    %get3A_1848 = vector.shape_cast %get3A_1847 : vector<1x16xf32> to vector<16xf32>
    %get3A_1849 = arith.constant 12 : i32
    %get3A_1850 = arith.index_cast %get3A_1849 : i32 to index
    %get3A_1851 = arith.constant 64 : index
    %get3A_1852 = tpu.vector_load %arg10[%get3A_1850, %get3A_1851] {strides = array<i32>} : memref<32x128xf32, #tpu.memory_space<vmem>>, vector<1x16xf32>,
    %get3A_1853 = vector.shape_cast %get3A_1852 : vector<1x16xf32> to vector<16xf32>
    %mul3A_1854 = arith.mulf %get3A_1838, %get3A_1848 : vector<16xf32>
    %mul3A_1855 = arith.mulf %get3A_1843, %get3A_1853 : vector<16xf32>
    %sub3A_1856 = arith.subf %mul3A_1854, %mul3A_1855 : vector<16xf32>
    %swap3A_1857 = arith.constant 12 : i32
    %swap3A_1858 = arith.index_cast %swap3A_1857 : i32 to index
    %swap3A_1859 = arith.constant 0 : index
    %swap3A_1860 = tpu.vector_load %arg9[%swap3A_1858, %swap3A_1859] {strides = array<i32>} : memref<32x128xf32, #tpu.memory_space<vmem>>, vector<1x16xf32>,
    %swap3A_1861 = vector.shape_cast %swap3A_1860 : vector<1x16xf32> to vector<16xf32>
    %swap3A_1862 = vector.shape_cast %sub3A_1856 : vector<16xf32> to vector<1x16xf32>
    tpu.vector_store %arg9[%swap3A_1858, %swap3A_1859], %swap3A_1862 {strides = array<i32>} : memref<32x128xf32, #tpu.memory_space<vmem>>, vector<1x16xf32>,
    %mul3A_1863 = arith.mulf %get3A_1838, %get3A_1853 : vector<16xf32>
    %mul3A_1864 = arith.mulf %get3A_1843, %get3A_1848 : vector<16xf32>
    %add3A_1865 = arith.addf %mul3A_1863, %mul3A_1864 : vector<16xf32>
    %swap3A_1866 = arith.constant 12 : i32
    %swap3A_1867 = arith.index_cast %swap3A_1866 : i32 to index
    %swap3A_1868 = arith.constant 64 : index
    %swap3A_1869 = tpu.vector_load %arg9[%swap3A_1867, %swap3A_1868] {strides = array<i32>} : memref<32x128xf32, #tpu.memory_space<vmem>>, vector<1x16xf32>,
    %swap3A_1870 = vector.shape_cast %swap3A_1869 : vector<1x16xf32> to vector<16xf32>
    %swap3A_1871 = vector.shape_cast %add3A_1865 : vector<16xf32> to vector<1x16xf32>
    tpu.vector_store %arg9[%swap3A_1867, %swap3A_1868], %swap3A_1871 {strides = array<i32>} : memref<32x128xf32, #tpu.memory_space<vmem>>, vector<1x16xf32>,
    %get3A_1872 = arith.constant 12 : i32
    %get3A_1873 = arith.index_cast %get3A_1872 : i32 to index
    %get3A_1874 = arith.constant 16 : index
    %get3A_1875 = tpu.vector_load %arg9[%get3A_1873, %get3A_1874] {strides = array<i32>} : memref<32x128xf32, #tpu.memory_space<vmem>>, vector<1x16xf32>,
    %get3A_1876 = vector.shape_cast %get3A_1875 : vector<1x16xf32> to vector<16xf32>
    %get3A_1877 = arith.constant 12 : i32
    %get3A_1878 = arith.index_cast %get3A_1877 : i32 to index
    %get3A_1879 = arith.constant 80 : index
    %get3A_1880 = tpu.vector_load %arg9[%get3A_1878, %get3A_1879] {strides = array<i32>} : memref<32x128xf32, #tpu.memory_space<vmem>>, vector<1x16xf32>,
    %get3A_1881 = vector.shape_cast %get3A_1880 : vector<1x16xf32> to vector<16xf32>
    %get3A_1882 = arith.constant 12 : i32
    %get3A_1883 = arith.index_cast %get3A_1882 : i32 to index
    %get3A_1884 = arith.constant 16 : index
    %get3A_1885 = tpu.vector_load %arg10[%get3A_1883, %get3A_1884] {strides = array<i32>} : memref<32x128xf32, #tpu.memory_space<vmem>>, vector<1x16xf32>,
    %get3A_1886 = vector.shape_cast %get3A_1885 : vector<1x16xf32> to vector<16xf32>
    %get3A_1887 = arith.constant 12 : i32
    %get3A_1888 = arith.index_cast %get3A_1887 : i32 to index
    %get3A_1889 = arith.constant 80 : index
    %get3A_1890 = tpu.vector_load %arg10[%get3A_1888, %get3A_1889] {strides = array<i32>} : memref<32x128xf32, #tpu.memory_space<vmem>>, vector<1x16xf32>,
    %get3A_1891 = vector.shape_cast %get3A_1890 : vector<1x16xf32> to vector<16xf32>
    %mul3A_1892 = arith.mulf %get3A_1876, %get3A_1886 : vector<16xf32>
    %mul3A_1893 = arith.mulf %get3A_1881, %get3A_1891 : vector<16xf32>
    %sub3A_1894 = arith.subf %mul3A_1892, %mul3A_1893 : vector<16xf32>
    %swap3A_1895 = arith.constant 12 : i32
    %swap3A_1896 = arith.index_cast %swap3A_1895 : i32 to index
    %swap3A_1897 = arith.constant 16 : index
    %swap3A_1898 = tpu.vector_load %arg9[%swap3A_1896, %swap3A_1897] {strides = array<i32>} : memref<32x128xf32, #tpu.memory_space<vmem>>, vector<1x16xf32>,
    %swap3A_1899 = vector.shape_cast %swap3A_1898 : vector<1x16xf32> to vector<16xf32>
    %swap3A_1900 = vector.shape_cast %sub3A_1894 : vector<16xf32> to vector<1x16xf32>
    tpu.vector_store %arg9[%swap3A_1896, %swap3A_1897], %swap3A_1900 {strides = array<i32>} : memref<32x128xf32, #tpu.memory_space<vmem>>, vector<1x16xf32>,
    %mul3A_1901 = arith.mulf %get3A_1876, %get3A_1891 : vector<16xf32>
    %mul3A_1902 = arith.mulf %get3A_1881, %get3A_1886 : vector<16xf32>
    %add3A_1903 = arith.addf %mul3A_1901, %mul3A_1902 : vector<16xf32>
    %swap3A_1904 = arith.constant 12 : i32
    %swap3A_1905 = arith.index_cast %swap3A_1904 : i32 to index
    %swap3A_1906 = arith.constant 80 : index
    %swap3A_1907 = tpu.vector_load %arg9[%swap3A_1905, %swap3A_1906] {strides = array<i32>} : memref<32x128xf32, #tpu.memory_space<vmem>>, vector<1x16xf32>,
    %swap3A_1908 = vector.shape_cast %swap3A_1907 : vector<1x16xf32> to vector<16xf32>
    %swap3A_1909 = vector.shape_cast %add3A_1903 : vector<16xf32> to vector<1x16xf32>
    tpu.vector_store %arg9[%swap3A_1905, %swap3A_1906], %swap3A_1909 {strides = array<i32>} : memref<32x128xf32, #tpu.memory_space<vmem>>, vector<1x16xf32>,
    %get3A_1910 = arith.constant 12 : i32
    %get3A_1911 = arith.index_cast %get3A_1910 : i32 to index
    %get3A_1912 = arith.constant 32 : index
    %get3A_1913 = tpu.vector_load %arg9[%get3A_1911, %get3A_1912] {strides = array<i32>} : memref<32x128xf32, #tpu.memory_space<vmem>>, vector<1x16xf32>,
    %get3A_1914 = vector.shape_cast %get3A_1913 : vector<1x16xf32> to vector<16xf32>
    %get3A_1915 = arith.constant 12 : i32
    %get3A_1916 = arith.index_cast %get3A_1915 : i32 to index
    %get3A_1917 = arith.constant 96 : index
    %get3A_1918 = tpu.vector_load %arg9[%get3A_1916, %get3A_1917] {strides = array<i32>} : memref<32x128xf32, #tpu.memory_space<vmem>>, vector<1x16xf32>,
    %get3A_1919 = vector.shape_cast %get3A_1918 : vector<1x16xf32> to vector<16xf32>
    %get3A_1920 = arith.constant 12 : i32
    %get3A_1921 = arith.index_cast %get3A_1920 : i32 to index
    %get3A_1922 = arith.constant 32 : index
    %get3A_1923 = tpu.vector_load %arg10[%get3A_1921, %get3A_1922] {strides = array<i32>} : memref<32x128xf32, #tpu.memory_space<vmem>>, vector<1x16xf32>,
    %get3A_1924 = vector.shape_cast %get3A_1923 : vector<1x16xf32> to vector<16xf32>
    %get3A_1925 = arith.constant 12 : i32
    %get3A_1926 = arith.index_cast %get3A_1925 : i32 to index
    %get3A_1927 = arith.constant 96 : index
    %get3A_1928 = tpu.vector_load %arg10[%get3A_1926, %get3A_1927] {strides = array<i32>} : memref<32x128xf32, #tpu.memory_space<vmem>>, vector<1x16xf32>,
    %get3A_1929 = vector.shape_cast %get3A_1928 : vector<1x16xf32> to vector<16xf32>
    %mul3A_1930 = arith.mulf %get3A_1914, %get3A_1924 : vector<16xf32>
    %mul3A_1931 = arith.mulf %get3A_1919, %get3A_1929 : vector<16xf32>
    %sub3A_1932 = arith.subf %mul3A_1930, %mul3A_1931 : vector<16xf32>
    %swap3A_1933 = arith.constant 12 : i32
    %swap3A_1934 = arith.index_cast %swap3A_1933 : i32 to index
    %swap3A_1935 = arith.constant 32 : index
    %swap3A_1936 = tpu.vector_load %arg9[%swap3A_1934, %swap3A_1935] {strides = array<i32>} : memref<32x128xf32, #tpu.memory_space<vmem>>, vector<1x16xf32>,
    %swap3A_1937 = vector.shape_cast %swap3A_1936 : vector<1x16xf32> to vector<16xf32>
    %swap3A_1938 = vector.shape_cast %sub3A_1932 : vector<16xf32> to vector<1x16xf32>
    tpu.vector_store %arg9[%swap3A_1934, %swap3A_1935], %swap3A_1938 {strides = array<i32>} : memref<32x128xf32, #tpu.memory_space<vmem>>, vector<1x16xf32>,
    %mul3A_1939 = arith.mulf %get3A_1914, %get3A_1929 : vector<16xf32>
    %mul3A_1940 = arith.mulf %get3A_1919, %get3A_1924 : vector<16xf32>
    %add3A_1941 = arith.addf %mul3A_1939, %mul3A_1940 : vector<16xf32>
    %swap3A_1942 = arith.constant 12 : i32
    %swap3A_1943 = arith.index_cast %swap3A_1942 : i32 to index
    %swap3A_1944 = arith.constant 96 : index
    %swap3A_1945 = tpu.vector_load %arg9[%swap3A_1943, %swap3A_1944] {strides = array<i32>} : memref<32x128xf32, #tpu.memory_space<vmem>>, vector<1x16xf32>,
    %swap3A_1946 = vector.shape_cast %swap3A_1945 : vector<1x16xf32> to vector<16xf32>
    %swap3A_1947 = vector.shape_cast %add3A_1941 : vector<16xf32> to vector<1x16xf32>
    tpu.vector_store %arg9[%swap3A_1943, %swap3A_1944], %swap3A_1947 {strides = array<i32>} : memref<32x128xf32, #tpu.memory_space<vmem>>, vector<1x16xf32>,
    %get3A_1948 = arith.constant 12 : i32
    %get3A_1949 = arith.index_cast %get3A_1948 : i32 to index
    %get3A_1950 = arith.constant 48 : index
    %get3A_1951 = tpu.vector_load %arg9[%get3A_1949, %get3A_1950] {strides = array<i32>} : memref<32x128xf32, #tpu.memory_space<vmem>>, vector<1x16xf32>,
    %get3A_1952 = vector.shape_cast %get3A_1951 : vector<1x16xf32> to vector<16xf32>
    %get3A_1953 = arith.constant 12 : i32
    %get3A_1954 = arith.index_cast %get3A_1953 : i32 to index
    %get3A_1955 = arith.constant 112 : index
    %get3A_1956 = tpu.vector_load %arg9[%get3A_1954, %get3A_1955] {strides = array<i32>} : memref<32x128xf32, #tpu.memory_space<vmem>>, vector<1x16xf32>,
    %get3A_1957 = vector.shape_cast %get3A_1956 : vector<1x16xf32> to vector<16xf32>
    %get3A_1958 = arith.constant 12 : i32
    %get3A_1959 = arith.index_cast %get3A_1958 : i32 to index
    %get3A_1960 = arith.constant 48 : index
    %get3A_1961 = tpu.vector_load %arg10[%get3A_1959, %get3A_1960] {strides = array<i32>} : memref<32x128xf32, #tpu.memory_space<vmem>>, vector<1x16xf32>,
    %get3A_1962 = vector.shape_cast %get3A_1961 : vector<1x16xf32> to vector<16xf32>
    %get3A_1963 = arith.constant 12 : i32
    %get3A_1964 = arith.index_cast %get3A_1963 : i32 to index
    %get3A_1965 = arith.constant 112 : index
    %get3A_1966 = tpu.vector_load %arg10[%get3A_1964, %get3A_1965] {strides = array<i32>} : memref<32x128xf32, #tpu.memory_space<vmem>>, vector<1x16xf32>,
    %get3A_1967 = vector.shape_cast %get3A_1966 : vector<1x16xf32> to vector<16xf32>
    %mul3A_1968 = arith.mulf %get3A_1952, %get3A_1962 : vector<16xf32>
    %mul3A_1969 = arith.mulf %get3A_1957, %get3A_1967 : vector<16xf32>
    %sub3A_1970 = arith.subf %mul3A_1968, %mul3A_1969 : vector<16xf32>
    %swap3A_1971 = arith.constant 12 : i32
    %swap3A_1972 = arith.index_cast %swap3A_1971 : i32 to index
    %swap3A_1973 = arith.constant 48 : index
    %swap3A_1974 = tpu.vector_load %arg9[%swap3A_1972, %swap3A_1973] {strides = array<i32>} : memref<32x128xf32, #tpu.memory_space<vmem>>, vector<1x16xf32>,
    %swap3A_1975 = vector.shape_cast %swap3A_1974 : vector<1x16xf32> to vector<16xf32>
    %swap3A_1976 = vector.shape_cast %sub3A_1970 : vector<16xf32> to vector<1x16xf32>
    tpu.vector_store %arg9[%swap3A_1972, %swap3A_1973], %swap3A_1976 {strides = array<i32>} : memref<32x128xf32, #tpu.memory_space<vmem>>, vector<1x16xf32>,
    %mul3A_1977 = arith.mulf %get3A_1952, %get3A_1967 : vector<16xf32>
    %mul3A_1978 = arith.mulf %get3A_1957, %get3A_1962 : vector<16xf32>
    %add3A_1979 = arith.addf %mul3A_1977, %mul3A_1978 : vector<16xf32>
    %swap3A_1980 = arith.constant 12 : i32
    %swap3A_1981 = arith.index_cast %swap3A_1980 : i32 to index
    %swap3A_1982 = arith.constant 112 : index
    %swap3A_1983 = tpu.vector_load %arg9[%swap3A_1981, %swap3A_1982] {strides = array<i32>} : memref<32x128xf32, #tpu.memory_space<vmem>>, vector<1x16xf32>,
    %swap3A_1984 = vector.shape_cast %swap3A_1983 : vector<1x16xf32> to vector<16xf32>
    %swap3A_1985 = vector.shape_cast %add3A_1979 : vector<16xf32> to vector<1x16xf32>
    tpu.vector_store %arg9[%swap3A_1981, %swap3A_1982], %swap3A_1985 {strides = array<i32>} : memref<32x128xf32, #tpu.memory_space<vmem>>, vector<1x16xf32>,
    %get3A_1986 = arith.constant 13 : i32
    %get3A_1987 = arith.index_cast %get3A_1986 : i32 to index
    %get3A_1988 = arith.constant 0 : index
    %get3A_1989 = tpu.vector_load %arg9[%get3A_1987, %get3A_1988] {strides = array<i32>} : memref<32x128xf32, #tpu.memory_space<vmem>>, vector<1x16xf32>,
    %get3A_1990 = vector.shape_cast %get3A_1989 : vector<1x16xf32> to vector<16xf32>
    %get3A_1991 = arith.constant 13 : i32
    %get3A_1992 = arith.index_cast %get3A_1991 : i32 to index
    %get3A_1993 = arith.constant 64 : index
    %get3A_1994 = tpu.vector_load %arg9[%get3A_1992, %get3A_1993] {strides = array<i32>} : memref<32x128xf32, #tpu.memory_space<vmem>>, vector<1x16xf32>,
    %get3A_1995 = vector.shape_cast %get3A_1994 : vector<1x16xf32> to vector<16xf32>
    %get3A_1996 = arith.constant 13 : i32
    %get3A_1997 = arith.index_cast %get3A_1996 : i32 to index
    %get3A_1998 = arith.constant 0 : index
    %get3A_1999 = tpu.vector_load %arg10[%get3A_1997, %get3A_1998] {strides = array<i32>} : memref<32x128xf32, #tpu.memory_space<vmem>>, vector<1x16xf32>,
    %get3A_2000 = vector.shape_cast %get3A_1999 : vector<1x16xf32> to vector<16xf32>
    %get3A_2001 = arith.constant 13 : i32
    %get3A_2002 = arith.index_cast %get3A_2001 : i32 to index
    %get3A_2003 = arith.constant 64 : index
    %get3A_2004 = tpu.vector_load %arg10[%get3A_2002, %get3A_2003] {strides = array<i32>} : memref<32x128xf32, #tpu.memory_space<vmem>>, vector<1x16xf32>,
    %get3A_2005 = vector.shape_cast %get3A_2004 : vector<1x16xf32> to vector<16xf32>
    %mul3A_2006 = arith.mulf %get3A_1990, %get3A_2000 : vector<16xf32>
    %mul3A_2007 = arith.mulf %get3A_1995, %get3A_2005 : vector<16xf32>
    %sub3A_2008 = arith.subf %mul3A_2006, %mul3A_2007 : vector<16xf32>
    %swap3A_2009 = arith.constant 13 : i32
    %swap3A_2010 = arith.index_cast %swap3A_2009 : i32 to index
    %swap3A_2011 = arith.constant 0 : index
    %swap3A_2012 = tpu.vector_load %arg9[%swap3A_2010, %swap3A_2011] {strides = array<i32>} : memref<32x128xf32, #tpu.memory_space<vmem>>, vector<1x16xf32>,
    %swap3A_2013 = vector.shape_cast %swap3A_2012 : vector<1x16xf32> to vector<16xf32>
    %swap3A_2014 = vector.shape_cast %sub3A_2008 : vector<16xf32> to vector<1x16xf32>
    tpu.vector_store %arg9[%swap3A_2010, %swap3A_2011], %swap3A_2014 {strides = array<i32>} : memref<32x128xf32, #tpu.memory_space<vmem>>, vector<1x16xf32>,
    %mul3A_2015 = arith.mulf %get3A_1990, %get3A_2005 : vector<16xf32>
    %mul3A_2016 = arith.mulf %get3A_1995, %get3A_2000 : vector<16xf32>
    %add3A_2017 = arith.addf %mul3A_2015, %mul3A_2016 : vector<16xf32>
    %swap3A_2018 = arith.constant 13 : i32
    %swap3A_2019 = arith.index_cast %swap3A_2018 : i32 to index
    %swap3A_2020 = arith.constant 64 : index
    %swap3A_2021 = tpu.vector_load %arg9[%swap3A_2019, %swap3A_2020] {strides = array<i32>} : memref<32x128xf32, #tpu.memory_space<vmem>>, vector<1x16xf32>,
    %swap3A_2022 = vector.shape_cast %swap3A_2021 : vector<1x16xf32> to vector<16xf32>
    %swap3A_2023 = vector.shape_cast %add3A_2017 : vector<16xf32> to vector<1x16xf32>
    tpu.vector_store %arg9[%swap3A_2019, %swap3A_2020], %swap3A_2023 {strides = array<i32>} : memref<32x128xf32, #tpu.memory_space<vmem>>, vector<1x16xf32>,
    %get3A_2024 = arith.constant 13 : i32
    %get3A_2025 = arith.index_cast %get3A_2024 : i32 to index
    %get3A_2026 = arith.constant 16 : index
    %get3A_2027 = tpu.vector_load %arg9[%get3A_2025, %get3A_2026] {strides = array<i32>} : memref<32x128xf32, #tpu.memory_space<vmem>>, vector<1x16xf32>,
    %get3A_2028 = vector.shape_cast %get3A_2027 : vector<1x16xf32> to vector<16xf32>
    %get3A_2029 = arith.constant 13 : i32
    %get3A_2030 = arith.index_cast %get3A_2029 : i32 to index
    %get3A_2031 = arith.constant 80 : index
    %get3A_2032 = tpu.vector_load %arg9[%get3A_2030, %get3A_2031] {strides = array<i32>} : memref<32x128xf32, #tpu.memory_space<vmem>>, vector<1x16xf32>,
    %get3A_2033 = vector.shape_cast %get3A_2032 : vector<1x16xf32> to vector<16xf32>
    %get3A_2034 = arith.constant 13 : i32
    %get3A_2035 = arith.index_cast %get3A_2034 : i32 to index
    %get3A_2036 = arith.constant 16 : index
    %get3A_2037 = tpu.vector_load %arg10[%get3A_2035, %get3A_2036] {strides = array<i32>} : memref<32x128xf32, #tpu.memory_space<vmem>>, vector<1x16xf32>,
    %get3A_2038 = vector.shape_cast %get3A_2037 : vector<1x16xf32> to vector<16xf32>
    %get3A_2039 = arith.constant 13 : i32
    %get3A_2040 = arith.index_cast %get3A_2039 : i32 to index
    %get3A_2041 = arith.constant 80 : index
    %get3A_2042 = tpu.vector_load %arg10[%get3A_2040, %get3A_2041] {strides = array<i32>} : memref<32x128xf32, #tpu.memory_space<vmem>>, vector<1x16xf32>,
    %get3A_2043 = vector.shape_cast %get3A_2042 : vector<1x16xf32> to vector<16xf32>
    %mul3A_2044 = arith.mulf %get3A_2028, %get3A_2038 : vector<16xf32>
    %mul3A_2045 = arith.mulf %get3A_2033, %get3A_2043 : vector<16xf32>
    %sub3A_2046 = arith.subf %mul3A_2044, %mul3A_2045 : vector<16xf32>
    %swap3A_2047 = arith.constant 13 : i32
    %swap3A_2048 = arith.index_cast %swap3A_2047 : i32 to index
    %swap3A_2049 = arith.constant 16 : index
    %swap3A_2050 = tpu.vector_load %arg9[%swap3A_2048, %swap3A_2049] {strides = array<i32>} : memref<32x128xf32, #tpu.memory_space<vmem>>, vector<1x16xf32>,
    %swap3A_2051 = vector.shape_cast %swap3A_2050 : vector<1x16xf32> to vector<16xf32>
    %swap3A_2052 = vector.shape_cast %sub3A_2046 : vector<16xf32> to vector<1x16xf32>
    tpu.vector_store %arg9[%swap3A_2048, %swap3A_2049], %swap3A_2052 {strides = array<i32>} : memref<32x128xf32, #tpu.memory_space<vmem>>, vector<1x16xf32>,
    %mul3A_2053 = arith.mulf %get3A_2028, %get3A_2043 : vector<16xf32>
    %mul3A_2054 = arith.mulf %get3A_2033, %get3A_2038 : vector<16xf32>
    %add3A_2055 = arith.addf %mul3A_2053, %mul3A_2054 : vector<16xf32>
    %swap3A_2056 = arith.constant 13 : i32
    %swap3A_2057 = arith.index_cast %swap3A_2056 : i32 to index
    %swap3A_2058 = arith.constant 80 : index
    %swap3A_2059 = tpu.vector_load %arg9[%swap3A_2057, %swap3A_2058] {strides = array<i32>} : memref<32x128xf32, #tpu.memory_space<vmem>>, vector<1x16xf32>,
    %swap3A_2060 = vector.shape_cast %swap3A_2059 : vector<1x16xf32> to vector<16xf32>
    %swap3A_2061 = vector.shape_cast %add3A_2055 : vector<16xf32> to vector<1x16xf32>
    tpu.vector_store %arg9[%swap3A_2057, %swap3A_2058], %swap3A_2061 {strides = array<i32>} : memref<32x128xf32, #tpu.memory_space<vmem>>, vector<1x16xf32>,
    %get3A_2062 = arith.constant 13 : i32
    %get3A_2063 = arith.index_cast %get3A_2062 : i32 to index
    %get3A_2064 = arith.constant 32 : index
    %get3A_2065 = tpu.vector_load %arg9[%get3A_2063, %get3A_2064] {strides = array<i32>} : memref<32x128xf32, #tpu.memory_space<vmem>>, vector<1x16xf32>,
    %get3A_2066 = vector.shape_cast %get3A_2065 : vector<1x16xf32> to vector<16xf32>
    %get3A_2067 = arith.constant 13 : i32
    %get3A_2068 = arith.index_cast %get3A_2067 : i32 to index
    %get3A_2069 = arith.constant 96 : index
    %get3A_2070 = tpu.vector_load %arg9[%get3A_2068, %get3A_2069] {strides = array<i32>} : memref<32x128xf32, #tpu.memory_space<vmem>>, vector<1x16xf32>,
    %get3A_2071 = vector.shape_cast %get3A_2070 : vector<1x16xf32> to vector<16xf32>
    %get3A_2072 = arith.constant 13 : i32
    %get3A_2073 = arith.index_cast %get3A_2072 : i32 to index
    %get3A_2074 = arith.constant 32 : index
    %get3A_2075 = tpu.vector_load %arg10[%get3A_2073, %get3A_2074] {strides = array<i32>} : memref<32x128xf32, #tpu.memory_space<vmem>>, vector<1x16xf32>,
    %get3A_2076 = vector.shape_cast %get3A_2075 : vector<1x16xf32> to vector<16xf32>
    %get3A_2077 = arith.constant 13 : i32
    %get3A_2078 = arith.index_cast %get3A_2077 : i32 to index
    %get3A_2079 = arith.constant 96 : index
    %get3A_2080 = tpu.vector_load %arg10[%get3A_2078, %get3A_2079] {strides = array<i32>} : memref<32x128xf32, #tpu.memory_space<vmem>>, vector<1x16xf32>,
    %get3A_2081 = vector.shape_cast %get3A_2080 : vector<1x16xf32> to vector<16xf32>
    %mul3A_2082 = arith.mulf %get3A_2066, %get3A_2076 : vector<16xf32>
    %mul3A_2083 = arith.mulf %get3A_2071, %get3A_2081 : vector<16xf32>
    %sub3A_2084 = arith.subf %mul3A_2082, %mul3A_2083 : vector<16xf32>
    %swap3A_2085 = arith.constant 13 : i32
    %swap3A_2086 = arith.index_cast %swap3A_2085 : i32 to index
    %swap3A_2087 = arith.constant 32 : index
    %swap3A_2088 = tpu.vector_load %arg9[%swap3A_2086, %swap3A_2087] {strides = array<i32>} : memref<32x128xf32, #tpu.memory_space<vmem>>, vector<1x16xf32>,
    %swap3A_2089 = vector.shape_cast %swap3A_2088 : vector<1x16xf32> to vector<16xf32>
    %swap3A_2090 = vector.shape_cast %sub3A_2084 : vector<16xf32> to vector<1x16xf32>
    tpu.vector_store %arg9[%swap3A_2086, %swap3A_2087], %swap3A_2090 {strides = array<i32>} : memref<32x128xf32, #tpu.memory_space<vmem>>, vector<1x16xf32>,
    %mul3A_2091 = arith.mulf %get3A_2066, %get3A_2081 : vector<16xf32>
    %mul3A_2092 = arith.mulf %get3A_2071, %get3A_2076 : vector<16xf32>
    %add3A_2093 = arith.addf %mul3A_2091, %mul3A_2092 : vector<16xf32>
    %swap3A_2094 = arith.constant 13 : i32
    %swap3A_2095 = arith.index_cast %swap3A_2094 : i32 to index
    %swap3A_2096 = arith.constant 96 : index
    %swap3A_2097 = tpu.vector_load %arg9[%swap3A_2095, %swap3A_2096] {strides = array<i32>} : memref<32x128xf32, #tpu.memory_space<vmem>>, vector<1x16xf32>,
    %swap3A_2098 = vector.shape_cast %swap3A_2097 : vector<1x16xf32> to vector<16xf32>
    %swap3A_2099 = vector.shape_cast %add3A_2093 : vector<16xf32> to vector<1x16xf32>
    tpu.vector_store %arg9[%swap3A_2095, %swap3A_2096], %swap3A_2099 {strides = array<i32>} : memref<32x128xf32, #tpu.memory_space<vmem>>, vector<1x16xf32>,
    %get3A_2100 = arith.constant 13 : i32
    %get3A_2101 = arith.index_cast %get3A_2100 : i32 to index
    %get3A_2102 = arith.constant 48 : index
    %get3A_2103 = tpu.vector_load %arg9[%get3A_2101, %get3A_2102] {strides = array<i32>} : memref<32x128xf32, #tpu.memory_space<vmem>>, vector<1x16xf32>,
    %get3A_2104 = vector.shape_cast %get3A_2103 : vector<1x16xf32> to vector<16xf32>
    %get3A_2105 = arith.constant 13 : i32
    %get3A_2106 = arith.index_cast %get3A_2105 : i32 to index
    %get3A_2107 = arith.constant 112 : index
    %get3A_2108 = tpu.vector_load %arg9[%get3A_2106, %get3A_2107] {strides = array<i32>} : memref<32x128xf32, #tpu.memory_space<vmem>>, vector<1x16xf32>,
    %get3A_2109 = vector.shape_cast %get3A_2108 : vector<1x16xf32> to vector<16xf32>
    %get3A_2110 = arith.constant 13 : i32
    %get3A_2111 = arith.index_cast %get3A_2110 : i32 to index
    %get3A_2112 = arith.constant 48 : index
    %get3A_2113 = tpu.vector_load %arg10[%get3A_2111, %get3A_2112] {strides = array<i32>} : memref<32x128xf32, #tpu.memory_space<vmem>>, vector<1x16xf32>,
    %get3A_2114 = vector.shape_cast %get3A_2113 : vector<1x16xf32> to vector<16xf32>
    %get3A_2115 = arith.constant 13 : i32
    %get3A_2116 = arith.index_cast %get3A_2115 : i32 to index
    %get3A_2117 = arith.constant 112 : index
    %get3A_2118 = tpu.vector_load %arg10[%get3A_2116, %get3A_2117] {strides = array<i32>} : memref<32x128xf32, #tpu.memory_space<vmem>>, vector<1x16xf32>,
    %get3A_2119 = vector.shape_cast %get3A_2118 : vector<1x16xf32> to vector<16xf32>
    %mul3A_2120 = arith.mulf %get3A_2104, %get3A_2114 : vector<16xf32>
    %mul3A_2121 = arith.mulf %get3A_2109, %get3A_2119 : vector<16xf32>
    %sub3A_2122 = arith.subf %mul3A_2120, %mul3A_2121 : vector<16xf32>
    %swap3A_2123 = arith.constant 13 : i32
    %swap3A_2124 = arith.index_cast %swap3A_2123 : i32 to index
    %swap3A_2125 = arith.constant 48 : index
    %swap3A_2126 = tpu.vector_load %arg9[%swap3A_2124, %swap3A_2125] {strides = array<i32>} : memref<32x128xf32, #tpu.memory_space<vmem>>, vector<1x16xf32>,
    %swap3A_2127 = vector.shape_cast %swap3A_2126 : vector<1x16xf32> to vector<16xf32>
    %swap3A_2128 = vector.shape_cast %sub3A_2122 : vector<16xf32> to vector<1x16xf32>
    tpu.vector_store %arg9[%swap3A_2124, %swap3A_2125], %swap3A_2128 {strides = array<i32>} : memref<32x128xf32, #tpu.memory_space<vmem>>, vector<1x16xf32>,
    %mul3A_2129 = arith.mulf %get3A_2104, %get3A_2119 : vector<16xf32>
    %mul3A_2130 = arith.mulf %get3A_2109, %get3A_2114 : vector<16xf32>
    %add3A_2131 = arith.addf %mul3A_2129, %mul3A_2130 : vector<16xf32>
    %swap3A_2132 = arith.constant 13 : i32
    %swap3A_2133 = arith.index_cast %swap3A_2132 : i32 to index
    %swap3A_2134 = arith.constant 112 : index
    %swap3A_2135 = tpu.vector_load %arg9[%swap3A_2133, %swap3A_2134] {strides = array<i32>} : memref<32x128xf32, #tpu.memory_space<vmem>>, vector<1x16xf32>,
    %swap3A_2136 = vector.shape_cast %swap3A_2135 : vector<1x16xf32> to vector<16xf32>
    %swap3A_2137 = vector.shape_cast %add3A_2131 : vector<16xf32> to vector<1x16xf32>
    tpu.vector_store %arg9[%swap3A_2133, %swap3A_2134], %swap3A_2137 {strides = array<i32>} : memref<32x128xf32, #tpu.memory_space<vmem>>, vector<1x16xf32>,
    %get3A_2138 = arith.constant 14 : i32
    %get3A_2139 = arith.index_cast %get3A_2138 : i32 to index
    %get3A_2140 = arith.constant 0 : index
    %get3A_2141 = tpu.vector_load %arg9[%get3A_2139, %get3A_2140] {strides = array<i32>} : memref<32x128xf32, #tpu.memory_space<vmem>>, vector<1x16xf32>,
    %get3A_2142 = vector.shape_cast %get3A_2141 : vector<1x16xf32> to vector<16xf32>
    %get3A_2143 = arith.constant 14 : i32
    %get3A_2144 = arith.index_cast %get3A_2143 : i32 to index
    %get3A_2145 = arith.constant 64 : index
    %get3A_2146 = tpu.vector_load %arg9[%get3A_2144, %get3A_2145] {strides = array<i32>} : memref<32x128xf32, #tpu.memory_space<vmem>>, vector<1x16xf32>,
    %get3A_2147 = vector.shape_cast %get3A_2146 : vector<1x16xf32> to vector<16xf32>
    %get3A_2148 = arith.constant 14 : i32
    %get3A_2149 = arith.index_cast %get3A_2148 : i32 to index
    %get3A_2150 = arith.constant 0 : index
    %get3A_2151 = tpu.vector_load %arg10[%get3A_2149, %get3A_2150] {strides = array<i32>} : memref<32x128xf32, #tpu.memory_space<vmem>>, vector<1x16xf32>,
    %get3A_2152 = vector.shape_cast %get3A_2151 : vector<1x16xf32> to vector<16xf32>
    %get3A_2153 = arith.constant 14 : i32
    %get3A_2154 = arith.index_cast %get3A_2153 : i32 to index
    %get3A_2155 = arith.constant 64 : index
    %get3A_2156 = tpu.vector_load %arg10[%get3A_2154, %get3A_2155] {strides = array<i32>} : memref<32x128xf32, #tpu.memory_space<vmem>>, vector<1x16xf32>,
    %get3A_2157 = vector.shape_cast %get3A_2156 : vector<1x16xf32> to vector<16xf32>
    %mul3A_2158 = arith.mulf %get3A_2142, %get3A_2152 : vector<16xf32>
    %mul3A_2159 = arith.mulf %get3A_2147, %get3A_2157 : vector<16xf32>
    %sub3A_2160 = arith.subf %mul3A_2158, %mul3A_2159 : vector<16xf32>
    %swap3A_2161 = arith.constant 14 : i32
    %swap3A_2162 = arith.index_cast %swap3A_2161 : i32 to index
    %swap3A_2163 = arith.constant 0 : index
    %swap3A_2164 = tpu.vector_load %arg9[%swap3A_2162, %swap3A_2163] {strides = array<i32>} : memref<32x128xf32, #tpu.memory_space<vmem>>, vector<1x16xf32>,
    %swap3A_2165 = vector.shape_cast %swap3A_2164 : vector<1x16xf32> to vector<16xf32>
    %swap3A_2166 = vector.shape_cast %sub3A_2160 : vector<16xf32> to vector<1x16xf32>
    tpu.vector_store %arg9[%swap3A_2162, %swap3A_2163], %swap3A_2166 {strides = array<i32>} : memref<32x128xf32, #tpu.memory_space<vmem>>, vector<1x16xf32>,
    %mul3A_2167 = arith.mulf %get3A_2142, %get3A_2157 : vector<16xf32>
    %mul3A_2168 = arith.mulf %get3A_2147, %get3A_2152 : vector<16xf32>
    %add3A_2169 = arith.addf %mul3A_2167, %mul3A_2168 : vector<16xf32>
    %swap3A_2170 = arith.constant 14 : i32
    %swap3A_2171 = arith.index_cast %swap3A_2170 : i32 to index
    %swap3A_2172 = arith.constant 64 : index
    %swap3A_2173 = tpu.vector_load %arg9[%swap3A_2171, %swap3A_2172] {strides = array<i32>} : memref<32x128xf32, #tpu.memory_space<vmem>>, vector<1x16xf32>,
    %swap3A_2174 = vector.shape_cast %swap3A_2173 : vector<1x16xf32> to vector<16xf32>
    %swap3A_2175 = vector.shape_cast %add3A_2169 : vector<16xf32> to vector<1x16xf32>
    tpu.vector_store %arg9[%swap3A_2171, %swap3A_2172], %swap3A_2175 {strides = array<i32>} : memref<32x128xf32, #tpu.memory_space<vmem>>, vector<1x16xf32>,
    %get3A_2176 = arith.constant 14 : i32
    %get3A_2177 = arith.index_cast %get3A_2176 : i32 to index
    %get3A_2178 = arith.constant 16 : index
    %get3A_2179 = tpu.vector_load %arg9[%get3A_2177, %get3A_2178] {strides = array<i32>} : memref<32x128xf32, #tpu.memory_space<vmem>>, vector<1x16xf32>,
    %get3A_2180 = vector.shape_cast %get3A_2179 : vector<1x16xf32> to vector<16xf32>
    %get3A_2181 = arith.constant 14 : i32
    %get3A_2182 = arith.index_cast %get3A_2181 : i32 to index
    %get3A_2183 = arith.constant 80 : index
    %get3A_2184 = tpu.vector_load %arg9[%get3A_2182, %get3A_2183] {strides = array<i32>} : memref<32x128xf32, #tpu.memory_space<vmem>>, vector<1x16xf32>,
    %get3A_2185 = vector.shape_cast %get3A_2184 : vector<1x16xf32> to vector<16xf32>
    %get3A_2186 = arith.constant 14 : i32
    %get3A_2187 = arith.index_cast %get3A_2186 : i32 to index
    %get3A_2188 = arith.constant 16 : index
    %get3A_2189 = tpu.vector_load %arg10[%get3A_2187, %get3A_2188] {strides = array<i32>} : memref<32x128xf32, #tpu.memory_space<vmem>>, vector<1x16xf32>,
    %get3A_2190 = vector.shape_cast %get3A_2189 : vector<1x16xf32> to vector<16xf32>
    %get3A_2191 = arith.constant 14 : i32
    %get3A_2192 = arith.index_cast %get3A_2191 : i32 to index
    %get3A_2193 = arith.constant 80 : index
    %get3A_2194 = tpu.vector_load %arg10[%get3A_2192, %get3A_2193] {strides = array<i32>} : memref<32x128xf32, #tpu.memory_space<vmem>>, vector<1x16xf32>,
    %get3A_2195 = vector.shape_cast %get3A_2194 : vector<1x16xf32> to vector<16xf32>
    %mul3A_2196 = arith.mulf %get3A_2180, %get3A_2190 : vector<16xf32>
    %mul3A_2197 = arith.mulf %get3A_2185, %get3A_2195 : vector<16xf32>
    %sub3A_2198 = arith.subf %mul3A_2196, %mul3A_2197 : vector<16xf32>
    %swap3A_2199 = arith.constant 14 : i32
    %swap3A_2200 = arith.index_cast %swap3A_2199 : i32 to index
    %swap3A_2201 = arith.constant 16 : index
    %swap3A_2202 = tpu.vector_load %arg9[%swap3A_2200, %swap3A_2201] {strides = array<i32>} : memref<32x128xf32, #tpu.memory_space<vmem>>, vector<1x16xf32>,
    %swap3A_2203 = vector.shape_cast %swap3A_2202 : vector<1x16xf32> to vector<16xf32>
    %swap3A_2204 = vector.shape_cast %sub3A_2198 : vector<16xf32> to vector<1x16xf32>
    tpu.vector_store %arg9[%swap3A_2200, %swap3A_2201], %swap3A_2204 {strides = array<i32>} : memref<32x128xf32, #tpu.memory_space<vmem>>, vector<1x16xf32>,
    %mul3A_2205 = arith.mulf %get3A_2180, %get3A_2195 : vector<16xf32>
    %mul3A_2206 = arith.mulf %get3A_2185, %get3A_2190 : vector<16xf32>
    %add3A_2207 = arith.addf %mul3A_2205, %mul3A_2206 : vector<16xf32>
    %swap3A_2208 = arith.constant 14 : i32
    %swap3A_2209 = arith.index_cast %swap3A_2208 : i32 to index
    %swap3A_2210 = arith.constant 80 : index
    %swap3A_2211 = tpu.vector_load %arg9[%swap3A_2209, %swap3A_2210] {strides = array<i32>} : memref<32x128xf32, #tpu.memory_space<vmem>>, vector<1x16xf32>,
    %swap3A_2212 = vector.shape_cast %swap3A_2211 : vector<1x16xf32> to vector<16xf32>
    %swap3A_2213 = vector.shape_cast %add3A_2207 : vector<16xf32> to vector<1x16xf32>
    tpu.vector_store %arg9[%swap3A_2209, %swap3A_2210], %swap3A_2213 {strides = array<i32>} : memref<32x128xf32, #tpu.memory_space<vmem>>, vector<1x16xf32>,
    %get3A_2214 = arith.constant 14 : i32
    %get3A_2215 = arith.index_cast %get3A_2214 : i32 to index
    %get3A_2216 = arith.constant 32 : index
    %get3A_2217 = tpu.vector_load %arg9[%get3A_2215, %get3A_2216] {strides = array<i32>} : memref<32x128xf32, #tpu.memory_space<vmem>>, vector<1x16xf32>,
    %get3A_2218 = vector.shape_cast %get3A_2217 : vector<1x16xf32> to vector<16xf32>
    %get3A_2219 = arith.constant 14 : i32
    %get3A_2220 = arith.index_cast %get3A_2219 : i32 to index
    %get3A_2221 = arith.constant 96 : index
    %get3A_2222 = tpu.vector_load %arg9[%get3A_2220, %get3A_2221] {strides = array<i32>} : memref<32x128xf32, #tpu.memory_space<vmem>>, vector<1x16xf32>,
    %get3A_2223 = vector.shape_cast %get3A_2222 : vector<1x16xf32> to vector<16xf32>
    %get3A_2224 = arith.constant 14 : i32
    %get3A_2225 = arith.index_cast %get3A_2224 : i32 to index
    %get3A_2226 = arith.constant 32 : index
    %get3A_2227 = tpu.vector_load %arg10[%get3A_2225, %get3A_2226] {strides = array<i32>} : memref<32x128xf32, #tpu.memory_space<vmem>>, vector<1x16xf32>,
    %get3A_2228 = vector.shape_cast %get3A_2227 : vector<1x16xf32> to vector<16xf32>
    %get3A_2229 = arith.constant 14 : i32
    %get3A_2230 = arith.index_cast %get3A_2229 : i32 to index
    %get3A_2231 = arith.constant 96 : index
    %get3A_2232 = tpu.vector_load %arg10[%get3A_2230, %get3A_2231] {strides = array<i32>} : memref<32x128xf32, #tpu.memory_space<vmem>>, vector<1x16xf32>,
    %get3A_2233 = vector.shape_cast %get3A_2232 : vector<1x16xf32> to vector<16xf32>
    %mul3A_2234 = arith.mulf %get3A_2218, %get3A_2228 : vector<16xf32>
    %mul3A_2235 = arith.mulf %get3A_2223, %get3A_2233 : vector<16xf32>
    %sub3A_2236 = arith.subf %mul3A_2234, %mul3A_2235 : vector<16xf32>
    %swap3A_2237 = arith.constant 14 : i32
    %swap3A_2238 = arith.index_cast %swap3A_2237 : i32 to index
    %swap3A_2239 = arith.constant 32 : index
    %swap3A_2240 = tpu.vector_load %arg9[%swap3A_2238, %swap3A_2239] {strides = array<i32>} : memref<32x128xf32, #tpu.memory_space<vmem>>, vector<1x16xf32>,
    %swap3A_2241 = vector.shape_cast %swap3A_2240 : vector<1x16xf32> to vector<16xf32>
    %swap3A_2242 = vector.shape_cast %sub3A_2236 : vector<16xf32> to vector<1x16xf32>
    tpu.vector_store %arg9[%swap3A_2238, %swap3A_2239], %swap3A_2242 {strides = array<i32>} : memref<32x128xf32, #tpu.memory_space<vmem>>, vector<1x16xf32>,
    %mul3A_2243 = arith.mulf %get3A_2218, %get3A_2233 : vector<16xf32>
    %mul3A_2244 = arith.mulf %get3A_2223, %get3A_2228 : vector<16xf32>
    %add3A_2245 = arith.addf %mul3A_2243, %mul3A_2244 : vector<16xf32>
    %swap3A_2246 = arith.constant 14 : i32
    %swap3A_2247 = arith.index_cast %swap3A_2246 : i32 to index
    %swap3A_2248 = arith.constant 96 : index
    %swap3A_2249 = tpu.vector_load %arg9[%swap3A_2247, %swap3A_2248] {strides = array<i32>} : memref<32x128xf32, #tpu.memory_space<vmem>>, vector<1x16xf32>,
    %swap3A_2250 = vector.shape_cast %swap3A_2249 : vector<1x16xf32> to vector<16xf32>
    %swap3A_2251 = vector.shape_cast %add3A_2245 : vector<16xf32> to vector<1x16xf32>
    tpu.vector_store %arg9[%swap3A_2247, %swap3A_2248], %swap3A_2251 {strides = array<i32>} : memref<32x128xf32, #tpu.memory_space<vmem>>, vector<1x16xf32>,
    %get3A_2252 = arith.constant 14 : i32
    %get3A_2253 = arith.index_cast %get3A_2252 : i32 to index
    %get3A_2254 = arith.constant 48 : index
    %get3A_2255 = tpu.vector_load %arg9[%get3A_2253, %get3A_2254] {strides = array<i32>} : memref<32x128xf32, #tpu.memory_space<vmem>>, vector<1x16xf32>,
    %get3A_2256 = vector.shape_cast %get3A_2255 : vector<1x16xf32> to vector<16xf32>
    %get3A_2257 = arith.constant 14 : i32
    %get3A_2258 = arith.index_cast %get3A_2257 : i32 to index
    %get3A_2259 = arith.constant 112 : index
    %get3A_2260 = tpu.vector_load %arg9[%get3A_2258, %get3A_2259] {strides = array<i32>} : memref<32x128xf32, #tpu.memory_space<vmem>>, vector<1x16xf32>,
    %get3A_2261 = vector.shape_cast %get3A_2260 : vector<1x16xf32> to vector<16xf32>
    %get3A_2262 = arith.constant 14 : i32
    %get3A_2263 = arith.index_cast %get3A_2262 : i32 to index
    %get3A_2264 = arith.constant 48 : index
    %get3A_2265 = tpu.vector_load %arg10[%get3A_2263, %get3A_2264] {strides = array<i32>} : memref<32x128xf32, #tpu.memory_space<vmem>>, vector<1x16xf32>,
    %get3A_2266 = vector.shape_cast %get3A_2265 : vector<1x16xf32> to vector<16xf32>
    %get3A_2267 = arith.constant 14 : i32
    %get3A_2268 = arith.index_cast %get3A_2267 : i32 to index
    %get3A_2269 = arith.constant 112 : index
    %get3A_2270 = tpu.vector_load %arg10[%get3A_2268, %get3A_2269] {strides = array<i32>} : memref<32x128xf32, #tpu.memory_space<vmem>>, vector<1x16xf32>,
    %get3A_2271 = vector.shape_cast %get3A_2270 : vector<1x16xf32> to vector<16xf32>
    %mul3A_2272 = arith.mulf %get3A_2256, %get3A_2266 : vector<16xf32>
    %mul3A_2273 = arith.mulf %get3A_2261, %get3A_2271 : vector<16xf32>
    %sub3A_2274 = arith.subf %mul3A_2272, %mul3A_2273 : vector<16xf32>
    %swap3A_2275 = arith.constant 14 : i32
    %swap3A_2276 = arith.index_cast %swap3A_2275 : i32 to index
    %swap3A_2277 = arith.constant 48 : index
    %swap3A_2278 = tpu.vector_load %arg9[%swap3A_2276, %swap3A_2277] {strides = array<i32>} : memref<32x128xf32, #tpu.memory_space<vmem>>, vector<1x16xf32>,
    %swap3A_2279 = vector.shape_cast %swap3A_2278 : vector<1x16xf32> to vector<16xf32>
    %swap3A_2280 = vector.shape_cast %sub3A_2274 : vector<16xf32> to vector<1x16xf32>
    tpu.vector_store %arg9[%swap3A_2276, %swap3A_2277], %swap3A_2280 {strides = array<i32>} : memref<32x128xf32, #tpu.memory_space<vmem>>, vector<1x16xf32>,
    %mul3A_2281 = arith.mulf %get3A_2256, %get3A_2271 : vector<16xf32>
    %mul3A_2282 = arith.mulf %get3A_2261, %get3A_2266 : vector<16xf32>
    %add3A_2283 = arith.addf %mul3A_2281, %mul3A_2282 : vector<16xf32>
    %swap3A_2284 = arith.constant 14 : i32
    %swap3A_2285 = arith.index_cast %swap3A_2284 : i32 to index
    %swap3A_2286 = arith.constant 112 : index
    %swap3A_2287 = tpu.vector_load %arg9[%swap3A_2285, %swap3A_2286] {strides = array<i32>} : memref<32x128xf32, #tpu.memory_space<vmem>>, vector<1x16xf32>,
    %swap3A_2288 = vector.shape_cast %swap3A_2287 : vector<1x16xf32> to vector<16xf32>
    %swap3A_2289 = vector.shape_cast %add3A_2283 : vector<16xf32> to vector<1x16xf32>
    tpu.vector_store %arg9[%swap3A_2285, %swap3A_2286], %swap3A_2289 {strides = array<i32>} : memref<32x128xf32, #tpu.memory_space<vmem>>, vector<1x16xf32>,
    %get3A_2290 = arith.constant 15 : i32
    %get3A_2291 = arith.index_cast %get3A_2290 : i32 to index
    %get3A_2292 = arith.constant 0 : index
    %get3A_2293 = tpu.vector_load %arg9[%get3A_2291, %get3A_2292] {strides = array<i32>} : memref<32x128xf32, #tpu.memory_space<vmem>>, vector<1x16xf32>,
    %get3A_2294 = vector.shape_cast %get3A_2293 : vector<1x16xf32> to vector<16xf32>
    %get3A_2295 = arith.constant 15 : i32
    %get3A_2296 = arith.index_cast %get3A_2295 : i32 to index
    %get3A_2297 = arith.constant 64 : index
    %get3A_2298 = tpu.vector_load %arg9[%get3A_2296, %get3A_2297] {strides = array<i32>} : memref<32x128xf32, #tpu.memory_space<vmem>>, vector<1x16xf32>,
    %get3A_2299 = vector.shape_cast %get3A_2298 : vector<1x16xf32> to vector<16xf32>
    %get3A_2300 = arith.constant 15 : i32
    %get3A_2301 = arith.index_cast %get3A_2300 : i32 to index
    %get3A_2302 = arith.constant 0 : index
    %get3A_2303 = tpu.vector_load %arg10[%get3A_2301, %get3A_2302] {strides = array<i32>} : memref<32x128xf32, #tpu.memory_space<vmem>>, vector<1x16xf32>,
    %get3A_2304 = vector.shape_cast %get3A_2303 : vector<1x16xf32> to vector<16xf32>
    %get3A_2305 = arith.constant 15 : i32
    %get3A_2306 = arith.index_cast %get3A_2305 : i32 to index
    %get3A_2307 = arith.constant 64 : index
    %get3A_2308 = tpu.vector_load %arg10[%get3A_2306, %get3A_2307] {strides = array<i32>} : memref<32x128xf32, #tpu.memory_space<vmem>>, vector<1x16xf32>,
    %get3A_2309 = vector.shape_cast %get3A_2308 : vector<1x16xf32> to vector<16xf32>
    %mul3A_2310 = arith.mulf %get3A_2294, %get3A_2304 : vector<16xf32>
    %mul3A_2311 = arith.mulf %get3A_2299, %get3A_2309 : vector<16xf32>
    %sub3A_2312 = arith.subf %mul3A_2310, %mul3A_2311 : vector<16xf32>
    %swap3A_2313 = arith.constant 15 : i32
    %swap3A_2314 = arith.index_cast %swap3A_2313 : i32 to index
    %swap3A_2315 = arith.constant 0 : index
    %swap3A_2316 = tpu.vector_load %arg9[%swap3A_2314, %swap3A_2315] {strides = array<i32>} : memref<32x128xf32, #tpu.memory_space<vmem>>, vector<1x16xf32>,
    %swap3A_2317 = vector.shape_cast %swap3A_2316 : vector<1x16xf32> to vector<16xf32>
    %swap3A_2318 = vector.shape_cast %sub3A_2312 : vector<16xf32> to vector<1x16xf32>
    tpu.vector_store %arg9[%swap3A_2314, %swap3A_2315], %swap3A_2318 {strides = array<i32>} : memref<32x128xf32, #tpu.memory_space<vmem>>, vector<1x16xf32>,
    %mul3A_2319 = arith.mulf %get3A_2294, %get3A_2309 : vector<16xf32>
    %mul3A_2320 = arith.mulf %get3A_2299, %get3A_2304 : vector<16xf32>
    %add3A_2321 = arith.addf %mul3A_2319, %mul3A_2320 : vector<16xf32>
    %swap3A_2322 = arith.constant 15 : i32
    %swap3A_2323 = arith.index_cast %swap3A_2322 : i32 to index
    %swap3A_2324 = arith.constant 64 : index
    %swap3A_2325 = tpu.vector_load %arg9[%swap3A_2323, %swap3A_2324] {strides = array<i32>} : memref<32x128xf32, #tpu.memory_space<vmem>>, vector<1x16xf32>,
    %swap3A_2326 = vector.shape_cast %swap3A_2325 : vector<1x16xf32> to vector<16xf32>
    %swap3A_2327 = vector.shape_cast %add3A_2321 : vector<16xf32> to vector<1x16xf32>
    tpu.vector_store %arg9[%swap3A_2323, %swap3A_2324], %swap3A_2327 {strides = array<i32>} : memref<32x128xf32, #tpu.memory_space<vmem>>, vector<1x16xf32>,
    %get3A_2328 = arith.constant 15 : i32
    %get3A_2329 = arith.index_cast %get3A_2328 : i32 to index
    %get3A_2330 = arith.constant 16 : index
    %get3A_2331 = tpu.vector_load %arg9[%get3A_2329, %get3A_2330] {strides = array<i32>} : memref<32x128xf32, #tpu.memory_space<vmem>>, vector<1x16xf32>,
    %get3A_2332 = vector.shape_cast %get3A_2331 : vector<1x16xf32> to vector<16xf32>
    %get3A_2333 = arith.constant 15 : i32
    %get3A_2334 = arith.index_cast %get3A_2333 : i32 to index
    %get3A_2335 = arith.constant 80 : index
    %get3A_2336 = tpu.vector_load %arg9[%get3A_2334, %get3A_2335] {strides = array<i32>} : memref<32x128xf32, #tpu.memory_space<vmem>>, vector<1x16xf32>,
    %get3A_2337 = vector.shape_cast %get3A_2336 : vector<1x16xf32> to vector<16xf32>
    %get3A_2338 = arith.constant 15 : i32
    %get3A_2339 = arith.index_cast %get3A_2338 : i32 to index
    %get3A_2340 = arith.constant 16 : index
    %get3A_2341 = tpu.vector_load %arg10[%get3A_2339, %get3A_2340] {strides = array<i32>} : memref<32x128xf32, #tpu.memory_space<vmem>>, vector<1x16xf32>,
    %get3A_2342 = vector.shape_cast %get3A_2341 : vector<1x16xf32> to vector<16xf32>
    %get3A_2343 = arith.constant 15 : i32
    %get3A_2344 = arith.index_cast %get3A_2343 : i32 to index
    %get3A_2345 = arith.constant 80 : index
    %get3A_2346 = tpu.vector_load %arg10[%get3A_2344, %get3A_2345] {strides = array<i32>} : memref<32x128xf32, #tpu.memory_space<vmem>>, vector<1x16xf32>,
    %get3A_2347 = vector.shape_cast %get3A_2346 : vector<1x16xf32> to vector<16xf32>
    %mul3A_2348 = arith.mulf %get3A_2332, %get3A_2342 : vector<16xf32>
    %mul3A_2349 = arith.mulf %get3A_2337, %get3A_2347 : vector<16xf32>
    %sub3A_2350 = arith.subf %mul3A_2348, %mul3A_2349 : vector<16xf32>
    %swap3A_2351 = arith.constant 15 : i32
    %swap3A_2352 = arith.index_cast %swap3A_2351 : i32 to index
    %swap3A_2353 = arith.constant 16 : index
    %swap3A_2354 = tpu.vector_load %arg9[%swap3A_2352, %swap3A_2353] {strides = array<i32>} : memref<32x128xf32, #tpu.memory_space<vmem>>, vector<1x16xf32>,
    %swap3A_2355 = vector.shape_cast %swap3A_2354 : vector<1x16xf32> to vector<16xf32>
    %swap3A_2356 = vector.shape_cast %sub3A_2350 : vector<16xf32> to vector<1x16xf32>
    tpu.vector_store %arg9[%swap3A_2352, %swap3A_2353], %swap3A_2356 {strides = array<i32>} : memref<32x128xf32, #tpu.memory_space<vmem>>, vector<1x16xf32>,
    %mul3A_2357 = arith.mulf %get3A_2332, %get3A_2347 : vector<16xf32>
    %mul3A_2358 = arith.mulf %get3A_2337, %get3A_2342 : vector<16xf32>
    %add3A_2359 = arith.addf %mul3A_2357, %mul3A_2358 : vector<16xf32>
    %swap3A_2360 = arith.constant 15 : i32
    %swap3A_2361 = arith.index_cast %swap3A_2360 : i32 to index
    %swap3A_2362 = arith.constant 80 : index
    %swap3A_2363 = tpu.vector_load %arg9[%swap3A_2361, %swap3A_2362] {strides = array<i32>} : memref<32x128xf32, #tpu.memory_space<vmem>>, vector<1x16xf32>,
    %swap3A_2364 = vector.shape_cast %swap3A_2363 : vector<1x16xf32> to vector<16xf32>
    %swap3A_2365 = vector.shape_cast %add3A_2359 : vector<16xf32> to vector<1x16xf32>
    tpu.vector_store %arg9[%swap3A_2361, %swap3A_2362], %swap3A_2365 {strides = array<i32>} : memref<32x128xf32, #tpu.memory_space<vmem>>, vector<1x16xf32>,
    %get3A_2366 = arith.constant 15 : i32
    %get3A_2367 = arith.index_cast %get3A_2366 : i32 to index
    %get3A_2368 = arith.constant 32 : index
    %get3A_2369 = tpu.vector_load %arg9[%get3A_2367, %get3A_2368] {strides = array<i32>} : memref<32x128xf32, #tpu.memory_space<vmem>>, vector<1x16xf32>,
    %get3A_2370 = vector.shape_cast %get3A_2369 : vector<1x16xf32> to vector<16xf32>
    %get3A_2371 = arith.constant 15 : i32
    %get3A_2372 = arith.index_cast %get3A_2371 : i32 to index
    %get3A_2373 = arith.constant 96 : index
    %get3A_2374 = tpu.vector_load %arg9[%get3A_2372, %get3A_2373] {strides = array<i32>} : memref<32x128xf32, #tpu.memory_space<vmem>>, vector<1x16xf32>,
    %get3A_2375 = vector.shape_cast %get3A_2374 : vector<1x16xf32> to vector<16xf32>
    %get3A_2376 = arith.constant 15 : i32
    %get3A_2377 = arith.index_cast %get3A_2376 : i32 to index
    %get3A_2378 = arith.constant 32 : index
    %get3A_2379 = tpu.vector_load %arg10[%get3A_2377, %get3A_2378] {strides = array<i32>} : memref<32x128xf32, #tpu.memory_space<vmem>>, vector<1x16xf32>,
    %get3A_2380 = vector.shape_cast %get3A_2379 : vector<1x16xf32> to vector<16xf32>
    %get3A_2381 = arith.constant 15 : i32
    %get3A_2382 = arith.index_cast %get3A_2381 : i32 to index
    %get3A_2383 = arith.constant 96 : index
    %get3A_2384 = tpu.vector_load %arg10[%get3A_2382, %get3A_2383] {strides = array<i32>} : memref<32x128xf32, #tpu.memory_space<vmem>>, vector<1x16xf32>,
    %get3A_2385 = vector.shape_cast %get3A_2384 : vector<1x16xf32> to vector<16xf32>
    %mul3A_2386 = arith.mulf %get3A_2370, %get3A_2380 : vector<16xf32>
    %mul3A_2387 = arith.mulf %get3A_2375, %get3A_2385 : vector<16xf32>
    %sub3A_2388 = arith.subf %mul3A_2386, %mul3A_2387 : vector<16xf32>
    %swap3A_2389 = arith.constant 15 : i32
    %swap3A_2390 = arith.index_cast %swap3A_2389 : i32 to index
    %swap3A_2391 = arith.constant 32 : index
    %swap3A_2392 = tpu.vector_load %arg9[%swap3A_2390, %swap3A_2391] {strides = array<i32>} : memref<32x128xf32, #tpu.memory_space<vmem>>, vector<1x16xf32>,
    %swap3A_2393 = vector.shape_cast %swap3A_2392 : vector<1x16xf32> to vector<16xf32>
    %swap3A_2394 = vector.shape_cast %sub3A_2388 : vector<16xf32> to vector<1x16xf32>
    tpu.vector_store %arg9[%swap3A_2390, %swap3A_2391], %swap3A_2394 {strides = array<i32>} : memref<32x128xf32, #tpu.memory_space<vmem>>, vector<1x16xf32>,
    %mul3A_2395 = arith.mulf %get3A_2370, %get3A_2385 : vector<16xf32>
    %mul3A_2396 = arith.mulf %get3A_2375, %get3A_2380 : vector<16xf32>
    %add3A_2397 = arith.addf %mul3A_2395, %mul3A_2396 : vector<16xf32>
    %swap3A_2398 = arith.constant 15 : i32
    %swap3A_2399 = arith.index_cast %swap3A_2398 : i32 to index
    %swap3A_2400 = arith.constant 96 : index
    %swap3A_2401 = tpu.vector_load %arg9[%swap3A_2399, %swap3A_2400] {strides = array<i32>} : memref<32x128xf32, #tpu.memory_space<vmem>>, vector<1x16xf32>,
    %swap3A_2402 = vector.shape_cast %swap3A_2401 : vector<1x16xf32> to vector<16xf32>
    %swap3A_2403 = vector.shape_cast %add3A_2397 : vector<16xf32> to vector<1x16xf32>
    tpu.vector_store %arg9[%swap3A_2399, %swap3A_2400], %swap3A_2403 {strides = array<i32>} : memref<32x128xf32, #tpu.memory_space<vmem>>, vector<1x16xf32>,
    %get3A_2404 = arith.constant 15 : i32
    %get3A_2405 = arith.index_cast %get3A_2404 : i32 to index
    %get3A_2406 = arith.constant 48 : index
    %get3A_2407 = tpu.vector_load %arg9[%get3A_2405, %get3A_2406] {strides = array<i32>} : memref<32x128xf32, #tpu.memory_space<vmem>>, vector<1x16xf32>,
    %get3A_2408 = vector.shape_cast %get3A_2407 : vector<1x16xf32> to vector<16xf32>
    %get3A_2409 = arith.constant 15 : i32
    %get3A_2410 = arith.index_cast %get3A_2409 : i32 to index
    %get3A_2411 = arith.constant 112 : index
    %get3A_2412 = tpu.vector_load %arg9[%get3A_2410, %get3A_2411] {strides = array<i32>} : memref<32x128xf32, #tpu.memory_space<vmem>>, vector<1x16xf32>,
    %get3A_2413 = vector.shape_cast %get3A_2412 : vector<1x16xf32> to vector<16xf32>
    %get3A_2414 = arith.constant 15 : i32
    %get3A_2415 = arith.index_cast %get3A_2414 : i32 to index
    %get3A_2416 = arith.constant 48 : index
    %get3A_2417 = tpu.vector_load %arg10[%get3A_2415, %get3A_2416] {strides = array<i32>} : memref<32x128xf32, #tpu.memory_space<vmem>>, vector<1x16xf32>,
    %get3A_2418 = vector.shape_cast %get3A_2417 : vector<1x16xf32> to vector<16xf32>
    %get3A_2419 = arith.constant 15 : i32
    %get3A_2420 = arith.index_cast %get3A_2419 : i32 to index
    %get3A_2421 = arith.constant 112 : index
    %get3A_2422 = tpu.vector_load %arg10[%get3A_2420, %get3A_2421] {strides = array<i32>} : memref<32x128xf32, #tpu.memory_space<vmem>>, vector<1x16xf32>,
    %get3A_2423 = vector.shape_cast %get3A_2422 : vector<1x16xf32> to vector<16xf32>
    %mul3A_2424 = arith.mulf %get3A_2408, %get3A_2418 : vector<16xf32>
    %mul3A_2425 = arith.mulf %get3A_2413, %get3A_2423 : vector<16xf32>
    %sub3A_2426 = arith.subf %mul3A_2424, %mul3A_2425 : vector<16xf32>
    %swap3A_2427 = arith.constant 15 : i32
    %swap3A_2428 = arith.index_cast %swap3A_2427 : i32 to index
    %swap3A_2429 = arith.constant 48 : index
    %swap3A_2430 = tpu.vector_load %arg9[%swap3A_2428, %swap3A_2429] {strides = array<i32>} : memref<32x128xf32, #tpu.memory_space<vmem>>, vector<1x16xf32>,
    %swap3A_2431 = vector.shape_cast %swap3A_2430 : vector<1x16xf32> to vector<16xf32>
    %swap3A_2432 = vector.shape_cast %sub3A_2426 : vector<16xf32> to vector<1x16xf32>
    tpu.vector_store %arg9[%swap3A_2428, %swap3A_2429], %swap3A_2432 {strides = array<i32>} : memref<32x128xf32, #tpu.memory_space<vmem>>, vector<1x16xf32>,
    %mul3A_2433 = arith.mulf %get3A_2408, %get3A_2423 : vector<16xf32>
    %mul3A_2434 = arith.mulf %get3A_2413, %get3A_2418 : vector<16xf32>
    %add3A_2435 = arith.addf %mul3A_2433, %mul3A_2434 : vector<16xf32>
    %swap3A_2436 = arith.constant 15 : i32
    %swap3A_2437 = arith.index_cast %swap3A_2436 : i32 to index
    %swap3A_2438 = arith.constant 112 : index
    %swap3A_2439 = tpu.vector_load %arg9[%swap3A_2437, %swap3A_2438] {strides = array<i32>} : memref<32x128xf32, #tpu.memory_space<vmem>>, vector<1x16xf32>,
    %swap3A_2440 = vector.shape_cast %swap3A_2439 : vector<1x16xf32> to vector<16xf32>
    %swap3A_2441 = vector.shape_cast %add3A_2435 : vector<16xf32> to vector<1x16xf32>
    tpu.vector_store %arg9[%swap3A_2437, %swap3A_2438], %swap3A_2441 {strides = array<i32>} : memref<32x128xf32, #tpu.memory_space<vmem>>, vector<1x16xf32>,
    %get3A_2442 = arith.constant 16 : i32
    %get3A_2443 = arith.index_cast %get3A_2442 : i32 to index
    %get3A_2444 = arith.constant 0 : index
    %get3A_2445 = tpu.vector_load %arg9[%get3A_2443, %get3A_2444] {strides = array<i32>} : memref<32x128xf32, #tpu.memory_space<vmem>>, vector<1x16xf32>,
    %get3A_2446 = vector.shape_cast %get3A_2445 : vector<1x16xf32> to vector<16xf32>
    %get3A_2447 = arith.constant 16 : i32
    %get3A_2448 = arith.index_cast %get3A_2447 : i32 to index
    %get3A_2449 = arith.constant 64 : index
    %get3A_2450 = tpu.vector_load %arg9[%get3A_2448, %get3A_2449] {strides = array<i32>} : memref<32x128xf32, #tpu.memory_space<vmem>>, vector<1x16xf32>,
    %get3A_2451 = vector.shape_cast %get3A_2450 : vector<1x16xf32> to vector<16xf32>
    %get3A_2452 = arith.constant 16 : i32
    %get3A_2453 = arith.index_cast %get3A_2452 : i32 to index
    %get3A_2454 = arith.constant 0 : index
    %get3A_2455 = tpu.vector_load %arg10[%get3A_2453, %get3A_2454] {strides = array<i32>} : memref<32x128xf32, #tpu.memory_space<vmem>>, vector<1x16xf32>,
    %get3A_2456 = vector.shape_cast %get3A_2455 : vector<1x16xf32> to vector<16xf32>
    %get3A_2457 = arith.constant 16 : i32
    %get3A_2458 = arith.index_cast %get3A_2457 : i32 to index
    %get3A_2459 = arith.constant 64 : index
    %get3A_2460 = tpu.vector_load %arg10[%get3A_2458, %get3A_2459] {strides = array<i32>} : memref<32x128xf32, #tpu.memory_space<vmem>>, vector<1x16xf32>,
    %get3A_2461 = vector.shape_cast %get3A_2460 : vector<1x16xf32> to vector<16xf32>
    %mul3A_2462 = arith.mulf %get3A_2446, %get3A_2456 : vector<16xf32>
    %mul3A_2463 = arith.mulf %get3A_2451, %get3A_2461 : vector<16xf32>
    %sub3A_2464 = arith.subf %mul3A_2462, %mul3A_2463 : vector<16xf32>
    %swap3A_2465 = arith.constant 16 : i32
    %swap3A_2466 = arith.index_cast %swap3A_2465 : i32 to index
    %swap3A_2467 = arith.constant 0 : index
    %swap3A_2468 = tpu.vector_load %arg9[%swap3A_2466, %swap3A_2467] {strides = array<i32>} : memref<32x128xf32, #tpu.memory_space<vmem>>, vector<1x16xf32>,
    %swap3A_2469 = vector.shape_cast %swap3A_2468 : vector<1x16xf32> to vector<16xf32>
    %swap3A_2470 = vector.shape_cast %sub3A_2464 : vector<16xf32> to vector<1x16xf32>
    tpu.vector_store %arg9[%swap3A_2466, %swap3A_2467], %swap3A_2470 {strides = array<i32>} : memref<32x128xf32, #tpu.memory_space<vmem>>, vector<1x16xf32>,
    %mul3A_2471 = arith.mulf %get3A_2446, %get3A_2461 : vector<16xf32>
    %mul3A_2472 = arith.mulf %get3A_2451, %get3A_2456 : vector<16xf32>
    %add3A_2473 = arith.addf %mul3A_2471, %mul3A_2472 : vector<16xf32>
    %swap3A_2474 = arith.constant 16 : i32
    %swap3A_2475 = arith.index_cast %swap3A_2474 : i32 to index
    %swap3A_2476 = arith.constant 64 : index
    %swap3A_2477 = tpu.vector_load %arg9[%swap3A_2475, %swap3A_2476] {strides = array<i32>} : memref<32x128xf32, #tpu.memory_space<vmem>>, vector<1x16xf32>,
    %swap3A_2478 = vector.shape_cast %swap3A_2477 : vector<1x16xf32> to vector<16xf32>
    %swap3A_2479 = vector.shape_cast %add3A_2473 : vector<16xf32> to vector<1x16xf32>
    tpu.vector_store %arg9[%swap3A_2475, %swap3A_2476], %swap3A_2479 {strides = array<i32>} : memref<32x128xf32, #tpu.memory_space<vmem>>, vector<1x16xf32>,
    %get3A_2480 = arith.constant 16 : i32
    %get3A_2481 = arith.index_cast %get3A_2480 : i32 to index
    %get3A_2482 = arith.constant 16 : index
    %get3A_2483 = tpu.vector_load %arg9[%get3A_2481, %get3A_2482] {strides = array<i32>} : memref<32x128xf32, #tpu.memory_space<vmem>>, vector<1x16xf32>,
    %get3A_2484 = vector.shape_cast %get3A_2483 : vector<1x16xf32> to vector<16xf32>
    %get3A_2485 = arith.constant 16 : i32
    %get3A_2486 = arith.index_cast %get3A_2485 : i32 to index
    %get3A_2487 = arith.constant 80 : index
    %get3A_2488 = tpu.vector_load %arg9[%get3A_2486, %get3A_2487] {strides = array<i32>} : memref<32x128xf32, #tpu.memory_space<vmem>>, vector<1x16xf32>,
    %get3A_2489 = vector.shape_cast %get3A_2488 : vector<1x16xf32> to vector<16xf32>
    %get3A_2490 = arith.constant 16 : i32
    %get3A_2491 = arith.index_cast %get3A_2490 : i32 to index
    %get3A_2492 = arith.constant 16 : index
    %get3A_2493 = tpu.vector_load %arg10[%get3A_2491, %get3A_2492] {strides = array<i32>} : memref<32x128xf32, #tpu.memory_space<vmem>>, vector<1x16xf32>,
    %get3A_2494 = vector.shape_cast %get3A_2493 : vector<1x16xf32> to vector<16xf32>
    %get3A_2495 = arith.constant 16 : i32
    %get3A_2496 = arith.index_cast %get3A_2495 : i32 to index
    %get3A_2497 = arith.constant 80 : index
    %get3A_2498 = tpu.vector_load %arg10[%get3A_2496, %get3A_2497] {strides = array<i32>} : memref<32x128xf32, #tpu.memory_space<vmem>>, vector<1x16xf32>,
    %get3A_2499 = vector.shape_cast %get3A_2498 : vector<1x16xf32> to vector<16xf32>
    %mul3A_2500 = arith.mulf %get3A_2484, %get3A_2494 : vector<16xf32>
    %mul3A_2501 = arith.mulf %get3A_2489, %get3A_2499 : vector<16xf32>
    %sub3A_2502 = arith.subf %mul3A_2500, %mul3A_2501 : vector<16xf32>
    %swap3A_2503 = arith.constant 16 : i32
    %swap3A_2504 = arith.index_cast %swap3A_2503 : i32 to index
    %swap3A_2505 = arith.constant 16 : index
    %swap3A_2506 = tpu.vector_load %arg9[%swap3A_2504, %swap3A_2505] {strides = array<i32>} : memref<32x128xf32, #tpu.memory_space<vmem>>, vector<1x16xf32>,
    %swap3A_2507 = vector.shape_cast %swap3A_2506 : vector<1x16xf32> to vector<16xf32>
    %swap3A_2508 = vector.shape_cast %sub3A_2502 : vector<16xf32> to vector<1x16xf32>
    tpu.vector_store %arg9[%swap3A_2504, %swap3A_2505], %swap3A_2508 {strides = array<i32>} : memref<32x128xf32, #tpu.memory_space<vmem>>, vector<1x16xf32>,
    %mul3A_2509 = arith.mulf %get3A_2484, %get3A_2499 : vector<16xf32>
    %mul3A_2510 = arith.mulf %get3A_2489, %get3A_2494 : vector<16xf32>
    %add3A_2511 = arith.addf %mul3A_2509, %mul3A_2510 : vector<16xf32>
    %swap3A_2512 = arith.constant 16 : i32
    %swap3A_2513 = arith.index_cast %swap3A_2512 : i32 to index
    %swap3A_2514 = arith.constant 80 : index
    %swap3A_2515 = tpu.vector_load %arg9[%swap3A_2513, %swap3A_2514] {strides = array<i32>} : memref<32x128xf32, #tpu.memory_space<vmem>>, vector<1x16xf32>,
    %swap3A_2516 = vector.shape_cast %swap3A_2515 : vector<1x16xf32> to vector<16xf32>
    %swap3A_2517 = vector.shape_cast %add3A_2511 : vector<16xf32> to vector<1x16xf32>
    tpu.vector_store %arg9[%swap3A_2513, %swap3A_2514], %swap3A_2517 {strides = array<i32>} : memref<32x128xf32, #tpu.memory_space<vmem>>, vector<1x16xf32>,
    %get3A_2518 = arith.constant 16 : i32
    %get3A_2519 = arith.index_cast %get3A_2518 : i32 to index
    %get3A_2520 = arith.constant 32 : index
    %get3A_2521 = tpu.vector_load %arg9[%get3A_2519, %get3A_2520] {strides = array<i32>} : memref<32x128xf32, #tpu.memory_space<vmem>>, vector<1x16xf32>,
    %get3A_2522 = vector.shape_cast %get3A_2521 : vector<1x16xf32> to vector<16xf32>
    %get3A_2523 = arith.constant 16 : i32
    %get3A_2524 = arith.index_cast %get3A_2523 : i32 to index
    %get3A_2525 = arith.constant 96 : index
    %get3A_2526 = tpu.vector_load %arg9[%get3A_2524, %get3A_2525] {strides = array<i32>} : memref<32x128xf32, #tpu.memory_space<vmem>>, vector<1x16xf32>,
    %get3A_2527 = vector.shape_cast %get3A_2526 : vector<1x16xf32> to vector<16xf32>
    %get3A_2528 = arith.constant 16 : i32
    %get3A_2529 = arith.index_cast %get3A_2528 : i32 to index
    %get3A_2530 = arith.constant 32 : index
    %get3A_2531 = tpu.vector_load %arg10[%get3A_2529, %get3A_2530] {strides = array<i32>} : memref<32x128xf32, #tpu.memory_space<vmem>>, vector<1x16xf32>,
    %get3A_2532 = vector.shape_cast %get3A_2531 : vector<1x16xf32> to vector<16xf32>
    %get3A_2533 = arith.constant 16 : i32
    %get3A_2534 = arith.index_cast %get3A_2533 : i32 to index
    %get3A_2535 = arith.constant 96 : index
    %get3A_2536 = tpu.vector_load %arg10[%get3A_2534, %get3A_2535] {strides = array<i32>} : memref<32x128xf32, #tpu.memory_space<vmem>>, vector<1x16xf32>,
    %get3A_2537 = vector.shape_cast %get3A_2536 : vector<1x16xf32> to vector<16xf32>
    %mul3A_2538 = arith.mulf %get3A_2522, %get3A_2532 : vector<16xf32>
    %mul3A_2539 = arith.mulf %get3A_2527, %get3A_2537 : vector<16xf32>
    %sub3A_2540 = arith.subf %mul3A_2538, %mul3A_2539 : vector<16xf32>
    %swap3A_2541 = arith.constant 16 : i32
    %swap3A_2542 = arith.index_cast %swap3A_2541 : i32 to index
    %swap3A_2543 = arith.constant 32 : index
    %swap3A_2544 = tpu.vector_load %arg9[%swap3A_2542, %swap3A_2543] {strides = array<i32>} : memref<32x128xf32, #tpu.memory_space<vmem>>, vector<1x16xf32>,
    %swap3A_2545 = vector.shape_cast %swap3A_2544 : vector<1x16xf32> to vector<16xf32>
    %swap3A_2546 = vector.shape_cast %sub3A_2540 : vector<16xf32> to vector<1x16xf32>
    tpu.vector_store %arg9[%swap3A_2542, %swap3A_2543], %swap3A_2546 {strides = array<i32>} : memref<32x128xf32, #tpu.memory_space<vmem>>, vector<1x16xf32>,
    %mul3A_2547 = arith.mulf %get3A_2522, %get3A_2537 : vector<16xf32>
    %mul3A_2548 = arith.mulf %get3A_2527, %get3A_2532 : vector<16xf32>
    %add3A_2549 = arith.addf %mul3A_2547, %mul3A_2548 : vector<16xf32>
    %swap3A_2550 = arith.constant 16 : i32
    %swap3A_2551 = arith.index_cast %swap3A_2550 : i32 to index
    %swap3A_2552 = arith.constant 96 : index
    %swap3A_2553 = tpu.vector_load %arg9[%swap3A_2551, %swap3A_2552] {strides = array<i32>} : memref<32x128xf32, #tpu.memory_space<vmem>>, vector<1x16xf32>,
    %swap3A_2554 = vector.shape_cast %swap3A_2553 : vector<1x16xf32> to vector<16xf32>
    %swap3A_2555 = vector.shape_cast %add3A_2549 : vector<16xf32> to vector<1x16xf32>
    tpu.vector_store %arg9[%swap3A_2551, %swap3A_2552], %swap3A_2555 {strides = array<i32>} : memref<32x128xf32, #tpu.memory_space<vmem>>, vector<1x16xf32>,
    %get3A_2556 = arith.constant 16 : i32
    %get3A_2557 = arith.index_cast %get3A_2556 : i32 to index
    %get3A_2558 = arith.constant 48 : index
    %get3A_2559 = tpu.vector_load %arg9[%get3A_2557, %get3A_2558] {strides = array<i32>} : memref<32x128xf32, #tpu.memory_space<vmem>>, vector<1x16xf32>,
    %get3A_2560 = vector.shape_cast %get3A_2559 : vector<1x16xf32> to vector<16xf32>
    %get3A_2561 = arith.constant 16 : i32
    %get3A_2562 = arith.index_cast %get3A_2561 : i32 to index
    %get3A_2563 = arith.constant 112 : index
    %get3A_2564 = tpu.vector_load %arg9[%get3A_2562, %get3A_2563] {strides = array<i32>} : memref<32x128xf32, #tpu.memory_space<vmem>>, vector<1x16xf32>,
    %get3A_2565 = vector.shape_cast %get3A_2564 : vector<1x16xf32> to vector<16xf32>
    %get3A_2566 = arith.constant 16 : i32
    %get3A_2567 = arith.index_cast %get3A_2566 : i32 to index
    %get3A_2568 = arith.constant 48 : index
    %get3A_2569 = tpu.vector_load %arg10[%get3A_2567, %get3A_2568] {strides = array<i32>} : memref<32x128xf32, #tpu.memory_space<vmem>>, vector<1x16xf32>,
    %get3A_2570 = vector.shape_cast %get3A_2569 : vector<1x16xf32> to vector<16xf32>
    %get3A_2571 = arith.constant 16 : i32
    %get3A_2572 = arith.index_cast %get3A_2571 : i32 to index
    %get3A_2573 = arith.constant 112 : index
    %get3A_2574 = tpu.vector_load %arg10[%get3A_2572, %get3A_2573] {strides = array<i32>} : memref<32x128xf32, #tpu.memory_space<vmem>>, vector<1x16xf32>,
    %get3A_2575 = vector.shape_cast %get3A_2574 : vector<1x16xf32> to vector<16xf32>
    %mul3A_2576 = arith.mulf %get3A_2560, %get3A_2570 : vector<16xf32>
    %mul3A_2577 = arith.mulf %get3A_2565, %get3A_2575 : vector<16xf32>
    %sub3A_2578 = arith.subf %mul3A_2576, %mul3A_2577 : vector<16xf32>
    %swap3A_2579 = arith.constant 16 : i32
    %swap3A_2580 = arith.index_cast %swap3A_2579 : i32 to index
    %swap3A_2581 = arith.constant 48 : index
    %swap3A_2582 = tpu.vector_load %arg9[%swap3A_2580, %swap3A_2581] {strides = array<i32>} : memref<32x128xf32, #tpu.memory_space<vmem>>, vector<1x16xf32>,
    %swap3A_2583 = vector.shape_cast %swap3A_2582 : vector<1x16xf32> to vector<16xf32>
    %swap3A_2584 = vector.shape_cast %sub3A_2578 : vector<16xf32> to vector<1x16xf32>
    tpu.vector_store %arg9[%swap3A_2580, %swap3A_2581], %swap3A_2584 {strides = array<i32>} : memref<32x128xf32, #tpu.memory_space<vmem>>, vector<1x16xf32>,
    %mul3A_2585 = arith.mulf %get3A_2560, %get3A_2575 : vector<16xf32>
    %mul3A_2586 = arith.mulf %get3A_2565, %get3A_2570 : vector<16xf32>
    %add3A_2587 = arith.addf %mul3A_2585, %mul3A_2586 : vector<16xf32>
    %swap3A_2588 = arith.constant 16 : i32
    %swap3A_2589 = arith.index_cast %swap3A_2588 : i32 to index
    %swap3A_2590 = arith.constant 112 : index
    %swap3A_2591 = tpu.vector_load %arg9[%swap3A_2589, %swap3A_2590] {strides = array<i32>} : memref<32x128xf32, #tpu.memory_space<vmem>>, vector<1x16xf32>,
    %swap3A_2592 = vector.shape_cast %swap3A_2591 : vector<1x16xf32> to vector<16xf32>
    %swap3A_2593 = vector.shape_cast %add3A_2587 : vector<16xf32> to vector<1x16xf32>
    tpu.vector_store %arg9[%swap3A_2589, %swap3A_2590], %swap3A_2593 {strides = array<i32>} : memref<32x128xf32, #tpu.memory_space<vmem>>, vector<1x16xf32>,
    %get3A_2594 = arith.constant 17 : i32
    %get3A_2595 = arith.index_cast %get3A_2594 : i32 to index
    %get3A_2596 = arith.constant 0 : index
    %get3A_2597 = tpu.vector_load %arg9[%get3A_2595, %get3A_2596] {strides = array<i32>} : memref<32x128xf32, #tpu.memory_space<vmem>>, vector<1x16xf32>,
    %get3A_2598 = vector.shape_cast %get3A_2597 : vector<1x16xf32> to vector<16xf32>
    %get3A_2599 = arith.constant 17 : i32
    %get3A_2600 = arith.index_cast %get3A_2599 : i32 to index
    %get3A_2601 = arith.constant 64 : index
    %get3A_2602 = tpu.vector_load %arg9[%get3A_2600, %get3A_2601] {strides = array<i32>} : memref<32x128xf32, #tpu.memory_space<vmem>>, vector<1x16xf32>,
    %get3A_2603 = vector.shape_cast %get3A_2602 : vector<1x16xf32> to vector<16xf32>
    %get3A_2604 = arith.constant 17 : i32
    %get3A_2605 = arith.index_cast %get3A_2604 : i32 to index
    %get3A_2606 = arith.constant 0 : index
    %get3A_2607 = tpu.vector_load %arg10[%get3A_2605, %get3A_2606] {strides = array<i32>} : memref<32x128xf32, #tpu.memory_space<vmem>>, vector<1x16xf32>,
    %get3A_2608 = vector.shape_cast %get3A_2607 : vector<1x16xf32> to vector<16xf32>
    %get3A_2609 = arith.constant 17 : i32
    %get3A_2610 = arith.index_cast %get3A_2609 : i32 to index
    %get3A_2611 = arith.constant 64 : index
    %get3A_2612 = tpu.vector_load %arg10[%get3A_2610, %get3A_2611] {strides = array<i32>} : memref<32x128xf32, #tpu.memory_space<vmem>>, vector<1x16xf32>,
    %get3A_2613 = vector.shape_cast %get3A_2612 : vector<1x16xf32> to vector<16xf32>
    %mul3A_2614 = arith.mulf %get3A_2598, %get3A_2608 : vector<16xf32>
    %mul3A_2615 = arith.mulf %get3A_2603, %get3A_2613 : vector<16xf32>
    %sub3A_2616 = arith.subf %mul3A_2614, %mul3A_2615 : vector<16xf32>
    %swap3A_2617 = arith.constant 17 : i32
    %swap3A_2618 = arith.index_cast %swap3A_2617 : i32 to index
    %swap3A_2619 = arith.constant 0 : index
    %swap3A_2620 = tpu.vector_load %arg9[%swap3A_2618, %swap3A_2619] {strides = array<i32>} : memref<32x128xf32, #tpu.memory_space<vmem>>, vector<1x16xf32>,
    %swap3A_2621 = vector.shape_cast %swap3A_2620 : vector<1x16xf32> to vector<16xf32>
    %swap3A_2622 = vector.shape_cast %sub3A_2616 : vector<16xf32> to vector<1x16xf32>
    tpu.vector_store %arg9[%swap3A_2618, %swap3A_2619], %swap3A_2622 {strides = array<i32>} : memref<32x128xf32, #tpu.memory_space<vmem>>, vector<1x16xf32>,
    %mul3A_2623 = arith.mulf %get3A_2598, %get3A_2613 : vector<16xf32>
    %mul3A_2624 = arith.mulf %get3A_2603, %get3A_2608 : vector<16xf32>
    %add3A_2625 = arith.addf %mul3A_2623, %mul3A_2624 : vector<16xf32>
    %swap3A_2626 = arith.constant 17 : i32
    %swap3A_2627 = arith.index_cast %swap3A_2626 : i32 to index
    %swap3A_2628 = arith.constant 64 : index
    %swap3A_2629 = tpu.vector_load %arg9[%swap3A_2627, %swap3A_2628] {strides = array<i32>} : memref<32x128xf32, #tpu.memory_space<vmem>>, vector<1x16xf32>,
    %swap3A_2630 = vector.shape_cast %swap3A_2629 : vector<1x16xf32> to vector<16xf32>
    %swap3A_2631 = vector.shape_cast %add3A_2625 : vector<16xf32> to vector<1x16xf32>
    tpu.vector_store %arg9[%swap3A_2627, %swap3A_2628], %swap3A_2631 {strides = array<i32>} : memref<32x128xf32, #tpu.memory_space<vmem>>, vector<1x16xf32>,
    %get3A_2632 = arith.constant 17 : i32
    %get3A_2633 = arith.index_cast %get3A_2632 : i32 to index
    %get3A_2634 = arith.constant 16 : index
    %get3A_2635 = tpu.vector_load %arg9[%get3A_2633, %get3A_2634] {strides = array<i32>} : memref<32x128xf32, #tpu.memory_space<vmem>>, vector<1x16xf32>,
    %get3A_2636 = vector.shape_cast %get3A_2635 : vector<1x16xf32> to vector<16xf32>
    %get3A_2637 = arith.constant 17 : i32
    %get3A_2638 = arith.index_cast %get3A_2637 : i32 to index
    %get3A_2639 = arith.constant 80 : index
    %get3A_2640 = tpu.vector_load %arg9[%get3A_2638, %get3A_2639] {strides = array<i32>} : memref<32x128xf32, #tpu.memory_space<vmem>>, vector<1x16xf32>,
    %get3A_2641 = vector.shape_cast %get3A_2640 : vector<1x16xf32> to vector<16xf32>
    %get3A_2642 = arith.constant 17 : i32
    %get3A_2643 = arith.index_cast %get3A_2642 : i32 to index
    %get3A_2644 = arith.constant 16 : index
    %get3A_2645 = tpu.vector_load %arg10[%get3A_2643, %get3A_2644] {strides = array<i32>} : memref<32x128xf32, #tpu.memory_space<vmem>>, vector<1x16xf32>,
    %get3A_2646 = vector.shape_cast %get3A_2645 : vector<1x16xf32> to vector<16xf32>
    %get3A_2647 = arith.constant 17 : i32
    %get3A_2648 = arith.index_cast %get3A_2647 : i32 to index
    %get3A_2649 = arith.constant 80 : index
    %get3A_2650 = tpu.vector_load %arg10[%get3A_2648, %get3A_2649] {strides = array<i32>} : memref<32x128xf32, #tpu.memory_space<vmem>>, vector<1x16xf32>,
    %get3A_2651 = vector.shape_cast %get3A_2650 : vector<1x16xf32> to vector<16xf32>
    %mul3A_2652 = arith.mulf %get3A_2636, %get3A_2646 : vector<16xf32>
    %mul3A_2653 = arith.mulf %get3A_2641, %get3A_2651 : vector<16xf32>
    %sub3A_2654 = arith.subf %mul3A_2652, %mul3A_2653 : vector<16xf32>
    %swap3A_2655 = arith.constant 17 : i32
    %swap3A_2656 = arith.index_cast %swap3A_2655 : i32 to index
    %swap3A_2657 = arith.constant 16 : index
    %swap3A_2658 = tpu.vector_load %arg9[%swap3A_2656, %swap3A_2657] {strides = array<i32>} : memref<32x128xf32, #tpu.memory_space<vmem>>, vector<1x16xf32>,
    %swap3A_2659 = vector.shape_cast %swap3A_2658 : vector<1x16xf32> to vector<16xf32>
    %swap3A_2660 = vector.shape_cast %sub3A_2654 : vector<16xf32> to vector<1x16xf32>
    tpu.vector_store %arg9[%swap3A_2656, %swap3A_2657], %swap3A_2660 {strides = array<i32>} : memref<32x128xf32, #tpu.memory_space<vmem>>, vector<1x16xf32>,
    %mul3A_2661 = arith.mulf %get3A_2636, %get3A_2651 : vector<16xf32>
    %mul3A_2662 = arith.mulf %get3A_2641, %get3A_2646 : vector<16xf32>
    %add3A_2663 = arith.addf %mul3A_2661, %mul3A_2662 : vector<16xf32>
    %swap3A_2664 = arith.constant 17 : i32
    %swap3A_2665 = arith.index_cast %swap3A_2664 : i32 to index
    %swap3A_2666 = arith.constant 80 : index
    %swap3A_2667 = tpu.vector_load %arg9[%swap3A_2665, %swap3A_2666] {strides = array<i32>} : memref<32x128xf32, #tpu.memory_space<vmem>>, vector<1x16xf32>,
    %swap3A_2668 = vector.shape_cast %swap3A_2667 : vector<1x16xf32> to vector<16xf32>
    %swap3A_2669 = vector.shape_cast %add3A_2663 : vector<16xf32> to vector<1x16xf32>
    tpu.vector_store %arg9[%swap3A_2665, %swap3A_2666], %swap3A_2669 {strides = array<i32>} : memref<32x128xf32, #tpu.memory_space<vmem>>, vector<1x16xf32>,
    %get3A_2670 = arith.constant 17 : i32
    %get3A_2671 = arith.index_cast %get3A_2670 : i32 to index
    %get3A_2672 = arith.constant 32 : index
    %get3A_2673 = tpu.vector_load %arg9[%get3A_2671, %get3A_2672] {strides = array<i32>} : memref<32x128xf32, #tpu.memory_space<vmem>>, vector<1x16xf32>,
    %get3A_2674 = vector.shape_cast %get3A_2673 : vector<1x16xf32> to vector<16xf32>
    %get3A_2675 = arith.constant 17 : i32
    %get3A_2676 = arith.index_cast %get3A_2675 : i32 to index
    %get3A_2677 = arith.constant 96 : index
    %get3A_2678 = tpu.vector_load %arg9[%get3A_2676, %get3A_2677] {strides = array<i32>} : memref<32x128xf32, #tpu.memory_space<vmem>>, vector<1x16xf32>,
    %get3A_2679 = vector.shape_cast %get3A_2678 : vector<1x16xf32> to vector<16xf32>
    %get3A_2680 = arith.constant 17 : i32
    %get3A_2681 = arith.index_cast %get3A_2680 : i32 to index
    %get3A_2682 = arith.constant 32 : index
    %get3A_2683 = tpu.vector_load %arg10[%get3A_2681, %get3A_2682] {strides = array<i32>} : memref<32x128xf32, #tpu.memory_space<vmem>>, vector<1x16xf32>,
    %get3A_2684 = vector.shape_cast %get3A_2683 : vector<1x16xf32> to vector<16xf32>
    %get3A_2685 = arith.constant 17 : i32
    %get3A_2686 = arith.index_cast %get3A_2685 : i32 to index
    %get3A_2687 = arith.constant 96 : index
    %get3A_2688 = tpu.vector_load %arg10[%get3A_2686, %get3A_2687] {strides = array<i32>} : memref<32x128xf32, #tpu.memory_space<vmem>>, vector<1x16xf32>,
    %get3A_2689 = vector.shape_cast %get3A_2688 : vector<1x16xf32> to vector<16xf32>
    %mul3A_2690 = arith.mulf %get3A_2674, %get3A_2684 : vector<16xf32>
    %mul3A_2691 = arith.mulf %get3A_2679, %get3A_2689 : vector<16xf32>
    %sub3A_2692 = arith.subf %mul3A_2690, %mul3A_2691 : vector<16xf32>
    %swap3A_2693 = arith.constant 17 : i32
    %swap3A_2694 = arith.index_cast %swap3A_2693 : i32 to index
    %swap3A_2695 = arith.constant 32 : index
    %swap3A_2696 = tpu.vector_load %arg9[%swap3A_2694, %swap3A_2695] {strides = array<i32>} : memref<32x128xf32, #tpu.memory_space<vmem>>, vector<1x16xf32>,
    %swap3A_2697 = vector.shape_cast %swap3A_2696 : vector<1x16xf32> to vector<16xf32>
    %swap3A_2698 = vector.shape_cast %sub3A_2692 : vector<16xf32> to vector<1x16xf32>
    tpu.vector_store %arg9[%swap3A_2694, %swap3A_2695], %swap3A_2698 {strides = array<i32>} : memref<32x128xf32, #tpu.memory_space<vmem>>, vector<1x16xf32>,
    %mul3A_2699 = arith.mulf %get3A_2674, %get3A_2689 : vector<16xf32>
    %mul3A_2700 = arith.mulf %get3A_2679, %get3A_2684 : vector<16xf32>
    %add3A_2701 = arith.addf %mul3A_2699, %mul3A_2700 : vector<16xf32>
    %swap3A_2702 = arith.constant 17 : i32
    %swap3A_2703 = arith.index_cast %swap3A_2702 : i32 to index
    %swap3A_2704 = arith.constant 96 : index
    %swap3A_2705 = tpu.vector_load %arg9[%swap3A_2703, %swap3A_2704] {strides = array<i32>} : memref<32x128xf32, #tpu.memory_space<vmem>>, vector<1x16xf32>,
    %swap3A_2706 = vector.shape_cast %swap3A_2705 : vector<1x16xf32> to vector<16xf32>
    %swap3A_2707 = vector.shape_cast %add3A_2701 : vector<16xf32> to vector<1x16xf32>
    tpu.vector_store %arg9[%swap3A_2703, %swap3A_2704], %swap3A_2707 {strides = array<i32>} : memref<32x128xf32, #tpu.memory_space<vmem>>, vector<1x16xf32>,
    %get3A_2708 = arith.constant 17 : i32
    %get3A_2709 = arith.index_cast %get3A_2708 : i32 to index
    %get3A_2710 = arith.constant 48 : index
    %get3A_2711 = tpu.vector_load %arg9[%get3A_2709, %get3A_2710] {strides = array<i32>} : memref<32x128xf32, #tpu.memory_space<vmem>>, vector<1x16xf32>,
    %get3A_2712 = vector.shape_cast %get3A_2711 : vector<1x16xf32> to vector<16xf32>
    %get3A_2713 = arith.constant 17 : i32
    %get3A_2714 = arith.index_cast %get3A_2713 : i32 to index
    %get3A_2715 = arith.constant 112 : index
    %get3A_2716 = tpu.vector_load %arg9[%get3A_2714, %get3A_2715] {strides = array<i32>} : memref<32x128xf32, #tpu.memory_space<vmem>>, vector<1x16xf32>,
    %get3A_2717 = vector.shape_cast %get3A_2716 : vector<1x16xf32> to vector<16xf32>
    %get3A_2718 = arith.constant 17 : i32
    %get3A_2719 = arith.index_cast %get3A_2718 : i32 to index
    %get3A_2720 = arith.constant 48 : index
    %get3A_2721 = tpu.vector_load %arg10[%get3A_2719, %get3A_2720] {strides = array<i32>} : memref<32x128xf32, #tpu.memory_space<vmem>>, vector<1x16xf32>,
    %get3A_2722 = vector.shape_cast %get3A_2721 : vector<1x16xf32> to vector<16xf32>
    %get3A_2723 = arith.constant 17 : i32
    %get3A_2724 = arith.index_cast %get3A_2723 : i32 to index
    %get3A_2725 = arith.constant 112 : index
    %get3A_2726 = tpu.vector_load %arg10[%get3A_2724, %get3A_2725] {strides = array<i32>} : memref<32x128xf32, #tpu.memory_space<vmem>>, vector<1x16xf32>,
    %get3A_2727 = vector.shape_cast %get3A_2726 : vector<1x16xf32> to vector<16xf32>
    %mul3A_2728 = arith.mulf %get3A_2712, %get3A_2722 : vector<16xf32>
    %mul3A_2729 = arith.mulf %get3A_2717, %get3A_2727 : vector<16xf32>
    %sub3A_2730 = arith.subf %mul3A_2728, %mul3A_2729 : vector<16xf32>
    %swap3A_2731 = arith.constant 17 : i32
    %swap3A_2732 = arith.index_cast %swap3A_2731 : i32 to index
    %swap3A_2733 = arith.constant 48 : index
    %swap3A_2734 = tpu.vector_load %arg9[%swap3A_2732, %swap3A_2733] {strides = array<i32>} : memref<32x128xf32, #tpu.memory_space<vmem>>, vector<1x16xf32>,
    %swap3A_2735 = vector.shape_cast %swap3A_2734 : vector<1x16xf32> to vector<16xf32>
    %swap3A_2736 = vector.shape_cast %sub3A_2730 : vector<16xf32> to vector<1x16xf32>
    tpu.vector_store %arg9[%swap3A_2732, %swap3A_2733], %swap3A_2736 {strides = array<i32>} : memref<32x128xf32, #tpu.memory_space<vmem>>, vector<1x16xf32>,
    %mul3A_2737 = arith.mulf %get3A_2712, %get3A_2727 : vector<16xf32>
    %mul3A_2738 = arith.mulf %get3A_2717, %get3A_2722 : vector<16xf32>
    %add3A_2739 = arith.addf %mul3A_2737, %mul3A_2738 : vector<16xf32>
    %swap3A_2740 = arith.constant 17 : i32
    %swap3A_2741 = arith.index_cast %swap3A_2740 : i32 to index
    %swap3A_2742 = arith.constant 112 : index
    %swap3A_2743 = tpu.vector_load %arg9[%swap3A_2741, %swap3A_2742] {strides = array<i32>} : memref<32x128xf32, #tpu.memory_space<vmem>>, vector<1x16xf32>,
    %swap3A_2744 = vector.shape_cast %swap3A_2743 : vector<1x16xf32> to vector<16xf32>
    %swap3A_2745 = vector.shape_cast %add3A_2739 : vector<16xf32> to vector<1x16xf32>
    tpu.vector_store %arg9[%swap3A_2741, %swap3A_2742], %swap3A_2745 {strides = array<i32>} : memref<32x128xf32, #tpu.memory_space<vmem>>, vector<1x16xf32>,
    %get3A_2746 = arith.constant 18 : i32
    %get3A_2747 = arith.index_cast %get3A_2746 : i32 to index
    %get3A_2748 = arith.constant 0 : index
    %get3A_2749 = tpu.vector_load %arg9[%get3A_2747, %get3A_2748] {strides = array<i32>} : memref<32x128xf32, #tpu.memory_space<vmem>>, vector<1x16xf32>,
    %get3A_2750 = vector.shape_cast %get3A_2749 : vector<1x16xf32> to vector<16xf32>
    %get3A_2751 = arith.constant 18 : i32
    %get3A_2752 = arith.index_cast %get3A_2751 : i32 to index
    %get3A_2753 = arith.constant 64 : index
    %get3A_2754 = tpu.vector_load %arg9[%get3A_2752, %get3A_2753] {strides = array<i32>} : memref<32x128xf32, #tpu.memory_space<vmem>>, vector<1x16xf32>,
    %get3A_2755 = vector.shape_cast %get3A_2754 : vector<1x16xf32> to vector<16xf32>
    %get3A_2756 = arith.constant 18 : i32
    %get3A_2757 = arith.index_cast %get3A_2756 : i32 to index
    %get3A_2758 = arith.constant 0 : index
    %get3A_2759 = tpu.vector_load %arg10[%get3A_2757, %get3A_2758] {strides = array<i32>} : memref<32x128xf32, #tpu.memory_space<vmem>>, vector<1x16xf32>,
    %get3A_2760 = vector.shape_cast %get3A_2759 : vector<1x16xf32> to vector<16xf32>
    %get3A_2761 = arith.constant 18 : i32
    %get3A_2762 = arith.index_cast %get3A_2761 : i32 to index
    %get3A_2763 = arith.constant 64 : index
    %get3A_2764 = tpu.vector_load %arg10[%get3A_2762, %get3A_2763] {strides = array<i32>} : memref<32x128xf32, #tpu.memory_space<vmem>>, vector<1x16xf32>,
    %get3A_2765 = vector.shape_cast %get3A_2764 : vector<1x16xf32> to vector<16xf32>
    %mul3A_2766 = arith.mulf %get3A_2750, %get3A_2760 : vector<16xf32>
    %mul3A_2767 = arith.mulf %get3A_2755, %get3A_2765 : vector<16xf32>
    %sub3A_2768 = arith.subf %mul3A_2766, %mul3A_2767 : vector<16xf32>
    %swap3A_2769 = arith.constant 18 : i32
    %swap3A_2770 = arith.index_cast %swap3A_2769 : i32 to index
    %swap3A_2771 = arith.constant 0 : index
    %swap3A_2772 = tpu.vector_load %arg9[%swap3A_2770, %swap3A_2771] {strides = array<i32>} : memref<32x128xf32, #tpu.memory_space<vmem>>, vector<1x16xf32>,
    %swap3A_2773 = vector.shape_cast %swap3A_2772 : vector<1x16xf32> to vector<16xf32>
    %swap3A_2774 = vector.shape_cast %sub3A_2768 : vector<16xf32> to vector<1x16xf32>
    tpu.vector_store %arg9[%swap3A_2770, %swap3A_2771], %swap3A_2774 {strides = array<i32>} : memref<32x128xf32, #tpu.memory_space<vmem>>, vector<1x16xf32>,
    %mul3A_2775 = arith.mulf %get3A_2750, %get3A_2765 : vector<16xf32>
    %mul3A_2776 = arith.mulf %get3A_2755, %get3A_2760 : vector<16xf32>
    %add3A_2777 = arith.addf %mul3A_2775, %mul3A_2776 : vector<16xf32>
    %swap3A_2778 = arith.constant 18 : i32
    %swap3A_2779 = arith.index_cast %swap3A_2778 : i32 to index
    %swap3A_2780 = arith.constant 64 : index
    %swap3A_2781 = tpu.vector_load %arg9[%swap3A_2779, %swap3A_2780] {strides = array<i32>} : memref<32x128xf32, #tpu.memory_space<vmem>>, vector<1x16xf32>,
    %swap3A_2782 = vector.shape_cast %swap3A_2781 : vector<1x16xf32> to vector<16xf32>
    %swap3A_2783 = vector.shape_cast %add3A_2777 : vector<16xf32> to vector<1x16xf32>
    tpu.vector_store %arg9[%swap3A_2779, %swap3A_2780], %swap3A_2783 {strides = array<i32>} : memref<32x128xf32, #tpu.memory_space<vmem>>, vector<1x16xf32>,
    %get3A_2784 = arith.constant 18 : i32
    %get3A_2785 = arith.index_cast %get3A_2784 : i32 to index
    %get3A_2786 = arith.constant 16 : index
    %get3A_2787 = tpu.vector_load %arg9[%get3A_2785, %get3A_2786] {strides = array<i32>} : memref<32x128xf32, #tpu.memory_space<vmem>>, vector<1x16xf32>,
    %get3A_2788 = vector.shape_cast %get3A_2787 : vector<1x16xf32> to vector<16xf32>
    %get3A_2789 = arith.constant 18 : i32
    %get3A_2790 = arith.index_cast %get3A_2789 : i32 to index
    %get3A_2791 = arith.constant 80 : index
    %get3A_2792 = tpu.vector_load %arg9[%get3A_2790, %get3A_2791] {strides = array<i32>} : memref<32x128xf32, #tpu.memory_space<vmem>>, vector<1x16xf32>,
    %get3A_2793 = vector.shape_cast %get3A_2792 : vector<1x16xf32> to vector<16xf32>
    %get3A_2794 = arith.constant 18 : i32
    %get3A_2795 = arith.index_cast %get3A_2794 : i32 to index
    %get3A_2796 = arith.constant 16 : index
    %get3A_2797 = tpu.vector_load %arg10[%get3A_2795, %get3A_2796] {strides = array<i32>} : memref<32x128xf32, #tpu.memory_space<vmem>>, vector<1x16xf32>,
    %get3A_2798 = vector.shape_cast %get3A_2797 : vector<1x16xf32> to vector<16xf32>
    %get3A_2799 = arith.constant 18 : i32
    %get3A_2800 = arith.index_cast %get3A_2799 : i32 to index
    %get3A_2801 = arith.constant 80 : index
    %get3A_2802 = tpu.vector_load %arg10[%get3A_2800, %get3A_2801] {strides = array<i32>} : memref<32x128xf32, #tpu.memory_space<vmem>>, vector<1x16xf32>,
    %get3A_2803 = vector.shape_cast %get3A_2802 : vector<1x16xf32> to vector<16xf32>
    %mul3A_2804 = arith.mulf %get3A_2788, %get3A_2798 : vector<16xf32>
    %mul3A_2805 = arith.mulf %get3A_2793, %get3A_2803 : vector<16xf32>
    %sub3A_2806 = arith.subf %mul3A_2804, %mul3A_2805 : vector<16xf32>
    %swap3A_2807 = arith.constant 18 : i32
    %swap3A_2808 = arith.index_cast %swap3A_2807 : i32 to index
    %swap3A_2809 = arith.constant 16 : index
    %swap3A_2810 = tpu.vector_load %arg9[%swap3A_2808, %swap3A_2809] {strides = array<i32>} : memref<32x128xf32, #tpu.memory_space<vmem>>, vector<1x16xf32>,
    %swap3A_2811 = vector.shape_cast %swap3A_2810 : vector<1x16xf32> to vector<16xf32>
    %swap3A_2812 = vector.shape_cast %sub3A_2806 : vector<16xf32> to vector<1x16xf32>
    tpu.vector_store %arg9[%swap3A_2808, %swap3A_2809], %swap3A_2812 {strides = array<i32>} : memref<32x128xf32, #tpu.memory_space<vmem>>, vector<1x16xf32>,
    %mul3A_2813 = arith.mulf %get3A_2788, %get3A_2803 : vector<16xf32>
    %mul3A_2814 = arith.mulf %get3A_2793, %get3A_2798 : vector<16xf32>
    %add3A_2815 = arith.addf %mul3A_2813, %mul3A_2814 : vector<16xf32>
    %swap3A_2816 = arith.constant 18 : i32
    %swap3A_2817 = arith.index_cast %swap3A_2816 : i32 to index
    %swap3A_2818 = arith.constant 80 : index
    %swap3A_2819 = tpu.vector_load %arg9[%swap3A_2817, %swap3A_2818] {strides = array<i32>} : memref<32x128xf32, #tpu.memory_space<vmem>>, vector<1x16xf32>,
    %swap3A_2820 = vector.shape_cast %swap3A_2819 : vector<1x16xf32> to vector<16xf32>
    %swap3A_2821 = vector.shape_cast %add3A_2815 : vector<16xf32> to vector<1x16xf32>
    tpu.vector_store %arg9[%swap3A_2817, %swap3A_2818], %swap3A_2821 {strides = array<i32>} : memref<32x128xf32, #tpu.memory_space<vmem>>, vector<1x16xf32>,
    %get3A_2822 = arith.constant 18 : i32
    %get3A_2823 = arith.index_cast %get3A_2822 : i32 to index
    %get3A_2824 = arith.constant 32 : index
    %get3A_2825 = tpu.vector_load %arg9[%get3A_2823, %get3A_2824] {strides = array<i32>} : memref<32x128xf32, #tpu.memory_space<vmem>>, vector<1x16xf32>,
    %get3A_2826 = vector.shape_cast %get3A_2825 : vector<1x16xf32> to vector<16xf32>
    %get3A_2827 = arith.constant 18 : i32
    %get3A_2828 = arith.index_cast %get3A_2827 : i32 to index
    %get3A_2829 = arith.constant 96 : index
    %get3A_2830 = tpu.vector_load %arg9[%get3A_2828, %get3A_2829] {strides = array<i32>} : memref<32x128xf32, #tpu.memory_space<vmem>>, vector<1x16xf32>,
    %get3A_2831 = vector.shape_cast %get3A_2830 : vector<1x16xf32> to vector<16xf32>
    %get3A_2832 = arith.constant 18 : i32
    %get3A_2833 = arith.index_cast %get3A_2832 : i32 to index
    %get3A_2834 = arith.constant 32 : index
    %get3A_2835 = tpu.vector_load %arg10[%get3A_2833, %get3A_2834] {strides = array<i32>} : memref<32x128xf32, #tpu.memory_space<vmem>>, vector<1x16xf32>,
    %get3A_2836 = vector.shape_cast %get3A_2835 : vector<1x16xf32> to vector<16xf32>
    %get3A_2837 = arith.constant 18 : i32
    %get3A_2838 = arith.index_cast %get3A_2837 : i32 to index
    %get3A_2839 = arith.constant 96 : index
    %get3A_2840 = tpu.vector_load %arg10[%get3A_2838, %get3A_2839] {strides = array<i32>} : memref<32x128xf32, #tpu.memory_space<vmem>>, vector<1x16xf32>,
    %get3A_2841 = vector.shape_cast %get3A_2840 : vector<1x16xf32> to vector<16xf32>
    %mul3A_2842 = arith.mulf %get3A_2826, %get3A_2836 : vector<16xf32>
    %mul3A_2843 = arith.mulf %get3A_2831, %get3A_2841 : vector<16xf32>
    %sub3A_2844 = arith.subf %mul3A_2842, %mul3A_2843 : vector<16xf32>
    %swap3A_2845 = arith.constant 18 : i32
    %swap3A_2846 = arith.index_cast %swap3A_2845 : i32 to index
    %swap3A_2847 = arith.constant 32 : index
    %swap3A_2848 = tpu.vector_load %arg9[%swap3A_2846, %swap3A_2847] {strides = array<i32>} : memref<32x128xf32, #tpu.memory_space<vmem>>, vector<1x16xf32>,
    %swap3A_2849 = vector.shape_cast %swap3A_2848 : vector<1x16xf32> to vector<16xf32>
    %swap3A_2850 = vector.shape_cast %sub3A_2844 : vector<16xf32> to vector<1x16xf32>
    tpu.vector_store %arg9[%swap3A_2846, %swap3A_2847], %swap3A_2850 {strides = array<i32>} : memref<32x128xf32, #tpu.memory_space<vmem>>, vector<1x16xf32>,
    %mul3A_2851 = arith.mulf %get3A_2826, %get3A_2841 : vector<16xf32>
    %mul3A_2852 = arith.mulf %get3A_2831, %get3A_2836 : vector<16xf32>
    %add3A_2853 = arith.addf %mul3A_2851, %mul3A_2852 : vector<16xf32>
    %swap3A_2854 = arith.constant 18 : i32
    %swap3A_2855 = arith.index_cast %swap3A_2854 : i32 to index
    %swap3A_2856 = arith.constant 96 : index
    %swap3A_2857 = tpu.vector_load %arg9[%swap3A_2855, %swap3A_2856] {strides = array<i32>} : memref<32x128xf32, #tpu.memory_space<vmem>>, vector<1x16xf32>,
    %swap3A_2858 = vector.shape_cast %swap3A_2857 : vector<1x16xf32> to vector<16xf32>
    %swap3A_2859 = vector.shape_cast %add3A_2853 : vector<16xf32> to vector<1x16xf32>
    tpu.vector_store %arg9[%swap3A_2855, %swap3A_2856], %swap3A_2859 {strides = array<i32>} : memref<32x128xf32, #tpu.memory_space<vmem>>, vector<1x16xf32>,
    %get3A_2860 = arith.constant 18 : i32
    %get3A_2861 = arith.index_cast %get3A_2860 : i32 to index
    %get3A_2862 = arith.constant 48 : index
    %get3A_2863 = tpu.vector_load %arg9[%get3A_2861, %get3A_2862] {strides = array<i32>} : memref<32x128xf32, #tpu.memory_space<vmem>>, vector<1x16xf32>,
    %get3A_2864 = vector.shape_cast %get3A_2863 : vector<1x16xf32> to vector<16xf32>
    %get3A_2865 = arith.constant 18 : i32
    %get3A_2866 = arith.index_cast %get3A_2865 : i32 to index
    %get3A_2867 = arith.constant 112 : index
    %get3A_2868 = tpu.vector_load %arg9[%get3A_2866, %get3A_2867] {strides = array<i32>} : memref<32x128xf32, #tpu.memory_space<vmem>>, vector<1x16xf32>,
    %get3A_2869 = vector.shape_cast %get3A_2868 : vector<1x16xf32> to vector<16xf32>
    %get3A_2870 = arith.constant 18 : i32
    %get3A_2871 = arith.index_cast %get3A_2870 : i32 to index
    %get3A_2872 = arith.constant 48 : index
    %get3A_2873 = tpu.vector_load %arg10[%get3A_2871, %get3A_2872] {strides = array<i32>} : memref<32x128xf32, #tpu.memory_space<vmem>>, vector<1x16xf32>,
    %get3A_2874 = vector.shape_cast %get3A_2873 : vector<1x16xf32> to vector<16xf32>
    %get3A_2875 = arith.constant 18 : i32
    %get3A_2876 = arith.index_cast %get3A_2875 : i32 to index
    %get3A_2877 = arith.constant 112 : index
    %get3A_2878 = tpu.vector_load %arg10[%get3A_2876, %get3A_2877] {strides = array<i32>} : memref<32x128xf32, #tpu.memory_space<vmem>>, vector<1x16xf32>,
    %get3A_2879 = vector.shape_cast %get3A_2878 : vector<1x16xf32> to vector<16xf32>
    %mul3A_2880 = arith.mulf %get3A_2864, %get3A_2874 : vector<16xf32>
    %mul3A_2881 = arith.mulf %get3A_2869, %get3A_2879 : vector<16xf32>
    %sub3A_2882 = arith.subf %mul3A_2880, %mul3A_2881 : vector<16xf32>
    %swap3A_2883 = arith.constant 18 : i32
    %swap3A_2884 = arith.index_cast %swap3A_2883 : i32 to index
    %swap3A_2885 = arith.constant 48 : index
    %swap3A_2886 = tpu.vector_load %arg9[%swap3A_2884, %swap3A_2885] {strides = array<i32>} : memref<32x128xf32, #tpu.memory_space<vmem>>, vector<1x16xf32>,
    %swap3A_2887 = vector.shape_cast %swap3A_2886 : vector<1x16xf32> to vector<16xf32>
    %swap3A_2888 = vector.shape_cast %sub3A_2882 : vector<16xf32> to vector<1x16xf32>
    tpu.vector_store %arg9[%swap3A_2884, %swap3A_2885], %swap3A_2888 {strides = array<i32>} : memref<32x128xf32, #tpu.memory_space<vmem>>, vector<1x16xf32>,
    %mul3A_2889 = arith.mulf %get3A_2864, %get3A_2879 : vector<16xf32>
    %mul3A_2890 = arith.mulf %get3A_2869, %get3A_2874 : vector<16xf32>
    %add3A_2891 = arith.addf %mul3A_2889, %mul3A_2890 : vector<16xf32>
    %swap3A_2892 = arith.constant 18 : i32
    %swap3A_2893 = arith.index_cast %swap3A_2892 : i32 to index
    %swap3A_2894 = arith.constant 112 : index
    %swap3A_2895 = tpu.vector_load %arg9[%swap3A_2893, %swap3A_2894] {strides = array<i32>} : memref<32x128xf32, #tpu.memory_space<vmem>>, vector<1x16xf32>,
    %swap3A_2896 = vector.shape_cast %swap3A_2895 : vector<1x16xf32> to vector<16xf32>
    %swap3A_2897 = vector.shape_cast %add3A_2891 : vector<16xf32> to vector<1x16xf32>
    tpu.vector_store %arg9[%swap3A_2893, %swap3A_2894], %swap3A_2897 {strides = array<i32>} : memref<32x128xf32, #tpu.memory_space<vmem>>, vector<1x16xf32>,
    %get3A_2898 = arith.constant 19 : i32
    %get3A_2899 = arith.index_cast %get3A_2898 : i32 to index
    %get3A_2900 = arith.constant 0 : index
    %get3A_2901 = tpu.vector_load %arg9[%get3A_2899, %get3A_2900] {strides = array<i32>} : memref<32x128xf32, #tpu.memory_space<vmem>>, vector<1x16xf32>,
    %get3A_2902 = vector.shape_cast %get3A_2901 : vector<1x16xf32> to vector<16xf32>
    %get3A_2903 = arith.constant 19 : i32
    %get3A_2904 = arith.index_cast %get3A_2903 : i32 to index
    %get3A_2905 = arith.constant 64 : index
    %get3A_2906 = tpu.vector_load %arg9[%get3A_2904, %get3A_2905] {strides = array<i32>} : memref<32x128xf32, #tpu.memory_space<vmem>>, vector<1x16xf32>,
    %get3A_2907 = vector.shape_cast %get3A_2906 : vector<1x16xf32> to vector<16xf32>
    %get3A_2908 = arith.constant 19 : i32
    %get3A_2909 = arith.index_cast %get3A_2908 : i32 to index
    %get3A_2910 = arith.constant 0 : index
    %get3A_2911 = tpu.vector_load %arg10[%get3A_2909, %get3A_2910] {strides = array<i32>} : memref<32x128xf32, #tpu.memory_space<vmem>>, vector<1x16xf32>,
    %get3A_2912 = vector.shape_cast %get3A_2911 : vector<1x16xf32> to vector<16xf32>
    %get3A_2913 = arith.constant 19 : i32
    %get3A_2914 = arith.index_cast %get3A_2913 : i32 to index
    %get3A_2915 = arith.constant 64 : index
    %get3A_2916 = tpu.vector_load %arg10[%get3A_2914, %get3A_2915] {strides = array<i32>} : memref<32x128xf32, #tpu.memory_space<vmem>>, vector<1x16xf32>,
    %get3A_2917 = vector.shape_cast %get3A_2916 : vector<1x16xf32> to vector<16xf32>
    %mul3A_2918 = arith.mulf %get3A_2902, %get3A_2912 : vector<16xf32>
    %mul3A_2919 = arith.mulf %get3A_2907, %get3A_2917 : vector<16xf32>
    %sub3A_2920 = arith.subf %mul3A_2918, %mul3A_2919 : vector<16xf32>
    %swap3A_2921 = arith.constant 19 : i32
    %swap3A_2922 = arith.index_cast %swap3A_2921 : i32 to index
    %swap3A_2923 = arith.constant 0 : index
    %swap3A_2924 = tpu.vector_load %arg9[%swap3A_2922, %swap3A_2923] {strides = array<i32>} : memref<32x128xf32, #tpu.memory_space<vmem>>, vector<1x16xf32>,
    %swap3A_2925 = vector.shape_cast %swap3A_2924 : vector<1x16xf32> to vector<16xf32>
    %swap3A_2926 = vector.shape_cast %sub3A_2920 : vector<16xf32> to vector<1x16xf32>
    tpu.vector_store %arg9[%swap3A_2922, %swap3A_2923], %swap3A_2926 {strides = array<i32>} : memref<32x128xf32, #tpu.memory_space<vmem>>, vector<1x16xf32>,
    %mul3A_2927 = arith.mulf %get3A_2902, %get3A_2917 : vector<16xf32>
    %mul3A_2928 = arith.mulf %get3A_2907, %get3A_2912 : vector<16xf32>
    %add3A_2929 = arith.addf %mul3A_2927, %mul3A_2928 : vector<16xf32>
    %swap3A_2930 = arith.constant 19 : i32
    %swap3A_2931 = arith.index_cast %swap3A_2930 : i32 to index
    %swap3A_2932 = arith.constant 64 : index
    %swap3A_2933 = tpu.vector_load %arg9[%swap3A_2931, %swap3A_2932] {strides = array<i32>} : memref<32x128xf32, #tpu.memory_space<vmem>>, vector<1x16xf32>,
    %swap3A_2934 = vector.shape_cast %swap3A_2933 : vector<1x16xf32> to vector<16xf32>
    %swap3A_2935 = vector.shape_cast %add3A_2929 : vector<16xf32> to vector<1x16xf32>
    tpu.vector_store %arg9[%swap3A_2931, %swap3A_2932], %swap3A_2935 {strides = array<i32>} : memref<32x128xf32, #tpu.memory_space<vmem>>, vector<1x16xf32>,
    %get3A_2936 = arith.constant 19 : i32
    %get3A_2937 = arith.index_cast %get3A_2936 : i32 to index
    %get3A_2938 = arith.constant 16 : index
    %get3A_2939 = tpu.vector_load %arg9[%get3A_2937, %get3A_2938] {strides = array<i32>} : memref<32x128xf32, #tpu.memory_space<vmem>>, vector<1x16xf32>,
    %get3A_2940 = vector.shape_cast %get3A_2939 : vector<1x16xf32> to vector<16xf32>
    %get3A_2941 = arith.constant 19 : i32
    %get3A_2942 = arith.index_cast %get3A_2941 : i32 to index
    %get3A_2943 = arith.constant 80 : index
    %get3A_2944 = tpu.vector_load %arg9[%get3A_2942, %get3A_2943] {strides = array<i32>} : memref<32x128xf32, #tpu.memory_space<vmem>>, vector<1x16xf32>,
    %get3A_2945 = vector.shape_cast %get3A_2944 : vector<1x16xf32> to vector<16xf32>
    %get3A_2946 = arith.constant 19 : i32
    %get3A_2947 = arith.index_cast %get3A_2946 : i32 to index
    %get3A_2948 = arith.constant 16 : index
    %get3A_2949 = tpu.vector_load %arg10[%get3A_2947, %get3A_2948] {strides = array<i32>} : memref<32x128xf32, #tpu.memory_space<vmem>>, vector<1x16xf32>,
    %get3A_2950 = vector.shape_cast %get3A_2949 : vector<1x16xf32> to vector<16xf32>
    %get3A_2951 = arith.constant 19 : i32
    %get3A_2952 = arith.index_cast %get3A_2951 : i32 to index
    %get3A_2953 = arith.constant 80 : index
    %get3A_2954 = tpu.vector_load %arg10[%get3A_2952, %get3A_2953] {strides = array<i32>} : memref<32x128xf32, #tpu.memory_space<vmem>>, vector<1x16xf32>,
    %get3A_2955 = vector.shape_cast %get3A_2954 : vector<1x16xf32> to vector<16xf32>
    %mul3A_2956 = arith.mulf %get3A_2940, %get3A_2950 : vector<16xf32>
    %mul3A_2957 = arith.mulf %get3A_2945, %get3A_2955 : vector<16xf32>
    %sub3A_2958 = arith.subf %mul3A_2956, %mul3A_2957 : vector<16xf32>
    %swap3A_2959 = arith.constant 19 : i32
    %swap3A_2960 = arith.index_cast %swap3A_2959 : i32 to index
    %swap3A_2961 = arith.constant 16 : index
    %swap3A_2962 = tpu.vector_load %arg9[%swap3A_2960, %swap3A_2961] {strides = array<i32>} : memref<32x128xf32, #tpu.memory_space<vmem>>, vector<1x16xf32>,
    %swap3A_2963 = vector.shape_cast %swap3A_2962 : vector<1x16xf32> to vector<16xf32>
    %swap3A_2964 = vector.shape_cast %sub3A_2958 : vector<16xf32> to vector<1x16xf32>
    tpu.vector_store %arg9[%swap3A_2960, %swap3A_2961], %swap3A_2964 {strides = array<i32>} : memref<32x128xf32, #tpu.memory_space<vmem>>, vector<1x16xf32>,
    %mul3A_2965 = arith.mulf %get3A_2940, %get3A_2955 : vector<16xf32>
    %mul3A_2966 = arith.mulf %get3A_2945, %get3A_2950 : vector<16xf32>
    %add3A_2967 = arith.addf %mul3A_2965, %mul3A_2966 : vector<16xf32>
    %swap3A_2968 = arith.constant 19 : i32
    %swap3A_2969 = arith.index_cast %swap3A_2968 : i32 to index
    %swap3A_2970 = arith.constant 80 : index
    %swap3A_2971 = tpu.vector_load %arg9[%swap3A_2969, %swap3A_2970] {strides = array<i32>} : memref<32x128xf32, #tpu.memory_space<vmem>>, vector<1x16xf32>,
    %swap3A_2972 = vector.shape_cast %swap3A_2971 : vector<1x16xf32> to vector<16xf32>
    %swap3A_2973 = vector.shape_cast %add3A_2967 : vector<16xf32> to vector<1x16xf32>
    tpu.vector_store %arg9[%swap3A_2969, %swap3A_2970], %swap3A_2973 {strides = array<i32>} : memref<32x128xf32, #tpu.memory_space<vmem>>, vector<1x16xf32>,
    %get3A_2974 = arith.constant 19 : i32
    %get3A_2975 = arith.index_cast %get3A_2974 : i32 to index
    %get3A_2976 = arith.constant 32 : index
    %get3A_2977 = tpu.vector_load %arg9[%get3A_2975, %get3A_2976] {strides = array<i32>} : memref<32x128xf32, #tpu.memory_space<vmem>>, vector<1x16xf32>,
    %get3A_2978 = vector.shape_cast %get3A_2977 : vector<1x16xf32> to vector<16xf32>
    %get3A_2979 = arith.constant 19 : i32
    %get3A_2980 = arith.index_cast %get3A_2979 : i32 to index
    %get3A_2981 = arith.constant 96 : index
    %get3A_2982 = tpu.vector_load %arg9[%get3A_2980, %get3A_2981] {strides = array<i32>} : memref<32x128xf32, #tpu.memory_space<vmem>>, vector<1x16xf32>,
    %get3A_2983 = vector.shape_cast %get3A_2982 : vector<1x16xf32> to vector<16xf32>
    %get3A_2984 = arith.constant 19 : i32
    %get3A_2985 = arith.index_cast %get3A_2984 : i32 to index
    %get3A_2986 = arith.constant 32 : index
    %get3A_2987 = tpu.vector_load %arg10[%get3A_2985, %get3A_2986] {strides = array<i32>} : memref<32x128xf32, #tpu.memory_space<vmem>>, vector<1x16xf32>,
    %get3A_2988 = vector.shape_cast %get3A_2987 : vector<1x16xf32> to vector<16xf32>
    %get3A_2989 = arith.constant 19 : i32
    %get3A_2990 = arith.index_cast %get3A_2989 : i32 to index
    %get3A_2991 = arith.constant 96 : index
    %get3A_2992 = tpu.vector_load %arg10[%get3A_2990, %get3A_2991] {strides = array<i32>} : memref<32x128xf32, #tpu.memory_space<vmem>>, vector<1x16xf32>,
    %get3A_2993 = vector.shape_cast %get3A_2992 : vector<1x16xf32> to vector<16xf32>
    %mul3A_2994 = arith.mulf %get3A_2978, %get3A_2988 : vector<16xf32>
    %mul3A_2995 = arith.mulf %get3A_2983, %get3A_2993 : vector<16xf32>
    %sub3A_2996 = arith.subf %mul3A_2994, %mul3A_2995 : vector<16xf32>
    %swap3A_2997 = arith.constant 19 : i32
    %swap3A_2998 = arith.index_cast %swap3A_2997 : i32 to index
    %swap3A_2999 = arith.constant 32 : index
    %swap3A_3000 = tpu.vector_load %arg9[%swap3A_2998, %swap3A_2999] {strides = array<i32>} : memref<32x128xf32, #tpu.memory_space<vmem>>, vector<1x16xf32>,
    %swap3A_3001 = vector.shape_cast %swap3A_3000 : vector<1x16xf32> to vector<16xf32>
    %swap3A_3002 = vector.shape_cast %sub3A_2996 : vector<16xf32> to vector<1x16xf32>
    tpu.vector_store %arg9[%swap3A_2998, %swap3A_2999], %swap3A_3002 {strides = array<i32>} : memref<32x128xf32, #tpu.memory_space<vmem>>, vector<1x16xf32>,
    %mul3A_3003 = arith.mulf %get3A_2978, %get3A_2993 : vector<16xf32>
    %mul3A_3004 = arith.mulf %get3A_2983, %get3A_2988 : vector<16xf32>
    %add3A_3005 = arith.addf %mul3A_3003, %mul3A_3004 : vector<16xf32>
    %swap3A_3006 = arith.constant 19 : i32
    %swap3A_3007 = arith.index_cast %swap3A_3006 : i32 to index
    %swap3A_3008 = arith.constant 96 : index
    %swap3A_3009 = tpu.vector_load %arg9[%swap3A_3007, %swap3A_3008] {strides = array<i32>} : memref<32x128xf32, #tpu.memory_space<vmem>>, vector<1x16xf32>,
    %swap3A_3010 = vector.shape_cast %swap3A_3009 : vector<1x16xf32> to vector<16xf32>
    %swap3A_3011 = vector.shape_cast %add3A_3005 : vector<16xf32> to vector<1x16xf32>
    tpu.vector_store %arg9[%swap3A_3007, %swap3A_3008], %swap3A_3011 {strides = array<i32>} : memref<32x128xf32, #tpu.memory_space<vmem>>, vector<1x16xf32>,
    %get3A_3012 = arith.constant 19 : i32
    %get3A_3013 = arith.index_cast %get3A_3012 : i32 to index
    %get3A_3014 = arith.constant 48 : index
    %get3A_3015 = tpu.vector_load %arg9[%get3A_3013, %get3A_3014] {strides = array<i32>} : memref<32x128xf32, #tpu.memory_space<vmem>>, vector<1x16xf32>,
    %get3A_3016 = vector.shape_cast %get3A_3015 : vector<1x16xf32> to vector<16xf32>
    %get3A_3017 = arith.constant 19 : i32
    %get3A_3018 = arith.index_cast %get3A_3017 : i32 to index
    %get3A_3019 = arith.constant 112 : index
    %get3A_3020 = tpu.vector_load %arg9[%get3A_3018, %get3A_3019] {strides = array<i32>} : memref<32x128xf32, #tpu.memory_space<vmem>>, vector<1x16xf32>,
    %get3A_3021 = vector.shape_cast %get3A_3020 : vector<1x16xf32> to vector<16xf32>
    %get3A_3022 = arith.constant 19 : i32
    %get3A_3023 = arith.index_cast %get3A_3022 : i32 to index
    %get3A_3024 = arith.constant 48 : index
    %get3A_3025 = tpu.vector_load %arg10[%get3A_3023, %get3A_3024] {strides = array<i32>} : memref<32x128xf32, #tpu.memory_space<vmem>>, vector<1x16xf32>,
    %get3A_3026 = vector.shape_cast %get3A_3025 : vector<1x16xf32> to vector<16xf32>
    %get3A_3027 = arith.constant 19 : i32
    %get3A_3028 = arith.index_cast %get3A_3027 : i32 to index
    %get3A_3029 = arith.constant 112 : index
    %get3A_3030 = tpu.vector_load %arg10[%get3A_3028, %get3A_3029] {strides = array<i32>} : memref<32x128xf32, #tpu.memory_space<vmem>>, vector<1x16xf32>,
    %get3A_3031 = vector.shape_cast %get3A_3030 : vector<1x16xf32> to vector<16xf32>
    %mul3A_3032 = arith.mulf %get3A_3016, %get3A_3026 : vector<16xf32>
    %mul3A_3033 = arith.mulf %get3A_3021, %get3A_3031 : vector<16xf32>
    %sub3A_3034 = arith.subf %mul3A_3032, %mul3A_3033 : vector<16xf32>
    %swap3A_3035 = arith.constant 19 : i32
    %swap3A_3036 = arith.index_cast %swap3A_3035 : i32 to index
    %swap3A_3037 = arith.constant 48 : index
    %swap3A_3038 = tpu.vector_load %arg9[%swap3A_3036, %swap3A_3037] {strides = array<i32>} : memref<32x128xf32, #tpu.memory_space<vmem>>, vector<1x16xf32>,
    %swap3A_3039 = vector.shape_cast %swap3A_3038 : vector<1x16xf32> to vector<16xf32>
    %swap3A_3040 = vector.shape_cast %sub3A_3034 : vector<16xf32> to vector<1x16xf32>
    tpu.vector_store %arg9[%swap3A_3036, %swap3A_3037], %swap3A_3040 {strides = array<i32>} : memref<32x128xf32, #tpu.memory_space<vmem>>, vector<1x16xf32>,
    %mul3A_3041 = arith.mulf %get3A_3016, %get3A_3031 : vector<16xf32>
    %mul3A_3042 = arith.mulf %get3A_3021, %get3A_3026 : vector<16xf32>
    %add3A_3043 = arith.addf %mul3A_3041, %mul3A_3042 : vector<16xf32>
    %swap3A_3044 = arith.constant 19 : i32
    %swap3A_3045 = arith.index_cast %swap3A_3044 : i32 to index
    %swap3A_3046 = arith.constant 112 : index
    %swap3A_3047 = tpu.vector_load %arg9[%swap3A_3045, %swap3A_3046] {strides = array<i32>} : memref<32x128xf32, #tpu.memory_space<vmem>>, vector<1x16xf32>,
    %swap3A_3048 = vector.shape_cast %swap3A_3047 : vector<1x16xf32> to vector<16xf32>
    %swap3A_3049 = vector.shape_cast %add3A_3043 : vector<16xf32> to vector<1x16xf32>
    tpu.vector_store %arg9[%swap3A_3045, %swap3A_3046], %swap3A_3049 {strides = array<i32>} : memref<32x128xf32, #tpu.memory_space<vmem>>, vector<1x16xf32>,
    %get3A_3050 = arith.constant 20 : i32
    %get3A_3051 = arith.index_cast %get3A_3050 : i32 to index
    %get3A_3052 = arith.constant 0 : index
    %get3A_3053 = tpu.vector_load %arg9[%get3A_3051, %get3A_3052] {strides = array<i32>} : memref<32x128xf32, #tpu.memory_space<vmem>>, vector<1x16xf32>,
    %get3A_3054 = vector.shape_cast %get3A_3053 : vector<1x16xf32> to vector<16xf32>
    %get3A_3055 = arith.constant 20 : i32
    %get3A_3056 = arith.index_cast %get3A_3055 : i32 to index
    %get3A_3057 = arith.constant 64 : index
    %get3A_3058 = tpu.vector_load %arg9[%get3A_3056, %get3A_3057] {strides = array<i32>} : memref<32x128xf32, #tpu.memory_space<vmem>>, vector<1x16xf32>,
    %get3A_3059 = vector.shape_cast %get3A_3058 : vector<1x16xf32> to vector<16xf32>
    %get3A_3060 = arith.constant 20 : i32
    %get3A_3061 = arith.index_cast %get3A_3060 : i32 to index
    %get3A_3062 = arith.constant 0 : index
    %get3A_3063 = tpu.vector_load %arg10[%get3A_3061, %get3A_3062] {strides = array<i32>} : memref<32x128xf32, #tpu.memory_space<vmem>>, vector<1x16xf32>,
    %get3A_3064 = vector.shape_cast %get3A_3063 : vector<1x16xf32> to vector<16xf32>
    %get3A_3065 = arith.constant 20 : i32
    %get3A_3066 = arith.index_cast %get3A_3065 : i32 to index
    %get3A_3067 = arith.constant 64 : index
    %get3A_3068 = tpu.vector_load %arg10[%get3A_3066, %get3A_3067] {strides = array<i32>} : memref<32x128xf32, #tpu.memory_space<vmem>>, vector<1x16xf32>,
    %get3A_3069 = vector.shape_cast %get3A_3068 : vector<1x16xf32> to vector<16xf32>
    %mul3A_3070 = arith.mulf %get3A_3054, %get3A_3064 : vector<16xf32>
    %mul3A_3071 = arith.mulf %get3A_3059, %get3A_3069 : vector<16xf32>
    %sub3A_3072 = arith.subf %mul3A_3070, %mul3A_3071 : vector<16xf32>
    %swap3A_3073 = arith.constant 20 : i32
    %swap3A_3074 = arith.index_cast %swap3A_3073 : i32 to index
    %swap3A_3075 = arith.constant 0 : index
    %swap3A_3076 = tpu.vector_load %arg9[%swap3A_3074, %swap3A_3075] {strides = array<i32>} : memref<32x128xf32, #tpu.memory_space<vmem>>, vector<1x16xf32>,
    %swap3A_3077 = vector.shape_cast %swap3A_3076 : vector<1x16xf32> to vector<16xf32>
    %swap3A_3078 = vector.shape_cast %sub3A_3072 : vector<16xf32> to vector<1x16xf32>
    tpu.vector_store %arg9[%swap3A_3074, %swap3A_3075], %swap3A_3078 {strides = array<i32>} : memref<32x128xf32, #tpu.memory_space<vmem>>, vector<1x16xf32>,
    %mul3A_3079 = arith.mulf %get3A_3054, %get3A_3069 : vector<16xf32>
    %mul3A_3080 = arith.mulf %get3A_3059, %get3A_3064 : vector<16xf32>
    %add3A_3081 = arith.addf %mul3A_3079, %mul3A_3080 : vector<16xf32>
    %swap3A_3082 = arith.constant 20 : i32
    %swap3A_3083 = arith.index_cast %swap3A_3082 : i32 to index
    %swap3A_3084 = arith.constant 64 : index
    %swap3A_3085 = tpu.vector_load %arg9[%swap3A_3083, %swap3A_3084] {strides = array<i32>} : memref<32x128xf32, #tpu.memory_space<vmem>>, vector<1x16xf32>,
    %swap3A_3086 = vector.shape_cast %swap3A_3085 : vector<1x16xf32> to vector<16xf32>
    %swap3A_3087 = vector.shape_cast %add3A_3081 : vector<16xf32> to vector<1x16xf32>
    tpu.vector_store %arg9[%swap3A_3083, %swap3A_3084], %swap3A_3087 {strides = array<i32>} : memref<32x128xf32, #tpu.memory_space<vmem>>, vector<1x16xf32>,
    %get3A_3088 = arith.constant 20 : i32
    %get3A_3089 = arith.index_cast %get3A_3088 : i32 to index
    %get3A_3090 = arith.constant 16 : index
    %get3A_3091 = tpu.vector_load %arg9[%get3A_3089, %get3A_3090] {strides = array<i32>} : memref<32x128xf32, #tpu.memory_space<vmem>>, vector<1x16xf32>,
    %get3A_3092 = vector.shape_cast %get3A_3091 : vector<1x16xf32> to vector<16xf32>
    %get3A_3093 = arith.constant 20 : i32
    %get3A_3094 = arith.index_cast %get3A_3093 : i32 to index
    %get3A_3095 = arith.constant 80 : index
    %get3A_3096 = tpu.vector_load %arg9[%get3A_3094, %get3A_3095] {strides = array<i32>} : memref<32x128xf32, #tpu.memory_space<vmem>>, vector<1x16xf32>,
    %get3A_3097 = vector.shape_cast %get3A_3096 : vector<1x16xf32> to vector<16xf32>
    %get3A_3098 = arith.constant 20 : i32
    %get3A_3099 = arith.index_cast %get3A_3098 : i32 to index
    %get3A_3100 = arith.constant 16 : index
    %get3A_3101 = tpu.vector_load %arg10[%get3A_3099, %get3A_3100] {strides = array<i32>} : memref<32x128xf32, #tpu.memory_space<vmem>>, vector<1x16xf32>,
    %get3A_3102 = vector.shape_cast %get3A_3101 : vector<1x16xf32> to vector<16xf32>
    %get3A_3103 = arith.constant 20 : i32
    %get3A_3104 = arith.index_cast %get3A_3103 : i32 to index
    %get3A_3105 = arith.constant 80 : index
    %get3A_3106 = tpu.vector_load %arg10[%get3A_3104, %get3A_3105] {strides = array<i32>} : memref<32x128xf32, #tpu.memory_space<vmem>>, vector<1x16xf32>,
    %get3A_3107 = vector.shape_cast %get3A_3106 : vector<1x16xf32> to vector<16xf32>
    %mul3A_3108 = arith.mulf %get3A_3092, %get3A_3102 : vector<16xf32>
    %mul3A_3109 = arith.mulf %get3A_3097, %get3A_3107 : vector<16xf32>
    %sub3A_3110 = arith.subf %mul3A_3108, %mul3A_3109 : vector<16xf32>
    %swap3A_3111 = arith.constant 20 : i32
    %swap3A_3112 = arith.index_cast %swap3A_3111 : i32 to index
    %swap3A_3113 = arith.constant 16 : index
    %swap3A_3114 = tpu.vector_load %arg9[%swap3A_3112, %swap3A_3113] {strides = array<i32>} : memref<32x128xf32, #tpu.memory_space<vmem>>, vector<1x16xf32>,
    %swap3A_3115 = vector.shape_cast %swap3A_3114 : vector<1x16xf32> to vector<16xf32>
    %swap3A_3116 = vector.shape_cast %sub3A_3110 : vector<16xf32> to vector<1x16xf32>
    tpu.vector_store %arg9[%swap3A_3112, %swap3A_3113], %swap3A_3116 {strides = array<i32>} : memref<32x128xf32, #tpu.memory_space<vmem>>, vector<1x16xf32>,
    %mul3A_3117 = arith.mulf %get3A_3092, %get3A_3107 : vector<16xf32>
    %mul3A_3118 = arith.mulf %get3A_3097, %get3A_3102 : vector<16xf32>
    %add3A_3119 = arith.addf %mul3A_3117, %mul3A_3118 : vector<16xf32>
    %swap3A_3120 = arith.constant 20 : i32
    %swap3A_3121 = arith.index_cast %swap3A_3120 : i32 to index
    %swap3A_3122 = arith.constant 80 : index
    %swap3A_3123 = tpu.vector_load %arg9[%swap3A_3121, %swap3A_3122] {strides = array<i32>} : memref<32x128xf32, #tpu.memory_space<vmem>>, vector<1x16xf32>,
    %swap3A_3124 = vector.shape_cast %swap3A_3123 : vector<1x16xf32> to vector<16xf32>
    %swap3A_3125 = vector.shape_cast %add3A_3119 : vector<16xf32> to vector<1x16xf32>
    tpu.vector_store %arg9[%swap3A_3121, %swap3A_3122], %swap3A_3125 {strides = array<i32>} : memref<32x128xf32, #tpu.memory_space<vmem>>, vector<1x16xf32>,
    %get3A_3126 = arith.constant 20 : i32
    %get3A_3127 = arith.index_cast %get3A_3126 : i32 to index
    %get3A_3128 = arith.constant 32 : index
    %get3A_3129 = tpu.vector_load %arg9[%get3A_3127, %get3A_3128] {strides = array<i32>} : memref<32x128xf32, #tpu.memory_space<vmem>>, vector<1x16xf32>,
    %get3A_3130 = vector.shape_cast %get3A_3129 : vector<1x16xf32> to vector<16xf32>
    %get3A_3131 = arith.constant 20 : i32
    %get3A_3132 = arith.index_cast %get3A_3131 : i32 to index
    %get3A_3133 = arith.constant 96 : index
    %get3A_3134 = tpu.vector_load %arg9[%get3A_3132, %get3A_3133] {strides = array<i32>} : memref<32x128xf32, #tpu.memory_space<vmem>>, vector<1x16xf32>,
    %get3A_3135 = vector.shape_cast %get3A_3134 : vector<1x16xf32> to vector<16xf32>
    %get3A_3136 = arith.constant 20 : i32
    %get3A_3137 = arith.index_cast %get3A_3136 : i32 to index
    %get3A_3138 = arith.constant 32 : index
    %get3A_3139 = tpu.vector_load %arg10[%get3A_3137, %get3A_3138] {strides = array<i32>} : memref<32x128xf32, #tpu.memory_space<vmem>>, vector<1x16xf32>,
    %get3A_3140 = vector.shape_cast %get3A_3139 : vector<1x16xf32> to vector<16xf32>
    %get3A_3141 = arith.constant 20 : i32
    %get3A_3142 = arith.index_cast %get3A_3141 : i32 to index
    %get3A_3143 = arith.constant 96 : index
    %get3A_3144 = tpu.vector_load %arg10[%get3A_3142, %get3A_3143] {strides = array<i32>} : memref<32x128xf32, #tpu.memory_space<vmem>>, vector<1x16xf32>,
    %get3A_3145 = vector.shape_cast %get3A_3144 : vector<1x16xf32> to vector<16xf32>
    %mul3A_3146 = arith.mulf %get3A_3130, %get3A_3140 : vector<16xf32>
    %mul3A_3147 = arith.mulf %get3A_3135, %get3A_3145 : vector<16xf32>
    %sub3A_3148 = arith.subf %mul3A_3146, %mul3A_3147 : vector<16xf32>
    %swap3A_3149 = arith.constant 20 : i32
    %swap3A_3150 = arith.index_cast %swap3A_3149 : i32 to index
    %swap3A_3151 = arith.constant 32 : index
    %swap3A_3152 = tpu.vector_load %arg9[%swap3A_3150, %swap3A_3151] {strides = array<i32>} : memref<32x128xf32, #tpu.memory_space<vmem>>, vector<1x16xf32>,
    %swap3A_3153 = vector.shape_cast %swap3A_3152 : vector<1x16xf32> to vector<16xf32>
    %swap3A_3154 = vector.shape_cast %sub3A_3148 : vector<16xf32> to vector<1x16xf32>
    tpu.vector_store %arg9[%swap3A_3150, %swap3A_3151], %swap3A_3154 {strides = array<i32>} : memref<32x128xf32, #tpu.memory_space<vmem>>, vector<1x16xf32>,
    %mul3A_3155 = arith.mulf %get3A_3130, %get3A_3145 : vector<16xf32>
    %mul3A_3156 = arith.mulf %get3A_3135, %get3A_3140 : vector<16xf32>
    %add3A_3157 = arith.addf %mul3A_3155, %mul3A_3156 : vector<16xf32>
    %swap3A_3158 = arith.constant 20 : i32
    %swap3A_3159 = arith.index_cast %swap3A_3158 : i32 to index
    %swap3A_3160 = arith.constant 96 : index
    %swap3A_3161 = tpu.vector_load %arg9[%swap3A_3159, %swap3A_3160] {strides = array<i32>} : memref<32x128xf32, #tpu.memory_space<vmem>>, vector<1x16xf32>,
    %swap3A_3162 = vector.shape_cast %swap3A_3161 : vector<1x16xf32> to vector<16xf32>
    %swap3A_3163 = vector.shape_cast %add3A_3157 : vector<16xf32> to vector<1x16xf32>
    tpu.vector_store %arg9[%swap3A_3159, %swap3A_3160], %swap3A_3163 {strides = array<i32>} : memref<32x128xf32, #tpu.memory_space<vmem>>, vector<1x16xf32>,
    %get3A_3164 = arith.constant 20 : i32
    %get3A_3165 = arith.index_cast %get3A_3164 : i32 to index
    %get3A_3166 = arith.constant 48 : index
    %get3A_3167 = tpu.vector_load %arg9[%get3A_3165, %get3A_3166] {strides = array<i32>} : memref<32x128xf32, #tpu.memory_space<vmem>>, vector<1x16xf32>,
    %get3A_3168 = vector.shape_cast %get3A_3167 : vector<1x16xf32> to vector<16xf32>
    %get3A_3169 = arith.constant 20 : i32
    %get3A_3170 = arith.index_cast %get3A_3169 : i32 to index
    %get3A_3171 = arith.constant 112 : index
    %get3A_3172 = tpu.vector_load %arg9[%get3A_3170, %get3A_3171] {strides = array<i32>} : memref<32x128xf32, #tpu.memory_space<vmem>>, vector<1x16xf32>,
    %get3A_3173 = vector.shape_cast %get3A_3172 : vector<1x16xf32> to vector<16xf32>
    %get3A_3174 = arith.constant 20 : i32
    %get3A_3175 = arith.index_cast %get3A_3174 : i32 to index
    %get3A_3176 = arith.constant 48 : index
    %get3A_3177 = tpu.vector_load %arg10[%get3A_3175, %get3A_3176] {strides = array<i32>} : memref<32x128xf32, #tpu.memory_space<vmem>>, vector<1x16xf32>,
    %get3A_3178 = vector.shape_cast %get3A_3177 : vector<1x16xf32> to vector<16xf32>
    %get3A_3179 = arith.constant 20 : i32
    %get3A_3180 = arith.index_cast %get3A_3179 : i32 to index
    %get3A_3181 = arith.constant 112 : index
    %get3A_3182 = tpu.vector_load %arg10[%get3A_3180, %get3A_3181] {strides = array<i32>} : memref<32x128xf32, #tpu.memory_space<vmem>>, vector<1x16xf32>,
    %get3A_3183 = vector.shape_cast %get3A_3182 : vector<1x16xf32> to vector<16xf32>
    %mul3A_3184 = arith.mulf %get3A_3168, %get3A_3178 : vector<16xf32>
    %mul3A_3185 = arith.mulf %get3A_3173, %get3A_3183 : vector<16xf32>
    %sub3A_3186 = arith.subf %mul3A_3184, %mul3A_3185 : vector<16xf32>
    %swap3A_3187 = arith.constant 20 : i32
    %swap3A_3188 = arith.index_cast %swap3A_3187 : i32 to index
    %swap3A_3189 = arith.constant 48 : index
    %swap3A_3190 = tpu.vector_load %arg9[%swap3A_3188, %swap3A_3189] {strides = array<i32>} : memref<32x128xf32, #tpu.memory_space<vmem>>, vector<1x16xf32>,
    %swap3A_3191 = vector.shape_cast %swap3A_3190 : vector<1x16xf32> to vector<16xf32>
    %swap3A_3192 = vector.shape_cast %sub3A_3186 : vector<16xf32> to vector<1x16xf32>
    tpu.vector_store %arg9[%swap3A_3188, %swap3A_3189], %swap3A_3192 {strides = array<i32>} : memref<32x128xf32, #tpu.memory_space<vmem>>, vector<1x16xf32>,
    %mul3A_3193 = arith.mulf %get3A_3168, %get3A_3183 : vector<16xf32>
    %mul3A_3194 = arith.mulf %get3A_3173, %get3A_3178 : vector<16xf32>
    %add3A_3195 = arith.addf %mul3A_3193, %mul3A_3194 : vector<16xf32>
    %swap3A_3196 = arith.constant 20 : i32
    %swap3A_3197 = arith.index_cast %swap3A_3196 : i32 to index
    %swap3A_3198 = arith.constant 112 : index
    %swap3A_3199 = tpu.vector_load %arg9[%swap3A_3197, %swap3A_3198] {strides = array<i32>} : memref<32x128xf32, #tpu.memory_space<vmem>>, vector<1x16xf32>,
    %swap3A_3200 = vector.shape_cast %swap3A_3199 : vector<1x16xf32> to vector<16xf32>
    %swap3A_3201 = vector.shape_cast %add3A_3195 : vector<16xf32> to vector<1x16xf32>
    tpu.vector_store %arg9[%swap3A_3197, %swap3A_3198], %swap3A_3201 {strides = array<i32>} : memref<32x128xf32, #tpu.memory_space<vmem>>, vector<1x16xf32>,
    %get3A_3202 = arith.constant 21 : i32
    %get3A_3203 = arith.index_cast %get3A_3202 : i32 to index
    %get3A_3204 = arith.constant 0 : index
    %get3A_3205 = tpu.vector_load %arg9[%get3A_3203, %get3A_3204] {strides = array<i32>} : memref<32x128xf32, #tpu.memory_space<vmem>>, vector<1x16xf32>,
    %get3A_3206 = vector.shape_cast %get3A_3205 : vector<1x16xf32> to vector<16xf32>
    %get3A_3207 = arith.constant 21 : i32
    %get3A_3208 = arith.index_cast %get3A_3207 : i32 to index
    %get3A_3209 = arith.constant 64 : index
    %get3A_3210 = tpu.vector_load %arg9[%get3A_3208, %get3A_3209] {strides = array<i32>} : memref<32x128xf32, #tpu.memory_space<vmem>>, vector<1x16xf32>,
    %get3A_3211 = vector.shape_cast %get3A_3210 : vector<1x16xf32> to vector<16xf32>
    %get3A_3212 = arith.constant 21 : i32
    %get3A_3213 = arith.index_cast %get3A_3212 : i32 to index
    %get3A_3214 = arith.constant 0 : index
    %get3A_3215 = tpu.vector_load %arg10[%get3A_3213, %get3A_3214] {strides = array<i32>} : memref<32x128xf32, #tpu.memory_space<vmem>>, vector<1x16xf32>,
    %get3A_3216 = vector.shape_cast %get3A_3215 : vector<1x16xf32> to vector<16xf32>
    %get3A_3217 = arith.constant 21 : i32
    %get3A_3218 = arith.index_cast %get3A_3217 : i32 to index
    %get3A_3219 = arith.constant 64 : index
    %get3A_3220 = tpu.vector_load %arg10[%get3A_3218, %get3A_3219] {strides = array<i32>} : memref<32x128xf32, #tpu.memory_space<vmem>>, vector<1x16xf32>,
    %get3A_3221 = vector.shape_cast %get3A_3220 : vector<1x16xf32> to vector<16xf32>
    %mul3A_3222 = arith.mulf %get3A_3206, %get3A_3216 : vector<16xf32>
    %mul3A_3223 = arith.mulf %get3A_3211, %get3A_3221 : vector<16xf32>
    %sub3A_3224 = arith.subf %mul3A_3222, %mul3A_3223 : vector<16xf32>
    %swap3A_3225 = arith.constant 21 : i32
    %swap3A_3226 = arith.index_cast %swap3A_3225 : i32 to index
    %swap3A_3227 = arith.constant 0 : index
    %swap3A_3228 = tpu.vector_load %arg9[%swap3A_3226, %swap3A_3227] {strides = array<i32>} : memref<32x128xf32, #tpu.memory_space<vmem>>, vector<1x16xf32>,
    %swap3A_3229 = vector.shape_cast %swap3A_3228 : vector<1x16xf32> to vector<16xf32>
    %swap3A_3230 = vector.shape_cast %sub3A_3224 : vector<16xf32> to vector<1x16xf32>
    tpu.vector_store %arg9[%swap3A_3226, %swap3A_3227], %swap3A_3230 {strides = array<i32>} : memref<32x128xf32, #tpu.memory_space<vmem>>, vector<1x16xf32>,
    %mul3A_3231 = arith.mulf %get3A_3206, %get3A_3221 : vector<16xf32>
    %mul3A_3232 = arith.mulf %get3A_3211, %get3A_3216 : vector<16xf32>
    %add3A_3233 = arith.addf %mul3A_3231, %mul3A_3232 : vector<16xf32>
    %swap3A_3234 = arith.constant 21 : i32
    %swap3A_3235 = arith.index_cast %swap3A_3234 : i32 to index
    %swap3A_3236 = arith.constant 64 : index
    %swap3A_3237 = tpu.vector_load %arg9[%swap3A_3235, %swap3A_3236] {strides = array<i32>} : memref<32x128xf32, #tpu.memory_space<vmem>>, vector<1x16xf32>,
    %swap3A_3238 = vector.shape_cast %swap3A_3237 : vector<1x16xf32> to vector<16xf32>
    %swap3A_3239 = vector.shape_cast %add3A_3233 : vector<16xf32> to vector<1x16xf32>
    tpu.vector_store %arg9[%swap3A_3235, %swap3A_3236], %swap3A_3239 {strides = array<i32>} : memref<32x128xf32, #tpu.memory_space<vmem>>, vector<1x16xf32>,
    %get3A_3240 = arith.constant 21 : i32
    %get3A_3241 = arith.index_cast %get3A_3240 : i32 to index
    %get3A_3242 = arith.constant 16 : index
    %get3A_3243 = tpu.vector_load %arg9[%get3A_3241, %get3A_3242] {strides = array<i32>} : memref<32x128xf32, #tpu.memory_space<vmem>>, vector<1x16xf32>,
    %get3A_3244 = vector.shape_cast %get3A_3243 : vector<1x16xf32> to vector<16xf32>
    %get3A_3245 = arith.constant 21 : i32
    %get3A_3246 = arith.index_cast %get3A_3245 : i32 to index
    %get3A_3247 = arith.constant 80 : index
    %get3A_3248 = tpu.vector_load %arg9[%get3A_3246, %get3A_3247] {strides = array<i32>} : memref<32x128xf32, #tpu.memory_space<vmem>>, vector<1x16xf32>,
    %get3A_3249 = vector.shape_cast %get3A_3248 : vector<1x16xf32> to vector<16xf32>
    %get3A_3250 = arith.constant 21 : i32
    %get3A_3251 = arith.index_cast %get3A_3250 : i32 to index
    %get3A_3252 = arith.constant 16 : index
    %get3A_3253 = tpu.vector_load %arg10[%get3A_3251, %get3A_3252] {strides = array<i32>} : memref<32x128xf32, #tpu.memory_space<vmem>>, vector<1x16xf32>,
    %get3A_3254 = vector.shape_cast %get3A_3253 : vector<1x16xf32> to vector<16xf32>
    %get3A_3255 = arith.constant 21 : i32
    %get3A_3256 = arith.index_cast %get3A_3255 : i32 to index
    %get3A_3257 = arith.constant 80 : index
    %get3A_3258 = tpu.vector_load %arg10[%get3A_3256, %get3A_3257] {strides = array<i32>} : memref<32x128xf32, #tpu.memory_space<vmem>>, vector<1x16xf32>,
    %get3A_3259 = vector.shape_cast %get3A_3258 : vector<1x16xf32> to vector<16xf32>
    %mul3A_3260 = arith.mulf %get3A_3244, %get3A_3254 : vector<16xf32>
    %mul3A_3261 = arith.mulf %get3A_3249, %get3A_3259 : vector<16xf32>
    %sub3A_3262 = arith.subf %mul3A_3260, %mul3A_3261 : vector<16xf32>
    %swap3A_3263 = arith.constant 21 : i32
    %swap3A_3264 = arith.index_cast %swap3A_3263 : i32 to index
    %swap3A_3265 = arith.constant 16 : index
    %swap3A_3266 = tpu.vector_load %arg9[%swap3A_3264, %swap3A_3265] {strides = array<i32>} : memref<32x128xf32, #tpu.memory_space<vmem>>, vector<1x16xf32>,
    %swap3A_3267 = vector.shape_cast %swap3A_3266 : vector<1x16xf32> to vector<16xf32>
    %swap3A_3268 = vector.shape_cast %sub3A_3262 : vector<16xf32> to vector<1x16xf32>
    tpu.vector_store %arg9[%swap3A_3264, %swap3A_3265], %swap3A_3268 {strides = array<i32>} : memref<32x128xf32, #tpu.memory_space<vmem>>, vector<1x16xf32>,
    %mul3A_3269 = arith.mulf %get3A_3244, %get3A_3259 : vector<16xf32>
    %mul3A_3270 = arith.mulf %get3A_3249, %get3A_3254 : vector<16xf32>
    %add3A_3271 = arith.addf %mul3A_3269, %mul3A_3270 : vector<16xf32>
    %swap3A_3272 = arith.constant 21 : i32
    %swap3A_3273 = arith.index_cast %swap3A_3272 : i32 to index
    %swap3A_3274 = arith.constant 80 : index
    %swap3A_3275 = tpu.vector_load %arg9[%swap3A_3273, %swap3A_3274] {strides = array<i32>} : memref<32x128xf32, #tpu.memory_space<vmem>>, vector<1x16xf32>,
    %swap3A_3276 = vector.shape_cast %swap3A_3275 : vector<1x16xf32> to vector<16xf32>
    %swap3A_3277 = vector.shape_cast %add3A_3271 : vector<16xf32> to vector<1x16xf32>
    tpu.vector_store %arg9[%swap3A_3273, %swap3A_3274], %swap3A_3277 {strides = array<i32>} : memref<32x128xf32, #tpu.memory_space<vmem>>, vector<1x16xf32>,
    %get3A_3278 = arith.constant 21 : i32
    %get3A_3279 = arith.index_cast %get3A_3278 : i32 to index
    %get3A_3280 = arith.constant 32 : index
    %get3A_3281 = tpu.vector_load %arg9[%get3A_3279, %get3A_3280] {strides = array<i32>} : memref<32x128xf32, #tpu.memory_space<vmem>>, vector<1x16xf32>,
    %get3A_3282 = vector.shape_cast %get3A_3281 : vector<1x16xf32> to vector<16xf32>
    %get3A_3283 = arith.constant 21 : i32
    %get3A_3284 = arith.index_cast %get3A_3283 : i32 to index
    %get3A_3285 = arith.constant 96 : index
    %get3A_3286 = tpu.vector_load %arg9[%get3A_3284, %get3A_3285] {strides = array<i32>} : memref<32x128xf32, #tpu.memory_space<vmem>>, vector<1x16xf32>,
    %get3A_3287 = vector.shape_cast %get3A_3286 : vector<1x16xf32> to vector<16xf32>
    %get3A_3288 = arith.constant 21 : i32
    %get3A_3289 = arith.index_cast %get3A_3288 : i32 to index
    %get3A_3290 = arith.constant 32 : index
    %get3A_3291 = tpu.vector_load %arg10[%get3A_3289, %get3A_3290] {strides = array<i32>} : memref<32x128xf32, #tpu.memory_space<vmem>>, vector<1x16xf32>,
    %get3A_3292 = vector.shape_cast %get3A_3291 : vector<1x16xf32> to vector<16xf32>
    %get3A_3293 = arith.constant 21 : i32
    %get3A_3294 = arith.index_cast %get3A_3293 : i32 to index
    %get3A_3295 = arith.constant 96 : index
    %get3A_3296 = tpu.vector_load %arg10[%get3A_3294, %get3A_3295] {strides = array<i32>} : memref<32x128xf32, #tpu.memory_space<vmem>>, vector<1x16xf32>,
    %get3A_3297 = vector.shape_cast %get3A_3296 : vector<1x16xf32> to vector<16xf32>
    %mul3A_3298 = arith.mulf %get3A_3282, %get3A_3292 : vector<16xf32>
    %mul3A_3299 = arith.mulf %get3A_3287, %get3A_3297 : vector<16xf32>
    %sub3A_3300 = arith.subf %mul3A_3298, %mul3A_3299 : vector<16xf32>
    %swap3A_3301 = arith.constant 21 : i32
    %swap3A_3302 = arith.index_cast %swap3A_3301 : i32 to index
    %swap3A_3303 = arith.constant 32 : index
    %swap3A_3304 = tpu.vector_load %arg9[%swap3A_3302, %swap3A_3303] {strides = array<i32>} : memref<32x128xf32, #tpu.memory_space<vmem>>, vector<1x16xf32>,
    %swap3A_3305 = vector.shape_cast %swap3A_3304 : vector<1x16xf32> to vector<16xf32>
    %swap3A_3306 = vector.shape_cast %sub3A_3300 : vector<16xf32> to vector<1x16xf32>
    tpu.vector_store %arg9[%swap3A_3302, %swap3A_3303], %swap3A_3306 {strides = array<i32>} : memref<32x128xf32, #tpu.memory_space<vmem>>, vector<1x16xf32>,
    %mul3A_3307 = arith.mulf %get3A_3282, %get3A_3297 : vector<16xf32>
    %mul3A_3308 = arith.mulf %get3A_3287, %get3A_3292 : vector<16xf32>
    %add3A_3309 = arith.addf %mul3A_3307, %mul3A_3308 : vector<16xf32>
    %swap3A_3310 = arith.constant 21 : i32
    %swap3A_3311 = arith.index_cast %swap3A_3310 : i32 to index
    %swap3A_3312 = arith.constant 96 : index
    %swap3A_3313 = tpu.vector_load %arg9[%swap3A_3311, %swap3A_3312] {strides = array<i32>} : memref<32x128xf32, #tpu.memory_space<vmem>>, vector<1x16xf32>,
    %swap3A_3314 = vector.shape_cast %swap3A_3313 : vector<1x16xf32> to vector<16xf32>
    %swap3A_3315 = vector.shape_cast %add3A_3309 : vector<16xf32> to vector<1x16xf32>
    tpu.vector_store %arg9[%swap3A_3311, %swap3A_3312], %swap3A_3315 {strides = array<i32>} : memref<32x128xf32, #tpu.memory_space<vmem>>, vector<1x16xf32>,
    %get3A_3316 = arith.constant 21 : i32
    %get3A_3317 = arith.index_cast %get3A_3316 : i32 to index
    %get3A_3318 = arith.constant 48 : index
    %get3A_3319 = tpu.vector_load %arg9[%get3A_3317, %get3A_3318] {strides = array<i32>} : memref<32x128xf32, #tpu.memory_space<vmem>>, vector<1x16xf32>,
    %get3A_3320 = vector.shape_cast %get3A_3319 : vector<1x16xf32> to vector<16xf32>
    %get3A_3321 = arith.constant 21 : i32
    %get3A_3322 = arith.index_cast %get3A_3321 : i32 to index
    %get3A_3323 = arith.constant 112 : index
    %get3A_3324 = tpu.vector_load %arg9[%get3A_3322, %get3A_3323] {strides = array<i32>} : memref<32x128xf32, #tpu.memory_space<vmem>>, vector<1x16xf32>,
    %get3A_3325 = vector.shape_cast %get3A_3324 : vector<1x16xf32> to vector<16xf32>
    %get3A_3326 = arith.constant 21 : i32
    %get3A_3327 = arith.index_cast %get3A_3326 : i32 to index
    %get3A_3328 = arith.constant 48 : index
    %get3A_3329 = tpu.vector_load %arg10[%get3A_3327, %get3A_3328] {strides = array<i32>} : memref<32x128xf32, #tpu.memory_space<vmem>>, vector<1x16xf32>,
    %get3A_3330 = vector.shape_cast %get3A_3329 : vector<1x16xf32> to vector<16xf32>
    %get3A_3331 = arith.constant 21 : i32
    %get3A_3332 = arith.index_cast %get3A_3331 : i32 to index
    %get3A_3333 = arith.constant 112 : index
    %get3A_3334 = tpu.vector_load %arg10[%get3A_3332, %get3A_3333] {strides = array<i32>} : memref<32x128xf32, #tpu.memory_space<vmem>>, vector<1x16xf32>,
    %get3A_3335 = vector.shape_cast %get3A_3334 : vector<1x16xf32> to vector<16xf32>
    %mul3A_3336 = arith.mulf %get3A_3320, %get3A_3330 : vector<16xf32>
    %mul3A_3337 = arith.mulf %get3A_3325, %get3A_3335 : vector<16xf32>
    %sub3A_3338 = arith.subf %mul3A_3336, %mul3A_3337 : vector<16xf32>
    %swap3A_3339 = arith.constant 21 : i32
    %swap3A_3340 = arith.index_cast %swap3A_3339 : i32 to index
    %swap3A_3341 = arith.constant 48 : index
    %swap3A_3342 = tpu.vector_load %arg9[%swap3A_3340, %swap3A_3341] {strides = array<i32>} : memref<32x128xf32, #tpu.memory_space<vmem>>, vector<1x16xf32>,
    %swap3A_3343 = vector.shape_cast %swap3A_3342 : vector<1x16xf32> to vector<16xf32>
    %swap3A_3344 = vector.shape_cast %sub3A_3338 : vector<16xf32> to vector<1x16xf32>
    tpu.vector_store %arg9[%swap3A_3340, %swap3A_3341], %swap3A_3344 {strides = array<i32>} : memref<32x128xf32, #tpu.memory_space<vmem>>, vector<1x16xf32>,
    %mul3A_3345 = arith.mulf %get3A_3320, %get3A_3335 : vector<16xf32>
    %mul3A_3346 = arith.mulf %get3A_3325, %get3A_3330 : vector<16xf32>
    %add3A_3347 = arith.addf %mul3A_3345, %mul3A_3346 : vector<16xf32>
    %swap3A_3348 = arith.constant 21 : i32
    %swap3A_3349 = arith.index_cast %swap3A_3348 : i32 to index
    %swap3A_3350 = arith.constant 112 : index
    %swap3A_3351 = tpu.vector_load %arg9[%swap3A_3349, %swap3A_3350] {strides = array<i32>} : memref<32x128xf32, #tpu.memory_space<vmem>>, vector<1x16xf32>,
    %swap3A_3352 = vector.shape_cast %swap3A_3351 : vector<1x16xf32> to vector<16xf32>
    %swap3A_3353 = vector.shape_cast %add3A_3347 : vector<16xf32> to vector<1x16xf32>
    tpu.vector_store %arg9[%swap3A_3349, %swap3A_3350], %swap3A_3353 {strides = array<i32>} : memref<32x128xf32, #tpu.memory_space<vmem>>, vector<1x16xf32>,
    %get3A_3354 = arith.constant 22 : i32
    %get3A_3355 = arith.index_cast %get3A_3354 : i32 to index
    %get3A_3356 = arith.constant 0 : index
    %get3A_3357 = tpu.vector_load %arg9[%get3A_3355, %get3A_3356] {strides = array<i32>} : memref<32x128xf32, #tpu.memory_space<vmem>>, vector<1x16xf32>,
    %get3A_3358 = vector.shape_cast %get3A_3357 : vector<1x16xf32> to vector<16xf32>
    %get3A_3359 = arith.constant 22 : i32
    %get3A_3360 = arith.index_cast %get3A_3359 : i32 to index
    %get3A_3361 = arith.constant 64 : index
    %get3A_3362 = tpu.vector_load %arg9[%get3A_3360, %get3A_3361] {strides = array<i32>} : memref<32x128xf32, #tpu.memory_space<vmem>>, vector<1x16xf32>,
    %get3A_3363 = vector.shape_cast %get3A_3362 : vector<1x16xf32> to vector<16xf32>
    %get3A_3364 = arith.constant 22 : i32
    %get3A_3365 = arith.index_cast %get3A_3364 : i32 to index
    %get3A_3366 = arith.constant 0 : index
    %get3A_3367 = tpu.vector_load %arg10[%get3A_3365, %get3A_3366] {strides = array<i32>} : memref<32x128xf32, #tpu.memory_space<vmem>>, vector<1x16xf32>,
    %get3A_3368 = vector.shape_cast %get3A_3367 : vector<1x16xf32> to vector<16xf32>
    %get3A_3369 = arith.constant 22 : i32
    %get3A_3370 = arith.index_cast %get3A_3369 : i32 to index
    %get3A_3371 = arith.constant 64 : index
    %get3A_3372 = tpu.vector_load %arg10[%get3A_3370, %get3A_3371] {strides = array<i32>} : memref<32x128xf32, #tpu.memory_space<vmem>>, vector<1x16xf32>,
    %get3A_3373 = vector.shape_cast %get3A_3372 : vector<1x16xf32> to vector<16xf32>
    %mul3A_3374 = arith.mulf %get3A_3358, %get3A_3368 : vector<16xf32>
    %mul3A_3375 = arith.mulf %get3A_3363, %get3A_3373 : vector<16xf32>
    %sub3A_3376 = arith.subf %mul3A_3374, %mul3A_3375 : vector<16xf32>
    %swap3A_3377 = arith.constant 22 : i32
    %swap3A_3378 = arith.index_cast %swap3A_3377 : i32 to index
    %swap3A_3379 = arith.constant 0 : index
    %swap3A_3380 = tpu.vector_load %arg9[%swap3A_3378, %swap3A_3379] {strides = array<i32>} : memref<32x128xf32, #tpu.memory_space<vmem>>, vector<1x16xf32>,
    %swap3A_3381 = vector.shape_cast %swap3A_3380 : vector<1x16xf32> to vector<16xf32>
    %swap3A_3382 = vector.shape_cast %sub3A_3376 : vector<16xf32> to vector<1x16xf32>
    tpu.vector_store %arg9[%swap3A_3378, %swap3A_3379], %swap3A_3382 {strides = array<i32>} : memref<32x128xf32, #tpu.memory_space<vmem>>, vector<1x16xf32>,
    %mul3A_3383 = arith.mulf %get3A_3358, %get3A_3373 : vector<16xf32>
    %mul3A_3384 = arith.mulf %get3A_3363, %get3A_3368 : vector<16xf32>
    %add3A_3385 = arith.addf %mul3A_3383, %mul3A_3384 : vector<16xf32>
    %swap3A_3386 = arith.constant 22 : i32
    %swap3A_3387 = arith.index_cast %swap3A_3386 : i32 to index
    %swap3A_3388 = arith.constant 64 : index
    %swap3A_3389 = tpu.vector_load %arg9[%swap3A_3387, %swap3A_3388] {strides = array<i32>} : memref<32x128xf32, #tpu.memory_space<vmem>>, vector<1x16xf32>,
    %swap3A_3390 = vector.shape_cast %swap3A_3389 : vector<1x16xf32> to vector<16xf32>
    %swap3A_3391 = vector.shape_cast %add3A_3385 : vector<16xf32> to vector<1x16xf32>
    tpu.vector_store %arg9[%swap3A_3387, %swap3A_3388], %swap3A_3391 {strides = array<i32>} : memref<32x128xf32, #tpu.memory_space<vmem>>, vector<1x16xf32>,
    %get3A_3392 = arith.constant 22 : i32
    %get3A_3393 = arith.index_cast %get3A_3392 : i32 to index
    %get3A_3394 = arith.constant 16 : index
    %get3A_3395 = tpu.vector_load %arg9[%get3A_3393, %get3A_3394] {strides = array<i32>} : memref<32x128xf32, #tpu.memory_space<vmem>>, vector<1x16xf32>,
    %get3A_3396 = vector.shape_cast %get3A_3395 : vector<1x16xf32> to vector<16xf32>
    %get3A_3397 = arith.constant 22 : i32
    %get3A_3398 = arith.index_cast %get3A_3397 : i32 to index
    %get3A_3399 = arith.constant 80 : index
    %get3A_3400 = tpu.vector_load %arg9[%get3A_3398, %get3A_3399] {strides = array<i32>} : memref<32x128xf32, #tpu.memory_space<vmem>>, vector<1x16xf32>,
    %get3A_3401 = vector.shape_cast %get3A_3400 : vector<1x16xf32> to vector<16xf32>
    %get3A_3402 = arith.constant 22 : i32
    %get3A_3403 = arith.index_cast %get3A_3402 : i32 to index
    %get3A_3404 = arith.constant 16 : index
    %get3A_3405 = tpu.vector_load %arg10[%get3A_3403, %get3A_3404] {strides = array<i32>} : memref<32x128xf32, #tpu.memory_space<vmem>>, vector<1x16xf32>,
    %get3A_3406 = vector.shape_cast %get3A_3405 : vector<1x16xf32> to vector<16xf32>
    %get3A_3407 = arith.constant 22 : i32
    %get3A_3408 = arith.index_cast %get3A_3407 : i32 to index
    %get3A_3409 = arith.constant 80 : index
    %get3A_3410 = tpu.vector_load %arg10[%get3A_3408, %get3A_3409] {strides = array<i32>} : memref<32x128xf32, #tpu.memory_space<vmem>>, vector<1x16xf32>,
    %get3A_3411 = vector.shape_cast %get3A_3410 : vector<1x16xf32> to vector<16xf32>
    %mul3A_3412 = arith.mulf %get3A_3396, %get3A_3406 : vector<16xf32>
    %mul3A_3413 = arith.mulf %get3A_3401, %get3A_3411 : vector<16xf32>
    %sub3A_3414 = arith.subf %mul3A_3412, %mul3A_3413 : vector<16xf32>
    %swap3A_3415 = arith.constant 22 : i32
    %swap3A_3416 = arith.index_cast %swap3A_3415 : i32 to index
    %swap3A_3417 = arith.constant 16 : index
    %swap3A_3418 = tpu.vector_load %arg9[%swap3A_3416, %swap3A_3417] {strides = array<i32>} : memref<32x128xf32, #tpu.memory_space<vmem>>, vector<1x16xf32>,
    %swap3A_3419 = vector.shape_cast %swap3A_3418 : vector<1x16xf32> to vector<16xf32>
    %swap3A_3420 = vector.shape_cast %sub3A_3414 : vector<16xf32> to vector<1x16xf32>
    tpu.vector_store %arg9[%swap3A_3416, %swap3A_3417], %swap3A_3420 {strides = array<i32>} : memref<32x128xf32, #tpu.memory_space<vmem>>, vector<1x16xf32>,
    %mul3A_3421 = arith.mulf %get3A_3396, %get3A_3411 : vector<16xf32>
    %mul3A_3422 = arith.mulf %get3A_3401, %get3A_3406 : vector<16xf32>
    %add3A_3423 = arith.addf %mul3A_3421, %mul3A_3422 : vector<16xf32>
    %swap3A_3424 = arith.constant 22 : i32
    %swap3A_3425 = arith.index_cast %swap3A_3424 : i32 to index
    %swap3A_3426 = arith.constant 80 : index
    %swap3A_3427 = tpu.vector_load %arg9[%swap3A_3425, %swap3A_3426] {strides = array<i32>} : memref<32x128xf32, #tpu.memory_space<vmem>>, vector<1x16xf32>,
    %swap3A_3428 = vector.shape_cast %swap3A_3427 : vector<1x16xf32> to vector<16xf32>
    %swap3A_3429 = vector.shape_cast %add3A_3423 : vector<16xf32> to vector<1x16xf32>
    tpu.vector_store %arg9[%swap3A_3425, %swap3A_3426], %swap3A_3429 {strides = array<i32>} : memref<32x128xf32, #tpu.memory_space<vmem>>, vector<1x16xf32>,
    %get3A_3430 = arith.constant 22 : i32
    %get3A_3431 = arith.index_cast %get3A_3430 : i32 to index
    %get3A_3432 = arith.constant 32 : index
    %get3A_3433 = tpu.vector_load %arg9[%get3A_3431, %get3A_3432] {strides = array<i32>} : memref<32x128xf32, #tpu.memory_space<vmem>>, vector<1x16xf32>,
    %get3A_3434 = vector.shape_cast %get3A_3433 : vector<1x16xf32> to vector<16xf32>
    %get3A_3435 = arith.constant 22 : i32
    %get3A_3436 = arith.index_cast %get3A_3435 : i32 to index
    %get3A_3437 = arith.constant 96 : index
    %get3A_3438 = tpu.vector_load %arg9[%get3A_3436, %get3A_3437] {strides = array<i32>} : memref<32x128xf32, #tpu.memory_space<vmem>>, vector<1x16xf32>,
    %get3A_3439 = vector.shape_cast %get3A_3438 : vector<1x16xf32> to vector<16xf32>
    %get3A_3440 = arith.constant 22 : i32
    %get3A_3441 = arith.index_cast %get3A_3440 : i32 to index
    %get3A_3442 = arith.constant 32 : index
    %get3A_3443 = tpu.vector_load %arg10[%get3A_3441, %get3A_3442] {strides = array<i32>} : memref<32x128xf32, #tpu.memory_space<vmem>>, vector<1x16xf32>,
    %get3A_3444 = vector.shape_cast %get3A_3443 : vector<1x16xf32> to vector<16xf32>
    %get3A_3445 = arith.constant 22 : i32
    %get3A_3446 = arith.index_cast %get3A_3445 : i32 to index
    %get3A_3447 = arith.constant 96 : index
    %get3A_3448 = tpu.vector_load %arg10[%get3A_3446, %get3A_3447] {strides = array<i32>} : memref<32x128xf32, #tpu.memory_space<vmem>>, vector<1x16xf32>,
    %get3A_3449 = vector.shape_cast %get3A_3448 : vector<1x16xf32> to vector<16xf32>
    %mul3A_3450 = arith.mulf %get3A_3434, %get3A_3444 : vector<16xf32>
    %mul3A_3451 = arith.mulf %get3A_3439, %get3A_3449 : vector<16xf32>
    %sub3A_3452 = arith.subf %mul3A_3450, %mul3A_3451 : vector<16xf32>
    %swap3A_3453 = arith.constant 22 : i32
    %swap3A_3454 = arith.index_cast %swap3A_3453 : i32 to index
    %swap3A_3455 = arith.constant 32 : index
    %swap3A_3456 = tpu.vector_load %arg9[%swap3A_3454, %swap3A_3455] {strides = array<i32>} : memref<32x128xf32, #tpu.memory_space<vmem>>, vector<1x16xf32>,
    %swap3A_3457 = vector.shape_cast %swap3A_3456 : vector<1x16xf32> to vector<16xf32>
    %swap3A_3458 = vector.shape_cast %sub3A_3452 : vector<16xf32> to vector<1x16xf32>
    tpu.vector_store %arg9[%swap3A_3454, %swap3A_3455], %swap3A_3458 {strides = array<i32>} : memref<32x128xf32, #tpu.memory_space<vmem>>, vector<1x16xf32>,
    %mul3A_3459 = arith.mulf %get3A_3434, %get3A_3449 : vector<16xf32>
    %mul3A_3460 = arith.mulf %get3A_3439, %get3A_3444 : vector<16xf32>
    %add3A_3461 = arith.addf %mul3A_3459, %mul3A_3460 : vector<16xf32>
    %swap3A_3462 = arith.constant 22 : i32
    %swap3A_3463 = arith.index_cast %swap3A_3462 : i32 to index
    %swap3A_3464 = arith.constant 96 : index
    %swap3A_3465 = tpu.vector_load %arg9[%swap3A_3463, %swap3A_3464] {strides = array<i32>} : memref<32x128xf32, #tpu.memory_space<vmem>>, vector<1x16xf32>,
    %swap3A_3466 = vector.shape_cast %swap3A_3465 : vector<1x16xf32> to vector<16xf32>
    %swap3A_3467 = vector.shape_cast %add3A_3461 : vector<16xf32> to vector<1x16xf32>
    tpu.vector_store %arg9[%swap3A_3463, %swap3A_3464], %swap3A_3467 {strides = array<i32>} : memref<32x128xf32, #tpu.memory_space<vmem>>, vector<1x16xf32>,
    %get3A_3468 = arith.constant 22 : i32
    %get3A_3469 = arith.index_cast %get3A_3468 : i32 to index
    %get3A_3470 = arith.constant 48 : index
    %get3A_3471 = tpu.vector_load %arg9[%get3A_3469, %get3A_3470] {strides = array<i32>} : memref<32x128xf32, #tpu.memory_space<vmem>>, vector<1x16xf32>,
    %get3A_3472 = vector.shape_cast %get3A_3471 : vector<1x16xf32> to vector<16xf32>
    %get3A_3473 = arith.constant 22 : i32
    %get3A_3474 = arith.index_cast %get3A_3473 : i32 to index
    %get3A_3475 = arith.constant 112 : index
    %get3A_3476 = tpu.vector_load %arg9[%get3A_3474, %get3A_3475] {strides = array<i32>} : memref<32x128xf32, #tpu.memory_space<vmem>>, vector<1x16xf32>,
    %get3A_3477 = vector.shape_cast %get3A_3476 : vector<1x16xf32> to vector<16xf32>
    %get3A_3478 = arith.constant 22 : i32
    %get3A_3479 = arith.index_cast %get3A_3478 : i32 to index
    %get3A_3480 = arith.constant 48 : index
    %get3A_3481 = tpu.vector_load %arg10[%get3A_3479, %get3A_3480] {strides = array<i32>} : memref<32x128xf32, #tpu.memory_space<vmem>>, vector<1x16xf32>,
    %get3A_3482 = vector.shape_cast %get3A_3481 : vector<1x16xf32> to vector<16xf32>
    %get3A_3483 = arith.constant 22 : i32
    %get3A_3484 = arith.index_cast %get3A_3483 : i32 to index
    %get3A_3485 = arith.constant 112 : index
    %get3A_3486 = tpu.vector_load %arg10[%get3A_3484, %get3A_3485] {strides = array<i32>} : memref<32x128xf32, #tpu.memory_space<vmem>>, vector<1x16xf32>,
    %get3A_3487 = vector.shape_cast %get3A_3486 : vector<1x16xf32> to vector<16xf32>
    %mul3A_3488 = arith.mulf %get3A_3472, %get3A_3482 : vector<16xf32>
    %mul3A_3489 = arith.mulf %get3A_3477, %get3A_3487 : vector<16xf32>
    %sub3A_3490 = arith.subf %mul3A_3488, %mul3A_3489 : vector<16xf32>
    %swap3A_3491 = arith.constant 22 : i32
    %swap3A_3492 = arith.index_cast %swap3A_3491 : i32 to index
    %swap3A_3493 = arith.constant 48 : index
    %swap3A_3494 = tpu.vector_load %arg9[%swap3A_3492, %swap3A_3493] {strides = array<i32>} : memref<32x128xf32, #tpu.memory_space<vmem>>, vector<1x16xf32>,
    %swap3A_3495 = vector.shape_cast %swap3A_3494 : vector<1x16xf32> to vector<16xf32>
    %swap3A_3496 = vector.shape_cast %sub3A_3490 : vector<16xf32> to vector<1x16xf32>
    tpu.vector_store %arg9[%swap3A_3492, %swap3A_3493], %swap3A_3496 {strides = array<i32>} : memref<32x128xf32, #tpu.memory_space<vmem>>, vector<1x16xf32>,
    %mul3A_3497 = arith.mulf %get3A_3472, %get3A_3487 : vector<16xf32>
    %mul3A_3498 = arith.mulf %get3A_3477, %get3A_3482 : vector<16xf32>
    %add3A_3499 = arith.addf %mul3A_3497, %mul3A_3498 : vector<16xf32>
    %swap3A_3500 = arith.constant 22 : i32
    %swap3A_3501 = arith.index_cast %swap3A_3500 : i32 to index
    %swap3A_3502 = arith.constant 112 : index
    %swap3A_3503 = tpu.vector_load %arg9[%swap3A_3501, %swap3A_3502] {strides = array<i32>} : memref<32x128xf32, #tpu.memory_space<vmem>>, vector<1x16xf32>,
    %swap3A_3504 = vector.shape_cast %swap3A_3503 : vector<1x16xf32> to vector<16xf32>
    %swap3A_3505 = vector.shape_cast %add3A_3499 : vector<16xf32> to vector<1x16xf32>
    tpu.vector_store %arg9[%swap3A_3501, %swap3A_3502], %swap3A_3505 {strides = array<i32>} : memref<32x128xf32, #tpu.memory_space<vmem>>, vector<1x16xf32>,
    %get3A_3506 = arith.constant 23 : i32
    %get3A_3507 = arith.index_cast %get3A_3506 : i32 to index
    %get3A_3508 = arith.constant 0 : index
    %get3A_3509 = tpu.vector_load %arg9[%get3A_3507, %get3A_3508] {strides = array<i32>} : memref<32x128xf32, #tpu.memory_space<vmem>>, vector<1x16xf32>,
    %get3A_3510 = vector.shape_cast %get3A_3509 : vector<1x16xf32> to vector<16xf32>
    %get3A_3511 = arith.constant 23 : i32
    %get3A_3512 = arith.index_cast %get3A_3511 : i32 to index
    %get3A_3513 = arith.constant 64 : index
    %get3A_3514 = tpu.vector_load %arg9[%get3A_3512, %get3A_3513] {strides = array<i32>} : memref<32x128xf32, #tpu.memory_space<vmem>>, vector<1x16xf32>,
    %get3A_3515 = vector.shape_cast %get3A_3514 : vector<1x16xf32> to vector<16xf32>
    %get3A_3516 = arith.constant 23 : i32
    %get3A_3517 = arith.index_cast %get3A_3516 : i32 to index
    %get3A_3518 = arith.constant 0 : index
    %get3A_3519 = tpu.vector_load %arg10[%get3A_3517, %get3A_3518] {strides = array<i32>} : memref<32x128xf32, #tpu.memory_space<vmem>>, vector<1x16xf32>,
    %get3A_3520 = vector.shape_cast %get3A_3519 : vector<1x16xf32> to vector<16xf32>
    %get3A_3521 = arith.constant 23 : i32
    %get3A_3522 = arith.index_cast %get3A_3521 : i32 to index
    %get3A_3523 = arith.constant 64 : index
    %get3A_3524 = tpu.vector_load %arg10[%get3A_3522, %get3A_3523] {strides = array<i32>} : memref<32x128xf32, #tpu.memory_space<vmem>>, vector<1x16xf32>,
    %get3A_3525 = vector.shape_cast %get3A_3524 : vector<1x16xf32> to vector<16xf32>
    %mul3A_3526 = arith.mulf %get3A_3510, %get3A_3520 : vector<16xf32>
    %mul3A_3527 = arith.mulf %get3A_3515, %get3A_3525 : vector<16xf32>
    %sub3A_3528 = arith.subf %mul3A_3526, %mul3A_3527 : vector<16xf32>
    %swap3A_3529 = arith.constant 23 : i32
    %swap3A_3530 = arith.index_cast %swap3A_3529 : i32 to index
    %swap3A_3531 = arith.constant 0 : index
    %swap3A_3532 = tpu.vector_load %arg9[%swap3A_3530, %swap3A_3531] {strides = array<i32>} : memref<32x128xf32, #tpu.memory_space<vmem>>, vector<1x16xf32>,
    %swap3A_3533 = vector.shape_cast %swap3A_3532 : vector<1x16xf32> to vector<16xf32>
    %swap3A_3534 = vector.shape_cast %sub3A_3528 : vector<16xf32> to vector<1x16xf32>
    tpu.vector_store %arg9[%swap3A_3530, %swap3A_3531], %swap3A_3534 {strides = array<i32>} : memref<32x128xf32, #tpu.memory_space<vmem>>, vector<1x16xf32>,
    %mul3A_3535 = arith.mulf %get3A_3510, %get3A_3525 : vector<16xf32>
    %mul3A_3536 = arith.mulf %get3A_3515, %get3A_3520 : vector<16xf32>
    %add3A_3537 = arith.addf %mul3A_3535, %mul3A_3536 : vector<16xf32>
    %swap3A_3538 = arith.constant 23 : i32
    %swap3A_3539 = arith.index_cast %swap3A_3538 : i32 to index
    %swap3A_3540 = arith.constant 64 : index
    %swap3A_3541 = tpu.vector_load %arg9[%swap3A_3539, %swap3A_3540] {strides = array<i32>} : memref<32x128xf32, #tpu.memory_space<vmem>>, vector<1x16xf32>,
    %swap3A_3542 = vector.shape_cast %swap3A_3541 : vector<1x16xf32> to vector<16xf32>
    %swap3A_3543 = vector.shape_cast %add3A_3537 : vector<16xf32> to vector<1x16xf32>
    tpu.vector_store %arg9[%swap3A_3539, %swap3A_3540], %swap3A_3543 {strides = array<i32>} : memref<32x128xf32, #tpu.memory_space<vmem>>, vector<1x16xf32>,
    %get3A_3544 = arith.constant 23 : i32
    %get3A_3545 = arith.index_cast %get3A_3544 : i32 to index
    %get3A_3546 = arith.constant 16 : index
    %get3A_3547 = tpu.vector_load %arg9[%get3A_3545, %get3A_3546] {strides = array<i32>} : memref<32x128xf32, #tpu.memory_space<vmem>>, vector<1x16xf32>,
    %get3A_3548 = vector.shape_cast %get3A_3547 : vector<1x16xf32> to vector<16xf32>
    %get3A_3549 = arith.constant 23 : i32
    %get3A_3550 = arith.index_cast %get3A_3549 : i32 to index
    %get3A_3551 = arith.constant 80 : index
    %get3A_3552 = tpu.vector_load %arg9[%get3A_3550, %get3A_3551] {strides = array<i32>} : memref<32x128xf32, #tpu.memory_space<vmem>>, vector<1x16xf32>,
    %get3A_3553 = vector.shape_cast %get3A_3552 : vector<1x16xf32> to vector<16xf32>
    %get3A_3554 = arith.constant 23 : i32
    %get3A_3555 = arith.index_cast %get3A_3554 : i32 to index
    %get3A_3556 = arith.constant 16 : index
    %get3A_3557 = tpu.vector_load %arg10[%get3A_3555, %get3A_3556] {strides = array<i32>} : memref<32x128xf32, #tpu.memory_space<vmem>>, vector<1x16xf32>,
    %get3A_3558 = vector.shape_cast %get3A_3557 : vector<1x16xf32> to vector<16xf32>
    %get3A_3559 = arith.constant 23 : i32
    %get3A_3560 = arith.index_cast %get3A_3559 : i32 to index
    %get3A_3561 = arith.constant 80 : index
    %get3A_3562 = tpu.vector_load %arg10[%get3A_3560, %get3A_3561] {strides = array<i32>} : memref<32x128xf32, #tpu.memory_space<vmem>>, vector<1x16xf32>,
    %get3A_3563 = vector.shape_cast %get3A_3562 : vector<1x16xf32> to vector<16xf32>
    %mul3A_3564 = arith.mulf %get3A_3548, %get3A_3558 : vector<16xf32>
    %mul3A_3565 = arith.mulf %get3A_3553, %get3A_3563 : vector<16xf32>
    %sub3A_3566 = arith.subf %mul3A_3564, %mul3A_3565 : vector<16xf32>
    %swap3A_3567 = arith.constant 23 : i32
    %swap3A_3568 = arith.index_cast %swap3A_3567 : i32 to index
    %swap3A_3569 = arith.constant 16 : index
    %swap3A_3570 = tpu.vector_load %arg9[%swap3A_3568, %swap3A_3569] {strides = array<i32>} : memref<32x128xf32, #tpu.memory_space<vmem>>, vector<1x16xf32>,
    %swap3A_3571 = vector.shape_cast %swap3A_3570 : vector<1x16xf32> to vector<16xf32>
    %swap3A_3572 = vector.shape_cast %sub3A_3566 : vector<16xf32> to vector<1x16xf32>
    tpu.vector_store %arg9[%swap3A_3568, %swap3A_3569], %swap3A_3572 {strides = array<i32>} : memref<32x128xf32, #tpu.memory_space<vmem>>, vector<1x16xf32>,
    %mul3A_3573 = arith.mulf %get3A_3548, %get3A_3563 : vector<16xf32>
    %mul3A_3574 = arith.mulf %get3A_3553, %get3A_3558 : vector<16xf32>
    %add3A_3575 = arith.addf %mul3A_3573, %mul3A_3574 : vector<16xf32>
    %swap3A_3576 = arith.constant 23 : i32
    %swap3A_3577 = arith.index_cast %swap3A_3576 : i32 to index
    %swap3A_3578 = arith.constant 80 : index
    %swap3A_3579 = tpu.vector_load %arg9[%swap3A_3577, %swap3A_3578] {strides = array<i32>} : memref<32x128xf32, #tpu.memory_space<vmem>>, vector<1x16xf32>,
    %swap3A_3580 = vector.shape_cast %swap3A_3579 : vector<1x16xf32> to vector<16xf32>
    %swap3A_3581 = vector.shape_cast %add3A_3575 : vector<16xf32> to vector<1x16xf32>
    tpu.vector_store %arg9[%swap3A_3577, %swap3A_3578], %swap3A_3581 {strides = array<i32>} : memref<32x128xf32, #tpu.memory_space<vmem>>, vector<1x16xf32>,
    %get3A_3582 = arith.constant 23 : i32
    %get3A_3583 = arith.index_cast %get3A_3582 : i32 to index
    %get3A_3584 = arith.constant 32 : index
    %get3A_3585 = tpu.vector_load %arg9[%get3A_3583, %get3A_3584] {strides = array<i32>} : memref<32x128xf32, #tpu.memory_space<vmem>>, vector<1x16xf32>,
    %get3A_3586 = vector.shape_cast %get3A_3585 : vector<1x16xf32> to vector<16xf32>
    %get3A_3587 = arith.constant 23 : i32
    %get3A_3588 = arith.index_cast %get3A_3587 : i32 to index
    %get3A_3589 = arith.constant 96 : index
    %get3A_3590 = tpu.vector_load %arg9[%get3A_3588, %get3A_3589] {strides = array<i32>} : memref<32x128xf32, #tpu.memory_space<vmem>>, vector<1x16xf32>,
    %get3A_3591 = vector.shape_cast %get3A_3590 : vector<1x16xf32> to vector<16xf32>
    %get3A_3592 = arith.constant 23 : i32
    %get3A_3593 = arith.index_cast %get3A_3592 : i32 to index
    %get3A_3594 = arith.constant 32 : index
    %get3A_3595 = tpu.vector_load %arg10[%get3A_3593, %get3A_3594] {strides = array<i32>} : memref<32x128xf32, #tpu.memory_space<vmem>>, vector<1x16xf32>,
    %get3A_3596 = vector.shape_cast %get3A_3595 : vector<1x16xf32> to vector<16xf32>
    %get3A_3597 = arith.constant 23 : i32
    %get3A_3598 = arith.index_cast %get3A_3597 : i32 to index
    %get3A_3599 = arith.constant 96 : index
    %get3A_3600 = tpu.vector_load %arg10[%get3A_3598, %get3A_3599] {strides = array<i32>} : memref<32x128xf32, #tpu.memory_space<vmem>>, vector<1x16xf32>,
    %get3A_3601 = vector.shape_cast %get3A_3600 : vector<1x16xf32> to vector<16xf32>
    %mul3A_3602 = arith.mulf %get3A_3586, %get3A_3596 : vector<16xf32>
    %mul3A_3603 = arith.mulf %get3A_3591, %get3A_3601 : vector<16xf32>
    %sub3A_3604 = arith.subf %mul3A_3602, %mul3A_3603 : vector<16xf32>
    %swap3A_3605 = arith.constant 23 : i32
    %swap3A_3606 = arith.index_cast %swap3A_3605 : i32 to index
    %swap3A_3607 = arith.constant 32 : index
    %swap3A_3608 = tpu.vector_load %arg9[%swap3A_3606, %swap3A_3607] {strides = array<i32>} : memref<32x128xf32, #tpu.memory_space<vmem>>, vector<1x16xf32>,
    %swap3A_3609 = vector.shape_cast %swap3A_3608 : vector<1x16xf32> to vector<16xf32>
    %swap3A_3610 = vector.shape_cast %sub3A_3604 : vector<16xf32> to vector<1x16xf32>
    tpu.vector_store %arg9[%swap3A_3606, %swap3A_3607], %swap3A_3610 {strides = array<i32>} : memref<32x128xf32, #tpu.memory_space<vmem>>, vector<1x16xf32>,
    %mul3A_3611 = arith.mulf %get3A_3586, %get3A_3601 : vector<16xf32>
    %mul3A_3612 = arith.mulf %get3A_3591, %get3A_3596 : vector<16xf32>
    %add3A_3613 = arith.addf %mul3A_3611, %mul3A_3612 : vector<16xf32>
    %swap3A_3614 = arith.constant 23 : i32
    %swap3A_3615 = arith.index_cast %swap3A_3614 : i32 to index
    %swap3A_3616 = arith.constant 96 : index
    %swap3A_3617 = tpu.vector_load %arg9[%swap3A_3615, %swap3A_3616] {strides = array<i32>} : memref<32x128xf32, #tpu.memory_space<vmem>>, vector<1x16xf32>,
    %swap3A_3618 = vector.shape_cast %swap3A_3617 : vector<1x16xf32> to vector<16xf32>
    %swap3A_3619 = vector.shape_cast %add3A_3613 : vector<16xf32> to vector<1x16xf32>
    tpu.vector_store %arg9[%swap3A_3615, %swap3A_3616], %swap3A_3619 {strides = array<i32>} : memref<32x128xf32, #tpu.memory_space<vmem>>, vector<1x16xf32>,
    %get3A_3620 = arith.constant 23 : i32
    %get3A_3621 = arith.index_cast %get3A_3620 : i32 to index
    %get3A_3622 = arith.constant 48 : index
    %get3A_3623 = tpu.vector_load %arg9[%get3A_3621, %get3A_3622] {strides = array<i32>} : memref<32x128xf32, #tpu.memory_space<vmem>>, vector<1x16xf32>,
    %get3A_3624 = vector.shape_cast %get3A_3623 : vector<1x16xf32> to vector<16xf32>
    %get3A_3625 = arith.constant 23 : i32
    %get3A_3626 = arith.index_cast %get3A_3625 : i32 to index
    %get3A_3627 = arith.constant 112 : index
    %get3A_3628 = tpu.vector_load %arg9[%get3A_3626, %get3A_3627] {strides = array<i32>} : memref<32x128xf32, #tpu.memory_space<vmem>>, vector<1x16xf32>,
    %get3A_3629 = vector.shape_cast %get3A_3628 : vector<1x16xf32> to vector<16xf32>
    %get3A_3630 = arith.constant 23 : i32
    %get3A_3631 = arith.index_cast %get3A_3630 : i32 to index
    %get3A_3632 = arith.constant 48 : index
    %get3A_3633 = tpu.vector_load %arg10[%get3A_3631, %get3A_3632] {strides = array<i32>} : memref<32x128xf32, #tpu.memory_space<vmem>>, vector<1x16xf32>,
    %get3A_3634 = vector.shape_cast %get3A_3633 : vector<1x16xf32> to vector<16xf32>
    %get3A_3635 = arith.constant 23 : i32
    %get3A_3636 = arith.index_cast %get3A_3635 : i32 to index
    %get3A_3637 = arith.constant 112 : index
    %get3A_3638 = tpu.vector_load %arg10[%get3A_3636, %get3A_3637] {strides = array<i32>} : memref<32x128xf32, #tpu.memory_space<vmem>>, vector<1x16xf32>,
    %get3A_3639 = vector.shape_cast %get3A_3638 : vector<1x16xf32> to vector<16xf32>
    %mul3A_3640 = arith.mulf %get3A_3624, %get3A_3634 : vector<16xf32>
    %mul3A_3641 = arith.mulf %get3A_3629, %get3A_3639 : vector<16xf32>
    %sub3A_3642 = arith.subf %mul3A_3640, %mul3A_3641 : vector<16xf32>
    %swap3A_3643 = arith.constant 23 : i32
    %swap3A_3644 = arith.index_cast %swap3A_3643 : i32 to index
    %swap3A_3645 = arith.constant 48 : index
    %swap3A_3646 = tpu.vector_load %arg9[%swap3A_3644, %swap3A_3645] {strides = array<i32>} : memref<32x128xf32, #tpu.memory_space<vmem>>, vector<1x16xf32>,
    %swap3A_3647 = vector.shape_cast %swap3A_3646 : vector<1x16xf32> to vector<16xf32>
    %swap3A_3648 = vector.shape_cast %sub3A_3642 : vector<16xf32> to vector<1x16xf32>
    tpu.vector_store %arg9[%swap3A_3644, %swap3A_3645], %swap3A_3648 {strides = array<i32>} : memref<32x128xf32, #tpu.memory_space<vmem>>, vector<1x16xf32>,
    %mul3A_3649 = arith.mulf %get3A_3624, %get3A_3639 : vector<16xf32>
    %mul3A_3650 = arith.mulf %get3A_3629, %get3A_3634 : vector<16xf32>
    %add3A_3651 = arith.addf %mul3A_3649, %mul3A_3650 : vector<16xf32>
    %swap3A_3652 = arith.constant 23 : i32
    %swap3A_3653 = arith.index_cast %swap3A_3652 : i32 to index
    %swap3A_3654 = arith.constant 112 : index
    %swap3A_3655 = tpu.vector_load %arg9[%swap3A_3653, %swap3A_3654] {strides = array<i32>} : memref<32x128xf32, #tpu.memory_space<vmem>>, vector<1x16xf32>,
    %swap3A_3656 = vector.shape_cast %swap3A_3655 : vector<1x16xf32> to vector<16xf32>
    %swap3A_3657 = vector.shape_cast %add3A_3651 : vector<16xf32> to vector<1x16xf32>
    tpu.vector_store %arg9[%swap3A_3653, %swap3A_3654], %swap3A_3657 {strides = array<i32>} : memref<32x128xf32, #tpu.memory_space<vmem>>, vector<1x16xf32>,
    %get3A_3658 = arith.constant 24 : i32
    %get3A_3659 = arith.index_cast %get3A_3658 : i32 to index
    %get3A_3660 = arith.constant 0 : index
    %get3A_3661 = tpu.vector_load %arg9[%get3A_3659, %get3A_3660] {strides = array<i32>} : memref<32x128xf32, #tpu.memory_space<vmem>>, vector<1x16xf32>,
    %get3A_3662 = vector.shape_cast %get3A_3661 : vector<1x16xf32> to vector<16xf32>
    %get3A_3663 = arith.constant 24 : i32
    %get3A_3664 = arith.index_cast %get3A_3663 : i32 to index
    %get3A_3665 = arith.constant 64 : index
    %get3A_3666 = tpu.vector_load %arg9[%get3A_3664, %get3A_3665] {strides = array<i32>} : memref<32x128xf32, #tpu.memory_space<vmem>>, vector<1x16xf32>,
    %get3A_3667 = vector.shape_cast %get3A_3666 : vector<1x16xf32> to vector<16xf32>
    %get3A_3668 = arith.constant 24 : i32
    %get3A_3669 = arith.index_cast %get3A_3668 : i32 to index
    %get3A_3670 = arith.constant 0 : index
    %get3A_3671 = tpu.vector_load %arg10[%get3A_3669, %get3A_3670] {strides = array<i32>} : memref<32x128xf32, #tpu.memory_space<vmem>>, vector<1x16xf32>,
    %get3A_3672 = vector.shape_cast %get3A_3671 : vector<1x16xf32> to vector<16xf32>
    %get3A_3673 = arith.constant 24 : i32
    %get3A_3674 = arith.index_cast %get3A_3673 : i32 to index
    %get3A_3675 = arith.constant 64 : index
    %get3A_3676 = tpu.vector_load %arg10[%get3A_3674, %get3A_3675] {strides = array<i32>} : memref<32x128xf32, #tpu.memory_space<vmem>>, vector<1x16xf32>,
    %get3A_3677 = vector.shape_cast %get3A_3676 : vector<1x16xf32> to vector<16xf32>
    %mul3A_3678 = arith.mulf %get3A_3662, %get3A_3672 : vector<16xf32>
    %mul3A_3679 = arith.mulf %get3A_3667, %get3A_3677 : vector<16xf32>
    %sub3A_3680 = arith.subf %mul3A_3678, %mul3A_3679 : vector<16xf32>
    %swap3A_3681 = arith.constant 24 : i32
    %swap3A_3682 = arith.index_cast %swap3A_3681 : i32 to index
    %swap3A_3683 = arith.constant 0 : index
    %swap3A_3684 = tpu.vector_load %arg9[%swap3A_3682, %swap3A_3683] {strides = array<i32>} : memref<32x128xf32, #tpu.memory_space<vmem>>, vector<1x16xf32>,
    %swap3A_3685 = vector.shape_cast %swap3A_3684 : vector<1x16xf32> to vector<16xf32>
    %swap3A_3686 = vector.shape_cast %sub3A_3680 : vector<16xf32> to vector<1x16xf32>
    tpu.vector_store %arg9[%swap3A_3682, %swap3A_3683], %swap3A_3686 {strides = array<i32>} : memref<32x128xf32, #tpu.memory_space<vmem>>, vector<1x16xf32>,
    %mul3A_3687 = arith.mulf %get3A_3662, %get3A_3677 : vector<16xf32>
    %mul3A_3688 = arith.mulf %get3A_3667, %get3A_3672 : vector<16xf32>
    %add3A_3689 = arith.addf %mul3A_3687, %mul3A_3688 : vector<16xf32>
    %swap3A_3690 = arith.constant 24 : i32
    %swap3A_3691 = arith.index_cast %swap3A_3690 : i32 to index
    %swap3A_3692 = arith.constant 64 : index
    %swap3A_3693 = tpu.vector_load %arg9[%swap3A_3691, %swap3A_3692] {strides = array<i32>} : memref<32x128xf32, #tpu.memory_space<vmem>>, vector<1x16xf32>,
    %swap3A_3694 = vector.shape_cast %swap3A_3693 : vector<1x16xf32> to vector<16xf32>
    %swap3A_3695 = vector.shape_cast %add3A_3689 : vector<16xf32> to vector<1x16xf32>
    tpu.vector_store %arg9[%swap3A_3691, %swap3A_3692], %swap3A_3695 {strides = array<i32>} : memref<32x128xf32, #tpu.memory_space<vmem>>, vector<1x16xf32>,
    %get3A_3696 = arith.constant 24 : i32
    %get3A_3697 = arith.index_cast %get3A_3696 : i32 to index
    %get3A_3698 = arith.constant 16 : index
    %get3A_3699 = tpu.vector_load %arg9[%get3A_3697, %get3A_3698] {strides = array<i32>} : memref<32x128xf32, #tpu.memory_space<vmem>>, vector<1x16xf32>,
    %get3A_3700 = vector.shape_cast %get3A_3699 : vector<1x16xf32> to vector<16xf32>
    %get3A_3701 = arith.constant 24 : i32
    %get3A_3702 = arith.index_cast %get3A_3701 : i32 to index
    %get3A_3703 = arith.constant 80 : index
    %get3A_3704 = tpu.vector_load %arg9[%get3A_3702, %get3A_3703] {strides = array<i32>} : memref<32x128xf32, #tpu.memory_space<vmem>>, vector<1x16xf32>,
    %get3A_3705 = vector.shape_cast %get3A_3704 : vector<1x16xf32> to vector<16xf32>
    %get3A_3706 = arith.constant 24 : i32
    %get3A_3707 = arith.index_cast %get3A_3706 : i32 to index
    %get3A_3708 = arith.constant 16 : index
    %get3A_3709 = tpu.vector_load %arg10[%get3A_3707, %get3A_3708] {strides = array<i32>} : memref<32x128xf32, #tpu.memory_space<vmem>>, vector<1x16xf32>,
    %get3A_3710 = vector.shape_cast %get3A_3709 : vector<1x16xf32> to vector<16xf32>
    %get3A_3711 = arith.constant 24 : i32
    %get3A_3712 = arith.index_cast %get3A_3711 : i32 to index
    %get3A_3713 = arith.constant 80 : index
    %get3A_3714 = tpu.vector_load %arg10[%get3A_3712, %get3A_3713] {strides = array<i32>} : memref<32x128xf32, #tpu.memory_space<vmem>>, vector<1x16xf32>,
    %get3A_3715 = vector.shape_cast %get3A_3714 : vector<1x16xf32> to vector<16xf32>
    %mul3A_3716 = arith.mulf %get3A_3700, %get3A_3710 : vector<16xf32>
    %mul3A_3717 = arith.mulf %get3A_3705, %get3A_3715 : vector<16xf32>
    %sub3A_3718 = arith.subf %mul3A_3716, %mul3A_3717 : vector<16xf32>
    %swap3A_3719 = arith.constant 24 : i32
    %swap3A_3720 = arith.index_cast %swap3A_3719 : i32 to index
    %swap3A_3721 = arith.constant 16 : index
    %swap3A_3722 = tpu.vector_load %arg9[%swap3A_3720, %swap3A_3721] {strides = array<i32>} : memref<32x128xf32, #tpu.memory_space<vmem>>, vector<1x16xf32>,
    %swap3A_3723 = vector.shape_cast %swap3A_3722 : vector<1x16xf32> to vector<16xf32>
    %swap3A_3724 = vector.shape_cast %sub3A_3718 : vector<16xf32> to vector<1x16xf32>
    tpu.vector_store %arg9[%swap3A_3720, %swap3A_3721], %swap3A_3724 {strides = array<i32>} : memref<32x128xf32, #tpu.memory_space<vmem>>, vector<1x16xf32>,
    %mul3A_3725 = arith.mulf %get3A_3700, %get3A_3715 : vector<16xf32>
    %mul3A_3726 = arith.mulf %get3A_3705, %get3A_3710 : vector<16xf32>
    %add3A_3727 = arith.addf %mul3A_3725, %mul3A_3726 : vector<16xf32>
    %swap3A_3728 = arith.constant 24 : i32
    %swap3A_3729 = arith.index_cast %swap3A_3728 : i32 to index
    %swap3A_3730 = arith.constant 80 : index
    %swap3A_3731 = tpu.vector_load %arg9[%swap3A_3729, %swap3A_3730] {strides = array<i32>} : memref<32x128xf32, #tpu.memory_space<vmem>>, vector<1x16xf32>,
    %swap3A_3732 = vector.shape_cast %swap3A_3731 : vector<1x16xf32> to vector<16xf32>
    %swap3A_3733 = vector.shape_cast %add3A_3727 : vector<16xf32> to vector<1x16xf32>
    tpu.vector_store %arg9[%swap3A_3729, %swap3A_3730], %swap3A_3733 {strides = array<i32>} : memref<32x128xf32, #tpu.memory_space<vmem>>, vector<1x16xf32>,
    %get3A_3734 = arith.constant 24 : i32
    %get3A_3735 = arith.index_cast %get3A_3734 : i32 to index
    %get3A_3736 = arith.constant 32 : index
    %get3A_3737 = tpu.vector_load %arg9[%get3A_3735, %get3A_3736] {strides = array<i32>} : memref<32x128xf32, #tpu.memory_space<vmem>>, vector<1x16xf32>,
    %get3A_3738 = vector.shape_cast %get3A_3737 : vector<1x16xf32> to vector<16xf32>
    %get3A_3739 = arith.constant 24 : i32
    %get3A_3740 = arith.index_cast %get3A_3739 : i32 to index
    %get3A_3741 = arith.constant 96 : index
    %get3A_3742 = tpu.vector_load %arg9[%get3A_3740, %get3A_3741] {strides = array<i32>} : memref<32x128xf32, #tpu.memory_space<vmem>>, vector<1x16xf32>,
    %get3A_3743 = vector.shape_cast %get3A_3742 : vector<1x16xf32> to vector<16xf32>
    %get3A_3744 = arith.constant 24 : i32
    %get3A_3745 = arith.index_cast %get3A_3744 : i32 to index
    %get3A_3746 = arith.constant 32 : index
    %get3A_3747 = tpu.vector_load %arg10[%get3A_3745, %get3A_3746] {strides = array<i32>} : memref<32x128xf32, #tpu.memory_space<vmem>>, vector<1x16xf32>,
    %get3A_3748 = vector.shape_cast %get3A_3747 : vector<1x16xf32> to vector<16xf32>
    %get3A_3749 = arith.constant 24 : i32
    %get3A_3750 = arith.index_cast %get3A_3749 : i32 to index
    %get3A_3751 = arith.constant 96 : index
    %get3A_3752 = tpu.vector_load %arg10[%get3A_3750, %get3A_3751] {strides = array<i32>} : memref<32x128xf32, #tpu.memory_space<vmem>>, vector<1x16xf32>,
    %get3A_3753 = vector.shape_cast %get3A_3752 : vector<1x16xf32> to vector<16xf32>
    %mul3A_3754 = arith.mulf %get3A_3738, %get3A_3748 : vector<16xf32>
    %mul3A_3755 = arith.mulf %get3A_3743, %get3A_3753 : vector<16xf32>
    %sub3A_3756 = arith.subf %mul3A_3754, %mul3A_3755 : vector<16xf32>
    %swap3A_3757 = arith.constant 24 : i32
    %swap3A_3758 = arith.index_cast %swap3A_3757 : i32 to index
    %swap3A_3759 = arith.constant 32 : index
    %swap3A_3760 = tpu.vector_load %arg9[%swap3A_3758, %swap3A_3759] {strides = array<i32>} : memref<32x128xf32, #tpu.memory_space<vmem>>, vector<1x16xf32>,
    %swap3A_3761 = vector.shape_cast %swap3A_3760 : vector<1x16xf32> to vector<16xf32>
    %swap3A_3762 = vector.shape_cast %sub3A_3756 : vector<16xf32> to vector<1x16xf32>
    tpu.vector_store %arg9[%swap3A_3758, %swap3A_3759], %swap3A_3762 {strides = array<i32>} : memref<32x128xf32, #tpu.memory_space<vmem>>, vector<1x16xf32>,
    %mul3A_3763 = arith.mulf %get3A_3738, %get3A_3753 : vector<16xf32>
    %mul3A_3764 = arith.mulf %get3A_3743, %get3A_3748 : vector<16xf32>
    %add3A_3765 = arith.addf %mul3A_3763, %mul3A_3764 : vector<16xf32>
    %swap3A_3766 = arith.constant 24 : i32
    %swap3A_3767 = arith.index_cast %swap3A_3766 : i32 to index
    %swap3A_3768 = arith.constant 96 : index
    %swap3A_3769 = tpu.vector_load %arg9[%swap3A_3767, %swap3A_3768] {strides = array<i32>} : memref<32x128xf32, #tpu.memory_space<vmem>>, vector<1x16xf32>,
    %swap3A_3770 = vector.shape_cast %swap3A_3769 : vector<1x16xf32> to vector<16xf32>
    %swap3A_3771 = vector.shape_cast %add3A_3765 : vector<16xf32> to vector<1x16xf32>
    tpu.vector_store %arg9[%swap3A_3767, %swap3A_3768], %swap3A_3771 {strides = array<i32>} : memref<32x128xf32, #tpu.memory_space<vmem>>, vector<1x16xf32>,
    %get3A_3772 = arith.constant 24 : i32
    %get3A_3773 = arith.index_cast %get3A_3772 : i32 to index
    %get3A_3774 = arith.constant 48 : index
    %get3A_3775 = tpu.vector_load %arg9[%get3A_3773, %get3A_3774] {strides = array<i32>} : memref<32x128xf32, #tpu.memory_space<vmem>>, vector<1x16xf32>,
    %get3A_3776 = vector.shape_cast %get3A_3775 : vector<1x16xf32> to vector<16xf32>
    %get3A_3777 = arith.constant 24 : i32
    %get3A_3778 = arith.index_cast %get3A_3777 : i32 to index
    %get3A_3779 = arith.constant 112 : index
    %get3A_3780 = tpu.vector_load %arg9[%get3A_3778, %get3A_3779] {strides = array<i32>} : memref<32x128xf32, #tpu.memory_space<vmem>>, vector<1x16xf32>,
    %get3A_3781 = vector.shape_cast %get3A_3780 : vector<1x16xf32> to vector<16xf32>
    %get3A_3782 = arith.constant 24 : i32
    %get3A_3783 = arith.index_cast %get3A_3782 : i32 to index
    %get3A_3784 = arith.constant 48 : index
    %get3A_3785 = tpu.vector_load %arg10[%get3A_3783, %get3A_3784] {strides = array<i32>} : memref<32x128xf32, #tpu.memory_space<vmem>>, vector<1x16xf32>,
    %get3A_3786 = vector.shape_cast %get3A_3785 : vector<1x16xf32> to vector<16xf32>
    %get3A_3787 = arith.constant 24 : i32
    %get3A_3788 = arith.index_cast %get3A_3787 : i32 to index
    %get3A_3789 = arith.constant 112 : index
    %get3A_3790 = tpu.vector_load %arg10[%get3A_3788, %get3A_3789] {strides = array<i32>} : memref<32x128xf32, #tpu.memory_space<vmem>>, vector<1x16xf32>,
    %get3A_3791 = vector.shape_cast %get3A_3790 : vector<1x16xf32> to vector<16xf32>
    %mul3A_3792 = arith.mulf %get3A_3776, %get3A_3786 : vector<16xf32>
    %mul3A_3793 = arith.mulf %get3A_3781, %get3A_3791 : vector<16xf32>
    %sub3A_3794 = arith.subf %mul3A_3792, %mul3A_3793 : vector<16xf32>
    %swap3A_3795 = arith.constant 24 : i32
    %swap3A_3796 = arith.index_cast %swap3A_3795 : i32 to index
    %swap3A_3797 = arith.constant 48 : index
    %swap3A_3798 = tpu.vector_load %arg9[%swap3A_3796, %swap3A_3797] {strides = array<i32>} : memref<32x128xf32, #tpu.memory_space<vmem>>, vector<1x16xf32>,
    %swap3A_3799 = vector.shape_cast %swap3A_3798 : vector<1x16xf32> to vector<16xf32>
    %swap3A_3800 = vector.shape_cast %sub3A_3794 : vector<16xf32> to vector<1x16xf32>
    tpu.vector_store %arg9[%swap3A_3796, %swap3A_3797], %swap3A_3800 {strides = array<i32>} : memref<32x128xf32, #tpu.memory_space<vmem>>, vector<1x16xf32>,
    %mul3A_3801 = arith.mulf %get3A_3776, %get3A_3791 : vector<16xf32>
    %mul3A_3802 = arith.mulf %get3A_3781, %get3A_3786 : vector<16xf32>
    %add3A_3803 = arith.addf %mul3A_3801, %mul3A_3802 : vector<16xf32>
    %swap3A_3804 = arith.constant 24 : i32
    %swap3A_3805 = arith.index_cast %swap3A_3804 : i32 to index
    %swap3A_3806 = arith.constant 112 : index
    %swap3A_3807 = tpu.vector_load %arg9[%swap3A_3805, %swap3A_3806] {strides = array<i32>} : memref<32x128xf32, #tpu.memory_space<vmem>>, vector<1x16xf32>,
    %swap3A_3808 = vector.shape_cast %swap3A_3807 : vector<1x16xf32> to vector<16xf32>
    %swap3A_3809 = vector.shape_cast %add3A_3803 : vector<16xf32> to vector<1x16xf32>
    tpu.vector_store %arg9[%swap3A_3805, %swap3A_3806], %swap3A_3809 {strides = array<i32>} : memref<32x128xf32, #tpu.memory_space<vmem>>, vector<1x16xf32>,
    %get3A_3810 = arith.constant 25 : i32
    %get3A_3811 = arith.index_cast %get3A_3810 : i32 to index
    %get3A_3812 = arith.constant 0 : index
    %get3A_3813 = tpu.vector_load %arg9[%get3A_3811, %get3A_3812] {strides = array<i32>} : memref<32x128xf32, #tpu.memory_space<vmem>>, vector<1x16xf32>,
    %get3A_3814 = vector.shape_cast %get3A_3813 : vector<1x16xf32> to vector<16xf32>
    %get3A_3815 = arith.constant 25 : i32
    %get3A_3816 = arith.index_cast %get3A_3815 : i32 to index
    %get3A_3817 = arith.constant 64 : index
    %get3A_3818 = tpu.vector_load %arg9[%get3A_3816, %get3A_3817] {strides = array<i32>} : memref<32x128xf32, #tpu.memory_space<vmem>>, vector<1x16xf32>,
    %get3A_3819 = vector.shape_cast %get3A_3818 : vector<1x16xf32> to vector<16xf32>
    %get3A_3820 = arith.constant 25 : i32
    %get3A_3821 = arith.index_cast %get3A_3820 : i32 to index
    %get3A_3822 = arith.constant 0 : index
    %get3A_3823 = tpu.vector_load %arg10[%get3A_3821, %get3A_3822] {strides = array<i32>} : memref<32x128xf32, #tpu.memory_space<vmem>>, vector<1x16xf32>,
    %get3A_3824 = vector.shape_cast %get3A_3823 : vector<1x16xf32> to vector<16xf32>
    %get3A_3825 = arith.constant 25 : i32
    %get3A_3826 = arith.index_cast %get3A_3825 : i32 to index
    %get3A_3827 = arith.constant 64 : index
    %get3A_3828 = tpu.vector_load %arg10[%get3A_3826, %get3A_3827] {strides = array<i32>} : memref<32x128xf32, #tpu.memory_space<vmem>>, vector<1x16xf32>,
    %get3A_3829 = vector.shape_cast %get3A_3828 : vector<1x16xf32> to vector<16xf32>
    %mul3A_3830 = arith.mulf %get3A_3814, %get3A_3824 : vector<16xf32>
    %mul3A_3831 = arith.mulf %get3A_3819, %get3A_3829 : vector<16xf32>
    %sub3A_3832 = arith.subf %mul3A_3830, %mul3A_3831 : vector<16xf32>
    %swap3A_3833 = arith.constant 25 : i32
    %swap3A_3834 = arith.index_cast %swap3A_3833 : i32 to index
    %swap3A_3835 = arith.constant 0 : index
    %swap3A_3836 = tpu.vector_load %arg9[%swap3A_3834, %swap3A_3835] {strides = array<i32>} : memref<32x128xf32, #tpu.memory_space<vmem>>, vector<1x16xf32>,
    %swap3A_3837 = vector.shape_cast %swap3A_3836 : vector<1x16xf32> to vector<16xf32>
    %swap3A_3838 = vector.shape_cast %sub3A_3832 : vector<16xf32> to vector<1x16xf32>
    tpu.vector_store %arg9[%swap3A_3834, %swap3A_3835], %swap3A_3838 {strides = array<i32>} : memref<32x128xf32, #tpu.memory_space<vmem>>, vector<1x16xf32>,
    %mul3A_3839 = arith.mulf %get3A_3814, %get3A_3829 : vector<16xf32>
    %mul3A_3840 = arith.mulf %get3A_3819, %get3A_3824 : vector<16xf32>
    %add3A_3841 = arith.addf %mul3A_3839, %mul3A_3840 : vector<16xf32>
    %swap3A_3842 = arith.constant 25 : i32
    %swap3A_3843 = arith.index_cast %swap3A_3842 : i32 to index
    %swap3A_3844 = arith.constant 64 : index
    %swap3A_3845 = tpu.vector_load %arg9[%swap3A_3843, %swap3A_3844] {strides = array<i32>} : memref<32x128xf32, #tpu.memory_space<vmem>>, vector<1x16xf32>,
    %swap3A_3846 = vector.shape_cast %swap3A_3845 : vector<1x16xf32> to vector<16xf32>
    %swap3A_3847 = vector.shape_cast %add3A_3841 : vector<16xf32> to vector<1x16xf32>
    tpu.vector_store %arg9[%swap3A_3843, %swap3A_3844], %swap3A_3847 {strides = array<i32>} : memref<32x128xf32, #tpu.memory_space<vmem>>, vector<1x16xf32>,
    %get3A_3848 = arith.constant 25 : i32
    %get3A_3849 = arith.index_cast %get3A_3848 : i32 to index
    %get3A_3850 = arith.constant 16 : index
    %get3A_3851 = tpu.vector_load %arg9[%get3A_3849, %get3A_3850] {strides = array<i32>} : memref<32x128xf32, #tpu.memory_space<vmem>>, vector<1x16xf32>,
    %get3A_3852 = vector.shape_cast %get3A_3851 : vector<1x16xf32> to vector<16xf32>
    %get3A_3853 = arith.constant 25 : i32
    %get3A_3854 = arith.index_cast %get3A_3853 : i32 to index
    %get3A_3855 = arith.constant 80 : index
    %get3A_3856 = tpu.vector_load %arg9[%get3A_3854, %get3A_3855] {strides = array<i32>} : memref<32x128xf32, #tpu.memory_space<vmem>>, vector<1x16xf32>,
    %get3A_3857 = vector.shape_cast %get3A_3856 : vector<1x16xf32> to vector<16xf32>
    %get3A_3858 = arith.constant 25 : i32
    %get3A_3859 = arith.index_cast %get3A_3858 : i32 to index
    %get3A_3860 = arith.constant 16 : index
    %get3A_3861 = tpu.vector_load %arg10[%get3A_3859, %get3A_3860] {strides = array<i32>} : memref<32x128xf32, #tpu.memory_space<vmem>>, vector<1x16xf32>,
    %get3A_3862 = vector.shape_cast %get3A_3861 : vector<1x16xf32> to vector<16xf32>
    %get3A_3863 = arith.constant 25 : i32
    %get3A_3864 = arith.index_cast %get3A_3863 : i32 to index
    %get3A_3865 = arith.constant 80 : index
    %get3A_3866 = tpu.vector_load %arg10[%get3A_3864, %get3A_3865] {strides = array<i32>} : memref<32x128xf32, #tpu.memory_space<vmem>>, vector<1x16xf32>,
    %get3A_3867 = vector.shape_cast %get3A_3866 : vector<1x16xf32> to vector<16xf32>
    %mul3A_3868 = arith.mulf %get3A_3852, %get3A_3862 : vector<16xf32>
    %mul3A_3869 = arith.mulf %get3A_3857, %get3A_3867 : vector<16xf32>
    %sub3A_3870 = arith.subf %mul3A_3868, %mul3A_3869 : vector<16xf32>
    %swap3A_3871 = arith.constant 25 : i32
    %swap3A_3872 = arith.index_cast %swap3A_3871 : i32 to index
    %swap3A_3873 = arith.constant 16 : index
    %swap3A_3874 = tpu.vector_load %arg9[%swap3A_3872, %swap3A_3873] {strides = array<i32>} : memref<32x128xf32, #tpu.memory_space<vmem>>, vector<1x16xf32>,
    %swap3A_3875 = vector.shape_cast %swap3A_3874 : vector<1x16xf32> to vector<16xf32>
    %swap3A_3876 = vector.shape_cast %sub3A_3870 : vector<16xf32> to vector<1x16xf32>
    tpu.vector_store %arg9[%swap3A_3872, %swap3A_3873], %swap3A_3876 {strides = array<i32>} : memref<32x128xf32, #tpu.memory_space<vmem>>, vector<1x16xf32>,
    %mul3A_3877 = arith.mulf %get3A_3852, %get3A_3867 : vector<16xf32>
    %mul3A_3878 = arith.mulf %get3A_3857, %get3A_3862 : vector<16xf32>
    %add3A_3879 = arith.addf %mul3A_3877, %mul3A_3878 : vector<16xf32>
    %swap3A_3880 = arith.constant 25 : i32
    %swap3A_3881 = arith.index_cast %swap3A_3880 : i32 to index
    %swap3A_3882 = arith.constant 80 : index
    %swap3A_3883 = tpu.vector_load %arg9[%swap3A_3881, %swap3A_3882] {strides = array<i32>} : memref<32x128xf32, #tpu.memory_space<vmem>>, vector<1x16xf32>,
    %swap3A_3884 = vector.shape_cast %swap3A_3883 : vector<1x16xf32> to vector<16xf32>
    %swap3A_3885 = vector.shape_cast %add3A_3879 : vector<16xf32> to vector<1x16xf32>
    tpu.vector_store %arg9[%swap3A_3881, %swap3A_3882], %swap3A_3885 {strides = array<i32>} : memref<32x128xf32, #tpu.memory_space<vmem>>, vector<1x16xf32>,
    %get3A_3886 = arith.constant 25 : i32
    %get3A_3887 = arith.index_cast %get3A_3886 : i32 to index
    %get3A_3888 = arith.constant 32 : index
    %get3A_3889 = tpu.vector_load %arg9[%get3A_3887, %get3A_3888] {strides = array<i32>} : memref<32x128xf32, #tpu.memory_space<vmem>>, vector<1x16xf32>,
    %get3A_3890 = vector.shape_cast %get3A_3889 : vector<1x16xf32> to vector<16xf32>
    %get3A_3891 = arith.constant 25 : i32
    %get3A_3892 = arith.index_cast %get3A_3891 : i32 to index
    %get3A_3893 = arith.constant 96 : index
    %get3A_3894 = tpu.vector_load %arg9[%get3A_3892, %get3A_3893] {strides = array<i32>} : memref<32x128xf32, #tpu.memory_space<vmem>>, vector<1x16xf32>,
    %get3A_3895 = vector.shape_cast %get3A_3894 : vector<1x16xf32> to vector<16xf32>
    %get3A_3896 = arith.constant 25 : i32
    %get3A_3897 = arith.index_cast %get3A_3896 : i32 to index
    %get3A_3898 = arith.constant 32 : index
    %get3A_3899 = tpu.vector_load %arg10[%get3A_3897, %get3A_3898] {strides = array<i32>} : memref<32x128xf32, #tpu.memory_space<vmem>>, vector<1x16xf32>,
    %get3A_3900 = vector.shape_cast %get3A_3899 : vector<1x16xf32> to vector<16xf32>
    %get3A_3901 = arith.constant 25 : i32
    %get3A_3902 = arith.index_cast %get3A_3901 : i32 to index
    %get3A_3903 = arith.constant 96 : index
    %get3A_3904 = tpu.vector_load %arg10[%get3A_3902, %get3A_3903] {strides = array<i32>} : memref<32x128xf32, #tpu.memory_space<vmem>>, vector<1x16xf32>,
    %get3A_3905 = vector.shape_cast %get3A_3904 : vector<1x16xf32> to vector<16xf32>
    %mul3A_3906 = arith.mulf %get3A_3890, %get3A_3900 : vector<16xf32>
    %mul3A_3907 = arith.mulf %get3A_3895, %get3A_3905 : vector<16xf32>
    %sub3A_3908 = arith.subf %mul3A_3906, %mul3A_3907 : vector<16xf32>
    %swap3A_3909 = arith.constant 25 : i32
    %swap3A_3910 = arith.index_cast %swap3A_3909 : i32 to index
    %swap3A_3911 = arith.constant 32 : index
    %swap3A_3912 = tpu.vector_load %arg9[%swap3A_3910, %swap3A_3911] {strides = array<i32>} : memref<32x128xf32, #tpu.memory_space<vmem>>, vector<1x16xf32>,
    %swap3A_3913 = vector.shape_cast %swap3A_3912 : vector<1x16xf32> to vector<16xf32>
    %swap3A_3914 = vector.shape_cast %sub3A_3908 : vector<16xf32> to vector<1x16xf32>
    tpu.vector_store %arg9[%swap3A_3910, %swap3A_3911], %swap3A_3914 {strides = array<i32>} : memref<32x128xf32, #tpu.memory_space<vmem>>, vector<1x16xf32>,
    %mul3A_3915 = arith.mulf %get3A_3890, %get3A_3905 : vector<16xf32>
    %mul3A_3916 = arith.mulf %get3A_3895, %get3A_3900 : vector<16xf32>
    %add3A_3917 = arith.addf %mul3A_3915, %mul3A_3916 : vector<16xf32>
    %swap3A_3918 = arith.constant 25 : i32
    %swap3A_3919 = arith.index_cast %swap3A_3918 : i32 to index
    %swap3A_3920 = arith.constant 96 : index
    %swap3A_3921 = tpu.vector_load %arg9[%swap3A_3919, %swap3A_3920] {strides = array<i32>} : memref<32x128xf32, #tpu.memory_space<vmem>>, vector<1x16xf32>,
    %swap3A_3922 = vector.shape_cast %swap3A_3921 : vector<1x16xf32> to vector<16xf32>
    %swap3A_3923 = vector.shape_cast %add3A_3917 : vector<16xf32> to vector<1x16xf32>
    tpu.vector_store %arg9[%swap3A_3919, %swap3A_3920], %swap3A_3923 {strides = array<i32>} : memref<32x128xf32, #tpu.memory_space<vmem>>, vector<1x16xf32>,
    %get3A_3924 = arith.constant 25 : i32
    %get3A_3925 = arith.index_cast %get3A_3924 : i32 to index
    %get3A_3926 = arith.constant 48 : index
    %get3A_3927 = tpu.vector_load %arg9[%get3A_3925, %get3A_3926] {strides = array<i32>} : memref<32x128xf32, #tpu.memory_space<vmem>>, vector<1x16xf32>,
    %get3A_3928 = vector.shape_cast %get3A_3927 : vector<1x16xf32> to vector<16xf32>
    %get3A_3929 = arith.constant 25 : i32
    %get3A_3930 = arith.index_cast %get3A_3929 : i32 to index
    %get3A_3931 = arith.constant 112 : index
    %get3A_3932 = tpu.vector_load %arg9[%get3A_3930, %get3A_3931] {strides = array<i32>} : memref<32x128xf32, #tpu.memory_space<vmem>>, vector<1x16xf32>,
    %get3A_3933 = vector.shape_cast %get3A_3932 : vector<1x16xf32> to vector<16xf32>
    %get3A_3934 = arith.constant 25 : i32
    %get3A_3935 = arith.index_cast %get3A_3934 : i32 to index
    %get3A_3936 = arith.constant 48 : index
    %get3A_3937 = tpu.vector_load %arg10[%get3A_3935, %get3A_3936] {strides = array<i32>} : memref<32x128xf32, #tpu.memory_space<vmem>>, vector<1x16xf32>,
    %get3A_3938 = vector.shape_cast %get3A_3937 : vector<1x16xf32> to vector<16xf32>
    %get3A_3939 = arith.constant 25 : i32
    %get3A_3940 = arith.index_cast %get3A_3939 : i32 to index
    %get3A_3941 = arith.constant 112 : index
    %get3A_3942 = tpu.vector_load %arg10[%get3A_3940, %get3A_3941] {strides = array<i32>} : memref<32x128xf32, #tpu.memory_space<vmem>>, vector<1x16xf32>,
    %get3A_3943 = vector.shape_cast %get3A_3942 : vector<1x16xf32> to vector<16xf32>
    %mul3A_3944 = arith.mulf %get3A_3928, %get3A_3938 : vector<16xf32>
    %mul3A_3945 = arith.mulf %get3A_3933, %get3A_3943 : vector<16xf32>
    %sub3A_3946 = arith.subf %mul3A_3944, %mul3A_3945 : vector<16xf32>
    %swap3A_3947 = arith.constant 25 : i32
    %swap3A_3948 = arith.index_cast %swap3A_3947 : i32 to index
    %swap3A_3949 = arith.constant 48 : index
    %swap3A_3950 = tpu.vector_load %arg9[%swap3A_3948, %swap3A_3949] {strides = array<i32>} : memref<32x128xf32, #tpu.memory_space<vmem>>, vector<1x16xf32>,
    %swap3A_3951 = vector.shape_cast %swap3A_3950 : vector<1x16xf32> to vector<16xf32>
    %swap3A_3952 = vector.shape_cast %sub3A_3946 : vector<16xf32> to vector<1x16xf32>
    tpu.vector_store %arg9[%swap3A_3948, %swap3A_3949], %swap3A_3952 {strides = array<i32>} : memref<32x128xf32, #tpu.memory_space<vmem>>, vector<1x16xf32>,
    %mul3A_3953 = arith.mulf %get3A_3928, %get3A_3943 : vector<16xf32>
    %mul3A_3954 = arith.mulf %get3A_3933, %get3A_3938 : vector<16xf32>
    %add3A_3955 = arith.addf %mul3A_3953, %mul3A_3954 : vector<16xf32>
    %swap3A_3956 = arith.constant 25 : i32
    %swap3A_3957 = arith.index_cast %swap3A_3956 : i32 to index
    %swap3A_3958 = arith.constant 112 : index
    %swap3A_3959 = tpu.vector_load %arg9[%swap3A_3957, %swap3A_3958] {strides = array<i32>} : memref<32x128xf32, #tpu.memory_space<vmem>>, vector<1x16xf32>,
    %swap3A_3960 = vector.shape_cast %swap3A_3959 : vector<1x16xf32> to vector<16xf32>
    %swap3A_3961 = vector.shape_cast %add3A_3955 : vector<16xf32> to vector<1x16xf32>
    tpu.vector_store %arg9[%swap3A_3957, %swap3A_3958], %swap3A_3961 {strides = array<i32>} : memref<32x128xf32, #tpu.memory_space<vmem>>, vector<1x16xf32>,
    %get3A_3962 = arith.constant 26 : i32
    %get3A_3963 = arith.index_cast %get3A_3962 : i32 to index
    %get3A_3964 = arith.constant 0 : index
    %get3A_3965 = tpu.vector_load %arg9[%get3A_3963, %get3A_3964] {strides = array<i32>} : memref<32x128xf32, #tpu.memory_space<vmem>>, vector<1x16xf32>,
    %get3A_3966 = vector.shape_cast %get3A_3965 : vector<1x16xf32> to vector<16xf32>
    %get3A_3967 = arith.constant 26 : i32
    %get3A_3968 = arith.index_cast %get3A_3967 : i32 to index
    %get3A_3969 = arith.constant 64 : index
    %get3A_3970 = tpu.vector_load %arg9[%get3A_3968, %get3A_3969] {strides = array<i32>} : memref<32x128xf32, #tpu.memory_space<vmem>>, vector<1x16xf32>,
    %get3A_3971 = vector.shape_cast %get3A_3970 : vector<1x16xf32> to vector<16xf32>
    %get3A_3972 = arith.constant 26 : i32
    %get3A_3973 = arith.index_cast %get3A_3972 : i32 to index
    %get3A_3974 = arith.constant 0 : index
    %get3A_3975 = tpu.vector_load %arg10[%get3A_3973, %get3A_3974] {strides = array<i32>} : memref<32x128xf32, #tpu.memory_space<vmem>>, vector<1x16xf32>,
    %get3A_3976 = vector.shape_cast %get3A_3975 : vector<1x16xf32> to vector<16xf32>
    %get3A_3977 = arith.constant 26 : i32
    %get3A_3978 = arith.index_cast %get3A_3977 : i32 to index
    %get3A_3979 = arith.constant 64 : index
    %get3A_3980 = tpu.vector_load %arg10[%get3A_3978, %get3A_3979] {strides = array<i32>} : memref<32x128xf32, #tpu.memory_space<vmem>>, vector<1x16xf32>,
    %get3A_3981 = vector.shape_cast %get3A_3980 : vector<1x16xf32> to vector<16xf32>
    %mul3A_3982 = arith.mulf %get3A_3966, %get3A_3976 : vector<16xf32>
    %mul3A_3983 = arith.mulf %get3A_3971, %get3A_3981 : vector<16xf32>
    %sub3A_3984 = arith.subf %mul3A_3982, %mul3A_3983 : vector<16xf32>
    %swap3A_3985 = arith.constant 26 : i32
    %swap3A_3986 = arith.index_cast %swap3A_3985 : i32 to index
    %swap3A_3987 = arith.constant 0 : index
    %swap3A_3988 = tpu.vector_load %arg9[%swap3A_3986, %swap3A_3987] {strides = array<i32>} : memref<32x128xf32, #tpu.memory_space<vmem>>, vector<1x16xf32>,
    %swap3A_3989 = vector.shape_cast %swap3A_3988 : vector<1x16xf32> to vector<16xf32>
    %swap3A_3990 = vector.shape_cast %sub3A_3984 : vector<16xf32> to vector<1x16xf32>
    tpu.vector_store %arg9[%swap3A_3986, %swap3A_3987], %swap3A_3990 {strides = array<i32>} : memref<32x128xf32, #tpu.memory_space<vmem>>, vector<1x16xf32>,
    %mul3A_3991 = arith.mulf %get3A_3966, %get3A_3981 : vector<16xf32>
    %mul3A_3992 = arith.mulf %get3A_3971, %get3A_3976 : vector<16xf32>
    %add3A_3993 = arith.addf %mul3A_3991, %mul3A_3992 : vector<16xf32>
    %swap3A_3994 = arith.constant 26 : i32
    %swap3A_3995 = arith.index_cast %swap3A_3994 : i32 to index
    %swap3A_3996 = arith.constant 64 : index
    %swap3A_3997 = tpu.vector_load %arg9[%swap3A_3995, %swap3A_3996] {strides = array<i32>} : memref<32x128xf32, #tpu.memory_space<vmem>>, vector<1x16xf32>,
    %swap3A_3998 = vector.shape_cast %swap3A_3997 : vector<1x16xf32> to vector<16xf32>
    %swap3A_3999 = vector.shape_cast %add3A_3993 : vector<16xf32> to vector<1x16xf32>
    tpu.vector_store %arg9[%swap3A_3995, %swap3A_3996], %swap3A_3999 {strides = array<i32>} : memref<32x128xf32, #tpu.memory_space<vmem>>, vector<1x16xf32>,
    %get3A_4000 = arith.constant 26 : i32
    %get3A_4001 = arith.index_cast %get3A_4000 : i32 to index
    %get3A_4002 = arith.constant 16 : index
    %get3A_4003 = tpu.vector_load %arg9[%get3A_4001, %get3A_4002] {strides = array<i32>} : memref<32x128xf32, #tpu.memory_space<vmem>>, vector<1x16xf32>,
    %get3A_4004 = vector.shape_cast %get3A_4003 : vector<1x16xf32> to vector<16xf32>
    %get3A_4005 = arith.constant 26 : i32
    %get3A_4006 = arith.index_cast %get3A_4005 : i32 to index
    %get3A_4007 = arith.constant 80 : index
    %get3A_4008 = tpu.vector_load %arg9[%get3A_4006, %get3A_4007] {strides = array<i32>} : memref<32x128xf32, #tpu.memory_space<vmem>>, vector<1x16xf32>,
    %get3A_4009 = vector.shape_cast %get3A_4008 : vector<1x16xf32> to vector<16xf32>
    %get3A_4010 = arith.constant 26 : i32
    %get3A_4011 = arith.index_cast %get3A_4010 : i32 to index
    %get3A_4012 = arith.constant 16 : index
    %get3A_4013 = tpu.vector_load %arg10[%get3A_4011, %get3A_4012] {strides = array<i32>} : memref<32x128xf32, #tpu.memory_space<vmem>>, vector<1x16xf32>,
    %get3A_4014 = vector.shape_cast %get3A_4013 : vector<1x16xf32> to vector<16xf32>
    %get3A_4015 = arith.constant 26 : i32
    %get3A_4016 = arith.index_cast %get3A_4015 : i32 to index
    %get3A_4017 = arith.constant 80 : index
    %get3A_4018 = tpu.vector_load %arg10[%get3A_4016, %get3A_4017] {strides = array<i32>} : memref<32x128xf32, #tpu.memory_space<vmem>>, vector<1x16xf32>,
    %get3A_4019 = vector.shape_cast %get3A_4018 : vector<1x16xf32> to vector<16xf32>
    %mul3A_4020 = arith.mulf %get3A_4004, %get3A_4014 : vector<16xf32>
    %mul3A_4021 = arith.mulf %get3A_4009, %get3A_4019 : vector<16xf32>
    %sub3A_4022 = arith.subf %mul3A_4020, %mul3A_4021 : vector<16xf32>
    %swap3A_4023 = arith.constant 26 : i32
    %swap3A_4024 = arith.index_cast %swap3A_4023 : i32 to index
    %swap3A_4025 = arith.constant 16 : index
    %swap3A_4026 = tpu.vector_load %arg9[%swap3A_4024, %swap3A_4025] {strides = array<i32>} : memref<32x128xf32, #tpu.memory_space<vmem>>, vector<1x16xf32>,
    %swap3A_4027 = vector.shape_cast %swap3A_4026 : vector<1x16xf32> to vector<16xf32>
    %swap3A_4028 = vector.shape_cast %sub3A_4022 : vector<16xf32> to vector<1x16xf32>
    tpu.vector_store %arg9[%swap3A_4024, %swap3A_4025], %swap3A_4028 {strides = array<i32>} : memref<32x128xf32, #tpu.memory_space<vmem>>, vector<1x16xf32>,
    %mul3A_4029 = arith.mulf %get3A_4004, %get3A_4019 : vector<16xf32>
    %mul3A_4030 = arith.mulf %get3A_4009, %get3A_4014 : vector<16xf32>
    %add3A_4031 = arith.addf %mul3A_4029, %mul3A_4030 : vector<16xf32>
    %swap3A_4032 = arith.constant 26 : i32
    %swap3A_4033 = arith.index_cast %swap3A_4032 : i32 to index
    %swap3A_4034 = arith.constant 80 : index
    %swap3A_4035 = tpu.vector_load %arg9[%swap3A_4033, %swap3A_4034] {strides = array<i32>} : memref<32x128xf32, #tpu.memory_space<vmem>>, vector<1x16xf32>,
    %swap3A_4036 = vector.shape_cast %swap3A_4035 : vector<1x16xf32> to vector<16xf32>
    %swap3A_4037 = vector.shape_cast %add3A_4031 : vector<16xf32> to vector<1x16xf32>
    tpu.vector_store %arg9[%swap3A_4033, %swap3A_4034], %swap3A_4037 {strides = array<i32>} : memref<32x128xf32, #tpu.memory_space<vmem>>, vector<1x16xf32>,
    %get3A_4038 = arith.constant 26 : i32
    %get3A_4039 = arith.index_cast %get3A_4038 : i32 to index
    %get3A_4040 = arith.constant 32 : index
    %get3A_4041 = tpu.vector_load %arg9[%get3A_4039, %get3A_4040] {strides = array<i32>} : memref<32x128xf32, #tpu.memory_space<vmem>>, vector<1x16xf32>,
    %get3A_4042 = vector.shape_cast %get3A_4041 : vector<1x16xf32> to vector<16xf32>
    %get3A_4043 = arith.constant 26 : i32
    %get3A_4044 = arith.index_cast %get3A_4043 : i32 to index
    %get3A_4045 = arith.constant 96 : index
    %get3A_4046 = tpu.vector_load %arg9[%get3A_4044, %get3A_4045] {strides = array<i32>} : memref<32x128xf32, #tpu.memory_space<vmem>>, vector<1x16xf32>,
    %get3A_4047 = vector.shape_cast %get3A_4046 : vector<1x16xf32> to vector<16xf32>
    %get3A_4048 = arith.constant 26 : i32
    %get3A_4049 = arith.index_cast %get3A_4048 : i32 to index
    %get3A_4050 = arith.constant 32 : index
    %get3A_4051 = tpu.vector_load %arg10[%get3A_4049, %get3A_4050] {strides = array<i32>} : memref<32x128xf32, #tpu.memory_space<vmem>>, vector<1x16xf32>,
    %get3A_4052 = vector.shape_cast %get3A_4051 : vector<1x16xf32> to vector<16xf32>
    %get3A_4053 = arith.constant 26 : i32
    %get3A_4054 = arith.index_cast %get3A_4053 : i32 to index
    %get3A_4055 = arith.constant 96 : index
    %get3A_4056 = tpu.vector_load %arg10[%get3A_4054, %get3A_4055] {strides = array<i32>} : memref<32x128xf32, #tpu.memory_space<vmem>>, vector<1x16xf32>,
    %get3A_4057 = vector.shape_cast %get3A_4056 : vector<1x16xf32> to vector<16xf32>
    %mul3A_4058 = arith.mulf %get3A_4042, %get3A_4052 : vector<16xf32>
    %mul3A_4059 = arith.mulf %get3A_4047, %get3A_4057 : vector<16xf32>
    %sub3A_4060 = arith.subf %mul3A_4058, %mul3A_4059 : vector<16xf32>
    %swap3A_4061 = arith.constant 26 : i32
    %swap3A_4062 = arith.index_cast %swap3A_4061 : i32 to index
    %swap3A_4063 = arith.constant 32 : index
    %swap3A_4064 = tpu.vector_load %arg9[%swap3A_4062, %swap3A_4063] {strides = array<i32>} : memref<32x128xf32, #tpu.memory_space<vmem>>, vector<1x16xf32>,
    %swap3A_4065 = vector.shape_cast %swap3A_4064 : vector<1x16xf32> to vector<16xf32>
    %swap3A_4066 = vector.shape_cast %sub3A_4060 : vector<16xf32> to vector<1x16xf32>
    tpu.vector_store %arg9[%swap3A_4062, %swap3A_4063], %swap3A_4066 {strides = array<i32>} : memref<32x128xf32, #tpu.memory_space<vmem>>, vector<1x16xf32>,
    %mul3A_4067 = arith.mulf %get3A_4042, %get3A_4057 : vector<16xf32>
    %mul3A_4068 = arith.mulf %get3A_4047, %get3A_4052 : vector<16xf32>
    %add3A_4069 = arith.addf %mul3A_4067, %mul3A_4068 : vector<16xf32>
    %swap3A_4070 = arith.constant 26 : i32
    %swap3A_4071 = arith.index_cast %swap3A_4070 : i32 to index
    %swap3A_4072 = arith.constant 96 : index
    %swap3A_4073 = tpu.vector_load %arg9[%swap3A_4071, %swap3A_4072] {strides = array<i32>} : memref<32x128xf32, #tpu.memory_space<vmem>>, vector<1x16xf32>,
    %swap3A_4074 = vector.shape_cast %swap3A_4073 : vector<1x16xf32> to vector<16xf32>
    %swap3A_4075 = vector.shape_cast %add3A_4069 : vector<16xf32> to vector<1x16xf32>
    tpu.vector_store %arg9[%swap3A_4071, %swap3A_4072], %swap3A_4075 {strides = array<i32>} : memref<32x128xf32, #tpu.memory_space<vmem>>, vector<1x16xf32>,
    %get3A_4076 = arith.constant 26 : i32
    %get3A_4077 = arith.index_cast %get3A_4076 : i32 to index
    %get3A_4078 = arith.constant 48 : index
    %get3A_4079 = tpu.vector_load %arg9[%get3A_4077, %get3A_4078] {strides = array<i32>} : memref<32x128xf32, #tpu.memory_space<vmem>>, vector<1x16xf32>,
    %get3A_4080 = vector.shape_cast %get3A_4079 : vector<1x16xf32> to vector<16xf32>
    %get3A_4081 = arith.constant 26 : i32
    %get3A_4082 = arith.index_cast %get3A_4081 : i32 to index
    %get3A_4083 = arith.constant 112 : index
    %get3A_4084 = tpu.vector_load %arg9[%get3A_4082, %get3A_4083] {strides = array<i32>} : memref<32x128xf32, #tpu.memory_space<vmem>>, vector<1x16xf32>,
    %get3A_4085 = vector.shape_cast %get3A_4084 : vector<1x16xf32> to vector<16xf32>
    %get3A_4086 = arith.constant 26 : i32
    %get3A_4087 = arith.index_cast %get3A_4086 : i32 to index
    %get3A_4088 = arith.constant 48 : index
    %get3A_4089 = tpu.vector_load %arg10[%get3A_4087, %get3A_4088] {strides = array<i32>} : memref<32x128xf32, #tpu.memory_space<vmem>>, vector<1x16xf32>,
    %get3A_4090 = vector.shape_cast %get3A_4089 : vector<1x16xf32> to vector<16xf32>
    %get3A_4091 = arith.constant 26 : i32
    %get3A_4092 = arith.index_cast %get3A_4091 : i32 to index
    %get3A_4093 = arith.constant 112 : index
    %get3A_4094 = tpu.vector_load %arg10[%get3A_4092, %get3A_4093] {strides = array<i32>} : memref<32x128xf32, #tpu.memory_space<vmem>>, vector<1x16xf32>,
    %get3A_4095 = vector.shape_cast %get3A_4094 : vector<1x16xf32> to vector<16xf32>
    %mul3A_4096 = arith.mulf %get3A_4080, %get3A_4090 : vector<16xf32>
    %mul3A_4097 = arith.mulf %get3A_4085, %get3A_4095 : vector<16xf32>
    %sub3A_4098 = arith.subf %mul3A_4096, %mul3A_4097 : vector<16xf32>
    %swap3A_4099 = arith.constant 26 : i32
    %swap3A_4100 = arith.index_cast %swap3A_4099 : i32 to index
    %swap3A_4101 = arith.constant 48 : index
    %swap3A_4102 = tpu.vector_load %arg9[%swap3A_4100, %swap3A_4101] {strides = array<i32>} : memref<32x128xf32, #tpu.memory_space<vmem>>, vector<1x16xf32>,
    %swap3A_4103 = vector.shape_cast %swap3A_4102 : vector<1x16xf32> to vector<16xf32>
    %swap3A_4104 = vector.shape_cast %sub3A_4098 : vector<16xf32> to vector<1x16xf32>
    tpu.vector_store %arg9[%swap3A_4100, %swap3A_4101], %swap3A_4104 {strides = array<i32>} : memref<32x128xf32, #tpu.memory_space<vmem>>, vector<1x16xf32>,
    %mul3A_4105 = arith.mulf %get3A_4080, %get3A_4095 : vector<16xf32>
    %mul3A_4106 = arith.mulf %get3A_4085, %get3A_4090 : vector<16xf32>
    %add3A_4107 = arith.addf %mul3A_4105, %mul3A_4106 : vector<16xf32>
    %swap3A_4108 = arith.constant 26 : i32
    %swap3A_4109 = arith.index_cast %swap3A_4108 : i32 to index
    %swap3A_4110 = arith.constant 112 : index
    %swap3A_4111 = tpu.vector_load %arg9[%swap3A_4109, %swap3A_4110] {strides = array<i32>} : memref<32x128xf32, #tpu.memory_space<vmem>>, vector<1x16xf32>,
    %swap3A_4112 = vector.shape_cast %swap3A_4111 : vector<1x16xf32> to vector<16xf32>
    %swap3A_4113 = vector.shape_cast %add3A_4107 : vector<16xf32> to vector<1x16xf32>
    tpu.vector_store %arg9[%swap3A_4109, %swap3A_4110], %swap3A_4113 {strides = array<i32>} : memref<32x128xf32, #tpu.memory_space<vmem>>, vector<1x16xf32>,
    %get3A_4114 = arith.constant 27 : i32
    %get3A_4115 = arith.index_cast %get3A_4114 : i32 to index
    %get3A_4116 = arith.constant 0 : index
    %get3A_4117 = tpu.vector_load %arg9[%get3A_4115, %get3A_4116] {strides = array<i32>} : memref<32x128xf32, #tpu.memory_space<vmem>>, vector<1x16xf32>,
    %get3A_4118 = vector.shape_cast %get3A_4117 : vector<1x16xf32> to vector<16xf32>
    %get3A_4119 = arith.constant 27 : i32
    %get3A_4120 = arith.index_cast %get3A_4119 : i32 to index
    %get3A_4121 = arith.constant 64 : index
    %get3A_4122 = tpu.vector_load %arg9[%get3A_4120, %get3A_4121] {strides = array<i32>} : memref<32x128xf32, #tpu.memory_space<vmem>>, vector<1x16xf32>,
    %get3A_4123 = vector.shape_cast %get3A_4122 : vector<1x16xf32> to vector<16xf32>
    %get3A_4124 = arith.constant 27 : i32
    %get3A_4125 = arith.index_cast %get3A_4124 : i32 to index
    %get3A_4126 = arith.constant 0 : index
    %get3A_4127 = tpu.vector_load %arg10[%get3A_4125, %get3A_4126] {strides = array<i32>} : memref<32x128xf32, #tpu.memory_space<vmem>>, vector<1x16xf32>,
    %get3A_4128 = vector.shape_cast %get3A_4127 : vector<1x16xf32> to vector<16xf32>
    %get3A_4129 = arith.constant 27 : i32
    %get3A_4130 = arith.index_cast %get3A_4129 : i32 to index
    %get3A_4131 = arith.constant 64 : index
    %get3A_4132 = tpu.vector_load %arg10[%get3A_4130, %get3A_4131] {strides = array<i32>} : memref<32x128xf32, #tpu.memory_space<vmem>>, vector<1x16xf32>,
    %get3A_4133 = vector.shape_cast %get3A_4132 : vector<1x16xf32> to vector<16xf32>
    %mul3A_4134 = arith.mulf %get3A_4118, %get3A_4128 : vector<16xf32>
    %mul3A_4135 = arith.mulf %get3A_4123, %get3A_4133 : vector<16xf32>
    %sub3A_4136 = arith.subf %mul3A_4134, %mul3A_4135 : vector<16xf32>
    %swap3A_4137 = arith.constant 27 : i32
    %swap3A_4138 = arith.index_cast %swap3A_4137 : i32 to index
    %swap3A_4139 = arith.constant 0 : index
    %swap3A_4140 = tpu.vector_load %arg9[%swap3A_4138, %swap3A_4139] {strides = array<i32>} : memref<32x128xf32, #tpu.memory_space<vmem>>, vector<1x16xf32>,
    %swap3A_4141 = vector.shape_cast %swap3A_4140 : vector<1x16xf32> to vector<16xf32>
    %swap3A_4142 = vector.shape_cast %sub3A_4136 : vector<16xf32> to vector<1x16xf32>
    tpu.vector_store %arg9[%swap3A_4138, %swap3A_4139], %swap3A_4142 {strides = array<i32>} : memref<32x128xf32, #tpu.memory_space<vmem>>, vector<1x16xf32>,
    %mul3A_4143 = arith.mulf %get3A_4118, %get3A_4133 : vector<16xf32>
    %mul3A_4144 = arith.mulf %get3A_4123, %get3A_4128 : vector<16xf32>
    %add3A_4145 = arith.addf %mul3A_4143, %mul3A_4144 : vector<16xf32>
    %swap3A_4146 = arith.constant 27 : i32
    %swap3A_4147 = arith.index_cast %swap3A_4146 : i32 to index
    %swap3A_4148 = arith.constant 64 : index
    %swap3A_4149 = tpu.vector_load %arg9[%swap3A_4147, %swap3A_4148] {strides = array<i32>} : memref<32x128xf32, #tpu.memory_space<vmem>>, vector<1x16xf32>,
    %swap3A_4150 = vector.shape_cast %swap3A_4149 : vector<1x16xf32> to vector<16xf32>
    %swap3A_4151 = vector.shape_cast %add3A_4145 : vector<16xf32> to vector<1x16xf32>
    tpu.vector_store %arg9[%swap3A_4147, %swap3A_4148], %swap3A_4151 {strides = array<i32>} : memref<32x128xf32, #tpu.memory_space<vmem>>, vector<1x16xf32>,
    %get3A_4152 = arith.constant 27 : i32
    %get3A_4153 = arith.index_cast %get3A_4152 : i32 to index
    %get3A_4154 = arith.constant 16 : index
    %get3A_4155 = tpu.vector_load %arg9[%get3A_4153, %get3A_4154] {strides = array<i32>} : memref<32x128xf32, #tpu.memory_space<vmem>>, vector<1x16xf32>,
    %get3A_4156 = vector.shape_cast %get3A_4155 : vector<1x16xf32> to vector<16xf32>
    %get3A_4157 = arith.constant 27 : i32
    %get3A_4158 = arith.index_cast %get3A_4157 : i32 to index
    %get3A_4159 = arith.constant 80 : index
    %get3A_4160 = tpu.vector_load %arg9[%get3A_4158, %get3A_4159] {strides = array<i32>} : memref<32x128xf32, #tpu.memory_space<vmem>>, vector<1x16xf32>,
    %get3A_4161 = vector.shape_cast %get3A_4160 : vector<1x16xf32> to vector<16xf32>
    %get3A_4162 = arith.constant 27 : i32
    %get3A_4163 = arith.index_cast %get3A_4162 : i32 to index
    %get3A_4164 = arith.constant 16 : index
    %get3A_4165 = tpu.vector_load %arg10[%get3A_4163, %get3A_4164] {strides = array<i32>} : memref<32x128xf32, #tpu.memory_space<vmem>>, vector<1x16xf32>,
    %get3A_4166 = vector.shape_cast %get3A_4165 : vector<1x16xf32> to vector<16xf32>
    %get3A_4167 = arith.constant 27 : i32
    %get3A_4168 = arith.index_cast %get3A_4167 : i32 to index
    %get3A_4169 = arith.constant 80 : index
    %get3A_4170 = tpu.vector_load %arg10[%get3A_4168, %get3A_4169] {strides = array<i32>} : memref<32x128xf32, #tpu.memory_space<vmem>>, vector<1x16xf32>,
    %get3A_4171 = vector.shape_cast %get3A_4170 : vector<1x16xf32> to vector<16xf32>
    %mul3A_4172 = arith.mulf %get3A_4156, %get3A_4166 : vector<16xf32>
    %mul3A_4173 = arith.mulf %get3A_4161, %get3A_4171 : vector<16xf32>
    %sub3A_4174 = arith.subf %mul3A_4172, %mul3A_4173 : vector<16xf32>
    %swap3A_4175 = arith.constant 27 : i32
    %swap3A_4176 = arith.index_cast %swap3A_4175 : i32 to index
    %swap3A_4177 = arith.constant 16 : index
    %swap3A_4178 = tpu.vector_load %arg9[%swap3A_4176, %swap3A_4177] {strides = array<i32>} : memref<32x128xf32, #tpu.memory_space<vmem>>, vector<1x16xf32>,
    %swap3A_4179 = vector.shape_cast %swap3A_4178 : vector<1x16xf32> to vector<16xf32>
    %swap3A_4180 = vector.shape_cast %sub3A_4174 : vector<16xf32> to vector<1x16xf32>
    tpu.vector_store %arg9[%swap3A_4176, %swap3A_4177], %swap3A_4180 {strides = array<i32>} : memref<32x128xf32, #tpu.memory_space<vmem>>, vector<1x16xf32>,
    %mul3A_4181 = arith.mulf %get3A_4156, %get3A_4171 : vector<16xf32>
    %mul3A_4182 = arith.mulf %get3A_4161, %get3A_4166 : vector<16xf32>
    %add3A_4183 = arith.addf %mul3A_4181, %mul3A_4182 : vector<16xf32>
    %swap3A_4184 = arith.constant 27 : i32
    %swap3A_4185 = arith.index_cast %swap3A_4184 : i32 to index
    %swap3A_4186 = arith.constant 80 : index
    %swap3A_4187 = tpu.vector_load %arg9[%swap3A_4185, %swap3A_4186] {strides = array<i32>} : memref<32x128xf32, #tpu.memory_space<vmem>>, vector<1x16xf32>,
    %swap3A_4188 = vector.shape_cast %swap3A_4187 : vector<1x16xf32> to vector<16xf32>
    %swap3A_4189 = vector.shape_cast %add3A_4183 : vector<16xf32> to vector<1x16xf32>
    tpu.vector_store %arg9[%swap3A_4185, %swap3A_4186], %swap3A_4189 {strides = array<i32>} : memref<32x128xf32, #tpu.memory_space<vmem>>, vector<1x16xf32>,
    %get3A_4190 = arith.constant 27 : i32
    %get3A_4191 = arith.index_cast %get3A_4190 : i32 to index
    %get3A_4192 = arith.constant 32 : index
    %get3A_4193 = tpu.vector_load %arg9[%get3A_4191, %get3A_4192] {strides = array<i32>} : memref<32x128xf32, #tpu.memory_space<vmem>>, vector<1x16xf32>,
    %get3A_4194 = vector.shape_cast %get3A_4193 : vector<1x16xf32> to vector<16xf32>
    %get3A_4195 = arith.constant 27 : i32
    %get3A_4196 = arith.index_cast %get3A_4195 : i32 to index
    %get3A_4197 = arith.constant 96 : index
    %get3A_4198 = tpu.vector_load %arg9[%get3A_4196, %get3A_4197] {strides = array<i32>} : memref<32x128xf32, #tpu.memory_space<vmem>>, vector<1x16xf32>,
    %get3A_4199 = vector.shape_cast %get3A_4198 : vector<1x16xf32> to vector<16xf32>
    %get3A_4200 = arith.constant 27 : i32
    %get3A_4201 = arith.index_cast %get3A_4200 : i32 to index
    %get3A_4202 = arith.constant 32 : index
    %get3A_4203 = tpu.vector_load %arg10[%get3A_4201, %get3A_4202] {strides = array<i32>} : memref<32x128xf32, #tpu.memory_space<vmem>>, vector<1x16xf32>,
    %get3A_4204 = vector.shape_cast %get3A_4203 : vector<1x16xf32> to vector<16xf32>
    %get3A_4205 = arith.constant 27 : i32
    %get3A_4206 = arith.index_cast %get3A_4205 : i32 to index
    %get3A_4207 = arith.constant 96 : index
    %get3A_4208 = tpu.vector_load %arg10[%get3A_4206, %get3A_4207] {strides = array<i32>} : memref<32x128xf32, #tpu.memory_space<vmem>>, vector<1x16xf32>,
    %get3A_4209 = vector.shape_cast %get3A_4208 : vector<1x16xf32> to vector<16xf32>
    %mul3A_4210 = arith.mulf %get3A_4194, %get3A_4204 : vector<16xf32>
    %mul3A_4211 = arith.mulf %get3A_4199, %get3A_4209 : vector<16xf32>
    %sub3A_4212 = arith.subf %mul3A_4210, %mul3A_4211 : vector<16xf32>
    %swap3A_4213 = arith.constant 27 : i32
    %swap3A_4214 = arith.index_cast %swap3A_4213 : i32 to index
    %swap3A_4215 = arith.constant 32 : index
    %swap3A_4216 = tpu.vector_load %arg9[%swap3A_4214, %swap3A_4215] {strides = array<i32>} : memref<32x128xf32, #tpu.memory_space<vmem>>, vector<1x16xf32>,
    %swap3A_4217 = vector.shape_cast %swap3A_4216 : vector<1x16xf32> to vector<16xf32>
    %swap3A_4218 = vector.shape_cast %sub3A_4212 : vector<16xf32> to vector<1x16xf32>
    tpu.vector_store %arg9[%swap3A_4214, %swap3A_4215], %swap3A_4218 {strides = array<i32>} : memref<32x128xf32, #tpu.memory_space<vmem>>, vector<1x16xf32>,
    %mul3A_4219 = arith.mulf %get3A_4194, %get3A_4209 : vector<16xf32>
    %mul3A_4220 = arith.mulf %get3A_4199, %get3A_4204 : vector<16xf32>
    %add3A_4221 = arith.addf %mul3A_4219, %mul3A_4220 : vector<16xf32>
    %swap3A_4222 = arith.constant 27 : i32
    %swap3A_4223 = arith.index_cast %swap3A_4222 : i32 to index
    %swap3A_4224 = arith.constant 96 : index
    %swap3A_4225 = tpu.vector_load %arg9[%swap3A_4223, %swap3A_4224] {strides = array<i32>} : memref<32x128xf32, #tpu.memory_space<vmem>>, vector<1x16xf32>,
    %swap3A_4226 = vector.shape_cast %swap3A_4225 : vector<1x16xf32> to vector<16xf32>
    %swap3A_4227 = vector.shape_cast %add3A_4221 : vector<16xf32> to vector<1x16xf32>
    tpu.vector_store %arg9[%swap3A_4223, %swap3A_4224], %swap3A_4227 {strides = array<i32>} : memref<32x128xf32, #tpu.memory_space<vmem>>, vector<1x16xf32>,
    %get3A_4228 = arith.constant 27 : i32
    %get3A_4229 = arith.index_cast %get3A_4228 : i32 to index
    %get3A_4230 = arith.constant 48 : index
    %get3A_4231 = tpu.vector_load %arg9[%get3A_4229, %get3A_4230] {strides = array<i32>} : memref<32x128xf32, #tpu.memory_space<vmem>>, vector<1x16xf32>,
    %get3A_4232 = vector.shape_cast %get3A_4231 : vector<1x16xf32> to vector<16xf32>
    %get3A_4233 = arith.constant 27 : i32
    %get3A_4234 = arith.index_cast %get3A_4233 : i32 to index
    %get3A_4235 = arith.constant 112 : index
    %get3A_4236 = tpu.vector_load %arg9[%get3A_4234, %get3A_4235] {strides = array<i32>} : memref<32x128xf32, #tpu.memory_space<vmem>>, vector<1x16xf32>,
    %get3A_4237 = vector.shape_cast %get3A_4236 : vector<1x16xf32> to vector<16xf32>
    %get3A_4238 = arith.constant 27 : i32
    %get3A_4239 = arith.index_cast %get3A_4238 : i32 to index
    %get3A_4240 = arith.constant 48 : index
    %get3A_4241 = tpu.vector_load %arg10[%get3A_4239, %get3A_4240] {strides = array<i32>} : memref<32x128xf32, #tpu.memory_space<vmem>>, vector<1x16xf32>,
    %get3A_4242 = vector.shape_cast %get3A_4241 : vector<1x16xf32> to vector<16xf32>
    %get3A_4243 = arith.constant 27 : i32
    %get3A_4244 = arith.index_cast %get3A_4243 : i32 to index
    %get3A_4245 = arith.constant 112 : index
    %get3A_4246 = tpu.vector_load %arg10[%get3A_4244, %get3A_4245] {strides = array<i32>} : memref<32x128xf32, #tpu.memory_space<vmem>>, vector<1x16xf32>,
    %get3A_4247 = vector.shape_cast %get3A_4246 : vector<1x16xf32> to vector<16xf32>
    %mul3A_4248 = arith.mulf %get3A_4232, %get3A_4242 : vector<16xf32>
    %mul3A_4249 = arith.mulf %get3A_4237, %get3A_4247 : vector<16xf32>
    %sub3A_4250 = arith.subf %mul3A_4248, %mul3A_4249 : vector<16xf32>
    %swap3A_4251 = arith.constant 27 : i32
    %swap3A_4252 = arith.index_cast %swap3A_4251 : i32 to index
    %swap3A_4253 = arith.constant 48 : index
    %swap3A_4254 = tpu.vector_load %arg9[%swap3A_4252, %swap3A_4253] {strides = array<i32>} : memref<32x128xf32, #tpu.memory_space<vmem>>, vector<1x16xf32>,
    %swap3A_4255 = vector.shape_cast %swap3A_4254 : vector<1x16xf32> to vector<16xf32>
    %swap3A_4256 = vector.shape_cast %sub3A_4250 : vector<16xf32> to vector<1x16xf32>
    tpu.vector_store %arg9[%swap3A_4252, %swap3A_4253], %swap3A_4256 {strides = array<i32>} : memref<32x128xf32, #tpu.memory_space<vmem>>, vector<1x16xf32>,
    %mul3A_4257 = arith.mulf %get3A_4232, %get3A_4247 : vector<16xf32>
    %mul3A_4258 = arith.mulf %get3A_4237, %get3A_4242 : vector<16xf32>
    %add3A_4259 = arith.addf %mul3A_4257, %mul3A_4258 : vector<16xf32>
    %swap3A_4260 = arith.constant 27 : i32
    %swap3A_4261 = arith.index_cast %swap3A_4260 : i32 to index
    %swap3A_4262 = arith.constant 112 : index
    %swap3A_4263 = tpu.vector_load %arg9[%swap3A_4261, %swap3A_4262] {strides = array<i32>} : memref<32x128xf32, #tpu.memory_space<vmem>>, vector<1x16xf32>,
    %swap3A_4264 = vector.shape_cast %swap3A_4263 : vector<1x16xf32> to vector<16xf32>
    %swap3A_4265 = vector.shape_cast %add3A_4259 : vector<16xf32> to vector<1x16xf32>
    tpu.vector_store %arg9[%swap3A_4261, %swap3A_4262], %swap3A_4265 {strides = array<i32>} : memref<32x128xf32, #tpu.memory_space<vmem>>, vector<1x16xf32>,
    %get3A_4266 = arith.constant 28 : i32
    %get3A_4267 = arith.index_cast %get3A_4266 : i32 to index
    %get3A_4268 = arith.constant 0 : index
    %get3A_4269 = tpu.vector_load %arg9[%get3A_4267, %get3A_4268] {strides = array<i32>} : memref<32x128xf32, #tpu.memory_space<vmem>>, vector<1x16xf32>,
    %get3A_4270 = vector.shape_cast %get3A_4269 : vector<1x16xf32> to vector<16xf32>
    %get3A_4271 = arith.constant 28 : i32
    %get3A_4272 = arith.index_cast %get3A_4271 : i32 to index
    %get3A_4273 = arith.constant 64 : index
    %get3A_4274 = tpu.vector_load %arg9[%get3A_4272, %get3A_4273] {strides = array<i32>} : memref<32x128xf32, #tpu.memory_space<vmem>>, vector<1x16xf32>,
    %get3A_4275 = vector.shape_cast %get3A_4274 : vector<1x16xf32> to vector<16xf32>
    %get3A_4276 = arith.constant 28 : i32
    %get3A_4277 = arith.index_cast %get3A_4276 : i32 to index
    %get3A_4278 = arith.constant 0 : index
    %get3A_4279 = tpu.vector_load %arg10[%get3A_4277, %get3A_4278] {strides = array<i32>} : memref<32x128xf32, #tpu.memory_space<vmem>>, vector<1x16xf32>,
    %get3A_4280 = vector.shape_cast %get3A_4279 : vector<1x16xf32> to vector<16xf32>
    %get3A_4281 = arith.constant 28 : i32
    %get3A_4282 = arith.index_cast %get3A_4281 : i32 to index
    %get3A_4283 = arith.constant 64 : index
    %get3A_4284 = tpu.vector_load %arg10[%get3A_4282, %get3A_4283] {strides = array<i32>} : memref<32x128xf32, #tpu.memory_space<vmem>>, vector<1x16xf32>,
    %get3A_4285 = vector.shape_cast %get3A_4284 : vector<1x16xf32> to vector<16xf32>
    %mul3A_4286 = arith.mulf %get3A_4270, %get3A_4280 : vector<16xf32>
    %mul3A_4287 = arith.mulf %get3A_4275, %get3A_4285 : vector<16xf32>
    %sub3A_4288 = arith.subf %mul3A_4286, %mul3A_4287 : vector<16xf32>
    %swap3A_4289 = arith.constant 28 : i32
    %swap3A_4290 = arith.index_cast %swap3A_4289 : i32 to index
    %swap3A_4291 = arith.constant 0 : index
    %swap3A_4292 = tpu.vector_load %arg9[%swap3A_4290, %swap3A_4291] {strides = array<i32>} : memref<32x128xf32, #tpu.memory_space<vmem>>, vector<1x16xf32>,
    %swap3A_4293 = vector.shape_cast %swap3A_4292 : vector<1x16xf32> to vector<16xf32>
    %swap3A_4294 = vector.shape_cast %sub3A_4288 : vector<16xf32> to vector<1x16xf32>
    tpu.vector_store %arg9[%swap3A_4290, %swap3A_4291], %swap3A_4294 {strides = array<i32>} : memref<32x128xf32, #tpu.memory_space<vmem>>, vector<1x16xf32>,
    %mul3A_4295 = arith.mulf %get3A_4270, %get3A_4285 : vector<16xf32>
    %mul3A_4296 = arith.mulf %get3A_4275, %get3A_4280 : vector<16xf32>
    %add3A_4297 = arith.addf %mul3A_4295, %mul3A_4296 : vector<16xf32>
    %swap3A_4298 = arith.constant 28 : i32
    %swap3A_4299 = arith.index_cast %swap3A_4298 : i32 to index
    %swap3A_4300 = arith.constant 64 : index
    %swap3A_4301 = tpu.vector_load %arg9[%swap3A_4299, %swap3A_4300] {strides = array<i32>} : memref<32x128xf32, #tpu.memory_space<vmem>>, vector<1x16xf32>,
    %swap3A_4302 = vector.shape_cast %swap3A_4301 : vector<1x16xf32> to vector<16xf32>
    %swap3A_4303 = vector.shape_cast %add3A_4297 : vector<16xf32> to vector<1x16xf32>
    tpu.vector_store %arg9[%swap3A_4299, %swap3A_4300], %swap3A_4303 {strides = array<i32>} : memref<32x128xf32, #tpu.memory_space<vmem>>, vector<1x16xf32>,
    %get3A_4304 = arith.constant 28 : i32
    %get3A_4305 = arith.index_cast %get3A_4304 : i32 to index
    %get3A_4306 = arith.constant 16 : index
    %get3A_4307 = tpu.vector_load %arg9[%get3A_4305, %get3A_4306] {strides = array<i32>} : memref<32x128xf32, #tpu.memory_space<vmem>>, vector<1x16xf32>,
    %get3A_4308 = vector.shape_cast %get3A_4307 : vector<1x16xf32> to vector<16xf32>
    %get3A_4309 = arith.constant 28 : i32
    %get3A_4310 = arith.index_cast %get3A_4309 : i32 to index
    %get3A_4311 = arith.constant 80 : index
    %get3A_4312 = tpu.vector_load %arg9[%get3A_4310, %get3A_4311] {strides = array<i32>} : memref<32x128xf32, #tpu.memory_space<vmem>>, vector<1x16xf32>,
    %get3A_4313 = vector.shape_cast %get3A_4312 : vector<1x16xf32> to vector<16xf32>
    %get3A_4314 = arith.constant 28 : i32
    %get3A_4315 = arith.index_cast %get3A_4314 : i32 to index
    %get3A_4316 = arith.constant 16 : index
    %get3A_4317 = tpu.vector_load %arg10[%get3A_4315, %get3A_4316] {strides = array<i32>} : memref<32x128xf32, #tpu.memory_space<vmem>>, vector<1x16xf32>,
    %get3A_4318 = vector.shape_cast %get3A_4317 : vector<1x16xf32> to vector<16xf32>
    %get3A_4319 = arith.constant 28 : i32
    %get3A_4320 = arith.index_cast %get3A_4319 : i32 to index
    %get3A_4321 = arith.constant 80 : index
    %get3A_4322 = tpu.vector_load %arg10[%get3A_4320, %get3A_4321] {strides = array<i32>} : memref<32x128xf32, #tpu.memory_space<vmem>>, vector<1x16xf32>,
    %get3A_4323 = vector.shape_cast %get3A_4322 : vector<1x16xf32> to vector<16xf32>
    %mul3A_4324 = arith.mulf %get3A_4308, %get3A_4318 : vector<16xf32>
    %mul3A_4325 = arith.mulf %get3A_4313, %get3A_4323 : vector<16xf32>
    %sub3A_4326 = arith.subf %mul3A_4324, %mul3A_4325 : vector<16xf32>
    %swap3A_4327 = arith.constant 28 : i32
    %swap3A_4328 = arith.index_cast %swap3A_4327 : i32 to index
    %swap3A_4329 = arith.constant 16 : index
    %swap3A_4330 = tpu.vector_load %arg9[%swap3A_4328, %swap3A_4329] {strides = array<i32>} : memref<32x128xf32, #tpu.memory_space<vmem>>, vector<1x16xf32>,
    %swap3A_4331 = vector.shape_cast %swap3A_4330 : vector<1x16xf32> to vector<16xf32>
    %swap3A_4332 = vector.shape_cast %sub3A_4326 : vector<16xf32> to vector<1x16xf32>
    tpu.vector_store %arg9[%swap3A_4328, %swap3A_4329], %swap3A_4332 {strides = array<i32>} : memref<32x128xf32, #tpu.memory_space<vmem>>, vector<1x16xf32>,
    %mul3A_4333 = arith.mulf %get3A_4308, %get3A_4323 : vector<16xf32>
    %mul3A_4334 = arith.mulf %get3A_4313, %get3A_4318 : vector<16xf32>
    %add3A_4335 = arith.addf %mul3A_4333, %mul3A_4334 : vector<16xf32>
    %swap3A_4336 = arith.constant 28 : i32
    %swap3A_4337 = arith.index_cast %swap3A_4336 : i32 to index
    %swap3A_4338 = arith.constant 80 : index
    %swap3A_4339 = tpu.vector_load %arg9[%swap3A_4337, %swap3A_4338] {strides = array<i32>} : memref<32x128xf32, #tpu.memory_space<vmem>>, vector<1x16xf32>,
    %swap3A_4340 = vector.shape_cast %swap3A_4339 : vector<1x16xf32> to vector<16xf32>
    %swap3A_4341 = vector.shape_cast %add3A_4335 : vector<16xf32> to vector<1x16xf32>
    tpu.vector_store %arg9[%swap3A_4337, %swap3A_4338], %swap3A_4341 {strides = array<i32>} : memref<32x128xf32, #tpu.memory_space<vmem>>, vector<1x16xf32>,
    %get3A_4342 = arith.constant 28 : i32
    %get3A_4343 = arith.index_cast %get3A_4342 : i32 to index
    %get3A_4344 = arith.constant 32 : index
    %get3A_4345 = tpu.vector_load %arg9[%get3A_4343, %get3A_4344] {strides = array<i32>} : memref<32x128xf32, #tpu.memory_space<vmem>>, vector<1x16xf32>,
    %get3A_4346 = vector.shape_cast %get3A_4345 : vector<1x16xf32> to vector<16xf32>
    %get3A_4347 = arith.constant 28 : i32
    %get3A_4348 = arith.index_cast %get3A_4347 : i32 to index
    %get3A_4349 = arith.constant 96 : index
    %get3A_4350 = tpu.vector_load %arg9[%get3A_4348, %get3A_4349] {strides = array<i32>} : memref<32x128xf32, #tpu.memory_space<vmem>>, vector<1x16xf32>,
    %get3A_4351 = vector.shape_cast %get3A_4350 : vector<1x16xf32> to vector<16xf32>
    %get3A_4352 = arith.constant 28 : i32
    %get3A_4353 = arith.index_cast %get3A_4352 : i32 to index
    %get3A_4354 = arith.constant 32 : index
    %get3A_4355 = tpu.vector_load %arg10[%get3A_4353, %get3A_4354] {strides = array<i32>} : memref<32x128xf32, #tpu.memory_space<vmem>>, vector<1x16xf32>,
    %get3A_4356 = vector.shape_cast %get3A_4355 : vector<1x16xf32> to vector<16xf32>
    %get3A_4357 = arith.constant 28 : i32
    %get3A_4358 = arith.index_cast %get3A_4357 : i32 to index
    %get3A_4359 = arith.constant 96 : index
    %get3A_4360 = tpu.vector_load %arg10[%get3A_4358, %get3A_4359] {strides = array<i32>} : memref<32x128xf32, #tpu.memory_space<vmem>>, vector<1x16xf32>,
    %get3A_4361 = vector.shape_cast %get3A_4360 : vector<1x16xf32> to vector<16xf32>
    %mul3A_4362 = arith.mulf %get3A_4346, %get3A_4356 : vector<16xf32>
    %mul3A_4363 = arith.mulf %get3A_4351, %get3A_4361 : vector<16xf32>
    %sub3A_4364 = arith.subf %mul3A_4362, %mul3A_4363 : vector<16xf32>
    %swap3A_4365 = arith.constant 28 : i32
    %swap3A_4366 = arith.index_cast %swap3A_4365 : i32 to index
    %swap3A_4367 = arith.constant 32 : index
    %swap3A_4368 = tpu.vector_load %arg9[%swap3A_4366, %swap3A_4367] {strides = array<i32>} : memref<32x128xf32, #tpu.memory_space<vmem>>, vector<1x16xf32>,
    %swap3A_4369 = vector.shape_cast %swap3A_4368 : vector<1x16xf32> to vector<16xf32>
    %swap3A_4370 = vector.shape_cast %sub3A_4364 : vector<16xf32> to vector<1x16xf32>
    tpu.vector_store %arg9[%swap3A_4366, %swap3A_4367], %swap3A_4370 {strides = array<i32>} : memref<32x128xf32, #tpu.memory_space<vmem>>, vector<1x16xf32>,
    %mul3A_4371 = arith.mulf %get3A_4346, %get3A_4361 : vector<16xf32>
    %mul3A_4372 = arith.mulf %get3A_4351, %get3A_4356 : vector<16xf32>
    %add3A_4373 = arith.addf %mul3A_4371, %mul3A_4372 : vector<16xf32>
    %swap3A_4374 = arith.constant 28 : i32
    %swap3A_4375 = arith.index_cast %swap3A_4374 : i32 to index
    %swap3A_4376 = arith.constant 96 : index
    %swap3A_4377 = tpu.vector_load %arg9[%swap3A_4375, %swap3A_4376] {strides = array<i32>} : memref<32x128xf32, #tpu.memory_space<vmem>>, vector<1x16xf32>,
    %swap3A_4378 = vector.shape_cast %swap3A_4377 : vector<1x16xf32> to vector<16xf32>
    %swap3A_4379 = vector.shape_cast %add3A_4373 : vector<16xf32> to vector<1x16xf32>
    tpu.vector_store %arg9[%swap3A_4375, %swap3A_4376], %swap3A_4379 {strides = array<i32>} : memref<32x128xf32, #tpu.memory_space<vmem>>, vector<1x16xf32>,
    %get3A_4380 = arith.constant 28 : i32
    %get3A_4381 = arith.index_cast %get3A_4380 : i32 to index
    %get3A_4382 = arith.constant 48 : index
    %get3A_4383 = tpu.vector_load %arg9[%get3A_4381, %get3A_4382] {strides = array<i32>} : memref<32x128xf32, #tpu.memory_space<vmem>>, vector<1x16xf32>,
    %get3A_4384 = vector.shape_cast %get3A_4383 : vector<1x16xf32> to vector<16xf32>
    %get3A_4385 = arith.constant 28 : i32
    %get3A_4386 = arith.index_cast %get3A_4385 : i32 to index
    %get3A_4387 = arith.constant 112 : index
    %get3A_4388 = tpu.vector_load %arg9[%get3A_4386, %get3A_4387] {strides = array<i32>} : memref<32x128xf32, #tpu.memory_space<vmem>>, vector<1x16xf32>,
    %get3A_4389 = vector.shape_cast %get3A_4388 : vector<1x16xf32> to vector<16xf32>
    %get3A_4390 = arith.constant 28 : i32
    %get3A_4391 = arith.index_cast %get3A_4390 : i32 to index
    %get3A_4392 = arith.constant 48 : index
    %get3A_4393 = tpu.vector_load %arg10[%get3A_4391, %get3A_4392] {strides = array<i32>} : memref<32x128xf32, #tpu.memory_space<vmem>>, vector<1x16xf32>,
    %get3A_4394 = vector.shape_cast %get3A_4393 : vector<1x16xf32> to vector<16xf32>
    %get3A_4395 = arith.constant 28 : i32
    %get3A_4396 = arith.index_cast %get3A_4395 : i32 to index
    %get3A_4397 = arith.constant 112 : index
    %get3A_4398 = tpu.vector_load %arg10[%get3A_4396, %get3A_4397] {strides = array<i32>} : memref<32x128xf32, #tpu.memory_space<vmem>>, vector<1x16xf32>,
    %get3A_4399 = vector.shape_cast %get3A_4398 : vector<1x16xf32> to vector<16xf32>
    %mul3A_4400 = arith.mulf %get3A_4384, %get3A_4394 : vector<16xf32>
    %mul3A_4401 = arith.mulf %get3A_4389, %get3A_4399 : vector<16xf32>
    %sub3A_4402 = arith.subf %mul3A_4400, %mul3A_4401 : vector<16xf32>
    %swap3A_4403 = arith.constant 28 : i32
    %swap3A_4404 = arith.index_cast %swap3A_4403 : i32 to index
    %swap3A_4405 = arith.constant 48 : index
    %swap3A_4406 = tpu.vector_load %arg9[%swap3A_4404, %swap3A_4405] {strides = array<i32>} : memref<32x128xf32, #tpu.memory_space<vmem>>, vector<1x16xf32>,
    %swap3A_4407 = vector.shape_cast %swap3A_4406 : vector<1x16xf32> to vector<16xf32>
    %swap3A_4408 = vector.shape_cast %sub3A_4402 : vector<16xf32> to vector<1x16xf32>
    tpu.vector_store %arg9[%swap3A_4404, %swap3A_4405], %swap3A_4408 {strides = array<i32>} : memref<32x128xf32, #tpu.memory_space<vmem>>, vector<1x16xf32>,
    %mul3A_4409 = arith.mulf %get3A_4384, %get3A_4399 : vector<16xf32>
    %mul3A_4410 = arith.mulf %get3A_4389, %get3A_4394 : vector<16xf32>
    %add3A_4411 = arith.addf %mul3A_4409, %mul3A_4410 : vector<16xf32>
    %swap3A_4412 = arith.constant 28 : i32
    %swap3A_4413 = arith.index_cast %swap3A_4412 : i32 to index
    %swap3A_4414 = arith.constant 112 : index
    %swap3A_4415 = tpu.vector_load %arg9[%swap3A_4413, %swap3A_4414] {strides = array<i32>} : memref<32x128xf32, #tpu.memory_space<vmem>>, vector<1x16xf32>,
    %swap3A_4416 = vector.shape_cast %swap3A_4415 : vector<1x16xf32> to vector<16xf32>
    %swap3A_4417 = vector.shape_cast %add3A_4411 : vector<16xf32> to vector<1x16xf32>
    tpu.vector_store %arg9[%swap3A_4413, %swap3A_4414], %swap3A_4417 {strides = array<i32>} : memref<32x128xf32, #tpu.memory_space<vmem>>, vector<1x16xf32>,
    %get3A_4418 = arith.constant 29 : i32
    %get3A_4419 = arith.index_cast %get3A_4418 : i32 to index
    %get3A_4420 = arith.constant 0 : index
    %get3A_4421 = tpu.vector_load %arg9[%get3A_4419, %get3A_4420] {strides = array<i32>} : memref<32x128xf32, #tpu.memory_space<vmem>>, vector<1x16xf32>,
    %get3A_4422 = vector.shape_cast %get3A_4421 : vector<1x16xf32> to vector<16xf32>
    %get3A_4423 = arith.constant 29 : i32
    %get3A_4424 = arith.index_cast %get3A_4423 : i32 to index
    %get3A_4425 = arith.constant 64 : index
    %get3A_4426 = tpu.vector_load %arg9[%get3A_4424, %get3A_4425] {strides = array<i32>} : memref<32x128xf32, #tpu.memory_space<vmem>>, vector<1x16xf32>,
    %get3A_4427 = vector.shape_cast %get3A_4426 : vector<1x16xf32> to vector<16xf32>
    %get3A_4428 = arith.constant 29 : i32
    %get3A_4429 = arith.index_cast %get3A_4428 : i32 to index
    %get3A_4430 = arith.constant 0 : index
    %get3A_4431 = tpu.vector_load %arg10[%get3A_4429, %get3A_4430] {strides = array<i32>} : memref<32x128xf32, #tpu.memory_space<vmem>>, vector<1x16xf32>,
    %get3A_4432 = vector.shape_cast %get3A_4431 : vector<1x16xf32> to vector<16xf32>
    %get3A_4433 = arith.constant 29 : i32
    %get3A_4434 = arith.index_cast %get3A_4433 : i32 to index
    %get3A_4435 = arith.constant 64 : index
    %get3A_4436 = tpu.vector_load %arg10[%get3A_4434, %get3A_4435] {strides = array<i32>} : memref<32x128xf32, #tpu.memory_space<vmem>>, vector<1x16xf32>,
    %get3A_4437 = vector.shape_cast %get3A_4436 : vector<1x16xf32> to vector<16xf32>
    %mul3A_4438 = arith.mulf %get3A_4422, %get3A_4432 : vector<16xf32>
    %mul3A_4439 = arith.mulf %get3A_4427, %get3A_4437 : vector<16xf32>
    %sub3A_4440 = arith.subf %mul3A_4438, %mul3A_4439 : vector<16xf32>
    %swap3A_4441 = arith.constant 29 : i32
    %swap3A_4442 = arith.index_cast %swap3A_4441 : i32 to index
    %swap3A_4443 = arith.constant 0 : index
    %swap3A_4444 = tpu.vector_load %arg9[%swap3A_4442, %swap3A_4443] {strides = array<i32>} : memref<32x128xf32, #tpu.memory_space<vmem>>, vector<1x16xf32>,
    %swap3A_4445 = vector.shape_cast %swap3A_4444 : vector<1x16xf32> to vector<16xf32>
    %swap3A_4446 = vector.shape_cast %sub3A_4440 : vector<16xf32> to vector<1x16xf32>
    tpu.vector_store %arg9[%swap3A_4442, %swap3A_4443], %swap3A_4446 {strides = array<i32>} : memref<32x128xf32, #tpu.memory_space<vmem>>, vector<1x16xf32>,
    %mul3A_4447 = arith.mulf %get3A_4422, %get3A_4437 : vector<16xf32>
    %mul3A_4448 = arith.mulf %get3A_4427, %get3A_4432 : vector<16xf32>
    %add3A_4449 = arith.addf %mul3A_4447, %mul3A_4448 : vector<16xf32>
    %swap3A_4450 = arith.constant 29 : i32
    %swap3A_4451 = arith.index_cast %swap3A_4450 : i32 to index
    %swap3A_4452 = arith.constant 64 : index
    %swap3A_4453 = tpu.vector_load %arg9[%swap3A_4451, %swap3A_4452] {strides = array<i32>} : memref<32x128xf32, #tpu.memory_space<vmem>>, vector<1x16xf32>,
    %swap3A_4454 = vector.shape_cast %swap3A_4453 : vector<1x16xf32> to vector<16xf32>
    %swap3A_4455 = vector.shape_cast %add3A_4449 : vector<16xf32> to vector<1x16xf32>
    tpu.vector_store %arg9[%swap3A_4451, %swap3A_4452], %swap3A_4455 {strides = array<i32>} : memref<32x128xf32, #tpu.memory_space<vmem>>, vector<1x16xf32>,
    %get3A_4456 = arith.constant 29 : i32
    %get3A_4457 = arith.index_cast %get3A_4456 : i32 to index
    %get3A_4458 = arith.constant 16 : index
    %get3A_4459 = tpu.vector_load %arg9[%get3A_4457, %get3A_4458] {strides = array<i32>} : memref<32x128xf32, #tpu.memory_space<vmem>>, vector<1x16xf32>,
    %get3A_4460 = vector.shape_cast %get3A_4459 : vector<1x16xf32> to vector<16xf32>
    %get3A_4461 = arith.constant 29 : i32
    %get3A_4462 = arith.index_cast %get3A_4461 : i32 to index
    %get3A_4463 = arith.constant 80 : index
    %get3A_4464 = tpu.vector_load %arg9[%get3A_4462, %get3A_4463] {strides = array<i32>} : memref<32x128xf32, #tpu.memory_space<vmem>>, vector<1x16xf32>,
    %get3A_4465 = vector.shape_cast %get3A_4464 : vector<1x16xf32> to vector<16xf32>
    %get3A_4466 = arith.constant 29 : i32
    %get3A_4467 = arith.index_cast %get3A_4466 : i32 to index
    %get3A_4468 = arith.constant 16 : index
    %get3A_4469 = tpu.vector_load %arg10[%get3A_4467, %get3A_4468] {strides = array<i32>} : memref<32x128xf32, #tpu.memory_space<vmem>>, vector<1x16xf32>,
    %get3A_4470 = vector.shape_cast %get3A_4469 : vector<1x16xf32> to vector<16xf32>
    %get3A_4471 = arith.constant 29 : i32
    %get3A_4472 = arith.index_cast %get3A_4471 : i32 to index
    %get3A_4473 = arith.constant 80 : index
    %get3A_4474 = tpu.vector_load %arg10[%get3A_4472, %get3A_4473] {strides = array<i32>} : memref<32x128xf32, #tpu.memory_space<vmem>>, vector<1x16xf32>,
    %get3A_4475 = vector.shape_cast %get3A_4474 : vector<1x16xf32> to vector<16xf32>
    %mul3A_4476 = arith.mulf %get3A_4460, %get3A_4470 : vector<16xf32>
    %mul3A_4477 = arith.mulf %get3A_4465, %get3A_4475 : vector<16xf32>
    %sub3A_4478 = arith.subf %mul3A_4476, %mul3A_4477 : vector<16xf32>
    %swap3A_4479 = arith.constant 29 : i32
    %swap3A_4480 = arith.index_cast %swap3A_4479 : i32 to index
    %swap3A_4481 = arith.constant 16 : index
    %swap3A_4482 = tpu.vector_load %arg9[%swap3A_4480, %swap3A_4481] {strides = array<i32>} : memref<32x128xf32, #tpu.memory_space<vmem>>, vector<1x16xf32>,
    %swap3A_4483 = vector.shape_cast %swap3A_4482 : vector<1x16xf32> to vector<16xf32>
    %swap3A_4484 = vector.shape_cast %sub3A_4478 : vector<16xf32> to vector<1x16xf32>
    tpu.vector_store %arg9[%swap3A_4480, %swap3A_4481], %swap3A_4484 {strides = array<i32>} : memref<32x128xf32, #tpu.memory_space<vmem>>, vector<1x16xf32>,
    %mul3A_4485 = arith.mulf %get3A_4460, %get3A_4475 : vector<16xf32>
    %mul3A_4486 = arith.mulf %get3A_4465, %get3A_4470 : vector<16xf32>
    %add3A_4487 = arith.addf %mul3A_4485, %mul3A_4486 : vector<16xf32>
    %swap3A_4488 = arith.constant 29 : i32
    %swap3A_4489 = arith.index_cast %swap3A_4488 : i32 to index
    %swap3A_4490 = arith.constant 80 : index
    %swap3A_4491 = tpu.vector_load %arg9[%swap3A_4489, %swap3A_4490] {strides = array<i32>} : memref<32x128xf32, #tpu.memory_space<vmem>>, vector<1x16xf32>,
    %swap3A_4492 = vector.shape_cast %swap3A_4491 : vector<1x16xf32> to vector<16xf32>
    %swap3A_4493 = vector.shape_cast %add3A_4487 : vector<16xf32> to vector<1x16xf32>
    tpu.vector_store %arg9[%swap3A_4489, %swap3A_4490], %swap3A_4493 {strides = array<i32>} : memref<32x128xf32, #tpu.memory_space<vmem>>, vector<1x16xf32>,
    %get3A_4494 = arith.constant 29 : i32
    %get3A_4495 = arith.index_cast %get3A_4494 : i32 to index
    %get3A_4496 = arith.constant 32 : index
    %get3A_4497 = tpu.vector_load %arg9[%get3A_4495, %get3A_4496] {strides = array<i32>} : memref<32x128xf32, #tpu.memory_space<vmem>>, vector<1x16xf32>,
    %get3A_4498 = vector.shape_cast %get3A_4497 : vector<1x16xf32> to vector<16xf32>
    %get3A_4499 = arith.constant 29 : i32
    %get3A_4500 = arith.index_cast %get3A_4499 : i32 to index
    %get3A_4501 = arith.constant 96 : index
    %get3A_4502 = tpu.vector_load %arg9[%get3A_4500, %get3A_4501] {strides = array<i32>} : memref<32x128xf32, #tpu.memory_space<vmem>>, vector<1x16xf32>,
    %get3A_4503 = vector.shape_cast %get3A_4502 : vector<1x16xf32> to vector<16xf32>
    %get3A_4504 = arith.constant 29 : i32
    %get3A_4505 = arith.index_cast %get3A_4504 : i32 to index
    %get3A_4506 = arith.constant 32 : index
    %get3A_4507 = tpu.vector_load %arg10[%get3A_4505, %get3A_4506] {strides = array<i32>} : memref<32x128xf32, #tpu.memory_space<vmem>>, vector<1x16xf32>,
    %get3A_4508 = vector.shape_cast %get3A_4507 : vector<1x16xf32> to vector<16xf32>
    %get3A_4509 = arith.constant 29 : i32
    %get3A_4510 = arith.index_cast %get3A_4509 : i32 to index
    %get3A_4511 = arith.constant 96 : index
    %get3A_4512 = tpu.vector_load %arg10[%get3A_4510, %get3A_4511] {strides = array<i32>} : memref<32x128xf32, #tpu.memory_space<vmem>>, vector<1x16xf32>,
    %get3A_4513 = vector.shape_cast %get3A_4512 : vector<1x16xf32> to vector<16xf32>
    %mul3A_4514 = arith.mulf %get3A_4498, %get3A_4508 : vector<16xf32>
    %mul3A_4515 = arith.mulf %get3A_4503, %get3A_4513 : vector<16xf32>
    %sub3A_4516 = arith.subf %mul3A_4514, %mul3A_4515 : vector<16xf32>
    %swap3A_4517 = arith.constant 29 : i32
    %swap3A_4518 = arith.index_cast %swap3A_4517 : i32 to index
    %swap3A_4519 = arith.constant 32 : index
    %swap3A_4520 = tpu.vector_load %arg9[%swap3A_4518, %swap3A_4519] {strides = array<i32>} : memref<32x128xf32, #tpu.memory_space<vmem>>, vector<1x16xf32>,
    %swap3A_4521 = vector.shape_cast %swap3A_4520 : vector<1x16xf32> to vector<16xf32>
    %swap3A_4522 = vector.shape_cast %sub3A_4516 : vector<16xf32> to vector<1x16xf32>
    tpu.vector_store %arg9[%swap3A_4518, %swap3A_4519], %swap3A_4522 {strides = array<i32>} : memref<32x128xf32, #tpu.memory_space<vmem>>, vector<1x16xf32>,
    %mul3A_4523 = arith.mulf %get3A_4498, %get3A_4513 : vector<16xf32>
    %mul3A_4524 = arith.mulf %get3A_4503, %get3A_4508 : vector<16xf32>
    %add3A_4525 = arith.addf %mul3A_4523, %mul3A_4524 : vector<16xf32>
    %swap3A_4526 = arith.constant 29 : i32
    %swap3A_4527 = arith.index_cast %swap3A_4526 : i32 to index
    %swap3A_4528 = arith.constant 96 : index
    %swap3A_4529 = tpu.vector_load %arg9[%swap3A_4527, %swap3A_4528] {strides = array<i32>} : memref<32x128xf32, #tpu.memory_space<vmem>>, vector<1x16xf32>,
    %swap3A_4530 = vector.shape_cast %swap3A_4529 : vector<1x16xf32> to vector<16xf32>
    %swap3A_4531 = vector.shape_cast %add3A_4525 : vector<16xf32> to vector<1x16xf32>
    tpu.vector_store %arg9[%swap3A_4527, %swap3A_4528], %swap3A_4531 {strides = array<i32>} : memref<32x128xf32, #tpu.memory_space<vmem>>, vector<1x16xf32>,
    %get3A_4532 = arith.constant 29 : i32
    %get3A_4533 = arith.index_cast %get3A_4532 : i32 to index
    %get3A_4534 = arith.constant 48 : index
    %get3A_4535 = tpu.vector_load %arg9[%get3A_4533, %get3A_4534] {strides = array<i32>} : memref<32x128xf32, #tpu.memory_space<vmem>>, vector<1x16xf32>,
    %get3A_4536 = vector.shape_cast %get3A_4535 : vector<1x16xf32> to vector<16xf32>
    %get3A_4537 = arith.constant 29 : i32
    %get3A_4538 = arith.index_cast %get3A_4537 : i32 to index
    %get3A_4539 = arith.constant 112 : index
    %get3A_4540 = tpu.vector_load %arg9[%get3A_4538, %get3A_4539] {strides = array<i32>} : memref<32x128xf32, #tpu.memory_space<vmem>>, vector<1x16xf32>,
    %get3A_4541 = vector.shape_cast %get3A_4540 : vector<1x16xf32> to vector<16xf32>
    %get3A_4542 = arith.constant 29 : i32
    %get3A_4543 = arith.index_cast %get3A_4542 : i32 to index
    %get3A_4544 = arith.constant 48 : index
    %get3A_4545 = tpu.vector_load %arg10[%get3A_4543, %get3A_4544] {strides = array<i32>} : memref<32x128xf32, #tpu.memory_space<vmem>>, vector<1x16xf32>,
    %get3A_4546 = vector.shape_cast %get3A_4545 : vector<1x16xf32> to vector<16xf32>
    %get3A_4547 = arith.constant 29 : i32
    %get3A_4548 = arith.index_cast %get3A_4547 : i32 to index
    %get3A_4549 = arith.constant 112 : index
    %get3A_4550 = tpu.vector_load %arg10[%get3A_4548, %get3A_4549] {strides = array<i32>} : memref<32x128xf32, #tpu.memory_space<vmem>>, vector<1x16xf32>,
    %get3A_4551 = vector.shape_cast %get3A_4550 : vector<1x16xf32> to vector<16xf32>
    %mul3A_4552 = arith.mulf %get3A_4536, %get3A_4546 : vector<16xf32>
    %mul3A_4553 = arith.mulf %get3A_4541, %get3A_4551 : vector<16xf32>
    %sub3A_4554 = arith.subf %mul3A_4552, %mul3A_4553 : vector<16xf32>
    %swap3A_4555 = arith.constant 29 : i32
    %swap3A_4556 = arith.index_cast %swap3A_4555 : i32 to index
    %swap3A_4557 = arith.constant 48 : index
    %swap3A_4558 = tpu.vector_load %arg9[%swap3A_4556, %swap3A_4557] {strides = array<i32>} : memref<32x128xf32, #tpu.memory_space<vmem>>, vector<1x16xf32>,
    %swap3A_4559 = vector.shape_cast %swap3A_4558 : vector<1x16xf32> to vector<16xf32>
    %swap3A_4560 = vector.shape_cast %sub3A_4554 : vector<16xf32> to vector<1x16xf32>
    tpu.vector_store %arg9[%swap3A_4556, %swap3A_4557], %swap3A_4560 {strides = array<i32>} : memref<32x128xf32, #tpu.memory_space<vmem>>, vector<1x16xf32>,
    %mul3A_4561 = arith.mulf %get3A_4536, %get3A_4551 : vector<16xf32>
    %mul3A_4562 = arith.mulf %get3A_4541, %get3A_4546 : vector<16xf32>
    %add3A_4563 = arith.addf %mul3A_4561, %mul3A_4562 : vector<16xf32>
    %swap3A_4564 = arith.constant 29 : i32
    %swap3A_4565 = arith.index_cast %swap3A_4564 : i32 to index
    %swap3A_4566 = arith.constant 112 : index
    %swap3A_4567 = tpu.vector_load %arg9[%swap3A_4565, %swap3A_4566] {strides = array<i32>} : memref<32x128xf32, #tpu.memory_space<vmem>>, vector<1x16xf32>,
    %swap3A_4568 = vector.shape_cast %swap3A_4567 : vector<1x16xf32> to vector<16xf32>
    %swap3A_4569 = vector.shape_cast %add3A_4563 : vector<16xf32> to vector<1x16xf32>
    tpu.vector_store %arg9[%swap3A_4565, %swap3A_4566], %swap3A_4569 {strides = array<i32>} : memref<32x128xf32, #tpu.memory_space<vmem>>, vector<1x16xf32>,
    %get3A_4570 = arith.constant 30 : i32
    %get3A_4571 = arith.index_cast %get3A_4570 : i32 to index
    %get3A_4572 = arith.constant 0 : index
    %get3A_4573 = tpu.vector_load %arg9[%get3A_4571, %get3A_4572] {strides = array<i32>} : memref<32x128xf32, #tpu.memory_space<vmem>>, vector<1x16xf32>,
    %get3A_4574 = vector.shape_cast %get3A_4573 : vector<1x16xf32> to vector<16xf32>
    %get3A_4575 = arith.constant 30 : i32
    %get3A_4576 = arith.index_cast %get3A_4575 : i32 to index
    %get3A_4577 = arith.constant 64 : index
    %get3A_4578 = tpu.vector_load %arg9[%get3A_4576, %get3A_4577] {strides = array<i32>} : memref<32x128xf32, #tpu.memory_space<vmem>>, vector<1x16xf32>,
    %get3A_4579 = vector.shape_cast %get3A_4578 : vector<1x16xf32> to vector<16xf32>
    %get3A_4580 = arith.constant 30 : i32
    %get3A_4581 = arith.index_cast %get3A_4580 : i32 to index
    %get3A_4582 = arith.constant 0 : index
    %get3A_4583 = tpu.vector_load %arg10[%get3A_4581, %get3A_4582] {strides = array<i32>} : memref<32x128xf32, #tpu.memory_space<vmem>>, vector<1x16xf32>,
    %get3A_4584 = vector.shape_cast %get3A_4583 : vector<1x16xf32> to vector<16xf32>
    %get3A_4585 = arith.constant 30 : i32
    %get3A_4586 = arith.index_cast %get3A_4585 : i32 to index
    %get3A_4587 = arith.constant 64 : index
    %get3A_4588 = tpu.vector_load %arg10[%get3A_4586, %get3A_4587] {strides = array<i32>} : memref<32x128xf32, #tpu.memory_space<vmem>>, vector<1x16xf32>,
    %get3A_4589 = vector.shape_cast %get3A_4588 : vector<1x16xf32> to vector<16xf32>
    %mul3A_4590 = arith.mulf %get3A_4574, %get3A_4584 : vector<16xf32>
    %mul3A_4591 = arith.mulf %get3A_4579, %get3A_4589 : vector<16xf32>
    %sub3A_4592 = arith.subf %mul3A_4590, %mul3A_4591 : vector<16xf32>
    %swap3A_4593 = arith.constant 30 : i32
    %swap3A_4594 = arith.index_cast %swap3A_4593 : i32 to index
    %swap3A_4595 = arith.constant 0 : index
    %swap3A_4596 = tpu.vector_load %arg9[%swap3A_4594, %swap3A_4595] {strides = array<i32>} : memref<32x128xf32, #tpu.memory_space<vmem>>, vector<1x16xf32>,
    %swap3A_4597 = vector.shape_cast %swap3A_4596 : vector<1x16xf32> to vector<16xf32>
    %swap3A_4598 = vector.shape_cast %sub3A_4592 : vector<16xf32> to vector<1x16xf32>
    tpu.vector_store %arg9[%swap3A_4594, %swap3A_4595], %swap3A_4598 {strides = array<i32>} : memref<32x128xf32, #tpu.memory_space<vmem>>, vector<1x16xf32>,
    %mul3A_4599 = arith.mulf %get3A_4574, %get3A_4589 : vector<16xf32>
    %mul3A_4600 = arith.mulf %get3A_4579, %get3A_4584 : vector<16xf32>
    %add3A_4601 = arith.addf %mul3A_4599, %mul3A_4600 : vector<16xf32>
    %swap3A_4602 = arith.constant 30 : i32
    %swap3A_4603 = arith.index_cast %swap3A_4602 : i32 to index
    %swap3A_4604 = arith.constant 64 : index
    %swap3A_4605 = tpu.vector_load %arg9[%swap3A_4603, %swap3A_4604] {strides = array<i32>} : memref<32x128xf32, #tpu.memory_space<vmem>>, vector<1x16xf32>,
    %swap3A_4606 = vector.shape_cast %swap3A_4605 : vector<1x16xf32> to vector<16xf32>
    %swap3A_4607 = vector.shape_cast %add3A_4601 : vector<16xf32> to vector<1x16xf32>
    tpu.vector_store %arg9[%swap3A_4603, %swap3A_4604], %swap3A_4607 {strides = array<i32>} : memref<32x128xf32, #tpu.memory_space<vmem>>, vector<1x16xf32>,
    %get3A_4608 = arith.constant 30 : i32
    %get3A_4609 = arith.index_cast %get3A_4608 : i32 to index
    %get3A_4610 = arith.constant 16 : index
    %get3A_4611 = tpu.vector_load %arg9[%get3A_4609, %get3A_4610] {strides = array<i32>} : memref<32x128xf32, #tpu.memory_space<vmem>>, vector<1x16xf32>,
    %get3A_4612 = vector.shape_cast %get3A_4611 : vector<1x16xf32> to vector<16xf32>
    %get3A_4613 = arith.constant 30 : i32
    %get3A_4614 = arith.index_cast %get3A_4613 : i32 to index
    %get3A_4615 = arith.constant 80 : index
    %get3A_4616 = tpu.vector_load %arg9[%get3A_4614, %get3A_4615] {strides = array<i32>} : memref<32x128xf32, #tpu.memory_space<vmem>>, vector<1x16xf32>,
    %get3A_4617 = vector.shape_cast %get3A_4616 : vector<1x16xf32> to vector<16xf32>
    %get3A_4618 = arith.constant 30 : i32
    %get3A_4619 = arith.index_cast %get3A_4618 : i32 to index
    %get3A_4620 = arith.constant 16 : index
    %get3A_4621 = tpu.vector_load %arg10[%get3A_4619, %get3A_4620] {strides = array<i32>} : memref<32x128xf32, #tpu.memory_space<vmem>>, vector<1x16xf32>,
    %get3A_4622 = vector.shape_cast %get3A_4621 : vector<1x16xf32> to vector<16xf32>
    %get3A_4623 = arith.constant 30 : i32
    %get3A_4624 = arith.index_cast %get3A_4623 : i32 to index
    %get3A_4625 = arith.constant 80 : index
    %get3A_4626 = tpu.vector_load %arg10[%get3A_4624, %get3A_4625] {strides = array<i32>} : memref<32x128xf32, #tpu.memory_space<vmem>>, vector<1x16xf32>,
    %get3A_4627 = vector.shape_cast %get3A_4626 : vector<1x16xf32> to vector<16xf32>
    %mul3A_4628 = arith.mulf %get3A_4612, %get3A_4622 : vector<16xf32>
    %mul3A_4629 = arith.mulf %get3A_4617, %get3A_4627 : vector<16xf32>
    %sub3A_4630 = arith.subf %mul3A_4628, %mul3A_4629 : vector<16xf32>
    %swap3A_4631 = arith.constant 30 : i32
    %swap3A_4632 = arith.index_cast %swap3A_4631 : i32 to index
    %swap3A_4633 = arith.constant 16 : index
    %swap3A_4634 = tpu.vector_load %arg9[%swap3A_4632, %swap3A_4633] {strides = array<i32>} : memref<32x128xf32, #tpu.memory_space<vmem>>, vector<1x16xf32>,
    %swap3A_4635 = vector.shape_cast %swap3A_4634 : vector<1x16xf32> to vector<16xf32>
    %swap3A_4636 = vector.shape_cast %sub3A_4630 : vector<16xf32> to vector<1x16xf32>
    tpu.vector_store %arg9[%swap3A_4632, %swap3A_4633], %swap3A_4636 {strides = array<i32>} : memref<32x128xf32, #tpu.memory_space<vmem>>, vector<1x16xf32>,
    %mul3A_4637 = arith.mulf %get3A_4612, %get3A_4627 : vector<16xf32>
    %mul3A_4638 = arith.mulf %get3A_4617, %get3A_4622 : vector<16xf32>
    %add3A_4639 = arith.addf %mul3A_4637, %mul3A_4638 : vector<16xf32>
    %swap3A_4640 = arith.constant 30 : i32
    %swap3A_4641 = arith.index_cast %swap3A_4640 : i32 to index
    %swap3A_4642 = arith.constant 80 : index
    %swap3A_4643 = tpu.vector_load %arg9[%swap3A_4641, %swap3A_4642] {strides = array<i32>} : memref<32x128xf32, #tpu.memory_space<vmem>>, vector<1x16xf32>,
    %swap3A_4644 = vector.shape_cast %swap3A_4643 : vector<1x16xf32> to vector<16xf32>
    %swap3A_4645 = vector.shape_cast %add3A_4639 : vector<16xf32> to vector<1x16xf32>
    tpu.vector_store %arg9[%swap3A_4641, %swap3A_4642], %swap3A_4645 {strides = array<i32>} : memref<32x128xf32, #tpu.memory_space<vmem>>, vector<1x16xf32>,
    %get3A_4646 = arith.constant 30 : i32
    %get3A_4647 = arith.index_cast %get3A_4646 : i32 to index
    %get3A_4648 = arith.constant 32 : index
    %get3A_4649 = tpu.vector_load %arg9[%get3A_4647, %get3A_4648] {strides = array<i32>} : memref<32x128xf32, #tpu.memory_space<vmem>>, vector<1x16xf32>,
    %get3A_4650 = vector.shape_cast %get3A_4649 : vector<1x16xf32> to vector<16xf32>
    %get3A_4651 = arith.constant 30 : i32
    %get3A_4652 = arith.index_cast %get3A_4651 : i32 to index
    %get3A_4653 = arith.constant 96 : index
    %get3A_4654 = tpu.vector_load %arg9[%get3A_4652, %get3A_4653] {strides = array<i32>} : memref<32x128xf32, #tpu.memory_space<vmem>>, vector<1x16xf32>,
    %get3A_4655 = vector.shape_cast %get3A_4654 : vector<1x16xf32> to vector<16xf32>
    %get3A_4656 = arith.constant 30 : i32
    %get3A_4657 = arith.index_cast %get3A_4656 : i32 to index
    %get3A_4658 = arith.constant 32 : index
    %get3A_4659 = tpu.vector_load %arg10[%get3A_4657, %get3A_4658] {strides = array<i32>} : memref<32x128xf32, #tpu.memory_space<vmem>>, vector<1x16xf32>,
    %get3A_4660 = vector.shape_cast %get3A_4659 : vector<1x16xf32> to vector<16xf32>
    %get3A_4661 = arith.constant 30 : i32
    %get3A_4662 = arith.index_cast %get3A_4661 : i32 to index
    %get3A_4663 = arith.constant 96 : index
    %get3A_4664 = tpu.vector_load %arg10[%get3A_4662, %get3A_4663] {strides = array<i32>} : memref<32x128xf32, #tpu.memory_space<vmem>>, vector<1x16xf32>,
    %get3A_4665 = vector.shape_cast %get3A_4664 : vector<1x16xf32> to vector<16xf32>
    %mul3A_4666 = arith.mulf %get3A_4650, %get3A_4660 : vector<16xf32>
    %mul3A_4667 = arith.mulf %get3A_4655, %get3A_4665 : vector<16xf32>
    %sub3A_4668 = arith.subf %mul3A_4666, %mul3A_4667 : vector<16xf32>
    %swap3A_4669 = arith.constant 30 : i32
    %swap3A_4670 = arith.index_cast %swap3A_4669 : i32 to index
    %swap3A_4671 = arith.constant 32 : index
    %swap3A_4672 = tpu.vector_load %arg9[%swap3A_4670, %swap3A_4671] {strides = array<i32>} : memref<32x128xf32, #tpu.memory_space<vmem>>, vector<1x16xf32>,
    %swap3A_4673 = vector.shape_cast %swap3A_4672 : vector<1x16xf32> to vector<16xf32>
    %swap3A_4674 = vector.shape_cast %sub3A_4668 : vector<16xf32> to vector<1x16xf32>
    tpu.vector_store %arg9[%swap3A_4670, %swap3A_4671], %swap3A_4674 {strides = array<i32>} : memref<32x128xf32, #tpu.memory_space<vmem>>, vector<1x16xf32>,
    %mul3A_4675 = arith.mulf %get3A_4650, %get3A_4665 : vector<16xf32>
    %mul3A_4676 = arith.mulf %get3A_4655, %get3A_4660 : vector<16xf32>
    %add3A_4677 = arith.addf %mul3A_4675, %mul3A_4676 : vector<16xf32>
    %swap3A_4678 = arith.constant 30 : i32
    %swap3A_4679 = arith.index_cast %swap3A_4678 : i32 to index
    %swap3A_4680 = arith.constant 96 : index
    %swap3A_4681 = tpu.vector_load %arg9[%swap3A_4679, %swap3A_4680] {strides = array<i32>} : memref<32x128xf32, #tpu.memory_space<vmem>>, vector<1x16xf32>,
    %swap3A_4682 = vector.shape_cast %swap3A_4681 : vector<1x16xf32> to vector<16xf32>
    %swap3A_4683 = vector.shape_cast %add3A_4677 : vector<16xf32> to vector<1x16xf32>
    tpu.vector_store %arg9[%swap3A_4679, %swap3A_4680], %swap3A_4683 {strides = array<i32>} : memref<32x128xf32, #tpu.memory_space<vmem>>, vector<1x16xf32>,
    %get3A_4684 = arith.constant 30 : i32
    %get3A_4685 = arith.index_cast %get3A_4684 : i32 to index
    %get3A_4686 = arith.constant 48 : index
    %get3A_4687 = tpu.vector_load %arg9[%get3A_4685, %get3A_4686] {strides = array<i32>} : memref<32x128xf32, #tpu.memory_space<vmem>>, vector<1x16xf32>,
    %get3A_4688 = vector.shape_cast %get3A_4687 : vector<1x16xf32> to vector<16xf32>
    %get3A_4689 = arith.constant 30 : i32
    %get3A_4690 = arith.index_cast %get3A_4689 : i32 to index
    %get3A_4691 = arith.constant 112 : index
    %get3A_4692 = tpu.vector_load %arg9[%get3A_4690, %get3A_4691] {strides = array<i32>} : memref<32x128xf32, #tpu.memory_space<vmem>>, vector<1x16xf32>,
    %get3A_4693 = vector.shape_cast %get3A_4692 : vector<1x16xf32> to vector<16xf32>
    %get3A_4694 = arith.constant 30 : i32
    %get3A_4695 = arith.index_cast %get3A_4694 : i32 to index
    %get3A_4696 = arith.constant 48 : index
    %get3A_4697 = tpu.vector_load %arg10[%get3A_4695, %get3A_4696] {strides = array<i32>} : memref<32x128xf32, #tpu.memory_space<vmem>>, vector<1x16xf32>,
    %get3A_4698 = vector.shape_cast %get3A_4697 : vector<1x16xf32> to vector<16xf32>
    %get3A_4699 = arith.constant 30 : i32
    %get3A_4700 = arith.index_cast %get3A_4699 : i32 to index
    %get3A_4701 = arith.constant 112 : index
    %get3A_4702 = tpu.vector_load %arg10[%get3A_4700, %get3A_4701] {strides = array<i32>} : memref<32x128xf32, #tpu.memory_space<vmem>>, vector<1x16xf32>,
    %get3A_4703 = vector.shape_cast %get3A_4702 : vector<1x16xf32> to vector<16xf32>
    %mul3A_4704 = arith.mulf %get3A_4688, %get3A_4698 : vector<16xf32>
    %mul3A_4705 = arith.mulf %get3A_4693, %get3A_4703 : vector<16xf32>
    %sub3A_4706 = arith.subf %mul3A_4704, %mul3A_4705 : vector<16xf32>
    %swap3A_4707 = arith.constant 30 : i32
    %swap3A_4708 = arith.index_cast %swap3A_4707 : i32 to index
    %swap3A_4709 = arith.constant 48 : index
    %swap3A_4710 = tpu.vector_load %arg9[%swap3A_4708, %swap3A_4709] {strides = array<i32>} : memref<32x128xf32, #tpu.memory_space<vmem>>, vector<1x16xf32>,
    %swap3A_4711 = vector.shape_cast %swap3A_4710 : vector<1x16xf32> to vector<16xf32>
    %swap3A_4712 = vector.shape_cast %sub3A_4706 : vector<16xf32> to vector<1x16xf32>
    tpu.vector_store %arg9[%swap3A_4708, %swap3A_4709], %swap3A_4712 {strides = array<i32>} : memref<32x128xf32, #tpu.memory_space<vmem>>, vector<1x16xf32>,
    %mul3A_4713 = arith.mulf %get3A_4688, %get3A_4703 : vector<16xf32>
    %mul3A_4714 = arith.mulf %get3A_4693, %get3A_4698 : vector<16xf32>
    %add3A_4715 = arith.addf %mul3A_4713, %mul3A_4714 : vector<16xf32>
    %swap3A_4716 = arith.constant 30 : i32
    %swap3A_4717 = arith.index_cast %swap3A_4716 : i32 to index
    %swap3A_4718 = arith.constant 112 : index
    %swap3A_4719 = tpu.vector_load %arg9[%swap3A_4717, %swap3A_4718] {strides = array<i32>} : memref<32x128xf32, #tpu.memory_space<vmem>>, vector<1x16xf32>,
    %swap3A_4720 = vector.shape_cast %swap3A_4719 : vector<1x16xf32> to vector<16xf32>
    %swap3A_4721 = vector.shape_cast %add3A_4715 : vector<16xf32> to vector<1x16xf32>
    tpu.vector_store %arg9[%swap3A_4717, %swap3A_4718], %swap3A_4721 {strides = array<i32>} : memref<32x128xf32, #tpu.memory_space<vmem>>, vector<1x16xf32>,
    %get3A_4722 = arith.constant 31 : i32
    %get3A_4723 = arith.index_cast %get3A_4722 : i32 to index
    %get3A_4724 = arith.constant 0 : index
    %get3A_4725 = tpu.vector_load %arg9[%get3A_4723, %get3A_4724] {strides = array<i32>} : memref<32x128xf32, #tpu.memory_space<vmem>>, vector<1x16xf32>,
    %get3A_4726 = vector.shape_cast %get3A_4725 : vector<1x16xf32> to vector<16xf32>
    %get3A_4727 = arith.constant 31 : i32
    %get3A_4728 = arith.index_cast %get3A_4727 : i32 to index
    %get3A_4729 = arith.constant 64 : index
    %get3A_4730 = tpu.vector_load %arg9[%get3A_4728, %get3A_4729] {strides = array<i32>} : memref<32x128xf32, #tpu.memory_space<vmem>>, vector<1x16xf32>,
    %get3A_4731 = vector.shape_cast %get3A_4730 : vector<1x16xf32> to vector<16xf32>
    %get3A_4732 = arith.constant 31 : i32
    %get3A_4733 = arith.index_cast %get3A_4732 : i32 to index
    %get3A_4734 = arith.constant 0 : index
    %get3A_4735 = tpu.vector_load %arg10[%get3A_4733, %get3A_4734] {strides = array<i32>} : memref<32x128xf32, #tpu.memory_space<vmem>>, vector<1x16xf32>,
    %get3A_4736 = vector.shape_cast %get3A_4735 : vector<1x16xf32> to vector<16xf32>
    %get3A_4737 = arith.constant 31 : i32
    %get3A_4738 = arith.index_cast %get3A_4737 : i32 to index
    %get3A_4739 = arith.constant 64 : index
    %get3A_4740 = tpu.vector_load %arg10[%get3A_4738, %get3A_4739] {strides = array<i32>} : memref<32x128xf32, #tpu.memory_space<vmem>>, vector<1x16xf32>,
    %get3A_4741 = vector.shape_cast %get3A_4740 : vector<1x16xf32> to vector<16xf32>
    %mul3A_4742 = arith.mulf %get3A_4726, %get3A_4736 : vector<16xf32>
    %mul3A_4743 = arith.mulf %get3A_4731, %get3A_4741 : vector<16xf32>
    %sub3A_4744 = arith.subf %mul3A_4742, %mul3A_4743 : vector<16xf32>
    %swap3A_4745 = arith.constant 31 : i32
    %swap3A_4746 = arith.index_cast %swap3A_4745 : i32 to index
    %swap3A_4747 = arith.constant 0 : index
    %swap3A_4748 = tpu.vector_load %arg9[%swap3A_4746, %swap3A_4747] {strides = array<i32>} : memref<32x128xf32, #tpu.memory_space<vmem>>, vector<1x16xf32>,
    %swap3A_4749 = vector.shape_cast %swap3A_4748 : vector<1x16xf32> to vector<16xf32>
    %swap3A_4750 = vector.shape_cast %sub3A_4744 : vector<16xf32> to vector<1x16xf32>
    tpu.vector_store %arg9[%swap3A_4746, %swap3A_4747], %swap3A_4750 {strides = array<i32>} : memref<32x128xf32, #tpu.memory_space<vmem>>, vector<1x16xf32>,
    %mul3A_4751 = arith.mulf %get3A_4726, %get3A_4741 : vector<16xf32>
    %mul3A_4752 = arith.mulf %get3A_4731, %get3A_4736 : vector<16xf32>
    %add3A_4753 = arith.addf %mul3A_4751, %mul3A_4752 : vector<16xf32>
    %swap3A_4754 = arith.constant 31 : i32
    %swap3A_4755 = arith.index_cast %swap3A_4754 : i32 to index
    %swap3A_4756 = arith.constant 64 : index
    %swap3A_4757 = tpu.vector_load %arg9[%swap3A_4755, %swap3A_4756] {strides = array<i32>} : memref<32x128xf32, #tpu.memory_space<vmem>>, vector<1x16xf32>,
    %swap3A_4758 = vector.shape_cast %swap3A_4757 : vector<1x16xf32> to vector<16xf32>
    %swap3A_4759 = vector.shape_cast %add3A_4753 : vector<16xf32> to vector<1x16xf32>
    tpu.vector_store %arg9[%swap3A_4755, %swap3A_4756], %swap3A_4759 {strides = array<i32>} : memref<32x128xf32, #tpu.memory_space<vmem>>, vector<1x16xf32>,
    %get3A_4760 = arith.constant 31 : i32
    %get3A_4761 = arith.index_cast %get3A_4760 : i32 to index
    %get3A_4762 = arith.constant 16 : index
    %get3A_4763 = tpu.vector_load %arg9[%get3A_4761, %get3A_4762] {strides = array<i32>} : memref<32x128xf32, #tpu.memory_space<vmem>>, vector<1x16xf32>,
    %get3A_4764 = vector.shape_cast %get3A_4763 : vector<1x16xf32> to vector<16xf32>
    %get3A_4765 = arith.constant 31 : i32
    %get3A_4766 = arith.index_cast %get3A_4765 : i32 to index
    %get3A_4767 = arith.constant 80 : index
    %get3A_4768 = tpu.vector_load %arg9[%get3A_4766, %get3A_4767] {strides = array<i32>} : memref<32x128xf32, #tpu.memory_space<vmem>>, vector<1x16xf32>,
    %get3A_4769 = vector.shape_cast %get3A_4768 : vector<1x16xf32> to vector<16xf32>
    %get3A_4770 = arith.constant 31 : i32
    %get3A_4771 = arith.index_cast %get3A_4770 : i32 to index
    %get3A_4772 = arith.constant 16 : index
    %get3A_4773 = tpu.vector_load %arg10[%get3A_4771, %get3A_4772] {strides = array<i32>} : memref<32x128xf32, #tpu.memory_space<vmem>>, vector<1x16xf32>,
    %get3A_4774 = vector.shape_cast %get3A_4773 : vector<1x16xf32> to vector<16xf32>
    %get3A_4775 = arith.constant 31 : i32
    %get3A_4776 = arith.index_cast %get3A_4775 : i32 to index
    %get3A_4777 = arith.constant 80 : index
    %get3A_4778 = tpu.vector_load %arg10[%get3A_4776, %get3A_4777] {strides = array<i32>} : memref<32x128xf32, #tpu.memory_space<vmem>>, vector<1x16xf32>,
    %get3A_4779 = vector.shape_cast %get3A_4778 : vector<1x16xf32> to vector<16xf32>
    %mul3A_4780 = arith.mulf %get3A_4764, %get3A_4774 : vector<16xf32>
    %mul3A_4781 = arith.mulf %get3A_4769, %get3A_4779 : vector<16xf32>
    %sub3A_4782 = arith.subf %mul3A_4780, %mul3A_4781 : vector<16xf32>
    %swap3A_4783 = arith.constant 31 : i32
    %swap3A_4784 = arith.index_cast %swap3A_4783 : i32 to index
    %swap3A_4785 = arith.constant 16 : index
    %swap3A_4786 = tpu.vector_load %arg9[%swap3A_4784, %swap3A_4785] {strides = array<i32>} : memref<32x128xf32, #tpu.memory_space<vmem>>, vector<1x16xf32>,
    %swap3A_4787 = vector.shape_cast %swap3A_4786 : vector<1x16xf32> to vector<16xf32>
    %swap3A_4788 = vector.shape_cast %sub3A_4782 : vector<16xf32> to vector<1x16xf32>
    tpu.vector_store %arg9[%swap3A_4784, %swap3A_4785], %swap3A_4788 {strides = array<i32>} : memref<32x128xf32, #tpu.memory_space<vmem>>, vector<1x16xf32>,
    %mul3A_4789 = arith.mulf %get3A_4764, %get3A_4779 : vector<16xf32>
    %mul3A_4790 = arith.mulf %get3A_4769, %get3A_4774 : vector<16xf32>
    %add3A_4791 = arith.addf %mul3A_4789, %mul3A_4790 : vector<16xf32>
    %swap3A_4792 = arith.constant 31 : i32
    %swap3A_4793 = arith.index_cast %swap3A_4792 : i32 to index
    %swap3A_4794 = arith.constant 80 : index
    %swap3A_4795 = tpu.vector_load %arg9[%swap3A_4793, %swap3A_4794] {strides = array<i32>} : memref<32x128xf32, #tpu.memory_space<vmem>>, vector<1x16xf32>,
    %swap3A_4796 = vector.shape_cast %swap3A_4795 : vector<1x16xf32> to vector<16xf32>
    %swap3A_4797 = vector.shape_cast %add3A_4791 : vector<16xf32> to vector<1x16xf32>
    tpu.vector_store %arg9[%swap3A_4793, %swap3A_4794], %swap3A_4797 {strides = array<i32>} : memref<32x128xf32, #tpu.memory_space<vmem>>, vector<1x16xf32>,
    %get3A_4798 = arith.constant 31 : i32
    %get3A_4799 = arith.index_cast %get3A_4798 : i32 to index
    %get3A_4800 = arith.constant 32 : index
    %get3A_4801 = tpu.vector_load %arg9[%get3A_4799, %get3A_4800] {strides = array<i32>} : memref<32x128xf32, #tpu.memory_space<vmem>>, vector<1x16xf32>,
    %get3A_4802 = vector.shape_cast %get3A_4801 : vector<1x16xf32> to vector<16xf32>
    %get3A_4803 = arith.constant 31 : i32
    %get3A_4804 = arith.index_cast %get3A_4803 : i32 to index
    %get3A_4805 = arith.constant 96 : index
    %get3A_4806 = tpu.vector_load %arg9[%get3A_4804, %get3A_4805] {strides = array<i32>} : memref<32x128xf32, #tpu.memory_space<vmem>>, vector<1x16xf32>,
    %get3A_4807 = vector.shape_cast %get3A_4806 : vector<1x16xf32> to vector<16xf32>
    %get3A_4808 = arith.constant 31 : i32
    %get3A_4809 = arith.index_cast %get3A_4808 : i32 to index
    %get3A_4810 = arith.constant 32 : index
    %get3A_4811 = tpu.vector_load %arg10[%get3A_4809, %get3A_4810] {strides = array<i32>} : memref<32x128xf32, #tpu.memory_space<vmem>>, vector<1x16xf32>,
    %get3A_4812 = vector.shape_cast %get3A_4811 : vector<1x16xf32> to vector<16xf32>
    %get3A_4813 = arith.constant 31 : i32
    %get3A_4814 = arith.index_cast %get3A_4813 : i32 to index
    %get3A_4815 = arith.constant 96 : index
    %get3A_4816 = tpu.vector_load %arg10[%get3A_4814, %get3A_4815] {strides = array<i32>} : memref<32x128xf32, #tpu.memory_space<vmem>>, vector<1x16xf32>,
    %get3A_4817 = vector.shape_cast %get3A_4816 : vector<1x16xf32> to vector<16xf32>
    %mul3A_4818 = arith.mulf %get3A_4802, %get3A_4812 : vector<16xf32>
    %mul3A_4819 = arith.mulf %get3A_4807, %get3A_4817 : vector<16xf32>
    %sub3A_4820 = arith.subf %mul3A_4818, %mul3A_4819 : vector<16xf32>
    %swap3A_4821 = arith.constant 31 : i32
    %swap3A_4822 = arith.index_cast %swap3A_4821 : i32 to index
    %swap3A_4823 = arith.constant 32 : index
    %swap3A_4824 = tpu.vector_load %arg9[%swap3A_4822, %swap3A_4823] {strides = array<i32>} : memref<32x128xf32, #tpu.memory_space<vmem>>, vector<1x16xf32>,
    %swap3A_4825 = vector.shape_cast %swap3A_4824 : vector<1x16xf32> to vector<16xf32>
    %swap3A_4826 = vector.shape_cast %sub3A_4820 : vector<16xf32> to vector<1x16xf32>
    tpu.vector_store %arg9[%swap3A_4822, %swap3A_4823], %swap3A_4826 {strides = array<i32>} : memref<32x128xf32, #tpu.memory_space<vmem>>, vector<1x16xf32>,
    %mul3A_4827 = arith.mulf %get3A_4802, %get3A_4817 : vector<16xf32>
    %mul3A_4828 = arith.mulf %get3A_4807, %get3A_4812 : vector<16xf32>
    %add3A_4829 = arith.addf %mul3A_4827, %mul3A_4828 : vector<16xf32>
    %swap3A_4830 = arith.constant 31 : i32
    %swap3A_4831 = arith.index_cast %swap3A_4830 : i32 to index
    %swap3A_4832 = arith.constant 96 : index
    %swap3A_4833 = tpu.vector_load %arg9[%swap3A_4831, %swap3A_4832] {strides = array<i32>} : memref<32x128xf32, #tpu.memory_space<vmem>>, vector<1x16xf32>,
    %swap3A_4834 = vector.shape_cast %swap3A_4833 : vector<1x16xf32> to vector<16xf32>
    %swap3A_4835 = vector.shape_cast %add3A_4829 : vector<16xf32> to vector<1x16xf32>
    tpu.vector_store %arg9[%swap3A_4831, %swap3A_4832], %swap3A_4835 {strides = array<i32>} : memref<32x128xf32, #tpu.memory_space<vmem>>, vector<1x16xf32>,
    %get3A_4836 = arith.constant 31 : i32
    %get3A_4837 = arith.index_cast %get3A_4836 : i32 to index
    %get3A_4838 = arith.constant 48 : index
    %get3A_4839 = tpu.vector_load %arg9[%get3A_4837, %get3A_4838] {strides = array<i32>} : memref<32x128xf32, #tpu.memory_space<vmem>>, vector<1x16xf32>,
    %get3A_4840 = vector.shape_cast %get3A_4839 : vector<1x16xf32> to vector<16xf32>
    %get3A_4841 = arith.constant 31 : i32
    %get3A_4842 = arith.index_cast %get3A_4841 : i32 to index
    %get3A_4843 = arith.constant 112 : index
    %get3A_4844 = tpu.vector_load %arg9[%get3A_4842, %get3A_4843] {strides = array<i32>} : memref<32x128xf32, #tpu.memory_space<vmem>>, vector<1x16xf32>,
    %get3A_4845 = vector.shape_cast %get3A_4844 : vector<1x16xf32> to vector<16xf32>
    %get3A_4846 = arith.constant 31 : i32
    %get3A_4847 = arith.index_cast %get3A_4846 : i32 to index
    %get3A_4848 = arith.constant 48 : index
    %get3A_4849 = tpu.vector_load %arg10[%get3A_4847, %get3A_4848] {strides = array<i32>} : memref<32x128xf32, #tpu.memory_space<vmem>>, vector<1x16xf32>,
    %get3A_4850 = vector.shape_cast %get3A_4849 : vector<1x16xf32> to vector<16xf32>
    %get3A_4851 = arith.constant 31 : i32
    %get3A_4852 = arith.index_cast %get3A_4851 : i32 to index
    %get3A_4853 = arith.constant 112 : index
    %get3A_4854 = tpu.vector_load %arg10[%get3A_4852, %get3A_4853] {strides = array<i32>} : memref<32x128xf32, #tpu.memory_space<vmem>>, vector<1x16xf32>,
    %get3A_4855 = vector.shape_cast %get3A_4854 : vector<1x16xf32> to vector<16xf32>
    %mul3A_4856 = arith.mulf %get3A_4840, %get3A_4850 : vector<16xf32>
    %mul3A_4857 = arith.mulf %get3A_4845, %get3A_4855 : vector<16xf32>
    %sub3A_4858 = arith.subf %mul3A_4856, %mul3A_4857 : vector<16xf32>
    %swap3A_4859 = arith.constant 31 : i32
    %swap3A_4860 = arith.index_cast %swap3A_4859 : i32 to index
    %swap3A_4861 = arith.constant 48 : index
    %swap3A_4862 = tpu.vector_load %arg9[%swap3A_4860, %swap3A_4861] {strides = array<i32>} : memref<32x128xf32, #tpu.memory_space<vmem>>, vector<1x16xf32>,
    %swap3A_4863 = vector.shape_cast %swap3A_4862 : vector<1x16xf32> to vector<16xf32>
    %swap3A_4864 = vector.shape_cast %sub3A_4858 : vector<16xf32> to vector<1x16xf32>
    tpu.vector_store %arg9[%swap3A_4860, %swap3A_4861], %swap3A_4864 {strides = array<i32>} : memref<32x128xf32, #tpu.memory_space<vmem>>, vector<1x16xf32>,
    %mul3A_4865 = arith.mulf %get3A_4840, %get3A_4855 : vector<16xf32>
    %mul3A_4866 = arith.mulf %get3A_4845, %get3A_4850 : vector<16xf32>
    %add3A_4867 = arith.addf %mul3A_4865, %mul3A_4866 : vector<16xf32>
    %swap3A_4868 = arith.constant 31 : i32
    %swap3A_4869 = arith.index_cast %swap3A_4868 : i32 to index
    %swap3A_4870 = arith.constant 112 : index
    %swap3A_4871 = tpu.vector_load %arg9[%swap3A_4869, %swap3A_4870] {strides = array<i32>} : memref<32x128xf32, #tpu.memory_space<vmem>>, vector<1x16xf32>,
    %swap3A_4872 = vector.shape_cast %swap3A_4871 : vector<1x16xf32> to vector<16xf32>
    %swap3A_4873 = vector.shape_cast %add3A_4867 : vector<16xf32> to vector<1x16xf32>
    tpu.vector_store %arg9[%swap3A_4869, %swap3A_4870], %swap3A_4873 {strides = array<i32>} : memref<32x128xf32, #tpu.memory_space<vmem>>, vector<1x16xf32>,
    "tpu.region"() ({
      %run_scoped3A = tpu.sem_alloc : memref<!tpu.dma_semaphore, #tpu.memory_space<semaphore_mem>>
      %dma_start3A_4874 = arith.constant 0 : i32
      %dma_start3A_4875 = tpu.memref_slice %arg6[%mul3A_2, %dma_start3A_4874] : memref<1024x128xf32, #tpu.memory_space<hbm>> -> memref<32x128xf32, #tpu.memory_space<hbm>>
      %dma_start3A_4876 = arith.constant 0 : i32
      %dma_start3A_4877 = tpu.memref_slice %arg6[%mul3A_2, %dma_start3A_4876] : memref<1024x128xf32, #tpu.memory_space<hbm>> -> memref<32x128xf32, #tpu.memory_space<hbm>>
      tpu.enqueue_dma source(%arg9 : memref<32x128xf32, #tpu.memory_space<vmem>>) target(%dma_start3A_4877 : memref<32x128xf32, #tpu.memory_space<hbm>>) target_semaphore(%run_scoped3A : memref<!tpu.dma_semaphore, #tpu.memory_space<semaphore_mem>>)
      %dma_wait3A_4878 = arith.constant 0 : i32
      %dma_wait3A_4879 = tpu.memref_slice %arg6[%mul3A_2, %dma_wait3A_4878] : memref<1024x128xf32, #tpu.memory_space<hbm>> -> memref<32x128xf32, #tpu.memory_space<hbm>>
      %dma_wait3A_4880 = arith.constant 0 : i32
      %dma_wait3A_4881 = tpu.memref_slice %arg6[%mul3A_2, %dma_wait3A_4880] : memref<1024x128xf32, #tpu.memory_space<hbm>> -> memref<32x128xf32, #tpu.memory_space<hbm>>
      tpu.wait_dma2 semaphore(%run_scoped3A : memref<!tpu.dma_semaphore, #tpu.memory_space<semaphore_mem>>) src(%arg9 : memref<32x128xf32, #tpu.memory_space<vmem>>) dst(%dma_wait3A_4881 : memref<32x128xf32, #tpu.memory_space<hbm>>)
      tpu.yield
    }) : () -> ()
    return
  }
}

</mosaic_0001>

<sc_bundles>
// kernel: _combine.3.cloned.1.call-start
scs
__scs_entry_jumppad:
0x0: {  	(pc) =	sbr.rel $0x88, $3  }
0x1: {  	(tag) =	ssettag $0x0;
	lr =	simm.s32 $0x1  }
0x2: {  	[smem:$0x3F9D] =	sst lr;
	_ =	strace $0xD0000000  }
0x3: {  	_ = 	snop  }
0x4: {  	_ = 	snop  }
0x5: {  	_ = 	snop  }
0x6: {  	_ = 	snop  }
0x7: {  	_ = 	snop  }
__scs_overlays_trampoline_lowered:
0x8: {  	[smem:$0x3FAC] =	sst s0  }
0x9: {  	[smem:$0x3FAD] =	sst s1  }
0xa: {  	[smem:$0x3FAE] =	sst s2  }
0xb: {  	[smem:$0x3FAF] =	sst s3  }
0xc: {  	[smem:$0x3FB0] =	sst s4  }
0xd: {  	[smem:$0x3FB1] =	sst s5  }
0xe: {  	[smem:$0x3FB2] =	sst s6  }
0xf: {  	[smem:$0x3FB3] =	sst s7  }
0x10: {  	[smem:$0x3FB4] =	sst s8  }
0x11: {  	[smem:$0x3FB5] =	sst s9;
	s0 =	simm.s32 @!p0 $0x0  }
0x12: {  	s1 =	sld [smem:$0x3F9B];
	s0 =	simm.s32 @p0 $0x1  }
0x13: {  	[smem:$0x3FB6] =	sst s0;
	s0 =	simm.s32 @!p1 $0x0  }
0x14: {  	s2 =	sld [smem:$0x3F9A];
	s0 =	simm.s32 @p1 $0x1  }
0x15: {  	[smem:$0x3FB7] =	sst s0;
	s0 =	simm.s32 @!p2 $0x0  }
0x16: {  	s3 =	sld [smem:$0x3FDB];
	s0 =	simm.s32 @p2 $0x1  }
0x17: {  	s4 =	simm.s32 $0x1BF5;
	[smem:$0x3FB9] =	sst s0  }
0x18: {  	s0 =	sld [smem:$0x3F9C];
	_ =	swait.ge [sflag:s4], $0x0  }
0x19: {  	s7 =	sld [smem:$0x3F9D]  }
0x1a: {  	s8 =	sadd.s32 $0xFFFFE003, lr  }
0x1b: {  	s9 =	sadd.s32 $0xFFFFFEF7, lr;
	s5 =	simm.s32 $0xFFFFFFFF;
	p2 =	slt.u32 s8, $0xFFFFF086  }
0x1c: {  	p1 =	slt.u32 s9, $0xF7A;
	s5 =	simm.s32 @!p2 $0x0  }
0x1d: {  	s5 =	simm.s32 @p1 $0x1;
	p0 =	seq.s32 s7, s2  }
0x1e: {  	s7 =	smul.u32 @!p0 $0xF7A, s2;
	p2 =	seq.s32 @!p0 s5, $0x0  }
0x1f: {  	s9 =	smul.u32 $0xF7A, s1;
	s8 =	simm.s32 @!p0 $0x1BF5;
	p2 =	por !p2, p0  }
0x20: {  	[sflag:s8] =	ssyncset.s32 @!p0 $0xFFFFF086;
	s6 =	sadd.s32 @!p0 s3, s7;
	s7 =	simm.s32 @!p0 $0x108  }
0x21: {  	s3 =	sadd.s32 s3, s9;
	s6 =	sadd.s32 @!p0 $0x88, s6;
	s7 =	simm.s32 @p2 $0x1082  }
0x22: {  	[simem:s7], [sflag:s8] =	dma.local @!p0 [hbm:s6], $0xF7A  }
0x23: {  	s9 =	sor.u32 $0xD0000000, s2;
	s6 =	simm.s32 $0x108;
	_ =	swait.ge @!p0 [sflag:s8], $0x0  }
0x24: {  	s3 =	sadd.s32 $0x88, s3;
	s6 =	simm.s32 @!p1 $0x1082;
	[sflag:s4] =	ssyncset.s32 $0xFFFFF086  }
0x25: {  	[simem:s6], [sflag:s4] =	dma.local [hbm:s3], $0xF7A  }
0x26: {  	[smem:$0x3F9D] =	sst s1;
	(tag) =	ssettag s2;
	_ =	strace s9  }
0x27: {  	s1 =	sld [smem:$0x3FAD]  }
0x28: {  	s2 =	sld [smem:$0x3FAE]  }
0x29: {  	s4 =	sld [smem:$0x3FB0]  }
0x2a: {  	p0 =	seq.s32 s5, $0x0;
	s5 =	sld [smem:$0x3FB1]  }
0x2b: {  	s6 =	sld [smem:$0x3FB2]  }
0x2c: {  	s7 =	sld [smem:$0x3FB3]  }
0x2d: {  	s3 =	simm.s32 $0x108;
	s8 =	sld [smem:$0x3FB4]  }
0x2e: {  	s3 =	simm.s32 @!p0 $0x1082;
	s9 =	sld [smem:$0x3FB5]  }
0x2f: {  	lr =	sadd.s32 s0, s3;
	s0 =	sld [smem:$0x3FAC]  }
0x30: {  	s3 =	sld [smem:$0x3FAF]  }
0x31: {  	[smem:$0x3FB8] =	sst s10  }
0x32: {  	s10 =	sld [smem:$0x3FB6];
	_ =	sdelay $0x3  }
0x33: {  	p0 =	seq.s32 s10, $0x1;
	s10 =	sld [smem:$0x3FB8];
	_ =	sdelay $0x3  }
0x34: {  	[smem:$0x3FB8] =	sst s10  }
0x35: {  	s10 =	sld [smem:$0x3FB7];
	_ =	sdelay $0x3  }
0x36: {  	p1 =	seq.s32 s10, $0x1;
	s10 =	sld [smem:$0x3FB8];
	_ =	sdelay $0x3  }
0x37: {  	[smem:$0x3FB8] =	sst s10  }
0x38: {  	s10 =	sld [smem:$0x3FB9]  }
0x39: {  	_ = 	snop;
	(pc) =	sbr.ind lr, $3  }
0x3a: {  	_ = 	snop  }
0x3b: {  	_ = 	snop  }
0x3c: {  	p2 =	seq.s32 s10, $0x1;
	s10 =	sld [smem:$0x3FB8]  }
0x3d: {  	_ =	shalt  }
0x3e: {  	_ =	shalt  }
0x3f: {  	_ =	shalt  }
0x40: {  	_ =	shalt  }
0x41: {  	_ =	shalt  }
0x42: {  	_ =	shalt  }
0x43: {  	_ =	shalt  }
0x44: {  	_ =	shalt  }
0x45: {  	_ =	shalt  }
0x46: {  	_ =	shalt  }
0x47: {  	_ =	shalt  }
0x48: {  	_ =	shalt  }
0x49: {  	_ =	shalt  }
0x4a: {  	_ =	shalt  }
0x4b: {  	_ =	shalt  }
0x4c: {  	_ =	shalt  }
0x4d: {  	_ =	shalt  }
0x4e: {  	_ =	shalt  }
0x4f: {  	_ =	shalt  }
0x50: {  	_ =	shalt  }
0x51: {  	_ =	shalt  }
0x52: {  	_ =	shalt  }
0x53: {  	_ =	shalt  }
0x54: {  	_ =	shalt  }
0x55: {  	_ =	shalt  }
0x56: {  	_ =	shalt  }
0x57: {  	_ =	shalt  }
0x58: {  	_ =	shalt  }
0x59: {  	_ =	shalt  }
0x5a: {  	_ =	shalt  }
0x5b: {  	_ =	shalt  }
0x5c: {  	_ =	shalt  }
0x5d: {  	_ =	shalt  }
0x5e: {  	_ =	shalt  }
0x5f: {  	_ =	shalt  }
0x60: {  	_ =	shalt  }
0x61: {  	_ =	shalt  }
0x62: {  	_ =	shalt  }
0x63: {  	_ =	shalt  }
0x64: {  	_ =	shalt  }
0x65: {  	_ =	shalt  }
0x66: {  	_ =	shalt  }
0x67: {  	_ =	shalt  }
0x68: {  	_ =	shalt  }
0x69: {  	_ =	shalt  }
0x6a: {  	_ =	shalt  }
0x6b: {  	_ =	shalt  }
0x6c: {  	_ =	shalt  }
0x6d: {  	_ =	shalt  }
0x6e: {  	_ =	shalt  }
0x6f: {  	_ =	shalt  }
0x70: {  	_ =	shalt  }
0x71: {  	_ =	shalt  }
0x72: {  	_ =	shalt  }
0x73: {  	_ =	shalt  }
0x74: {  	_ =	shalt  }
0x75: {  	_ =	shalt  }
0x76: {  	_ =	shalt  }
0x77: {  	_ =	shalt  }
0x78: {  	_ =	shalt  }
0x79: {  	_ =	shalt  }
0x7a: {  	_ =	shalt  }
0x7b: {  	_ =	shalt  }
0x7c: {  	_ =	shalt  }
0x7d: {  	_ =	shalt  }
0x7e: {  	_ =	shalt  }
0x7f: {  	_ =	shalt  }
0x80: {  	_ =	shalt  }
0x81: {  	_ =	shalt  }
0x82: {  	_ =	shalt  }
0x83: {  	_ =	shalt  }
0x84: {  	_ =	shalt  }
0x85: {  	_ =	shalt  }
0x86: {  	_ =	shalt  }
0x87: {  	_ =	shalt  }
.Lfunc_end0:
.L_simem_size_0:
called_computation_lowered:
.L_overlay_start_0:
0x88: {  	s2 =	sld [smem:$0x3FD9]  }
0x89: {  	s3 =	sld [smem:$0x3FFE];
	_ =	sdelay $0x1  }
0x8a: {  	s1 =	srdreg.scid  }
0x8b: {  	s0 =	sand.u32 $0x1, s1  }
0x8c: {  	s18 =	sshll.u32 s0, $0xA;
	s2 =	sadd.s32 s3, s2  }
0x8d: {  	s2 =	sadd.s32 s2, s18  }
0x8e: {  	[smem:$0x3FC4] =	sst s2  }
0x8f: {  	_ = 	snop  }
0x90: {  	s2 =	sld [smem:$0x3FC9]  }
0x91: {  	s19 =	sld [smem:$0x3FC8]  }
0x92: {  	s4 =	sld [smem:$0x3FC7]  }
0x93: {  	s5 =	sld [smem:$0x3FC6]  }
0x94: {  	s6 =	sld [smem:$0x3FD0];
	(tm) =	ssettm $0x1  }
0x95: {  	s7 =	sld [smem:$0x3FFB];
	_ =	sdelay $0x3  }
0x96: {  	_ =	strace s7  }
0x97: {  	s7 =	sld [smem:$0x3FFC];
	_ =	sdelay $0x3  }
0x98: {  	_ =	strace s7  }
0x99: {  	s7 =	sld [smem:$0x3FFD];
	_ =	sdelay $0x3  }
0x9a: {  	_ =	strace s7  }
0x9b: {  	_ =	strace $0x8FFFFFFF  }
0x9c: {  	s20 =	sld [smem:$0x3FDB];
	_ =	sdelay $0x1  }
0x9d: {  	s8 =	simm.s32 $_scs_section_size  }
0x9e: {  	s9 =	simm.s32 $_size__tile_overlayer_lowered;
	s10 =	simm.s32 $_tile_overlayer_lowered  }
0x9f: {  	s23 =	simm.s32 $0x1BFF;
	s22 =	sshll.u32 s10, $0x1;
	s7 =	sadd.s32 s8, s20  }
0xa0: {  	s11 =	simm.s32 $0x0;
	s21 =	sshll.u32 s9, $0x1;
	s9 =	sadd.s32 s22, s7  }
0xa1: {  	[timem:s11], [sflag:s23] =	dma.local [hbm:s9], s21  }
0xa2: {  	_ =	swait.ge [sflag:s23], s21  }
0xa3: {  	s8 =	ssub.s32 $0x0, s21;
	[sflag:s23] =	ssyncset.done $0x0  }
0xa4: {  	[sflag:s23] =	ssyncadd.s32 s8;
	_ =	sdelay $0x1  }
0xa5: {  	s24 =	simm.s32 $0x1B8B  }
0xa6: {  	_ =	swait.ge [sflag:s24], $0x1  }
0xa7: {  	[sflag:s24] =	ssyncset.done $0x0  }
0xa8: {  	s25 =	simm.s32 $0x1B8E;
	[sflag:s24] =	ssyncadd.s32 $0xFFFFFFFF  }
0xa9: {  	s26 =	simm.s32 $execute0_lowered;
	[smem:$0x3FD2] =	sst s25  }
0xaa: {  	s8 =	sshll.u32 s26, $0x1;
	_ =	strace $0x80000046;
	[dreg:$0x1] =	wrdreg $0xFFFFFFFF  }
0xab: {  	s28 =	simm.s32 $_size_execute0_lowered;
	s7 =	sadd.s32 s7, s8;
	[dreg:$0x0] =	wrdreg $0x0  }
0xac: {  	s8 =	sshll.u32 s28, $0x1;
	[dreg:$0x2] =	wrdreg s7  }
0xad: {  	[dreg:$0x3] =	wrdreg s8  }
0xae: {  	[dreg:$0x4] =	wrdreg $0xC0  }
0xaf: {  	_ =	task [dreg:s11], $0x5FFFF  }
0xb0: {  	[dreg:$0x1] =	wrdreg $0xFFFFFFFF  }
0xb1: {  	[dreg:$0x0] =	wrdreg $0x60  }
0xb2: {  	[dreg:$0x2] =	wrdreg s4  }
0xb3: {  	[dreg:$0x3] =	wrdreg s5  }
0xb4: {  	[dreg:$0x4] =	wrdreg s2  }
0xb5: {  	[dreg:$0x5] =	wrdreg s19  }
0xb6: {  	[dreg:$0x6] =	wrdreg s6  }
0xb7: {  	[dreg:$0x7] =	wrdreg $0x9  }
0xb8: {  	_ =	task.clear_ibuf [dreg:s11], $0x8FFFF;
	_ =	strace $0x90000046  }
0xb9: {  	s29 =	simm.s32 $0x9;
	_ =	strace $0x80000048  }
0xba: {  	_ =	swait.ge [sflag:s29], $0x1  }
0xbb: {  	[sflag:s29] =	ssyncadd.s32 $0xFFFFFFFF  }
0xbc: {  	_ =	strace $0x90000048  }
0xbd: {  	_ =	sfence  }
0xbe: {  	s30 =	sld [smem:$0x0];
	_ =	sdelay $0x2  }
0xbf: {  	s31 =	sshll.u32 s1, $0xD;
	s1 =	sshrl.u32 s1, $0x2  }
0xc0: {  	s3 =	sand.u32 $0x4000, s31;
	s1 =	sadd.s32 s1, s30  }
0xc1: {  	s0 =	sor.u32 s3, s0;
	s1 =	sshll.u32 s1, $0x11  }
0xc2: {  	s0 =	sor.u32 s1, s0  }
0xc3: {  	s0 =	sadd.s32 $0x8F2B, s0  }
0xc4: {  	[sflag:s0] =	ssyncadd.remote.s32 $0x1  }
0xc5: {  	_ =	sfence.sel $0xFFFF  }
0xc6: {  	[dreg:$0x0] =	wrdreg $0xFFFFFFFF;
	(pc) =	sbr.abs _section_cstart, $3  }
0xc7: {  	[dreg:$0x1] =	wrdreg $0xFFFFFFFF  }
0xc8: {  	_ =	task.clear_ibuf [dreg:s11], $0x2FFFF;
	_ =	strace $0x9FFFFFFF  }
0xc9: {  	(tm) =	ssettm $0x7FFFFFFF  }
tec
execute0_lowered:
.L_overlay_start_1:
0x0: {  	(tag) =	ssettag $0x1  }
0x1: {  	s1 =	rddreg [dreg:$0x0]  }
0x2: {  	s2 =	rddreg [dreg:$0x1]  }
0x3: {  	s5 =	rddreg [dreg:$0x2]  }
0x4: {  	s6 =	rddreg [dreg:$0x3]  }
0x5: {  	s7 =	rddreg [dreg:$0x4];
	s4 =	srdreg.scid  }
0x6: {  	s0 =	rddreg [dreg:$0x5];
	s3 =	stileid.u32;
	s12 =	simm.s32 $0x100  }
0x7: {  	s13 =	simm.s32 $0x1100;
	s14 =	simm.s32 $0x1;
	s8 =	sand.u32 $0x1, s4  }
0x8: {  	s4 =	simm.s32 $0x0;
	s9 =	sshll.u32 s3, $0x6;
	s10 =	sshll.u32 s8, $0x5  }
0x9: {  	[smem:$0x7FF] =	sst s4;
	s8 =	ssub.s32 $0x2, s8;
	s9 =	sor.u32 s10, s9  }
0xa: {  	_ =	strace $0x80000047;
	s31 =	sshrl.u32 s8, $0x1;
	s10 =	simm.s32 $0x80  }
0xb: {  	s11 =	sshrl.u32 s9, $0x3;
	s8 =	ssub.s32 s8, s31;
	s9 =	sshll.u32 s9, $0x4  }
0xc: {  	s5 =	sadd.s32 s5, s11;
	s6 =	sadd.s32 s6, s11;
	s7 =	sadd.s32 s7, s9  }
0xd: {  	s8 =	smax.u32 s8, $0x1;
	s9 =	simm.s32 $0x2;
	s11 =	simm.s32 $0x20  }
.LBB2_1:
0xe: {  	[tilespmem:s4], [sflag:$0x2] =	stream.linear.gather [hbm4b:s5+s4], $0x20, $0x38;
	[tilespmem:$0x2100] =	vst v63  }
0xf: {  	_ =	swait.ge [sflag:s9], $0x20  }
0x10: {  	[sflag:s9] =	ssyncset.done $0x0  }
0x11: {  	[sflag:s9] =	ssyncadd.s32 $0xFFFFFFE0  }
0x12: {  	[tilespmem:s10], [sflag:$0x2] =	stream.linear.gather [hbm4b:s6+s4], $0x20, $0x38;
	[tilespmem:$0x2100] =	vst v63  }
0x13: {  	_ =	swait.ge [sflag:s9], $0x20  }
0x14: {  	[sflag:s9] =	ssyncset.done $0x0  }
0x15: {  	[sflag:s9] =	ssyncadd.s32 $0xFFFFFFE0  }
0x16: {  	[tilespmem:s12], [sflag:$0x1] =	stream.indirect.gather [hbm4b:s1+s11], $0x80, s4, s11, $0xb8;
	[tilespmem:$0x2100] =	vst v63  }
0x17: {  	_ = 	snop  }
0x18: {  	[tilespmem:s13], [sflag:$0x1] =	stream.indirect.gather [hbm4b:s2+s11], $0x80, s10, s11, $0xb8;
	[tilespmem:$0x2100] =	vst v63  }
0x19: {  	_ =	swait.ge [sflag:s14], $0x1000  }
0x1a: {  	[sflag:s14] =	ssyncset.done $0x0  }
0x1b: {  	[sflag:s14] =	ssyncadd.s32 $0xFFFFF000  }
0x1c: {  	_ =	swait.ge [sflag:s14], $0x1000  }
0x1d: {  	[sflag:s14] =	ssyncset.done $0x0  }
0x1e: {  	[sflag:s14] =	ssyncadd.s32 $0xFFFFF000  }
0x1f: {  	v56 =	vld [tilespmem:$0x2F0];
	_ =	sdelay $0x4  }
0x20: {  	[tilespmem:$0x1F3E0] =	vst v56;
	v56 =	vld [tilespmem:$0x300];
	_ =	sdelay $0x4  }
0x21: {  	[tilespmem:$0x1F3F0] =	vst v56;
	v56 =	vld [tilespmem:$0x340];
	_ =	sdelay $0x4  }
0x22: {  	[tilespmem:$0x1F410] =	vst v56;
	v56 =	vld [tilespmem:$0x1300];
	_ =	sdelay $0x4  }
0x23: {  	[tilespmem:$0x1F400] =	vst v56;
	v56 =	vld [tilespmem:$0x1340];
	_ =	sdelay $0x4  }
0x24: {  	[tilespmem:$0x1F420] =	vst v56;
	v56 =	vld [tilespmem:$0x310];
	_ =	sdelay $0x4  }
0x25: {  	[tilespmem:$0x1F430] =	vst v56;
	v56 =	vld [tilespmem:$0x350];
	_ =	sdelay $0x4  }
0x26: {  	[tilespmem:$0x1F450] =	vst v56;
	v56 =	vld [tilespmem:$0x1310];
	_ =	sdelay $0x4  }
0x27: {  	[tilespmem:$0x1F440] =	vst v56;
	v56 =	vld [tilespmem:$0x1350];
	_ =	sdelay $0x4  }
0x28: {  	[tilespmem:$0x1F460] =	vst v56;
	v56 =	vld [tilespmem:$0x320];
	_ =	sdelay $0x4  }
0x29: {  	[tilespmem:$0x1F470] =	vst v56;
	v56 =	vld [tilespmem:$0x360];
	_ =	sdelay $0x4  }
0x2a: {  	[tilespmem:$0x1F490] =	vst v56;
	v56 =	vld [tilespmem:$0x1320];
	_ =	sdelay $0x4  }
0x2b: {  	[tilespmem:$0x1F480] =	vst v56;
	v56 =	vld [tilespmem:$0x1360];
	_ =	sdelay $0x4  }
0x2c: {  	[tilespmem:$0x1F4A0] =	vst v56;
	v56 =	vld [tilespmem:$0x330];
	_ =	sdelay $0x4  }
0x2d: {  	[tilespmem:$0x1F4B0] =	vst v56;
	v56 =	vld [tilespmem:$0x370];
	_ =	sdelay $0x4  }
0x2e: {  	[tilespmem:$0x1F4D0] =	vst v56;
	v56 =	vld [tilespmem:$0x1330];
	_ =	sdelay $0x4  }
0x2f: {  	[tilespmem:$0x1F4C0] =	vst v56;
	v56 =	vld [tilespmem:$0x1370];
	_ =	sdelay $0x3  }
0x30: {  	v21 =	vld [tilespmem:$0x100]  }
0x31: {  	[tilespmem:$0x1F4E0] =	vst v56;
	v56 =	vld [tilespmem:$0x380]  }
0x32: {  	v26 =	vld [tilespmem:$0x140]  }
0x33: {  	v27 =	vld [tilespmem:$0x1100]  }
0x34: {  	v33 =	vld [tilespmem:$0x1140]  }
0x35: {  	v4 =	vld [tilespmem:$0x110]  }
0x36: {  	[tilespmem:$0x1F4F0] =	vst v56;
	v56 =	vld [tilespmem:$0x3C0]  }
0x37: {  	v5 =	vld [tilespmem:$0x150]  }
0x38: {  	v3 =	vld [tilespmem:$0x1110]  }
0x39: {  	v2 =	vld [tilespmem:$0x1150]  }
0x3a: {  	v8 =	vld [tilespmem:$0x120]  }
0x3b: {  	[tilespmem:$0x1F510] =	vst v56;
	v56 =	vld [tilespmem:$0x1380]  }
0x3c: {  	v9 =	vld [tilespmem:$0x160]  }
0x3d: {  	v7 =	vld [tilespmem:$0x1120]  }
0x3e: {  	v6 =	vld [tilespmem:$0x1160]  }
0x3f: {  	v12 =	vld [tilespmem:$0x130]  }
0x40: {  	[tilespmem:$0x1F500] =	vst v56;
	v56 =	vld [tilespmem:$0x13C0]  }
0x41: {  	v13 =	vld [tilespmem:$0x170]  }
0x42: {  	v11 =	vld [tilespmem:$0x1130]  }
0x43: {  	v10 =	vld [tilespmem:$0x1170]  }
0x44: {  	v16 =	vld [tilespmem:$0x180]  }
0x45: {  	[tilespmem:$0x1F520] =	vst v56;
	v56 =	vld [tilespmem:$0x390]  }
0x46: {  	v17 =	vld [tilespmem:$0x1C0]  }
0x47: {  	v15 =	vld [tilespmem:$0x1180]  }
0x48: {  	v14 =	vld [tilespmem:$0x11C0]  }
0x49: {  	v20 =	vld [tilespmem:$0x190]  }
0x4a: {  	[tilespmem:$0x1F530] =	vst v56;
	v56 =	vld [tilespmem:$0x3D0]  }
0x4b: {  	v22 =	vld [tilespmem:$0x1D0]  }
0x4c: {  	v19 =	vld [tilespmem:$0x1190]  }
0x4d: {  	v18 =	vld [tilespmem:$0x11D0]  }
0x4e: {  	v31 =	vld [tilespmem:$0x1A0]  }
0x4f: {  	[tilespmem:$0x1F550] =	vst v56;
	v56 =	vld [tilespmem:$0x1390]  }
0x50: {  	v37 =	vld [tilespmem:$0x1E0]  }
0x51: {  	v24 =	vld [tilespmem:$0x11A0]  }
0x52: {  	v23 =	vld [tilespmem:$0x11E0]  }
0x53: {  	v38 =	vld [tilespmem:$0x1B0]  }
0x54: {  	[tilespmem:$0x1F540] =	vst v56;
	v56 =	vld [tilespmem:$0x13D0]  }
0x55: {  	v44 =	vld [tilespmem:$0x1F0]  }
0x56: {  	v28 =	vld [tilespmem:$0x11B0]  }
0x57: {  	v25 =	vld [tilespmem:$0x11F0]  }
0x58: {  	v42 =	vld [tilespmem:$0x200]  }
0x59: {  	[tilespmem:$0x1F560] =	vst v56;
	v56 =	vld [tilespmem:$0x3A0]  }
0x5a: {  	v46 =	vld [tilespmem:$0x240]  }
0x5b: {  	v30 =	vld [tilespmem:$0x1200]  }
0x5c: {  	v29 =	vld [tilespmem:$0x1240]  }
0x5d: {  	v49 =	vld [tilespmem:$0x210]  }
0x5e: {  	[tilespmem:$0x1F570] =	vst v56;
	v56 =	vld [tilespmem:$0x3E0]  }
0x5f: {  	v53 =	vld [tilespmem:$0x250]  }
0x60: {  	v34 =	vld [tilespmem:$0x1210]  }
0x61: {  	v32 =	vld [tilespmem:$0x1250]  }
0x62: {  	v52 =	vld [tilespmem:$0x220]  }
0x63: {  	[tilespmem:$0x1F590] =	vst v56;
	v56 =	vld [tilespmem:$0x13A0]  }
0x64: {  	v58 =	vld [tilespmem:$0x260]  }
0x65: {  	v36 =	vld [tilespmem:$0x1220]  }
0x66: {  	v35 =	vld [tilespmem:$0x1260]  }
0x67: {  	v41 =	vld [tilespmem:$0x230]  }
0x68: {  	[tilespmem:$0x1F580] =	vst v56;
	v56 =	vld [tilespmem:$0x13E0]  }
0x69: {  	v59 =	vld [tilespmem:$0x270]  }
0x6a: {  	v40 =	vld [tilespmem:$0x1230]  }
0x6b: {  	v39 =	vld [tilespmem:$0x1270]  }
0x6c: {  	v47 =	vld [tilespmem:$0x280]  }
0x6d: {  	[tilespmem:$0x1F5A0] =	vst v56;
	v56 =	vld [tilespmem:$0x3B0]  }
0x6e: {  	v63 =	vld [tilespmem:$0x2C0]  }
0x6f: {  	v0 =	vld [tilespmem:$0x2B0]  }
0x70: {  	v45 =	vld [tilespmem:$0x1280]  }
0x71: {  	v57 =	vld [tilespmem:$0x12B0]  }
0x72: {  	[tilespmem:$0x1F5B0] =	vst v56;
	v56 =	vld [tilespmem:$0x3F0]  }
0x73: {  	v43 =	vld [tilespmem:$0x12C0]  }
0x74: {  	v54 =	vld [tilespmem:$0x290];
	[tilespmem:$0x1F3C0] =	vst v0;
	v1 =	vmul.f32 v27, v21;
	v0 =	vmul.f32 v33, v26  }
0x75: {  	v21 =	vmul.f32 v33, v21;
	v26 =	vmul.f32 v27, v26;
	v33 =	vld [tilespmem:$0x1440]  }
0x76: {  	v51 =	vld [tilespmem:$0x2D0];
	[tilespmem:$0x1F3D0] =	vst v57;
	v0 =	vsub.f32 v1, v0  }
0x77: {  	v27 =	vmul.f32 v2, v5;
	v1 =	vmul.f32 v3, v4;
	v21 =	vadd.f32 v21, v26;
	[tilespmem:$0x1F5D0] =	vst v56;
	v56 =	vld [tilespmem:$0x13B0]  }
0x78: {  	v50 =	vld [tilespmem:$0x1290];
	v2 =	vmul.f32 v2, v4;
	[tilespmem:$0x100] =	vst v0  }
0x79: {  	v48 =	vld [tilespmem:$0x12D0];
	v3 =	vmul.f32 v3, v5;
	v26 =	vmul.f32 v7, v8;
	v0 =	vsub.f32 v1, v27;
	[tilespmem:$0x140] =	vst v21  }
0x7a: {  	v5 =	vmul.f32 v7, v9;
	v27 =	vmul.f32 v6, v9;
	v9 =	vld [tilespmem:$0x1410];
	[tilespmem:$0x1F610] =	vst v33  }
0x7b: {  	v2 =	vadd.f32 v2, v3;
	v33 =	vld [tilespmem:$0x410];
	[tilespmem:$0x110] =	vst v0  }
0x7c: {  	v26 =	vsub.f32 v26, v27;
	[tilespmem:$0x1F5C0] =	vst v56;
	v56 =	vld [tilespmem:$0x13F0]  }
0x7d: {  	v60 =	vld [tilespmem:$0x2A0];
	[tilespmem:$0x150] =	vst v2  }
0x7e: {  	v3 =	vmul.f32 v6, v8;
	v21 =	vld [tilespmem:$0x450];
	[tilespmem:$0x120] =	vst v26  }
0x7f: {  	[tilespmem:$0x1F630] =	vst v9;
	v9 =	vld [tilespmem:$0x420]  }
0x80: {  	v61 =	vld [tilespmem:$0x2E0];
	v2 =	vadd.f32 v3, v5;
	[tilespmem:$0x1F620] =	vst v33  }
0x81: {  	v27 =	vmul.f32 v11, v12;
	v33 =	vmul.f32 v10, v13;
	[tilespmem:$0x1F5E0] =	vst v56;
	v56 =	vld [tilespmem:$0x400]  }
0x82: {  	v62 =	vld [tilespmem:$0x12A0];
	[tilespmem:$0x160] =	vst v2  }
0x83: {  	v55 =	vld [tilespmem:$0x12E0];
	v12 =	vmul.f32 v10, v12;
	[tilespmem:$0x1F640] =	vst v21;
	v13 =	vmul.f32 v11, v13;
	v26 =	vsub.f32 v27, v33  }
0x84: {  	v57 =	vld [tilespmem:$0x12F0];
	v27 =	vmul.f32 v15, v16;
	v33 =	vmul.f32 v14, v17;
	[tilespmem:$0x1F650] =	vst v9  }
0x85: {  	v11 =	vmul.f32 v14, v16;
	v10 =	vadd.f32 v12, v13;
	v12 =	vmul.f32 v15, v17;
	v13 =	vld [tilespmem:$0x460];
	[tilespmem:$0x130] =	vst v26  }
0x86: {  	v14 =	vsub.f32 v27, v33;
	[tilespmem:$0x1F5F0] =	vst v56;
	v56 =	vld [tilespmem:$0x440]  }
0x87: {  	v21 =	vld [tilespmem:$0x1450];
	[tilespmem:$0x170] =	vst v10;
	v17 =	vadd.f32 v11, v12  }
0x88: {  	v15 =	vmul.f32 v19, v20;
	v16 =	vmul.f32 v18, v22;
	v26 =	vld [tilespmem:$0x1420];
	[tilespmem:$0x180] =	vst v14  }
0x89: {  	v33 =	vld [tilespmem:$0x1460];
	[tilespmem:$0x1C0] =	vst v17  }
0x8a: {  	v18 =	vmul.f32 v18, v20;
	v19 =	vmul.f32 v19, v22;
	v20 =	vsub.f32 v15, v16;
	v27 =	vld [tilespmem:$0x430];
	[tilespmem:$0x1F660] =	vst v13  }
0x8b: {  	v22 =	vmul.f32 v24, v31;
	v10 =	vmul.f32 v23, v31;
	v31 =	vld [tilespmem:$0x470];
	[tilespmem:$0x1F600] =	vst v56  }
0x8c: {  	v56 =	vld [tilespmem:$0x1400];
	[tilespmem:$0x190] =	vst v20  }
0x8d: {  	v8 =	vmul.f32 v23, v37;
	v11 =	vmul.f32 v24, v37;
	v37 =	vld [tilespmem:$0x1430]  }
0x8e: {  	v14 =	vmul.f32 v25, v44;
	v17 =	vmul.f32 v28, v44;
	v44 =	vld [tilespmem:$0x1470]  }
0x8f: {  	v16 =	vmul.f32 v25, v38;
	v13 =	vmul.f32 v28, v38;
	v38 =	vld [tilespmem:$0x480]  }
0x90: {  	v9 =	vadd.f32 v18, v19;
	v19 =	vmul.f32 v30, v42;
	v23 =	vmul.f32 v29, v42;
	v42 =	vld [tilespmem:$0x4C0]  }
0x91: {  	v24 =	vmul.f32 v30, v46;
	v20 =	vmul.f32 v29, v46;
	v46 =	vld [tilespmem:$0x1480]  }
0x92: {  	v12 =	vsub.f32 v22, v8;
	v8 =	vmul.f32 v34, v53;
	v29 =	vmul.f32 v32, v53;
	v53 =	vld [tilespmem:$0x14C0]  }
0x93: {  	v15 =	vadd.f32 v10, v11;
	v28 =	vmul.f32 v34, v49;
	v32 =	vmul.f32 v32, v49;
	v49 =	vld [tilespmem:$0x490]  }
0x94: {  	v10 =	vmul.f32 v36, v52;
	v18 =	vsub.f32 v13, v14;
	v13 =	vmul.f32 v35, v52;
	v52 =	vld [tilespmem:$0x4D0]  }
0x95: {  	v11 =	vmul.f32 v35, v58;
	v14 =	vmul.f32 v36, v58;
	v58 =	vld [tilespmem:$0x1490]  }
0x96: {  	v7 =	vld [tilespmem:$0x14D0]  }
0x97: {  	v1 =	vld [tilespmem:$0x14A0]  }
0x98: {  	v3 =	vld [tilespmem:$0x14E0]  }
0x99: {  	v0 =	vld [tilespmem:$0x4B0]  }
0x9a: {  	v30 =	vadd.f32 v23, v24;
	v2 =	vld [tilespmem:$0x4F0]  }
0x9b: {  	v34 =	vmul.f32 v48, v51;
	v22 =	vadd.f32 v16, v17;
	v36 =	vmul.f32 v48, v54;
	v48 =	vld [tilespmem:$0x1F3D0]  }
0x9c: {  	v17 =	vmul.f32 v39, v59;
	v25 =	vsub.f32 v19, v20;
	v20 =	vmul.f32 v40, v59;
	v59 =	vld [tilespmem:$0x4A0]  }
0x9d: {  	v24 =	vmul.f32 v43, v63;
	[tilespmem:$0x1D0] =	vst v9;
	v9 =	vsub.f32 v28, v29;
	v29 =	vmul.f32 v45, v63;
	v63 =	vld [tilespmem:$0x4E0]  }
0x9e: {  	v23 =	vmul.f32 v45, v47;
	v28 =	vmul.f32 v43, v47;
	v47 =	vld [tilespmem:$0x1F3C0]  }
0x9f: {  	v19 =	vmul.f32 v39, v41;
	v39 =	vmul.f32 v50, v51;
	v51 =	vld [tilespmem:$0x1F3E0]  }
0xa0: {  	v16 =	vmul.f32 v40, v41;
	[tilespmem:$0x1A0] =	vst v12;
	v12 =	vadd.f32 v32, v8;
	v8 =	vld [tilespmem:$0x14F0]  }
0xa1: {  	v41 =	vmul.f32 v55, v61;
	v43 =	vmul.f32 v55, v60;
	v55 =	vld [tilespmem:$0x1F3F0]  }
0xa2: {  	[tilespmem:$0x240] =	vst v30;
	v30 =	vsub.f32 v23, v24;
	v45 =	vmul.f32 v62, v61;
	v61 =	vld [tilespmem:$0x1F410]  }
0xa3: {  	[tilespmem:$0x1E0] =	vst v15;
	v15 =	vsub.f32 v10, v11;
	v40 =	vmul.f32 v62, v60;
	v62 =	vld [tilespmem:$0x1F420]  }
0xa4: {  	[tilespmem:$0x280] =	vst v30;
	v30 =	vld [tilespmem:$0x1F450]  }
0xa5: {  	[tilespmem:$0x220] =	vst v15;
	v32 =	vmul.f32 v50, v54;
	v15 =	vld [tilespmem:$0x560]  }
0xa6: {  	v35 =	vadd.f32 v28, v29;
	v28 =	vld [tilespmem:$0x1F440]  }
0xa7: {  	v4 =	vsub.f32 v32, v34;
	v32 =	vld [tilespmem:$0x1F460]  }
0xa8: {  	v5 =	vadd.f32 v36, v39;
	v36 =	vld [tilespmem:$0x1F480]  }
0xa9: {  	v6 =	vsub.f32 v40, v41;
	v40 =	vld [tilespmem:$0x1F490]  }
0xaa: {  	[tilespmem:$0x200] =	vst v25;
	v25 =	vadd.f32 v19, v20;
	v41 =	vld [tilespmem:$0x1F4A0]  }
0xab: {  	[tilespmem:$0x290] =	vst v4;
	v4 =	vld [tilespmem:$0x14B0]  }
0xac: {  	[tilespmem:$0x270] =	vst v25;
	v25 =	vld [tilespmem:$0x1F430]  }
0xad: {  	[tilespmem:$0x2C0] =	vst v35;
	v35 =	vld [tilespmem:$0x1F470]  }
0xae: {  	[tilespmem:$0x250] =	vst v12;
	v54 =	vmul.f32 v57, v51;
	v12 =	vmul.f32 v57, v47;
	v57 =	vld [tilespmem:$0x1F400]  }
0xaf: {  	[tilespmem:$0x1B0] =	vst v18;
	v18 =	vadd.f32 v13, v14;
	v50 =	vmul.f32 v48, v47;
	v13 =	vmul.f32 v48, v51;
	v48 =	vld [tilespmem:$0x1F4B0]  }
0xb0: {  	v20 =	vmul.f32 v62, v61;
	v23 =	vmul.f32 v62, v55;
	v62 =	vld [tilespmem:$0x1F4F0]  }
0xb1: {  	[tilespmem:$0x210] =	vst v9;
	v9 =	vsub.f32 v50, v54;
	v50 =	vld [tilespmem:$0x1F4C0]  }
0xb2: {  	v54 =	vld [tilespmem:$0x1F4D0]  }
0xb3: {  	[tilespmem:$0x1F0] =	vst v22;
	v22 =	vsub.f32 v16, v17;
	v34 =	vmul.f32 v32, v30;
	v16 =	vmul.f32 v32, v25;
	v32 =	vld [tilespmem:$0x1F500]  }
0xb4: {  	v10 =	vadd.f32 v43, v45;
	v39 =	vmul.f32 v36, v35;
	v45 =	vmul.f32 v41, v35;
	v35 =	vld [tilespmem:$0x1F510]  }
0xb5: {  	v19 =	vmul.f32 v36, v40;
	v36 =	vld [tilespmem:$0x1F520]  }
0xb6: {  	[tilespmem:$0x230] =	vst v22;
	v43 =	vmul.f32 v41, v40;
	v60 =	vmul.f32 v57, v55;
	v55 =	vld [tilespmem:$0x1F4E0]  }
0xb7: {  	[tilespmem:$0x2E0] =	vst v10;
	v10 =	vld [tilespmem:$0x510];
	v22 =	vadd.f32 v12, v13;
	v17 =	vmul.f32 v28, v30  }
0xb8: {  	v29 =	vmul.f32 v28, v25;
	v24 =	vmul.f32 v57, v61;
	v47 =	vsub.f32 v39, v43;
	v43 =	vld [tilespmem:$0x1F530]  }
0xb9: {  	v16 =	vadd.f32 v16, v17;
	v17 =	vadd.f32 v45, v19;
	v45 =	vld [tilespmem:$0x1F540];
	v51 =	vmul.f32 v50, v48  }
0xba: {  	v14 =	vsub.f32 v29, v34;
	v61 =	vmul.f32 v50, v54;
	v50 =	vld [tilespmem:$0x1F560];
	v34 =	vmul.f32 v32, v62  }
0xbb: {  	v11 =	vsub.f32 v60, v20;
	v39 =	vmul.f32 v36, v35;
	v60 =	vmul.f32 v55, v48;
	v48 =	vld [tilespmem:$0x1F550]  }
0xbc: {  	v13 =	vadd.f32 v23, v24;
	v40 =	vmul.f32 v36, v62;
	v24 =	vmul.f32 v32, v35;
	v36 =	vld [tilespmem:$0x1F590]  }
0xbd: {  	v41 =	vsub.f32 v34, v39;
	v39 =	vld [tilespmem:$0x1F5A0]  }
0xbe: {  	[tilespmem:$0x260] =	vst v18;
	v57 =	vmul.f32 v55, v54;
	v54 =	vadd.f32 v40, v24;
	v19 =	vadd.f32 v60, v61;
	v60 =	vld [tilespmem:$0x1F570]  }
0xbf: {  	[tilespmem:$0x320] =	vst v47;
	v61 =	vld [tilespmem:$0x1F580]  }
0xc0: {  	v47 =	vmul.f32 v45, v43;
	v18 =	vsub.f32 v51, v57;
	[tilespmem:$0x3C0] =	vst v54;
	v54 =	vld [tilespmem:$0x1F5E0];
	v51 =	vmul.f32 v50, v48  }
0xc1: {  	v57 =	vmul.f32 v45, v48;
	v48 =	vld [tilespmem:$0x1F5C0]  }
0xc2: {  	[tilespmem:$0x2F0] =	vst v22;
	v22 =	vsub.f32 v47, v51;
	v47 =	vld [tilespmem:$0x1F5B0]  }
0xc3: {  	v51 =	vld [tilespmem:$0x1F5D0]  }
0xc4: {  	v30 =	vld [tilespmem:$0x1530];
	v55 =	vmul.f32 v50, v43  }
0xc5: {  	v25 =	vld [tilespmem:$0x1560];
	[tilespmem:$0x380] =	vst v41;
	v41 =	vmul.f32 v39, v60;
	v43 =	vmul.f32 v61, v36  }
0xc6: {  	[tilespmem:$0x370] =	vst v19;
	v19 =	vld [tilespmem:$0x570];
	v40 =	vmul.f32 v39, v36;
	v62 =	vmul.f32 v61, v60  }
0xc7: {  	v20 =	vadd.f32 v55, v57;
	v57 =	vadd.f32 v41, v43;
	v43 =	vld [tilespmem:$0x1F5F0];
	v50 =	vmul.f32 v48, v47  }
0xc8: {  	v55 =	vmul.f32 v54, v51;
	v60 =	vmul.f32 v54, v47;
	v47 =	vld [tilespmem:$0x1F600]  }
0xc9: {  	v61 =	vmul.f32 v48, v51;
	v48 =	vld [tilespmem:$0x1F610]  }
0xca: {  	v45 =	vsub.f32 v62, v40;
	[tilespmem:$0x3E0] =	vst v57;
	v57 =	vld [tilespmem:$0x1F620];
	v62 =	vsub.f32 v50, v55  }
0xcb: {  	v51 =	vadd.f32 v60, v61;
	v60 =	vld [tilespmem:$0x1F630]  }
0xcc: {  	[tilespmem:$0x3B0] =	vst v62;
	v62 =	vld [tilespmem:$0x1F640]  }
0xcd: {  	v28 =	vld [tilespmem:$0x15B0]  }
0xce: {  	v29 =	vld [tilespmem:$0x15C0];
	[tilespmem:$0x3A0] =	vst v45;
	v45 =	vmul.f32 v56, v43;
	v50 =	vmul.f32 v48, v47  }
0xcf: {  	[tilespmem:$0x350] =	vst v16;
	v16 =	vld [tilespmem:$0x1550];
	v54 =	vmul.f32 v48, v43;
	v55 =	vmul.f32 v56, v47  }
0xd0: {  	[tilespmem:$0x390] =	vst v22;
	v40 =	vmul.f32 v44, v31;
	v22 =	vmul.f32 v30, v19;
	v56 =	vsub.f32 v45, v50;
	v50 =	vld [tilespmem:$0x1F650]  }
0xd1: {  	[tilespmem:$0x310] =	vst v14;
	v61 =	vmul.f32 v60, v57;
	v45 =	vadd.f32 v54, v55;
	v54 =	vld [tilespmem:$0x1F660];
	v43 =	vmul.f32 v21, v62  }
0xd2: {  	v14 =	vld [tilespmem:$0x520];
	[tilespmem:$0x300] =	vst v11;
	v21 =	vmul.f32 v21, v57;
	v47 =	vmul.f32 v60, v62  }
0xd3: {  	[tilespmem:$0x340] =	vst v13;
	v11 =	vld [tilespmem:$0x550];
	v62 =	vmul.f32 v37, v27;
	v48 =	vsub.f32 v61, v43;
	v43 =	vmul.f32 v44, v27  }
0xd4: {  	v13 =	vld [tilespmem:$0x1510];
	[tilespmem:$0x400] =	vst v56;
	v56 =	vadd.f32 v21, v47;
	v44 =	vmul.f32 v37, v31;
	v47 =	vmul.f32 v46, v38  }
0xd5: {  	v32 =	vld [tilespmem:$0x1570];
	[tilespmem:$0x440] =	vst v45;
	v45 =	vsub.f32 v62, v40;
	v62 =	vmul.f32 v3, v63;
	v3 =	vmul.f32 v3, v59  }
0xd6: {  	v35 =	vld [tilespmem:$0x5C0];
	[tilespmem:$0x3F0] =	vst v51;
	v51 =	vmul.f32 v26, v50;
	v55 =	vmul.f32 v33, v54  }
0xd7: {  	v34 =	vld [tilespmem:$0x580];
	v57 =	vmul.f32 v33, v50;
	v60 =	vmul.f32 v26, v54;
	[tilespmem:$0x410] =	vst v48  }
0xd8: {  	v24 =	vld [tilespmem:$0x15E0];
	[tilespmem:$0x450] =	vst v56;
	v48 =	vmul.f32 v53, v42;
	v56 =	vmul.f32 v7, v52  }
0xd9: {  	[tilespmem:$0x330] =	vst v18;
	v18 =	vld [tilespmem:$0x530];
	v50 =	vadd.f32 v43, v44;
	v7 =	vmul.f32 v7, v49;
	v43 =	vmul.f32 v4, v0  }
0xda: {  	v36 =	vld [tilespmem:$0x1580];
	v44 =	vmul.f32 v8, v2;
	v61 =	vsub.f32 v51, v55;
	v51 =	vmul.f32 v53, v38  }
0xdb: {  	[tilespmem:$0x3D0] =	vst v20;
	v20 =	vld [tilespmem:$0x5F0];
	v41 =	vadd.f32 v57, v60;
	v53 =	vmul.f32 v46, v42;
	v55 =	vmul.f32 v58, v49  }
0xdc: {  	v31 =	vld [tilespmem:$0x5A0];
	v58 =	vmul.f32 v58, v52;
	v52 =	vmul.f32 v16, v11;
	v54 =	vsub.f32 v47, v48  }
0xdd: {  	v37 =	vld [tilespmem:$0x5E0];
	[tilespmem:$0x420] =	vst v61;
	v57 =	vadd.f32 v51, v53;
	v61 =	vmul.f32 v1, v59;
	v1 =	vmul.f32 v1, v63  }
0xde: {  	v40 =	vld [tilespmem:$0x5B0];
	v60 =	vsub.f32 v55, v56;
	v7 =	vadd.f32 v7, v58;
	v51 =	vmul.f32 v13, v10  }
0xdf: {  	v55 =	vmul.f32 v13, v11;
	v58 =	vmul.f32 v25, v15;
	v1 =	vadd.f32 v3, v1;
	v3 =	vld [tilespmem:$0x15F0]  }
0xe0: {  	v63 =	vmul.f32 v30, v18;
	v30 =	vmul.f32 v29, v35  }
0xe1: {  	[tilespmem:$0x480] =	vst v54;
	v54 =	vmul.f32 v16, v10;
	v16 =	vmul.f32 v32, v19  }
0xe2: {  	[tilespmem:$0x490] =	vst v60;
	v56 =	vsub.f32 v51, v52;
	v60 =	vmul.f32 v25, v14;
	v25 =	vmul.f32 v36, v34  }
0xe3: {  	v52 =	vmul.f32 v24, v37;
	v59 =	vadd.f32 v54, v55;
	v55 =	vmul.f32 v24, v31  }
0xe4: {  	v23 =	vsub.f32 v63, v16;
	v24 =	vmul.f32 v28, v20;
	v63 =	vmul.f32 v3, v40  }
0xe5: {  	[tilespmem:$0x430] =	vst v45;
	v45 =	vsub.f32 v43, v44  }
0xe6: {  	v43 =	vsub.f32 v25, v30;
	v30 =	vadd.f32 v63, v24;
	v63 =	vld [tilespmem:$0x8C0];
	_ =	sdelay $0x4  }
0xe7: {  	[tilespmem:$0x1F690] =	vst v63;
	v63 =	vld [tilespmem:$0x890];
	_ =	sdelay $0x4  }
0xe8: {  	[tilespmem:$0x1F6A0] =	vst v63;
	v63 =	vld [tilespmem:$0x8D0];
	_ =	sdelay $0x4  }
0xe9: {  	[tilespmem:$0x1F6C0] =	vst v63;
	v63 =	vld [tilespmem:$0x1890];
	_ =	sdelay $0x4  }
0xea: {  	[tilespmem:$0x1F6B0] =	vst v63;
	v63 =	vld [tilespmem:$0x18D0];
	_ =	sdelay $0x4  }
0xeb: {  	[tilespmem:$0x1F6D0] =	vst v63;
	v63 =	vld [tilespmem:$0x8A0];
	_ =	sdelay $0x4  }
0xec: {  	[tilespmem:$0x1F6E0] =	vst v63;
	v63 =	vld [tilespmem:$0x8E0];
	_ =	sdelay $0x4  }
0xed: {  	[tilespmem:$0x1F700] =	vst v63;
	v63 =	vld [tilespmem:$0x18A0];
	_ =	sdelay $0x4  }
0xee: {  	[tilespmem:$0x1F6F0] =	vst v63;
	v63 =	vld [tilespmem:$0x18E0];
	_ =	sdelay $0x4  }
0xef: {  	[tilespmem:$0x1F710] =	vst v63;
	v63 =	vld [tilespmem:$0x8B0];
	_ =	sdelay $0x4  }
0xf0: {  	[tilespmem:$0x1F720] =	vst v63;
	v63 =	vld [tilespmem:$0x8F0];
	_ =	sdelay $0x4  }
0xf1: {  	[tilespmem:$0x1F740] =	vst v63;
	v63 =	vld [tilespmem:$0x18B0];
	_ =	sdelay $0x4  }
0xf2: {  	[tilespmem:$0x1F730] =	vst v63;
	v63 =	vld [tilespmem:$0x18F0];
	_ =	sdelay $0x4  }
0xf3: {  	[tilespmem:$0x1F750] =	vst v63;
	v63 =	vld [tilespmem:$0x900];
	_ =	sdelay $0x4  }
0xf4: {  	[tilespmem:$0x1F760] =	vst v63;
	v63 =	vld [tilespmem:$0x940];
	_ =	sdelay $0x4  }
0xf5: {  	[tilespmem:$0x1F780] =	vst v63;
	v63 =	vld [tilespmem:$0x1900];
	_ =	sdelay $0x4  }
0xf6: {  	[tilespmem:$0x1F770] =	vst v63;
	v63 =	vld [tilespmem:$0x1940];
	_ =	sdelay $0x4  }
0xf7: {  	[tilespmem:$0x1F790] =	vst v63;
	v63 =	vld [tilespmem:$0x910];
	_ =	sdelay $0x4  }
0xf8: {  	[tilespmem:$0x1F7A0] =	vst v63;
	v63 =	vld [tilespmem:$0x950];
	_ =	sdelay $0x4  }
0xf9: {  	[tilespmem:$0x1F7C0] =	vst v63;
	v63 =	vld [tilespmem:$0x1910];
	_ =	sdelay $0x4  }
0xfa: {  	[tilespmem:$0x1F7B0] =	vst v63;
	v63 =	vld [tilespmem:$0x1950];
	_ =	sdelay $0x4  }
0xfb: {  	[tilespmem:$0x1F7D0] =	vst v63;
	v63 =	vld [tilespmem:$0x920];
	_ =	sdelay $0x4  }
0xfc: {  	[tilespmem:$0x1F7E0] =	vst v63;
	v63 =	vld [tilespmem:$0x960];
	_ =	sdelay $0x4  }
0xfd: {  	[tilespmem:$0x1F800] =	vst v63;
	v63 =	vld [tilespmem:$0x1920];
	_ =	sdelay $0x4  }
0xfe: {  	[tilespmem:$0x1F7F0] =	vst v63;
	v63 =	vld [tilespmem:$0x1960];
	_ =	sdelay $0x4  }
0xff: {  	[tilespmem:$0x1F810] =	vst v63;
	v63 =	vld [tilespmem:$0x930];
	_ =	sdelay $0x4  }
0x100: {  	[tilespmem:$0x1F820] =	vst v63;
	v63 =	vld [tilespmem:$0x970];
	_ =	sdelay $0x4  }
0x101: {  	[tilespmem:$0x1F840] =	vst v63;
	v63 =	vld [tilespmem:$0x1930];
	_ =	sdelay $0x4  }
0x102: {  	[tilespmem:$0x1F830] =	vst v63;
	v63 =	vld [tilespmem:$0x1970];
	_ =	sdelay $0x4  }
0x103: {  	[tilespmem:$0x1F850] =	vst v63;
	v63 =	vld [tilespmem:$0x980];
	_ =	sdelay $0x4  }
0x104: {  	[tilespmem:$0x1F860] =	vst v63;
	v63 =	vld [tilespmem:$0x9C0];
	_ =	sdelay $0x4  }
0x105: {  	[tilespmem:$0x1F880] =	vst v63;
	v63 =	vld [tilespmem:$0x1980];
	_ =	sdelay $0x4  }
0x106: {  	[tilespmem:$0x1F870] =	vst v63;
	v63 =	vld [tilespmem:$0x19C0];
	_ =	sdelay $0x4  }
0x107: {  	[tilespmem:$0x1F890] =	vst v63;
	v63 =	vld [tilespmem:$0x990];
	_ =	sdelay $0x4  }
0x108: {  	[tilespmem:$0x1F8A0] =	vst v63;
	v63 =	vld [tilespmem:$0x9D0];
	_ =	sdelay $0x4  }
0x109: {  	[tilespmem:$0x1F8C0] =	vst v63;
	v63 =	vld [tilespmem:$0x1990];
	_ =	sdelay $0x4  }
0x10a: {  	[tilespmem:$0x1F8B0] =	vst v63;
	v63 =	vld [tilespmem:$0x19D0];
	_ =	sdelay $0x4  }
0x10b: {  	[tilespmem:$0x1F8D0] =	vst v63;
	v63 =	vld [tilespmem:$0x9A0];
	_ =	sdelay $0x4  }
0x10c: {  	[tilespmem:$0x1F8E0] =	vst v63;
	v63 =	vld [tilespmem:$0x9E0];
	_ =	sdelay $0x4  }
0x10d: {  	[tilespmem:$0x1F900] =	vst v63;
	v63 =	vld [tilespmem:$0x19A0];
	_ =	sdelay $0x4  }
0x10e: {  	[tilespmem:$0x1F8F0] =	vst v63;
	v63 =	vld [tilespmem:$0x19E0];
	_ =	sdelay $0x4  }
0x10f: {  	[tilespmem:$0x1F910] =	vst v63;
	v63 =	vld [tilespmem:$0x9B0];
	_ =	sdelay $0x4  }
0x110: {  	[tilespmem:$0x1F920] =	vst v63;
	v63 =	vld [tilespmem:$0x9F0];
	_ =	sdelay $0x4  }
0x111: {  	[tilespmem:$0x1F940] =	vst v63;
	v63 =	vld [tilespmem:$0x19B0];
	_ =	sdelay $0x4  }
0x112: {  	[tilespmem:$0x1F930] =	vst v63;
	v63 =	vld [tilespmem:$0x19F0];
	_ =	sdelay $0x4  }
0x113: {  	[tilespmem:$0x1F950] =	vst v63;
	v63 =	vld [tilespmem:$0xA00];
	_ =	sdelay $0x4  }
0x114: {  	[tilespmem:$0x1F960] =	vst v63;
	v63 =	vld [tilespmem:$0xA40];
	_ =	sdelay $0x4  }
0x115: {  	[tilespmem:$0x1F980] =	vst v63;
	v63 =	vld [tilespmem:$0x1A00];
	_ =	sdelay $0x4  }
0x116: {  	[tilespmem:$0x1F970] =	vst v63;
	v63 =	vld [tilespmem:$0x1A40];
	_ =	sdelay $0x4  }
0x117: {  	[tilespmem:$0x1F990] =	vst v63;
	v63 =	vld [tilespmem:$0xA10];
	_ =	sdelay $0x4  }
0x118: {  	[tilespmem:$0x1F9A0] =	vst v63;
	v63 =	vld [tilespmem:$0xA50];
	_ =	sdelay $0x4  }
0x119: {  	[tilespmem:$0x1F9C0] =	vst v63;
	v63 =	vld [tilespmem:$0x1A10];
	_ =	sdelay $0x4  }
0x11a: {  	[tilespmem:$0x1F9B0] =	vst v63;
	v63 =	vld [tilespmem:$0x1A50];
	_ =	sdelay $0x4  }
0x11b: {  	[tilespmem:$0x1F9D0] =	vst v63;
	v63 =	vld [tilespmem:$0xA20];
	_ =	sdelay $0x4  }
0x11c: {  	[tilespmem:$0x1F9E0] =	vst v63;
	v63 =	vld [tilespmem:$0xA60];
	_ =	sdelay $0x4  }
0x11d: {  	[tilespmem:$0x1FA00] =	vst v63;
	v63 =	vld [tilespmem:$0x1A20];
	_ =	sdelay $0x4  }
0x11e: {  	[tilespmem:$0x1F9F0] =	vst v63;
	v63 =	vld [tilespmem:$0x1A60];
	_ =	sdelay $0x4  }
0x11f: {  	[tilespmem:$0x1FA10] =	vst v63;
	v63 =	vld [tilespmem:$0xA30];
	_ =	sdelay $0x4  }
0x120: {  	[tilespmem:$0x1FA20] =	vst v63;
	v63 =	vld [tilespmem:$0xA70];
	_ =	sdelay $0x4  }
0x121: {  	[tilespmem:$0x1FA40] =	vst v63;
	v63 =	vld [tilespmem:$0x1A30];
	_ =	sdelay $0x4  }
0x122: {  	[tilespmem:$0x1FA30] =	vst v63;
	v63 =	vld [tilespmem:$0x1A70];
	_ =	sdelay $0x4  }
0x123: {  	[tilespmem:$0x1FA50] =	vst v63;
	v63 =	vld [tilespmem:$0xA80];
	_ =	sdelay $0x4  }
0x124: {  	[tilespmem:$0x1FA60] =	vst v63;
	v63 =	vld [tilespmem:$0xAC0];
	_ =	sdelay $0x4  }
0x125: {  	[tilespmem:$0x1FA80] =	vst v63;
	v63 =	vld [tilespmem:$0x1A80];
	_ =	sdelay $0x4  }
0x126: {  	[tilespmem:$0x1FA70] =	vst v63;
	v63 =	vld [tilespmem:$0x1AC0];
	_ =	sdelay $0x4  }
0x127: {  	[tilespmem:$0x1FA90] =	vst v63;
	v63 =	vld [tilespmem:$0xA90];
	_ =	sdelay $0x4  }
0x128: {  	[tilespmem:$0x1FAA0] =	vst v63;
	v63 =	vld [tilespmem:$0xAD0];
	_ =	sdelay $0x4  }
0x129: {  	[tilespmem:$0x1FAC0] =	vst v63;
	v63 =	vld [tilespmem:$0x1A90];
	_ =	sdelay $0x4  }
0x12a: {  	[tilespmem:$0x1FAB0] =	vst v63;
	v63 =	vld [tilespmem:$0x1AD0];
	_ =	sdelay $0x4  }
0x12b: {  	[tilespmem:$0x1FAD0] =	vst v63;
	v63 =	vld [tilespmem:$0xAA0];
	_ =	sdelay $0x4  }
0x12c: {  	[tilespmem:$0x1FAE0] =	vst v63;
	v63 =	vld [tilespmem:$0xAE0];
	_ =	sdelay $0x4  }
0x12d: {  	[tilespmem:$0x1FB00] =	vst v63;
	v63 =	vld [tilespmem:$0x1AA0];
	_ =	sdelay $0x4  }
0x12e: {  	[tilespmem:$0x1FAF0] =	vst v63;
	v63 =	vld [tilespmem:$0x1AE0];
	_ =	sdelay $0x4  }
0x12f: {  	[tilespmem:$0x1FB10] =	vst v63;
	v63 =	vld [tilespmem:$0xAB0];
	_ =	sdelay $0x4  }
0x130: {  	[tilespmem:$0x1FB20] =	vst v63;
	v63 =	vld [tilespmem:$0xAF0];
	_ =	sdelay $0x4  }
0x131: {  	[tilespmem:$0x1FB40] =	vst v63;
	v63 =	vld [tilespmem:$0x1AB0];
	_ =	sdelay $0x4  }
0x132: {  	[tilespmem:$0x1FB30] =	vst v63;
	v63 =	vld [tilespmem:$0x1AF0];
	_ =	sdelay $0x4  }
0x133: {  	[tilespmem:$0x1FB50] =	vst v63;
	v63 =	vld [tilespmem:$0xB00];
	_ =	sdelay $0x4  }
0x134: {  	[tilespmem:$0x1FB60] =	vst v63;
	v63 =	vld [tilespmem:$0xB40];
	_ =	sdelay $0x4  }
0x135: {  	[tilespmem:$0x1FB80] =	vst v63;
	v63 =	vld [tilespmem:$0x1B00];
	_ =	sdelay $0x4  }
0x136: {  	[tilespmem:$0x1FB70] =	vst v63;
	v63 =	vld [tilespmem:$0x1B40];
	_ =	sdelay $0x4  }
0x137: {  	[tilespmem:$0x1FB90] =	vst v63;
	v63 =	vld [tilespmem:$0xB10];
	_ =	sdelay $0x4  }
0x138: {  	[tilespmem:$0x1FBA0] =	vst v63;
	v63 =	vld [tilespmem:$0xB50];
	_ =	sdelay $0x4  }
0x139: {  	[tilespmem:$0x1FBC0] =	vst v63;
	v63 =	vld [tilespmem:$0x1B10];
	_ =	sdelay $0x4  }
0x13a: {  	[tilespmem:$0x1FBB0] =	vst v63;
	v63 =	vld [tilespmem:$0x1B50];
	_ =	sdelay $0x4  }
0x13b: {  	[tilespmem:$0x1FBD0] =	vst v63;
	v63 =	vld [tilespmem:$0xB20];
	_ =	sdelay $0x4  }
0x13c: {  	[tilespmem:$0x1FBE0] =	vst v63;
	v63 =	vld [tilespmem:$0xB60]  }
0x13d: {  	[tilespmem:$0x2D0] =	vst v5;
	v5 =	vld [tilespmem:$0x500]  }
0x13e: {  	[tilespmem:$0x2A0] =	vst v6;
	v6 =	vld [tilespmem:$0x540]  }
0x13f: {  	v12 =	vld [tilespmem:$0x1540]  }
0x140: {  	[tilespmem:$0x2B0] =	vst v9;
	v9 =	vld [tilespmem:$0x1500]  }
0x141: {  	[tilespmem:$0x1FC00] =	vst v63;
	v63 =	vld [tilespmem:$0x1B20]  }
0x142: {  	[tilespmem:$0x360] =	vst v17;
	v17 =	vld [tilespmem:$0x1520]  }
0x143: {  	v39 =	vld [tilespmem:$0x590]  }
0x144: {  	v27 =	vld [tilespmem:$0x15D0]  }
0x145: {  	v21 =	vld [tilespmem:$0x600]  }
0x146: {  	[tilespmem:$0x1FBF0] =	vst v63;
	v63 =	vld [tilespmem:$0x1B60]  }
0x147: {  	v26 =	vld [tilespmem:$0x5D0]  }
0x148: {  	v33 =	vld [tilespmem:$0x1590]  }
0x149: {  	v0 =	vmul.f32 v8, v0;
	v8 =	vld [tilespmem:$0x1600]  }
0x14a: {  	v2 =	vmul.f32 v4, v2;
	v4 =	vld [tilespmem:$0x690]  }
0x14b: {  	[tilespmem:$0x1FC10] =	vst v63;
	v63 =	vld [tilespmem:$0xB30]  }
0x14c: {  	v38 =	vld [tilespmem:$0x15A0]  }
0x14d: {  	v46 =	vmul.f32 v9, v5;
	v49 =	vmul.f32 v9, v6;
	v9 =	vld [tilespmem:$0x1640]  }
0x14e: {  	v48 =	vmul.f32 v12, v5;
	v5 =	vld [tilespmem:$0x640]  }
0x14f: {  	v47 =	vmul.f32 v12, v6;
	v12 =	vld [tilespmem:$0x1610]  }
0x150: {  	[tilespmem:$0x1FC20] =	vst v63;
	v63 =	vld [tilespmem:$0xB70]  }
0x151: {  	v0 =	vadd.f32 v0, v2;
	v2 =	vld [tilespmem:$0x16D0]  }
0x152: {  	v6 =	vld [tilespmem:$0x16E0]  }
0x153: {  	v11 =	vld [tilespmem:$0x650]  }
0x154: {  	v13 =	vld [tilespmem:$0x1650]  }
0x155: {  	[tilespmem:$0x1FC40] =	vst v63;
	v63 =	vld [tilespmem:$0x1B30]  }
0x156: {  	[tilespmem:$0x460] =	vst v41;
	v41 =	vmul.f32 v29, v34;
	v29 =	vld [tilespmem:$0x680]  }
0x157: {  	v10 =	vld [tilespmem:$0x610]  }
0x158: {  	v53 =	vadd.f32 v48, v49;
	v49 =	vld [tilespmem:$0x1660]  }
0x159: {  	v44 =	vmul.f32 v33, v39;
	v48 =	vmul.f32 v33, v26;
	v33 =	vld [tilespmem:$0x6C0]  }
0x15a: {  	[tilespmem:$0x1FC30] =	vst v63;
	v63 =	vld [tilespmem:$0x1B70]  }
0x15b: {  	v19 =	vld [tilespmem:$0x1710]  }
0x15c: {  	[tilespmem:$0x4C0] =	vst v57;
	v57 =	vmul.f32 v17, v14;
	v14 =	vld [tilespmem:$0x620]  }
0x15d: {  	v42 =	vsub.f32 v61, v62;
	v61 =	vmul.f32 v17, v15;
	v15 =	vld [tilespmem:$0x660]  }
0x15e: {  	v18 =	vmul.f32 v32, v18;
	[tilespmem:$0x4D0] =	vst v7;
	v7 =	vld [tilespmem:$0x16A0]  }
0x15f: {  	[tilespmem:$0x1FC50] =	vst v63;
	v63 =	vld [tilespmem:$0xB80]  }
0x160: {  	v32 =	vadd.f32 v18, v22;
	v18 =	vld [tilespmem:$0x1750]  }
0x161: {  	[tilespmem:$0x470] =	vst v50;
	v22 =	vld [tilespmem:$0x1760]  }
0x162: {  	[tilespmem:$0x4B0] =	vst v45;
	v16 =	vld [tilespmem:$0x1620]  }
0x163: {  	v45 =	vmul.f32 v27, v26;
	[tilespmem:$0x540] =	vst v53;
	v53 =	vld [tilespmem:$0x630]  }
0x164: {  	v50 =	vsub.f32 v46, v47;
	v47 =	vmul.f32 v27, v39;
	v27 =	vmul.f32 v8, v21;
	[tilespmem:$0x1FC60] =	vst v63;
	v63 =	vld [tilespmem:$0xBC0]  }
0x165: {  	v51 =	vmul.f32 v38, v31;
	v31 =	vmul.f32 v9, v21;
	v21 =	vld [tilespmem:$0x750]  }
0x166: {  	v62 =	vsub.f32 v57, v58;
	v57 =	vld [tilespmem:$0x670]  }
0x167: {  	v17 =	vadd.f32 v60, v61;
	v61 =	vld [tilespmem:$0x1630]  }
0x168: {  	v25 =	vld [tilespmem:$0x1670]  }
0x169: {  	[tilespmem:$0x1FC80] =	vst v63;
	v63 =	vld [tilespmem:$0x1B80]  }
0x16a: {  	[tilespmem:$0x510] =	vst v56;
	v56 =	vmul.f32 v38, v37;
	v37 =	vld [tilespmem:$0x1680]  }
0x16b: {  	[tilespmem:$0x570] =	vst v32;
	v32 =	vmul.f32 v8, v5;
	v8 =	vld [tilespmem:$0x6A0]  }
0x16c: {  	[tilespmem:$0x550] =	vst v59;
	v59 =	vmul.f32 v28, v40;
	v28 =	vmul.f32 v9, v5;
	v5 =	vld [tilespmem:$0x6D0]  }
0x16d: {  	[tilespmem:$0x4A0] =	vst v42;
	v9 =	vld [tilespmem:$0x6E0]  }
0x16e: {  	v42 =	vmul.f32 v36, v35;
	[tilespmem:$0x1FC70] =	vst v63;
	v63 =	vld [tilespmem:$0x1BC0]  }
0x16f: {  	[tilespmem:$0x530] =	vst v23;
	v23 =	vld [tilespmem:$0x1720]  }
0x170: {  	v46 =	vadd.f32 v41, v42;
	v41 =	vld [tilespmem:$0x16C0]  }
0x171: {  	v36 =	vmul.f32 v13, v11;
	v39 =	vmul.f32 v13, v10;
	v13 =	vld [tilespmem:$0x6F0]  }
0x172: {  	v35 =	vmul.f32 v12, v10;
	v10 =	vld [tilespmem:$0x16F0]  }
0x173: {  	[tilespmem:$0x1FC90] =	vst v63;
	v63 =	vld [tilespmem:$0xB90]  }
0x174: {  	[tilespmem:$0x560] =	vst v17;
	v17 =	vld [tilespmem:$0x740]  }
0x175: {  	v38 =	vadd.f32 v31, v32;
	v32 =	vld [tilespmem:$0x780]  }
0x176: {  	v31 =	vld [tilespmem:$0x1780]  }
0x177: {  	v60 =	vmul.f32 v3, v20;
	v3 =	vld [tilespmem:$0x1690]  }
0x178: {  	[tilespmem:$0x1FCA0] =	vst v63;
	v63 =	vld [tilespmem:$0xBD0]  }
0x179: {  	v40 =	vmul.f32 v12, v11;
	v12 =	vld [tilespmem:$0x6B0]  }
0x17a: {  	v11 =	vld [tilespmem:$0x16B0]  }
0x17b: {  	v20 =	vld [tilespmem:$0x710]  }
0x17c: {  	v34 =	vsub.f32 v27, v28;
	v28 =	vld [tilespmem:$0x730]  }
0x17d: {  	[tilespmem:$0x1FCC0] =	vst v63;
	v63 =	vld [tilespmem:$0x1B90]  }
0x17e: {  	v27 =	vld [tilespmem:$0x1730]  }
0x17f: {  	v54 =	vadd.f32 v47, v48;
	[tilespmem:$0x580] =	vst v43;
	v43 =	vmul.f32 v16, v14;
	v47 =	vmul.f32 v16, v15;
	v16 =	vld [tilespmem:$0x700]  }
0x180: {  	[tilespmem:$0x500] =	vst v50;
	v50 =	vsub.f32 v44, v45;
	v44 =	vmul.f32 v49, v15;
	v15 =	vld [tilespmem:$0x1700]  }
0x181: {  	[tilespmem:$0x5C0] =	vst v46;
	v46 =	vmul.f32 v49, v14;
	v14 =	vld [tilespmem:$0x1740]  }
0x182: {  	[tilespmem:$0x1FCB0] =	vst v63;
	v63 =	vld [tilespmem:$0x1BD0]  }
0x183: {  	v42 =	vsub.f32 v35, v36;
	v36 =	vld [tilespmem:$0x790]  }
0x184: {  	[tilespmem:$0x520] =	vst v62;
	v62 =	vadd.f32 v55, v56;
	v35 =	vld [tilespmem:$0x1790]  }
0x185: {  	[tilespmem:$0x640] =	vst v38;
	v38 =	vld [tilespmem:$0x17E0]  }
0x186: {  	[tilespmem:$0x5E0] =	vst v62;
	v62 =	vld [tilespmem:$0x880]  }
0x187: {  	[tilespmem:$0x1FCD0] =	vst v63;
	v63 =	vld [tilespmem:$0xBA0]  }
0x188: {  	v24 =	vld [tilespmem:$0x720]  }
0x189: {  	[tilespmem:$0x590] =	vst v50;
	v58 =	vsub.f32 v51, v52;
	v50 =	vmul.f32 v25, v57;
	v52 =	vmul.f32 v25, v53;
	v25 =	vld [tilespmem:$0x760]  }
0x18a: {  	v26 =	vsub.f32 v59, v60;
	v55 =	vmul.f32 v37, v29;
	v59 =	vmul.f32 v37, v33;
	v37 =	vld [tilespmem:$0x7D0]  }
0x18b: {  	[tilespmem:$0x600] =	vst v34;
	v34 =	vld [tilespmem:$0x17D0]  }
0x18c: {  	[tilespmem:$0x1FCE0] =	vst v63;
	v63 =	vld [tilespmem:$0xBE0]  }
0x18d: {  	v45 =	vadd.f32 v39, v40;
	v40 =	vld [tilespmem:$0x7A0]  }
0x18e: {  	v39 =	vld [tilespmem:$0x17A0]  }
0x18f: {  	v48 =	vsub.f32 v43, v44;
	v44 =	vld [tilespmem:$0x7B0]  }
0x190: {  	v43 =	vld [tilespmem:$0x17B0]  }
0x191: {  	[tilespmem:$0x1FD00] =	vst v63;
	v63 =	vld [tilespmem:$0x1BA0]  }
0x192: {  	[tilespmem:$0x610] =	vst v42;
	v42 =	vld [tilespmem:$0x17F0]  }
0x193: {  	v51 =	vadd.f32 v46, v47;
	v47 =	vld [tilespmem:$0x1800]  }
0x194: {  	v46 =	vld [tilespmem:$0x1840]  }
0x195: {  	[tilespmem:$0x5A0] =	vst v58;
	v58 =	vmul.f32 v41, v29;
	v29 =	vld [tilespmem:$0x770]  }
0x196: {  	[tilespmem:$0x1FCF0] =	vst v63;
	v63 =	vld [tilespmem:$0x1BE0]  }
0x197: {  	[tilespmem:$0x5B0] =	vst v26;
	v26 =	vld [tilespmem:$0x1770]  }
0x198: {  	v56 =	vmul.f32 v41, v33;
	v33 =	vld [tilespmem:$0x7C0]  }
0x199: {  	[tilespmem:$0x5F0] =	vst v30;
	v30 =	vld [tilespmem:$0x17C0]  }
0x19a: {  	v41 =	vld [tilespmem:$0x7E0]  }
0x19b: {  	v49 =	vmul.f32 v61, v53;
	[tilespmem:$0x1FD10] =	vst v63;
	v63 =	vld [tilespmem:$0xBB0]  }
0x19c: {  	v53 =	vmul.f32 v61, v57;
	[tilespmem:$0x650] =	vst v45;
	v45 =	vld [tilespmem:$0x7F0]  }
0x19d: {  	[tilespmem:$0x5D0] =	vst v54;
	v54 =	vsub.f32 v49, v50;
	v49 =	vld [tilespmem:$0x840]  }
0x19e: {  	v57 =	vadd.f32 v52, v53;
	v52 =	vld [tilespmem:$0x810]  }
0x19f: {  	[tilespmem:$0x4F0] =	vst v0;
	v53 =	vld [tilespmem:$0x850]  }
0x1a0: {  	[tilespmem:$0x1FD20] =	vst v63;
	v63 =	vld [tilespmem:$0xBF0]  }
0x1a1: {  	[tilespmem:$0x4E0] =	vst v1;
	v50 =	vld [tilespmem:$0x1850]  }
0x1a2: {  	v0 =	vmul.f32 v2, v5;
	v2 =	vmul.f32 v2, v4;
	[tilespmem:$0x620] =	vst v48;
	v48 =	vld [tilespmem:$0x800]  }
0x1a3: {  	[tilespmem:$0x660] =	vst v51;
	v51 =	vld [tilespmem:$0x1810];
	v1 =	vmul.f32 v3, v4;
	v3 =	vmul.f32 v3, v5  }
0x1a4: {  	v4 =	vmul.f32 v6, v9;
	v5 =	vmul.f32 v7, v9;
	v9 =	vld [tilespmem:$0x1C40];
	[tilespmem:$0x630] =	vst v54  }
0x1a5: {  	[tilespmem:$0x1FD40] =	vst v63;
	v63 =	vld [tilespmem:$0x1BB0]  }
0x1a6: {  	v60 =	vsub.f32 v55, v56;
	[tilespmem:$0x670] =	vst v57;
	v56 =	vld [tilespmem:$0x820]  }
0x1a7: {  	v61 =	vadd.f32 v58, v59;
	v57 =	vld [tilespmem:$0x860];
	[tilespmem:$0x1F670] =	vst v62  }
0x1a8: {  	v55 =	vld [tilespmem:$0x1820];
	[tilespmem:$0x680] =	vst v60  }
0x1a9: {  	v62 =	vld [tilespmem:$0x1880];
	v0 =	vsub.f32 v1, v0;
	[tilespmem:$0x6C0] =	vst v61  }
0x1aa: {  	v2 =	vadd.f32 v2, v3;
	[tilespmem:$0x1FD30] =	vst v63;
	v63 =	vld [tilespmem:$0x1BF0]  }
0x1ab: {  	v54 =	vld [tilespmem:$0x1860];
	v1 =	vmul.f32 v7, v8;
	[tilespmem:$0x690] =	vst v0  }
0x1ac: {  	v59 =	vld [tilespmem:$0x1830];
	[tilespmem:$0x6D0] =	vst v2  }
0x1ad: {  	v58 =	vld [tilespmem:$0x1870];
	v3 =	vmul.f32 v6, v8;
	v0 =	vsub.f32 v1, v4;
	v1 =	vmul.f32 v11, v12;
	[tilespmem:$0x1FD80] =	vst v9  }
0x1ae: {  	v4 =	vmul.f32 v10, v13;
	v12 =	vmul.f32 v10, v12;
	v10 =	vld [tilespmem:$0x1C10];
	[tilespmem:$0x1F680] =	vst v62  }
0x1af: {  	v2 =	vadd.f32 v3, v5;
	[tilespmem:$0x1FD50] =	vst v63;
	v63 =	vld [tilespmem:$0xC00]  }
0x1b0: {  	v60 =	vld [tilespmem:$0x830];
	v13 =	vmul.f32 v11, v13;
	[tilespmem:$0x6A0] =	vst v0;
	v0 =	vsub.f32 v1, v4  }
0x1b1: {  	v61 =	vld [tilespmem:$0x870];
	v1 =	vmul.f32 v15, v16;
	[tilespmem:$0x6E0] =	vst v2  }
0x1b2: {  	v4 =	vmul.f32 v14, v17;
	v2 =	vadd.f32 v12, v13;
	v12 =	vmul.f32 v14, v16;
	v14 =	vld [tilespmem:$0x1C50];
	[tilespmem:$0x6B0] =	vst v0  }
0x1b3: {  	[tilespmem:$0x1FD90] =	vst v10;
	v10 =	vld [tilespmem:$0xC20]  }
0x1b4: {  	v0 =	vsub.f32 v1, v4;
	[tilespmem:$0x1FD60] =	vst v63;
	v63 =	vld [tilespmem:$0xC40]  }
0x1b5: {  	v11 =	vld [tilespmem:$0xC50];
	[tilespmem:$0x6F0] =	vst v2  }
0x1b6: {  	v9 =	vld [tilespmem:$0xC10];
	v13 =	vmul.f32 v15, v17;
	[tilespmem:$0x700] =	vst v0  }
0x1b7: {  	v8 =	vmul.f32 v22, v24;
	v62 =	vld [tilespmem:$0x18C0];
	v15 =	vmul.f32 v18, v21;
	[tilespmem:$0x1FDA0] =	vst v14  }
0x1b8: {  	v1 =	vmul.f32 v19, v20;
	v12 =	vadd.f32 v12, v13;
	v14 =	vmul.f32 v19, v21;
	v19 =	vld [tilespmem:$0xC60];
	[tilespmem:$0x1FDB0] =	vst v10  }
0x1b9: {  	v16 =	vmul.f32 v23, v24;
	v13 =	vmul.f32 v18, v20;
	v21 =	vld [tilespmem:$0x1C20];
	[tilespmem:$0x1FD70] =	vst v63  }
0x1ba: {  	v17 =	vmul.f32 v22, v25;
	v20 =	vmul.f32 v31, v32;
	v63 =	vld [tilespmem:$0x1C00];
	[tilespmem:$0x740] =	vst v12  }
0x1bb: {  	v15 =	vsub.f32 v1, v15;
	v18 =	vadd.f32 v13, v14;
	v13 =	vmul.f32 v27, v28;
	v24 =	vld [tilespmem:$0x1C60]  }
0x1bc: {  	v14 =	vmul.f32 v26, v29;
	v10 =	vmul.f32 v23, v25;
	v22 =	vld [tilespmem:$0xC30]  }
0x1bd: {  	v25 =	vmul.f32 v35, v37;
	[tilespmem:$0x710] =	vst v15;
	v12 =	vsub.f32 v16, v17;
	v16 =	vmul.f32 v26, v28;
	v23 =	vld [tilespmem:$0xC70]  }
0x1be: {  	[tilespmem:$0x750] =	vst v18;
	v15 =	vadd.f32 v8, v10;
	v17 =	vmul.f32 v27, v29;
	v28 =	vmul.f32 v30, v33;
	v26 =	vld [tilespmem:$0x1C30]  }
0x1bf: {  	v18 =	vsub.f32 v13, v14;
	v10 =	vmul.f32 v30, v32;
	v30 =	vmul.f32 v38, v41;
	v13 =	vld [tilespmem:$0x1C70];
	[tilespmem:$0x720] =	vst v12  }
0x1c0: {  	v27 =	vld [tilespmem:$0xCC0];
	[tilespmem:$0x760] =	vst v15;
	v29 =	vadd.f32 v16, v17;
	v12 =	vmul.f32 v31, v33;
	v15 =	vmul.f32 v35, v36  }
0x1c1: {  	v14 =	vsub.f32 v20, v28;
	v16 =	vmul.f32 v34, v37;
	v17 =	vld [tilespmem:$0xC80];
	v20 =	vmul.f32 v34, v36  }
0x1c2: {  	v31 =	vld [tilespmem:$0x1C80];
	v33 =	vmul.f32 v38, v40;
	v34 =	vmul.f32 v39, v41  }
0x1c3: {  	v35 =	vld [tilespmem:$0x1CC0];
	v37 =	vmul.f32 v43, v44;
	v38 =	vmul.f32 v42, v45  }
0x1c4: {  	v41 =	vmul.f32 v42, v44;
	v42 =	vmul.f32 v43, v45;
	v43 =	vld [tilespmem:$0xCD0]  }
0x1c5: {  	[tilespmem:$0x770] =	vst v29;
	v29 =	vmul.f32 v39, v40;
	v39 =	vld [tilespmem:$0xC90]  }
0x1c6: {  	[tilespmem:$0x730] =	vst v18;
	v18 =	vadd.f32 v10, v12;
	v12 =	vld [tilespmem:$0x1C90]  }
0x1c7: {  	v28 =	vsub.f32 v15, v16;
	v16 =	vld [tilespmem:$0x1CD0]  }
0x1c8: {  	v32 =	vadd.f32 v20, v25;
	v25 =	vld [tilespmem:$0xCA0]  }
0x1c9: {  	v40 =	vadd.f32 v33, v34;
	v34 =	vld [tilespmem:$0x1CA0]  }
0x1ca: {  	v44 =	vsub.f32 v37, v38;
	v38 =	vld [tilespmem:$0x1CE0]  }
0x1cb: {  	[tilespmem:$0x780] =	vst v14;
	v10 =	vmul.f32 v46, v49;
	v14 =	vmul.f32 v46, v48;
	v46 =	vld [tilespmem:$0xCF0]  }
0x1cc: {  	v45 =	vmul.f32 v47, v48;
	v48 =	vld [tilespmem:$0x1F670]  }
0x1cd: {  	v15 =	vmul.f32 v47, v49;
	v49 =	vld [tilespmem:$0x1F680]  }
0x1ce: {  	v33 =	vmul.f32 v54, v57;
	v37 =	vmul.f32 v55, v57;
	v57 =	vld [tilespmem:$0x1CF0]  }
0x1cf: {  	[tilespmem:$0x1FDC0] =	vst v13;
	v36 =	vsub.f32 v29, v30;
	v30 =	vld [tilespmem:$0xCE0]  }
0x1d0: {  	[tilespmem:$0x7C0] =	vst v18;
	v13 =	vadd.f32 v41, v42;
	v42 =	vld [tilespmem:$0xCB0]  }
0x1d1: {  	[tilespmem:$0x790] =	vst v28;
	v18 =	vmul.f32 v51, v52;
	v29 =	vmul.f32 v51, v53;
	v51 =	vld [tilespmem:$0x1F690]  }
0x1d2: {  	v20 =	vmul.f32 v50, v53;
	[tilespmem:$0x7E0] =	vst v40;
	v53 =	vld [tilespmem:$0x1CB0]  }
0x1d3: {  	[tilespmem:$0x7B0] =	vst v44;
	v40 =	vmul.f32 v59, v60;
	v44 =	vmul.f32 v58, v60;
	v60 =	vld [tilespmem:$0x1F6B0]  }
0x1d4: {  	v28 =	vmul.f32 v50, v52;
	[tilespmem:$0x1FDD0] =	vst v17;
	v17 =	vsub.f32 v45, v10;
	v45 =	vmul.f32 v59, v61;
	v59 =	vld [tilespmem:$0x1F6A0]  }
0x1d5: {  	v41 =	vmul.f32 v58, v61;
	[tilespmem:$0x1FDE0] =	vst v31;
	v31 =	vsub.f32 v18, v20;
	v18 =	vld [tilespmem:$0xD00]  }
0x1d6: {  	[tilespmem:$0x1FE00] =	vst v35;
	v35 =	vadd.f32 v28, v29;
	v28 =	vld [tilespmem:$0xD40]  }
0x1d7: {  	[tilespmem:$0x7D0] =	vst v32;
	v47 =	vsub.f32 v40, v41;
	v40 =	vld [tilespmem:$0x1D40]  }
0x1d8: {  	v32 =	vmul.f32 v55, v56;
	[tilespmem:$0x7F0] =	vst v13;
	v13 =	vld [tilespmem:$0xD30]  }
0x1d9: {  	[tilespmem:$0x1FE40] =	vst v16;
	v16 =	vld [tilespmem:$0x1F6D0]  }
0x1da: {  	[tilespmem:$0x1FE10] =	vst v39;
	v39 =	vsub.f32 v32, v33;
	v33 =	vld [tilespmem:$0x1F700]  }
0x1db: {  	[tilespmem:$0x1FE60] =	vst v34;
	v34 =	vld [tilespmem:$0x1F710]  }
0x1dc: {  	[tilespmem:$0x7A0] =	vst v36;
	v36 =	vmul.f32 v54, v56;
	v54 =	vadd.f32 v44, v45;
	v45 =	vld [tilespmem:$0x1F740]  }
0x1dd: {  	[tilespmem:$0x1FEB0] =	vst v46;
	v46 =	vld [tilespmem:$0x1F750]  }
0x1de: {  	[tilespmem:$0x1FE30] =	vst v43;
	v50 =	vmul.f32 v49, v48;
	v55 =	vmul.f32 v62, v48;
	v48 =	vld [tilespmem:$0xD10]  }
0x1df: {  	[tilespmem:$0x1FEC0] =	vst v57;
	v57 =	vld [tilespmem:$0x1F820]  }
0x1e0: {  	[tilespmem:$0x1FE20] =	vst v12;
	v12 =	vld [tilespmem:$0x1F9E0]  }
0x1e1: {  	[tilespmem:$0x810] =	vst v31;
	v31 =	vld [tilespmem:$0x1F6F0]  }
0x1e2: {  	[tilespmem:$0x1FE50] =	vst v25;
	v43 =	vadd.f32 v36, v37;
	v36 =	vld [tilespmem:$0x1D00]  }
0x1e3: {  	v6 =	vld [tilespmem:$0x1FE50]  }
0x1e4: {  	v8 =	vld [tilespmem:$0x1FE60]  }
0x1e5: {  	v52 =	vmul.f32 v62, v51;
	v62 =	vld [tilespmem:$0x1F6C0]  }
0x1e6: {  	[tilespmem:$0x1FE70] =	vst v30;
	v30 =	vld [tilespmem:$0x1F6E0]  }
0x1e7: {  	[tilespmem:$0x1FE90] =	vst v42;
	v42 =	vld [tilespmem:$0x1F720]  }
0x1e8: {  	v56 =	vmul.f32 v49, v51;
	[tilespmem:$0x860] =	vst v43;
	v43 =	vld [tilespmem:$0x1F730]  }
0x1e9: {  	[tilespmem:$0x1FDF0] =	vst v27;
	v58 =	vsub.f32 v50, v52;
	v52 =	vld [tilespmem:$0xD50]  }
0x1ea: {  	v20 =	vadd.f32 v55, v56;
	[tilespmem:$0x1FEF0] =	vst v28;
	v56 =	vld [tilespmem:$0x1D50]  }
0x1eb: {  	[tilespmem:$0x1FF00] =	vst v40;
	v40 =	vld [tilespmem:$0xD60]  }
0x1ec: {  	[tilespmem:$0x1FF70] =	vst v13;
	v13 =	vld [tilespmem:$0x1DD0]  }
0x1ed: {  	[tilespmem:$0x850] =	vst v35;
	v7 =	vld [tilespmem:$0x1FEF0]  }
0x1ee: {  	[tilespmem:$0x8C0] =	vst v20;
	v20 =	vld [tilespmem:$0x1D10]  }
0x1ef: {  	[tilespmem:$0x820] =	vst v39;
	v35 =	vmul.f32 v34, v33;
	v39 =	vmul.f32 v31, v33;
	v33 =	vld [tilespmem:$0x1F7C0]  }
0x1f0: {  	v27 =	vadd.f32 v14, v15;
	[tilespmem:$0x1FEE0] =	vst v36;
	v36 =	vld [tilespmem:$0xD20]  }
0x1f1: {  	[tilespmem:$0x880] =	vst v58;
	v58 =	vld [tilespmem:$0x1F830]  }
0x1f2: {  	[tilespmem:$0x840] =	vst v27;
	v61 =	vmul.f32 v60, v59;
	v27 =	vmul.f32 v60, v62;
	v60 =	vld [tilespmem:$0x1F760]  }
0x1f3: {  	[tilespmem:$0x800] =	vst v17;
	v25 =	vmul.f32 v16, v59;
	v17 =	vmul.f32 v16, v62;
	v16 =	vld [tilespmem:$0x1F780]  }
0x1f4: {  	[tilespmem:$0x1FE80] =	vst v38;
	v32 =	vmul.f32 v31, v30;
	v38 =	vmul.f32 v34, v30;
	v30 =	vld [tilespmem:$0x1F7A0]  }
0x1f5: {  	v31 =	vld [tilespmem:$0x1F7B0]  }
0x1f6: {  	v34 =	vld [tilespmem:$0x1F7D0]  }
0x1f7: {  	[tilespmem:$0x830] =	vst v47;
	v47 =	vmul.f32 v46, v45;
	v50 =	vmul.f32 v46, v42;
	v46 =	vld [tilespmem:$0x1F810]  }
0x1f8: {  	v44 =	vmul.f32 v43, v42;
	v42 =	vld [tilespmem:$0x1F7E0]  }
0x1f9: {  	v51 =	vmul.f32 v43, v45;
	v43 =	vld [tilespmem:$0x1F7F0]  }
0x1fa: {  	v45 =	vld [tilespmem:$0x1F800]  }
0x1fb: {  	v29 =	vsub.f32 v61, v17;
	v61 =	vld [tilespmem:$0x1F770]  }
0x1fc: {  	v17 =	vld [tilespmem:$0x1F790]  }
0x1fd: {  	v37 =	vadd.f32 v25, v27;
	[tilespmem:$0x1FF60] =	vst v40;
	v40 =	vld [tilespmem:$0x1F8B0]  }
0x1fe: {  	v49 =	vadd.f32 v38, v39;
	v25 =	vadd.f32 v50, v51;
	v51 =	vld [tilespmem:$0x1D20]  }
0x1ff: {  	[tilespmem:$0x1FEA0] =	vst v53;
	v50 =	vld [tilespmem:$0xDC0]  }
0x200: {  	[tilespmem:$0x8E0] =	vst v49;
	v49 =	vld [tilespmem:$0x1D60]  }
0x201: {  	[tilespmem:$0x1FF20] =	vst v20;
	v20 =	vld [tilespmem:$0x1F860]  }
0x202: {  	v53 =	vsub.f32 v44, v47;
	[tilespmem:$0x8F0] =	vst v25;
	v25 =	vld [tilespmem:$0x1F870]  }
0x203: {  	v41 =	vsub.f32 v32, v35;
	v35 =	vmul.f32 v34, v33;
	v39 =	vmul.f32 v31, v33;
	v33 =	vld [tilespmem:$0x1D70]  }
0x204: {  	[tilespmem:$0x8B0] =	vst v53;
	v44 =	vmul.f32 v43, v42;
	v53 =	vmul.f32 v46, v42;
	v42 =	vld [tilespmem:$0x1F8C0]  }
0x205: {  	[tilespmem:$0x870] =	vst v54;
	v54 =	vmul.f32 v43, v45;
	v43 =	vld [tilespmem:$0x1F8D0]  }
0x206: {  	v47 =	vmul.f32 v46, v45;
	v45 =	vld [tilespmem:$0xD80]  }
0x207: {  	v62 =	vmul.f32 v61, v60;
	v27 =	vmul.f32 v17, v60;
	v60 =	vld [tilespmem:$0x1F840]  }
0x208: {  	v38 =	vmul.f32 v34, v30;
	v28 =	vmul.f32 v61, v16;
	v61 =	vld [tilespmem:$0x1F850]  }
0x209: {  	[tilespmem:$0x1FED0] =	vst v18;
	v32 =	vmul.f32 v31, v30;
	v18 =	vmul.f32 v17, v16;
	v17 =	vld [tilespmem:$0xD70]  }
0x20a: {  	[tilespmem:$0x1FF30] =	vst v52;
	v52 =	vadd.f32 v38, v39;
	v39 =	vld [tilespmem:$0x1F8A0]  }
0x20b: {  	[tilespmem:$0x8A0] =	vst v41;
	v41 =	vsub.f32 v32, v35;
	v35 =	vld [tilespmem:$0xDD0]  }
0x20c: {  	[tilespmem:$0x890] =	vst v29;
	v14 =	vadd.f32 v53, v54;
	v53 =	vld [tilespmem:$0x1F8F0]  }
0x20d: {  	[tilespmem:$0x1FFA0] =	vst v50;
	v50 =	vld [tilespmem:$0x1F9B0]  }
0x20e: {  	[tilespmem:$0x8D0] =	vst v37;
	v37 =	vadd.f32 v27, v28;
	v28 =	vld [tilespmem:$0x1F880]  }
0x20f: {  	v29 =	vsub.f32 v62, v18;
	[tilespmem:$0x950] =	vst v52;
	v52 =	vld [tilespmem:$0x1F8E0]  }
0x210: {  	[tilespmem:$0x960] =	vst v14;
	v14 =	vld [tilespmem:$0x1F9F0]  }
0x211: {  	v59 =	vmul.f32 v58, v57;
	[tilespmem:$0x900] =	vst v29;
	v29 =	vld [tilespmem:$0x1F890]  }
0x212: {  	[tilespmem:$0x1FF10] =	vst v48;
	v55 =	vsub.f32 v44, v47;
	v44 =	vmul.f32 v43, v42;
	v48 =	vmul.f32 v40, v42;
	v42 =	vld [tilespmem:$0x1F990]  }
0x213: {  	v62 =	vmul.f32 v61, v60;
	v15 =	vmul.f32 v61, v57;
	v57 =	vld [tilespmem:$0x1F900]  }
0x214: {  	[tilespmem:$0x910] =	vst v41;
	v16 =	vmul.f32 v58, v60;
	v41 =	vmul.f32 v40, v39;
	v58 =	vld [tilespmem:$0x1F910]  }
0x215: {  	[tilespmem:$0x1FF80] =	vst v17;
	v47 =	vmul.f32 v43, v39;
	v17 =	vld [tilespmem:$0x1F920]  }
0x216: {  	[tilespmem:$0x1FF50] =	vst v51;
	v18 =	vsub.f32 v59, v62;
	v51 =	vsub.f32 v41, v44;
	v41 =	vld [tilespmem:$0x1F980]  }
0x217: {  	v60 =	vadd.f32 v47, v48;
	v48 =	vld [tilespmem:$0x1F9A0]  }
0x218: {  	[tilespmem:$0x930] =	vst v18;
	v18 =	vld [tilespmem:$0x1F930]  }
0x219: {  	[tilespmem:$0x940] =	vst v37;
	v37 =	vmul.f32 v25, v28;
	v30 =	vmul.f32 v29, v28;
	v28 =	vld [tilespmem:$0x1F950]  }
0x21a: {  	[tilespmem:$0x920] =	vst v55;
	v55 =	vmul.f32 v53, v52;
	v61 =	vmul.f32 v58, v52;
	v52 =	vld [tilespmem:$0x1F9C0]  }
0x21b: {  	v27 =	vmul.f32 v25, v20;
	v62 =	vmul.f32 v53, v57;
	v53 =	vld [tilespmem:$0x1F9D0]  }
0x21c: {  	v59 =	vmul.f32 v58, v57;
	v57 =	vld [tilespmem:$0xDA0]  }
0x21d: {  	[tilespmem:$0x1FF40] =	vst v36;
	v36 =	vmul.f32 v29, v20;
	v38 =	vsub.f32 v27, v30;
	v27 =	vld [tilespmem:$0x1F940]  }
0x21e: {  	v31 =	vadd.f32 v15, v16;
	v30 =	vld [tilespmem:$0xD90]  }
0x21f: {  	v46 =	vadd.f32 v36, v37;
	v37 =	vld [tilespmem:$0x1F960]  }
0x220: {  	[tilespmem:$0x970] =	vst v31;
	v16 =	vsub.f32 v55, v59;
	v31 =	vadd.f32 v61, v62;
	v61 =	vld [tilespmem:$0xDE0]  }
0x221: {  	[tilespmem:$0x980] =	vst v38;
	v38 =	vld [tilespmem:$0x1F970]  }
0x222: {  	[tilespmem:$0x9A0] =	vst v16;
	v16 =	vld [tilespmem:$0x1FAB0]  }
0x223: {  	[tilespmem:$0x990] =	vst v51;
	v51 =	vmul.f32 v50, v48;
	v59 =	vmul.f32 v53, v48;
	v48 =	vld [tilespmem:$0x1FA60]  }
0x224: {  	[tilespmem:$0x9D0] =	vst v60;
	v60 =	vmul.f32 v50, v52;
	v50 =	vld [tilespmem:$0x1FA70]  }
0x225: {  	v55 =	vmul.f32 v53, v52;
	v52 =	vld [tilespmem:$0x1FA80]  }
0x226: {  	v20 =	vmul.f32 v18, v17;
	v53 =	vld [tilespmem:$0x1FA90];
	v29 =	vmul.f32 v28, v27  }
0x227: {  	v32 =	vmul.f32 v28, v17;
	v28 =	vld [tilespmem:$0x1FA00]  }
0x228: {  	v36 =	vsub.f32 v20, v29;
	v29 =	vld [tilespmem:$0x1FA10]  }
0x229: {  	[tilespmem:$0x1FF90] =	vst v45;
	v45 =	vmul.f32 v42, v37;
	v62 =	vsub.f32 v51, v55;
	v40 =	vmul.f32 v38, v37;
	v37 =	vld [tilespmem:$0x1FA30]  }
0x22a: {  	v43 =	vmul.f32 v42, v41;
	[tilespmem:$0x9C0] =	vst v46;
	v46 =	vmul.f32 v38, v41;
	v41 =	vld [tilespmem:$0x1FA50]  }
0x22b: {  	[tilespmem:$0xA10] =	vst v62;
	v62 =	vld [tilespmem:$0x1FAA0]  }
0x22c: {  	[tilespmem:$0x9B0] =	vst v36;
	v36 =	vld [tilespmem:$0x1FA20]  }
0x22d: {  	v47 =	vsub.f32 v40, v43;
	v40 =	vld [tilespmem:$0x1FA40]  }
0x22e: {  	[tilespmem:$0x9E0] =	vst v31;
	v31 =	vadd.f32 v59, v60;
	v43 =	vld [tilespmem:$0xDB0]  }
0x22f: {  	v58 =	vadd.f32 v45, v46;
	v51 =	vmul.f32 v50, v48;
	v60 =	vmul.f32 v50, v52;
	v50 =	vld [tilespmem:$0x1FB30]  }
0x230: {  	v55 =	vmul.f32 v53, v52;
	v52 =	vld [tilespmem:$0x1FB40]  }
0x231: {  	v34 =	vmul.f32 v18, v27;
	[tilespmem:$0xA40] =	vst v58;
	v58 =	vmul.f32 v53, v48;
	v48 =	vld [tilespmem:$0x1FB20]  }
0x232: {  	[tilespmem:$0x1FFB0] =	vst v30;
	v27 =	vmul.f32 v14, v12;
	v53 =	vld [tilespmem:$0x1FB50];
	v30 =	vmul.f32 v29, v28  }
0x233: {  	v44 =	vadd.f32 v32, v34;
	v34 =	vmul.f32 v14, v28;
	v28 =	vld [tilespmem:$0x1FAD0]  }
0x234: {  	[tilespmem:$0x1FFC0] =	vst v35;
	v35 =	vsub.f32 v27, v30;
	v27 =	vld [tilespmem:$0x1FAC0]  }
0x235: {  	v38 =	vmul.f32 v37, v36;
	v45 =	vmul.f32 v41, v36;
	v36 =	vld [tilespmem:$0x1FAF0]  }
0x236: {  	[tilespmem:$0x1FFE0] =	vst v61;
	v42 =	vmul.f32 v41, v40;
	v41 =	vld [tilespmem:$0x1FB10]  }
0x237: {  	[tilespmem:$0xA20] =	vst v35;
	v35 =	vld [tilespmem:$0x1FAE0]  }
0x238: {  	[tilespmem:$0xA00] =	vst v47;
	v61 =	vsub.f32 v51, v55;
	v32 =	vmul.f32 v29, v12;
	v47 =	vsub.f32 v38, v42;
	v38 =	vld [tilespmem:$0x1FB00]  }
0x239: {  	[tilespmem:$0xA50] =	vst v31;
	v30 =	vadd.f32 v58, v60;
	v51 =	vmul.f32 v50, v48;
	v58 =	vmul.f32 v53, v48;
	v48 =	vld [tilespmem:$0x1FBC0]  }
0x23a: {  	[tilespmem:$0x9F0] =	vst v44;
	v18 =	vmul.f32 v16, v62;
	v44 =	vadd.f32 v32, v34;
	v31 =	vmul.f32 v28, v62;
	v62 =	vld [tilespmem:$0x1FB60]  }
0x23b: {  	v46 =	vmul.f32 v37, v40;
	v29 =	vmul.f32 v28, v27;
	v28 =	vld [tilespmem:$0x1FB70]  }
0x23c: {  	[tilespmem:$0xA60] =	vst v44;
	v37 =	vmul.f32 v36, v35;
	v44 =	vmul.f32 v41, v35;
	v35 =	vld [tilespmem:$0x1FB80]  }
0x23d: {  	[tilespmem:$0x1FFD0] =	vst v57;
	v57 =	vadd.f32 v45, v46;
	v46 =	vmul.f32 v36, v38;
	v36 =	vld [tilespmem:$0x1FB90]  }
0x23e: {  	v60 =	vmul.f32 v50, v52;
	v50 =	vld [tilespmem:$0x1FBD0]  }
0x23f: {  	[tilespmem:$0xA70] =	vst v57;
	v32 =	vmul.f32 v16, v27;
	v57 =	vadd.f32 v44, v46;
	v44 =	vld [tilespmem:$0x1FBA0]  }
0x240: {  	v42 =	vmul.f32 v41, v38;
	v46 =	vld [tilespmem:$0x1FBB0]  }
0x241: {  	[tilespmem:$0x1FFF0] =	vst v43;
	v43 =	vadd.f32 v31, v32;
	v38 =	vadd.f32 v58, v60;
	v58 =	vld [tilespmem:$0x1FBE0]  }
0x242: {  	[tilespmem:$0xA30] =	vst v47;
	v60 =	vld [tilespmem:$0x1FBF0];
	v47 =	vsub.f32 v37, v42;
	v31 =	vmul.f32 v28, v62;
	v37 =	vmul.f32 v36, v35  }
0x243: {  	[tilespmem:$0xA80] =	vst v61;
	v55 =	vmul.f32 v53, v52;
	v41 =	vmul.f32 v36, v62;
	v62 =	vld [tilespmem:$0x1FC00]  }
0x244: {  	[tilespmem:$0xAD0] =	vst v43;
	v43 =	vsub.f32 v31, v37;
	v31 =	vld [tilespmem:$0x1FC10]  }
0x245: {  	v54 =	vld [tilespmem:$0x1D30];
	v61 =	vsub.f32 v51, v55;
	v51 =	vmul.f32 v50, v48;
	[tilespmem:$0xAA0] =	vst v47;
	v47 =	vmul.f32 v46, v44  }
0x246: {  	v53 =	vmul.f32 v50, v44;
	v55 =	vmul.f32 v46, v48;
	v50 =	vld [tilespmem:$0x1FC20]  }
0x247: {  	v34 =	vsub.f32 v18, v29;
	[tilespmem:$0xAE0] =	vst v57;
	v57 =	vsub.f32 v47, v51;
	v51 =	vld [tilespmem:$0x1FC30]  }
0x248: {  	[tilespmem:$0xAB0] =	vst v61;
	v42 =	vmul.f32 v28, v35;
	v44 =	vadd.f32 v53, v55;
	v53 =	vld [tilespmem:$0x1FC40]  }
0x249: {  	[tilespmem:$0xA90] =	vst v34;
	v61 =	vmul.f32 v60, v58;
	v55 =	vld [tilespmem:$0x1FC50];
	v34 =	vmul.f32 v31, v62  }
0x24a: {  	v39 =	vld [tilespmem:$0x1D80];
	v52 =	vadd.f32 v41, v42;
	v47 =	vmul.f32 v60, v62;
	v46 =	vmul.f32 v31, v58  }
0x24b: {  	v42 =	vld [tilespmem:$0x1FC70];
	v48 =	vsub.f32 v61, v34  }
0x24c: {  	[tilespmem:$0xB40] =	vst v52;
	v58 =	vadd.f32 v46, v47;
	v47 =	vld [tilespmem:$0x1FC80]  }
0x24d: {  	[tilespmem:$0xB20] =	vst v48;
	v48 =	vld [tilespmem:$0x1FC90]  }
0x24e: {  	[tilespmem:$0xB10] =	vst v57;
	v52 =	vmul.f32 v51, v50;
	v57 =	vmul.f32 v55, v53;
	v34 =	vld [tilespmem:$0x1FC60]  }
0x24f: {  	v25 =	vld [tilespmem:$0x1DC0]  }
0x250: {  	v62 =	vsub.f32 v52, v57;
	v57 =	vld [tilespmem:$0x1FCA0]  }
0x251: {  	v60 =	vmul.f32 v55, v50;
	v61 =	vmul.f32 v51, v53;
	[tilespmem:$0xB60] =	vst v58;
	v58 =	vld [tilespmem:$0x1FCB0]  }
0x252: {  	v53 =	vmul.f32 v42, v47;
	v50 =	vmul.f32 v48, v47;
	v47 =	vld [tilespmem:$0x1FCC0]  }
0x253: {  	v51 =	vadd.f32 v60, v61;
	v52 =	vmul.f32 v48, v34;
	v48 =	vld [tilespmem:$0x1FCD0]  }
0x254: {  	v15 =	vld [tilespmem:$0x1DB0]  }
0x255: {  	[tilespmem:$0xB70] =	vst v51;
	v51 =	vadd.f32 v52, v53;
	v52 =	vld [tilespmem:$0x1FCE0]  }
0x256: {  	v53 =	vld [tilespmem:$0x1FCF0]  }
0x257: {  	[tilespmem:$0xB30] =	vst v62;
	v60 =	vmul.f32 v58, v57;
	v62 =	vmul.f32 v58, v47;
	v58 =	vld [tilespmem:$0x1FD10]  }
0x258: {  	[tilespmem:$0xB00] =	vst v43;
	v43 =	vmul.f32 v42, v34;
	v61 =	vmul.f32 v48, v57;
	v57 =	vld [tilespmem:$0x1FD00]  }
0x259: {  	v17 =	vld [tilespmem:$0x1DA0]  }
0x25a: {  	v59 =	vld [tilespmem:$0xDF0];
	v55 =	vsub.f32 v43, v50  }
0x25b: {  	v20 =	vld [tilespmem:$0x1D90];
	v50 =	vmul.f32 v48, v47  }
0x25c: {  	[tilespmem:$0xB80] =	vst v55;
	v55 =	vmul.f32 v53, v52;
	v61 =	vadd.f32 v61, v62;
	v62 =	vmul.f32 v58, v52;
	v52 =	vld [tilespmem:$0x1FD20]  }
0x25d: {  	v43 =	vsub.f32 v60, v50;
	v60 =	vmul.f32 v58, v57;
	v42 =	vmul.f32 v53, v57;
	v57 =	vld [tilespmem:$0x1FD40]  }
0x25e: {  	v58 =	vld [tilespmem:$0x1FD50]  }
0x25f: {  	v53 =	vld [tilespmem:$0x1FD30]  }
0x260: {  	v14 =	vld [tilespmem:$0x1DF0]  }
0x261: {  	v12 =	vld [tilespmem:$0x1DE0]  }
0x262: {  	[tilespmem:$0xB90] =	vst v43;
	v2 =	vadd.f32 v62, v42;
	v42 =	vld [tilespmem:$0x1FD60]  }
0x263: {  	[tilespmem:$0xBD0] =	vst v61;
	v43 =	vsub.f32 v55, v60;
	v60 =	vmul.f32 v58, v57;
	v61 =	vmul.f32 v58, v52;
	v58 =	vld [tilespmem:$0x1FD80]  }
0x264: {  	v62 =	vmul.f32 v53, v57;
	v57 =	vld [tilespmem:$0x1FD70]  }
0x265: {  	v40 =	vld [tilespmem:$0xE40]  }
0x266: {  	v45 =	vld [tilespmem:$0xE00]  }
0x267: {  	[tilespmem:$0xAC0] =	vst v30;
	v30 =	vld [tilespmem:$0xE10];
	v55 =	vmul.f32 v53, v52  }
0x268: {  	[tilespmem:$0xBA0] =	vst v43;
	v43 =	vmul.f32 v63, v42;
	v61 =	vadd.f32 v61, v62;
	v62 =	vmul.f32 v58, v42;
	v42 =	vld [tilespmem:$0x1FD90]  }
0x269: {  	v0 =	vsub.f32 v55, v60;
	v60 =	vmul.f32 v58, v57;
	v58 =	vld [tilespmem:$0x1FDA0]  }
0x26a: {  	v16 =	vld [tilespmem:$0x1E00]  }
0x26b: {  	v27 =	vld [tilespmem:$0xE50]  }
0x26c: {  	v29 =	vld [tilespmem:$0x1E40];
	v63 =	vmul.f32 v63, v57  }
0x26d: {  	v18 =	vld [tilespmem:$0x1E10];
	v10 =	vsub.f32 v43, v60  }
0x26e: {  	[tilespmem:$0xBF0] =	vst v61;
	v61 =	vadd.f32 v62, v63;
	v43 =	vmul.f32 v42, v9;
	v62 =	vmul.f32 v58, v9;
	v9 =	vld [tilespmem:$0x1FDB0]  }
0x26f: {  	v32 =	vld [tilespmem:$0xE20]  }
0x270: {  	[tilespmem:$0xAF0] =	vst v38;
	v38 =	vld [tilespmem:$0xE70]  }
0x271: {  	v35 =	vld [tilespmem:$0x1E50]  }
0x272: {  	v28 =	vld [tilespmem:$0xE60];
	v60 =	vmul.f32 v58, v11;
	v63 =	vmul.f32 v42, v11  }
0x273: {  	v36 =	vld [tilespmem:$0x1E20];
	[tilespmem:$0xC00] =	vst v10;
	v11 =	vmul.f32 v24, v19;
	v10 =	vmul.f32 v21, v9  }
0x274: {  	v41 =	vld [tilespmem:$0x1E60]  }
0x275: {  	[tilespmem:$0xB50] =	vst v44;
	v42 =	vmul.f32 v24, v9;
	v9 =	vsub.f32 v10, v11;
	v11 =	vld [tilespmem:$0x1FDC0]  }
0x276: {  	v37 =	vld [tilespmem:$0xE30];
	[tilespmem:$0xBE0] =	vst v2  }
0x277: {  	v44 =	vld [tilespmem:$0xEC0];
	[tilespmem:$0xBB0] =	vst v0;
	v0 =	vsub.f32 v43, v60;
	v2 =	vadd.f32 v62, v63;
	v43 =	vmul.f32 v21, v19  }
0x278: {  	v24 =	vld [tilespmem:$0x1FDE0]  }
0x279: {  	[tilespmem:$0xC50] =	vst v2;
	v2 =	vadd.f32 v42, v43;
	v42 =	vld [tilespmem:$0x1FDF0]  }
0x27a: {  	v10 =	vmul.f32 v26, v22;
	v43 =	vld [tilespmem:$0x1FE00];
	v19 =	vmul.f32 v11, v23  }
0x27b: {  	v21 =	vmul.f32 v11, v22;
	v22 =	vmul.f32 v26, v23;
	v23 =	vld [tilespmem:$0x1FDD0]  }
0x27c: {  	v31 =	vld [tilespmem:$0x1E30]  }
0x27d: {  	v46 =	vld [tilespmem:$0x1E70]  }
0x27e: {  	v34 =	vld [tilespmem:$0xE80]  }
0x27f: {  	[tilespmem:$0xBC0] =	vst v51;
	v51 =	vld [tilespmem:$0x1EC0];
	v19 =	vsub.f32 v10, v19  }
0x280: {  	[tilespmem:$0xC60] =	vst v2;
	v11 =	vmul.f32 v43, v42;
	v2 =	vadd.f32 v21, v22;
	v21 =	vld [tilespmem:$0x1FE20];
	v26 =	vmul.f32 v24, v23  }
0x281: {  	[tilespmem:$0xC30] =	vst v19;
	v19 =	vld [tilespmem:$0x1FE10]  }
0x282: {  	[tilespmem:$0xC10] =	vst v0;
	v0 =	vsub.f32 v26, v11;
	v26 =	vld [tilespmem:$0x1FE40]  }
0x283: {  	v5 =	vmul.f32 v24, v42;
	v24 =	vld [tilespmem:$0x1FE30]  }
0x284: {  	v47 =	vld [tilespmem:$0x1E80]  }
0x285: {  	v48 =	vld [tilespmem:$0xE90];
	v3 =	vmul.f32 v43, v23  }
0x286: {  	v50 =	vld [tilespmem:$0xED0]  }
0x287: {  	[tilespmem:$0xC70] =	vst v2;
	v2 =	vadd.f32 v3, v5;
	v22 =	vmul.f32 v21, v19;
	v3 =	vmul.f32 v26, v19;
	v19 =	vld [tilespmem:$0x1FE70]  }
0x288: {  	v5 =	vmul.f32 v21, v24;
	v11 =	vmul.f32 v26, v24;
	v24 =	vld [tilespmem:$0x1FE80]  }
0x289: {  	v52 =	vld [tilespmem:$0x1E90]  }
0x28a: {  	v53 =	vld [tilespmem:$0xEA0];
	[tilespmem:$0xC80] =	vst v0;
	v0 =	vsub.f32 v22, v11  }
0x28b: {  	v21 =	vld [tilespmem:$0x1FEC0]  }
0x28c: {  	v1 =	vmul.f32 v8, v6;
	[tilespmem:$0xC90] =	vst v0;
	v0 =	vld [tilespmem:$0x1FE90]  }
0x28d: {  	[tilespmem:$0xCC0] =	vst v2;
	v2 =	vadd.f32 v3, v5;
	v3 =	vmul.f32 v24, v6;
	v6 =	vmul.f32 v8, v19;
	v8 =	vld [tilespmem:$0x1FEA0]  }
0x28e: {  	v26 =	vmul.f32 v24, v19;
	v19 =	vld [tilespmem:$0x1FEB0]  }
0x28f: {  	v55 =	vld [tilespmem:$0xEE0]  }
0x290: {  	v57 =	vld [tilespmem:$0x1ED0];
	[tilespmem:$0xC40] =	vst v61  }
0x291: {  	v61 =	vld [tilespmem:$0xEF0];
	[tilespmem:$0xC20] =	vst v9  }
0x292: {  	v9 =	vld [tilespmem:$0x1FF00];
	[tilespmem:$0xCD0] =	vst v2;
	v2 =	vadd.f32 v3, v6;
	v3 =	vmul.f32 v21, v0  }
0x293: {  	v5 =	vsub.f32 v1, v26;
	v1 =	vmul.f32 v8, v0;
	v0 =	vmul.f32 v8, v19;
	v8 =	vld [tilespmem:$0x1FEE0]  }
0x294: {  	v58 =	vld [tilespmem:$0x1EA0];
	v10 =	vmul.f32 v21, v19  }
0x295: {  	v6 =	vld [tilespmem:$0x1FED0]  }
0x296: {  	v4 =	vsub.f32 v1, v10;
	v10 =	vadd.f32 v3, v0;
	v0 =	vld [tilespmem:$0x1FF20]  }
0x297: {  	v3 =	vld [tilespmem:$0x1FF30]  }
0x298: {  	[tilespmem:$0xCE0] =	vst v2;
	v19 =	vmul.f32 v9, v7;
	v2 =	vmul.f32 v8, v7;
	v7 =	vld [tilespmem:$0x1FF10]  }
0x299: {  	v62 =	vld [tilespmem:$0x1EE0]  }
0x29a: {  	v60 =	vld [tilespmem:$0xEB0]  }
0x29b: {  	[tilespmem:$0xCA0] =	vst v5;
	v1 =	vld [tilespmem:$0x1FF40];
	v5 =	vmul.f32 v8, v6  }
0x29c: {  	[tilespmem:$0xCF0] =	vst v10;
	v10 =	vld [tilespmem:$0x1FF60];
	v6 =	vmul.f32 v9, v6;
	v9 =	vmul.f32 v56, v3  }
0x29d: {  	[tilespmem:$0xCB0] =	vst v4;
	v4 =	vsub.f32 v5, v19;
	v3 =	vmul.f32 v0, v3;
	v5 =	vmul.f32 v0, v7;
	v0 =	vld [tilespmem:$0x1FF50]  }
0x29e: {  	v63 =	vld [tilespmem:$0x1EB0]  }
0x29f: {  	v42 =	vld [tilespmem:$0xF40];
	v6 =	vadd.f32 v6, v2  }
0x2a0: {  	v23 =	vld [tilespmem:$0x1EF0]  }
0x2a1: {  	v43 =	vld [tilespmem:$0xF00];
	v2 =	vmul.f32 v49, v10;
	[tilespmem:$0xD40] =	vst v6;
	v6 =	vmul.f32 v49, v1  }
0x2a2: {  	[tilespmem:$0xD00] =	vst v4;
	v4 =	vsub.f32 v5, v9;
	v5 =	vmul.f32 v0, v1;
	v1 =	vmul.f32 v0, v10;
	v10 =	vld [tilespmem:$0x1FF80]  }
0x2a3: {  	v22 =	vld [tilespmem:$0x1F00]  }
0x2a4: {  	v7 =	vmul.f32 v56, v7;
	v0 =	vsub.f32 v5, v2;
	v2 =	vld [tilespmem:$0x1FF70]  }
0x2a5: {  	v11 =	vld [tilespmem:$0x1F40]  }
0x2a6: {  	v24 =	vld [tilespmem:$0xF50];
	v3 =	vadd.f32 v7, v3  }
0x2a7: {  	v1 =	vadd.f32 v6, v1;
	v5 =	vmul.f32 v33, v10;
	v6 =	vmul.f32 v54, v10;
	v10 =	vld [tilespmem:$0x1FFA0]  }
0x2a8: {  	v26 =	vld [tilespmem:$0xF10];
	[tilespmem:$0xD10] =	vst v4  }
0x2a9: {  	[tilespmem:$0xD50] =	vst v3;
	v4 =	vmul.f32 v54, v2;
	v3 =	vmul.f32 v33, v2;
	v2 =	vld [tilespmem:$0x1FF90]  }
0x2aa: {  	v21 =	vld [tilespmem:$0x1F10]  }
0x2ab: {  	v8 =	vld [tilespmem:$0x1F50];
	[tilespmem:$0xD20] =	vst v0;
	v0 =	vsub.f32 v4, v5  }
0x2ac: {  	[tilespmem:$0xD60] =	vst v1;
	v1 =	vadd.f32 v3, v6;
	v5 =	vmul.f32 v25, v10;
	v6 =	vmul.f32 v39, v10;
	v10 =	vld [tilespmem:$0x1FFC0]  }
0x2ad: {  	v19 =	vld [tilespmem:$0xF20]  }
0x2ae: {  	v4 =	vmul.f32 v39, v2;
	v3 =	vmul.f32 v25, v2;
	v2 =	vld [tilespmem:$0x1FFB0]  }
0x2af: {  	v49 =	vld [tilespmem:$0xF30]  }
0x2b0: {  	v56 =	vld [tilespmem:$0xF60];
	[tilespmem:$0xD30] =	vst v0;
	v0 =	vsub.f32 v4, v5  }
0x2b1: {  	[tilespmem:$0xD70] =	vst v1;
	v1 =	vadd.f32 v3, v6;
	v5 =	vmul.f32 v13, v10;
	v6 =	vmul.f32 v20, v10;
	v10 =	vld [tilespmem:$0x1FFE0]  }
0x2b2: {  	v9 =	vld [tilespmem:$0x1F20]  }
0x2b3: {  	v7 =	vld [tilespmem:$0x1F60];
	v4 =	vmul.f32 v20, v2  }
0x2b4: {  	v3 =	vmul.f32 v13, v2;
	v2 =	vld [tilespmem:$0x1FFD0]  }
0x2b5: {  	v33 =	vld [tilespmem:$0xF70];
	[tilespmem:$0xD80] =	vst v0;
	v0 =	vsub.f32 v4, v5  }
0x2b6: {  	[tilespmem:$0xDC0] =	vst v1;
	v1 =	vadd.f32 v3, v6;
	v5 =	vmul.f32 v12, v10;
	v6 =	vmul.f32 v17, v10;
	v10 =	vld [tilespmem:$0x1FFF0]  }
0x2b7: {  	v54 =	vld [tilespmem:$0x1F30]  }
0x2b8: {  	v39 =	vld [tilespmem:$0x1F70]  }
0x2b9: {  	v25 =	vld [tilespmem:$0xF80];
	v4 =	vmul.f32 v17, v2  }
0x2ba: {  	v13 =	vld [tilespmem:$0xFC0];
	v3 =	vmul.f32 v12, v2  }
0x2bb: {  	v20 =	vld [tilespmem:$0x1F80];
	[tilespmem:$0xD90] =	vst v0;
	v0 =	vsub.f32 v4, v5;
	v5 =	vmul.f32 v14, v59;
	v4 =	vmul.f32 v15, v10  }
0x2bc: {  	[tilespmem:$0xDD0] =	vst v1;
	v17 =	vld [tilespmem:$0x1FC0];
	v1 =	vadd.f32 v3, v6;
	v3 =	vmul.f32 v14, v10;
	v10 =	vmul.f32 v15, v59  }
0x2bd: {  	v12 =	vld [tilespmem:$0xF90];
	[tilespmem:$0xDA0] =	vst v0;
	v0 =	vsub.f32 v4, v5;
	v4 =	vmul.f32 v16, v45;
	v5 =	vmul.f32 v29, v40  }
0x2be: {  	v6 =	vld [tilespmem:$0x2060];
	v59 =	vmul.f32 v29, v45;
	[tilespmem:$0xDE0] =	vst v1;
	v1 =	vadd.f32 v3, v10;
	v10 =	vmul.f32 v16, v40  }
0x2bf: {  	v14 =	vld [tilespmem:$0xFD0];
	v40 =	vmul.f32 v18, v30;
	v45 =	vmul.f32 v35, v27;
	[tilespmem:$0xDB0] =	vst v0;
	v0 =	vsub.f32 v4, v5  }
0x2c0: {  	v15 =	vld [tilespmem:$0x1F90];
	v59 =	vadd.f32 v59, v10;
	v10 =	vmul.f32 v35, v30;
	v30 =	vmul.f32 v18, v27  }
0x2c1: {  	v29 =	vld [tilespmem:$0x1FD0];
	v35 =	vmul.f32 v36, v32;
	[tilespmem:$0xE00] =	vst v0;
	v0 =	vsub.f32 v40, v45  }
0x2c2: {  	v16 =	vld [tilespmem:$0xFA0];
	v40 =	vmul.f32 v41, v28;
	[tilespmem:$0xE40] =	vst v59;
	v45 =	vadd.f32 v10, v30;
	v59 =	vmul.f32 v41, v32  }
0x2c3: {  	v18 =	vld [tilespmem:$0xFE0];
	v10 =	vmul.f32 v36, v28;
	v36 =	vmul.f32 v31, v37  }
0x2c4: {  	v27 =	vld [tilespmem:$0x1FA0];
	v35 =	vsub.f32 v35, v40;
	v40 =	vmul.f32 v46, v38;
	[tilespmem:$0xE50] =	vst v45;
	v45 =	vmul.f32 v46, v37  }
0x2c5: {  	[tilespmem:$0xDF0] =	vst v1;
	v28 =	vld [tilespmem:$0x1FE0];
	v41 =	vadd.f32 v59, v10;
	v46 =	vmul.f32 v31, v38;
	v10 =	vmul.f32 v47, v34  }
0x2c6: {  	v30 =	vld [tilespmem:$0xFB0];
	[tilespmem:$0xE10] =	vst v0;
	v38 =	vmul.f32 v51, v34;
	v59 =	vsub.f32 v36, v40;
	v36 =	vmul.f32 v51, v44  }
0x2c7: {  	v32 =	vld [tilespmem:$0x1FB0];
	[tilespmem:$0xE20] =	vst v35;
	v40 =	vmul.f32 v47, v44;
	v44 =	vmul.f32 v52, v48  }
0x2c8: {  	v31 =	vld [tilespmem:$0xFF0];
	[tilespmem:$0xE60] =	vst v41;
	v37 =	vadd.f32 v45, v46;
	v45 =	vmul.f32 v57, v50;
	v47 =	vmul.f32 v57, v48  }
0x2c9: {  	v34 =	vld [tilespmem:$0x1FF0];
	v48 =	vmul.f32 v52, v50;
	v51 =	vmul.f32 v58, v53;
	[tilespmem:$0xE30] =	vst v59;
	v41 =	vsub.f32 v10, v36  }
0x2ca: {  	v35 =	vld [tilespmem:$0x1000];
	v52 =	vmul.f32 v62, v55;
	[tilespmem:$0xE70] =	vst v37;
	v46 =	vadd.f32 v38, v40;
	v59 =	vmul.f32 v62, v53  }
0x2cb: {  	v36 =	vld [tilespmem:$0x1040];
	v50 =	vsub.f32 v44, v45;
	v62 =	vmul.f32 v58, v55;
	v44 =	vmul.f32 v63, v60;
	[tilespmem:$0xE80] =	vst v41  }
0x2cc: {  	v37 =	vld [tilespmem:$0x2000];
	v57 =	vadd.f32 v47, v48;
	v45 =	vmul.f32 v23, v61;
	v47 =	vmul.f32 v23, v60;
	[tilespmem:$0xEC0] =	vst v46  }
0x2cd: {  	v38 =	vld [tilespmem:$0x2040];
	v10 =	vsub.f32 v51, v52;
	v48 =	vmul.f32 v63, v61;
	v51 =	vmul.f32 v22, v43;
	[tilespmem:$0xE90] =	vst v50  }
0x2ce: {  	v40 =	vld [tilespmem:$0x1010];
	v52 =	vmul.f32 v11, v42;
	v55 =	vmul.f32 v11, v43;
	[tilespmem:$0xED0] =	vst v57;
	v46 =	vadd.f32 v59, v62  }
0x2cf: {  	v23 =	vld [tilespmem:$0x1050];
	v60 =	vmul.f32 v8, v24;
	v63 =	vmul.f32 v21, v24;
	[tilespmem:$0xEA0] =	vst v10;
	v50 =	vsub.f32 v44, v45  }
0x2d0: {  	v11 =	vld [tilespmem:$0x2050];
	v24 =	vmul.f32 v9, v19;
	v53 =	vadd.f32 v47, v48;
	v57 =	vmul.f32 v22, v42;
	[tilespmem:$0xEE0] =	vst v46  }
0x2d1: {  	v43 =	vmul.f32 v7, v19;
	v19 =	vld [tilespmem:$0x2030];
	v58 =	vsub.f32 v51, v52;
	v59 =	vmul.f32 v21, v26;
	[tilespmem:$0xEB0] =	vst v50  }
0x2d2: {  	v41 =	vld [tilespmem:$0x2010];
	v62 =	vmul.f32 v8, v26;
	[tilespmem:$0xEF0] =	vst v53;
	v61 =	vadd.f32 v55, v57  }
0x2d3: {  	v22 =	vld [tilespmem:$0x1020];
	v26 =	vmul.f32 v7, v56;
	[tilespmem:$0xF00] =	vst v58;
	v21 =	vsub.f32 v59, v60  }
0x2d4: {  	v8 =	vld [tilespmem:$0x1060];
	v44 =	vmul.f32 v9, v56;
	v47 =	vmul.f32 v39, v33;
	v42 =	vadd.f32 v62, v63;
	[tilespmem:$0xF40] =	vst v61  }
0x2d5: {  	v10 =	vld [tilespmem:$0x2020];
	v51 =	vmul.f32 v54, v33;
	v45 =	vsub.f32 v24, v26;
	v46 =	vmul.f32 v54, v49;
	[tilespmem:$0xF10] =	vst v21  }
0x2d6: {  	v7 =	vld [tilespmem:$0x1030];
	v56 =	vmul.f32 v17, v25;
	v48 =	vadd.f32 v43, v44;
	v50 =	vmul.f32 v39, v49;
	[tilespmem:$0xF50] =	vst v42  }
0x2d7: {  	v9 =	vld [tilespmem:$0x1070];
	v53 =	vmul.f32 v20, v25;
	v54 =	vmul.f32 v17, v13;
	[tilespmem:$0xF20] =	vst v45;
	v52 =	vsub.f32 v46, v47  }
0x2d8: {  	v33 =	vmul.f32 v34, v31;
	v57 =	vmul.f32 v20, v13;
	v13 =	vld [tilespmem:$0x2070];
	[tilespmem:$0xF60] =	vst v48;
	v55 =	vadd.f32 v50, v51  }
0x2d9: {  	v59 =	vmul.f32 v15, v12;
	v60 =	vmul.f32 v29, v14;
	v17 =	vld [tilespmem:$0x1080];
	v58 =	vsub.f32 v53, v54;
	[tilespmem:$0xF30] =	vst v52  }
0x2da: {  	v62 =	vmul.f32 v29, v12;
	v63 =	vmul.f32 v15, v14;
	v12 =	vld [tilespmem:$0x10C0];
	v61 =	vadd.f32 v56, v57;
	[tilespmem:$0xF70] =	vst v55  }
0x2db: {  	v24 =	vmul.f32 v28, v18;
	v14 =	vld [tilespmem:$0x2080];
	v29 =	vmul.f32 v32, v30;
	v20 =	vsub.f32 v59, v60;
	[tilespmem:$0xF80] =	vst v58  }
0x2dc: {  	v26 =	vmul.f32 v28, v16;
	v15 =	vld [tilespmem:$0x20C0];
	v21 =	vmul.f32 v27, v16;
	v25 =	vadd.f32 v62, v63;
	[tilespmem:$0xFC0] =	vst v61  }
0x2dd: {  	v43 =	vmul.f32 v32, v31;
	v31 =	vld [tilespmem:$0x10B0];
	v27 =	vmul.f32 v27, v18;
	v44 =	vsub.f32 v29, v33;
	[tilespmem:$0xF90] =	vst v20  }
0x2de: {  	v16 =	vld [tilespmem:$0x1090];
	v42 =	vmul.f32 v34, v30;
	v28 =	vsub.f32 v21, v24;
	[tilespmem:$0xFD0] =	vst v25  }
0x2df: {  	v18 =	vld [tilespmem:$0x10D0];
	v45 =	vmul.f32 v37, v35;
	v46 =	vmul.f32 v38, v36;
	v39 =	vadd.f32 v26, v27;
	[tilespmem:$0xFB0] =	vst v44  }
0x2e0: {  	v49 =	vmul.f32 v37, v36;
	v48 =	vmul.f32 v38, v35;
	v50 =	vld [tilespmem:$0x20D0];
	v47 =	vadd.f32 v42, v43;
	[tilespmem:$0xFA0] =	vst v28  }
0x2e1: {  	v54 =	vld [tilespmem:$0x10A0];
	v56 =	vmul.f32 v11, v40;
	v57 =	vmul.f32 v41, v23;
	v51 =	vsub.f32 v45, v46;
	[tilespmem:$0xFE0] =	vst v39  }
0x2e2: {  	v53 =	vmul.f32 v11, v23;
	v62 =	vld [tilespmem:$0x20A0];
	v52 =	vmul.f32 v41, v40;
	v55 =	vadd.f32 v48, v49;
	[tilespmem:$0xFF0] =	vst v47  }
0x2e3: {  	v35 =	vld [tilespmem:$0x10F0];
	v60 =	vmul.f32 v10, v22;
	v61 =	vmul.f32 v6, v8;
	v63 =	vadd.f32 v56, v57;
	[tilespmem:$0x1000] =	vst v51  }
0x2e4: {  	v20 =	vld [tilespmem:$0x2090];
	v25 =	vmul.f32 v6, v22;
	v26 =	vmul.f32 v10, v8;
	v59 =	vsub.f32 v52, v53;
	[tilespmem:$0x1040] =	vst v55  }
0x2e5: {  	v29 =	vmul.f32 v19, v7;
	v58 =	vld [tilespmem:$0x10E0];
	v30 =	vmul.f32 v13, v9;
	v28 =	vsub.f32 v60, v61;
	[tilespmem:$0x1050] =	vst v63  }
0x2e6: {  	v34 =	vmul.f32 v19, v9;
	v27 =	vld [tilespmem:$0x20E0];
	v33 =	vmul.f32 v13, v7;
	v32 =	vadd.f32 v25, v26;
	[tilespmem:$0x1010] =	vst v59  }
0x2e7: {  	v43 =	vld [tilespmem:$0x20F0];
	v37 =	vmul.f32 v14, v17;
	v38 =	vmul.f32 v15, v12;
	v36 =	vsub.f32 v29, v30;
	[tilespmem:$0x1020] =	vst v28  }
0x2e8: {  	v41 =	vmul.f32 v15, v17;
	v42 =	vmul.f32 v14, v12;
	v39 =	vld [tilespmem:$0x20B0];
	v40 =	vadd.f32 v33, v34;
	[tilespmem:$0x1060] =	vst v32  }
0x2e9: {  	v44 =	vsub.f32 v37, v38;
	v46 =	vmul.f32 v50, v18;
	[tilespmem:$0x1030] =	vst v36;
	v45 =	vmul.f32 v20, v16  }
0x2ea: {  	v47 =	vadd.f32 v41, v42;
	v48 =	vmul.f32 v50, v16;
	[tilespmem:$0x1070] =	vst v40;
	v49 =	vmul.f32 v20, v18  }
0x2eb: {  	v51 =	vmul.f32 v62, v54;
	[tilespmem:$0x1080] =	vst v44;
	v52 =	vmul.f32 v27, v58;
	v50 =	vsub.f32 v45, v46  }
0x2ec: {  	[tilespmem:$0x10C0] =	vst v47;
	v54 =	vmul.f32 v27, v54;
	v55 =	vmul.f32 v62, v58;
	v53 =	vadd.f32 v48, v49  }
0x2ed: {  	v58 =	vmul.f32 v43, v35;
	v56 =	vsub.f32 v51, v52;
	v57 =	vmul.f32 v39, v31;
	[tilespmem:$0x1090] =	vst v50  }
0x2ee: {  	v60 =	vmul.f32 v43, v31;
	v59 =	vadd.f32 v54, v55;
	v61 =	vmul.f32 v39, v35;
	[tilespmem:$0x10D0] =	vst v53  }
0x2ef: {  	[tilespmem:$0x10A0] =	vst v56;
	v62 =	vsub.f32 v57, v58  }
0x2f0: {  	[tilespmem:$0x10E0] =	vst v59;
	v63 =	vadd.f32 v60, v61  }
0x2f1: {  	p0 =	sne.s32 s8, $0x1;
	[tilespmem:$0x10B0] =	vst v62  }
.Ltmp0:
0x2f2: {  	[tilespmem:$0x10F0] =	vst v63;
	(pc) =	sbr.rel @p0 .LBB2_1-.Ltmp0, $4  }
0x2f3: {  	[hbm4b:s7+s4] =	stream.linear.scatter [tilespmem:s12], [sflag:$0x2], $0x1000, $0x38;
	[tilespmem:$0x2100] =	vst v63  }
0x2f4: {  	_ =	swait.ge [sflag:s9], $0x1000  }
0x2f5: {  	[sflag:s9] =	ssyncset.done $0x0  }
0x2f6: {  	s8 =	sadd.s32 $0xFFFFFFFF, s8;
	[sflag:s9] =	ssyncadd.s32 $0xFFFFF000  }
0x2f7: {  	_ =	sfence.sel $0x180000  }
0x2f8: {  	[bflag:$0x0] =	sbarrier.arrive $0xFFFF  }
0x2f9: {  	p0 =	sne.s32 s3, $0x0;
	_ =	strace $0x90000047  }
0x2fa: {  	s0 =	sadd.s32 @!p0 $0x100000, s0;
	[bflag:$0x2] =	sbarrier.arrive $0xFFFF  }
0x2fb: {  	[sflag:s0] =	ssyncadd.tile.s32 @!p0 $0x1;
	_ =	shalt  }
.Lfunc_end2:
_tile_overlayer_lowered:
.L_overlay_start_2:
0x2fc: {  	(tag) =	ssettag $0x2  }
0x2fd: {  	s0 =	rddreg [dreg:$0x0];
	s2 =	stileid.u32  }
0x2fe: {  	s1 =	rddreg [dreg:$0x1];
	p0 =	sne.s32 s2, $0x0  }
0x2ff: {  	s3 =	rddreg [dreg:$0x2];
	[bflag:$0x3] =	sbarrier.arrive $0xFFFF;
	s2 =	simm.s32 @!p0 $0x1C02  }
0x300: {  	[timem:s3], [sflag:s2] =	dma.local @!p0 [hbm:s0], s1  }
0x301: {  	s0 =	simm.s32 @!p0 $0x2  }
0x302: {  	_ =	swait.ge @!p0 [sflag:s0], s1  }
0x303: {  	s1 =	ssub.s32 @!p0 $0x0, s1;
	[sflag:s0] =	ssyncset.done @!p0 $0x0  }
0x304: {  	[sflag:s0] =	ssyncadd.s32 @!p0 s1  }
0x305: {  	[bflag:$0x3] =	sbarrier.arrive $0xFFFF  }
0x306: {  	_ =	shalt  }

</sc_bundles>
